<compile_context>
chip_gen: v7x
topology: tpu7x:2x2x1
jax: 0.10.2.dev20260603
libtpu: 0.0.44.dev20260713+nightly
codegen_flags: <defaults>
</compile_context>

<pallas_src>
import functools

import jax
import jax.numpy as jnp
from jax import lax
from jax.experimental import pallas as pl
from jax.experimental.pallas import tpu as pltpu
from jax.experimental.pallas import tpu_sc as plsc

NUM_HEADS = 16
N_ROWS = 3969
N_ROWS_PAD = 4096
T = 1024
S = 1024
NC, NS, L = 2, 16, 16
NW = NC * NS
ROWS_PER_W = T // NW
TAB_WORDS = N_ROWS_PAD * NUM_HEADS
CHUNK_ROWS = 512
CW = CHUNK_ROWS * NUM_HEADS
N_CHUNKS = N_ROWS_PAD // CHUNK_ROWS


def _silu_gather(table_flat, idx_flat):
  mesh = plsc.VectorSubcoreMesh(core_axis_name="c", subcore_axis_name="s")

  @functools.partial(
      pl.kernel,
      mesh=mesh,
      compiler_params=pltpu.CompilerParams(needs_layout_passes=False),
      out_type=(jax.ShapeDtypeStruct((NUM_HEADS, T, S), jnp.float32),
                jax.ShapeDtypeStruct((NC, TAB_WORDS), jnp.float32)),
      scratch_types=[
          pltpu.VMEM((TAB_WORDS,), jnp.float32),
          pltpu.VMEM((CW,), jnp.float32),
          pltpu.VMEM((CW,), jnp.float32),
          pltpu.VMEM((S,), jnp.int32),
          pltpu.VMEM((S,), jnp.int32),
          pltpu.VMEM((S,), jnp.int32),
          pltpu.VMEM((S,), jnp.int32),
          pltpu.VMEM((NUM_HEADS, S), jnp.float32),
          pltpu.VMEM((NUM_HEADS, S), jnp.float32),
          pltpu.SemaphoreType.DMA,
          pltpu.SemaphoreType.DMA,
          pltpu.SemaphoreType.DMA,
          pltpu.SemaphoreType.DMA,
          pltpu.SemaphoreType.DMA,
          pltpu.SemaphoreType.DMA,
          pltpu.SemaphoreType.DMA,
          pltpu.SemaphoreType.DMA,
      ],
  )
  def run(tab_hbm, idx_hbm, out_hbm, tabx_hbm, act, st0, st1,
          ib0, ib1, ib2, ib3, ob0, ob1,
          is0, is1, is2, is3, os0, os1, ts0, ts1):
    cid = lax.axis_index("c")
    sid = lax.axis_index("s")
    wid = sid * NC + cid
    t0 = wid * ROWS_PER_W

    ibufs = (ib0, ib1, ib2, ib3)
    isems = (is0, is1, is2, is3)

    for u in range(4):
      pltpu.async_copy(idx_hbm.at[pl.ds((t0 + u) * S, S)], ibufs[u],
                       isems[u])

    lanes = lax.iota(jnp.int32, L)
    row_base = sid * N_ROWS_PAD
    stages = (st0, st1)
    tsems = (ts0, ts1)
    for u in range(2):
      pltpu.async_copy(tab_hbm.at[pl.ds(u * CW, CW)], stages[u], tsems[u])

    def build_chunk(c, stg, tsem):
      pltpu.make_async_copy(tab_hbm.at[pl.ds(c * CW, CW)], stg, tsem).wait()

      @plsc.parallel_loop(0, CHUNK_ROWS // L, unroll=4)
      def _col(i):
        gidx = i * (L * NUM_HEADS) + lanes * NUM_HEADS + sid
        x = plsc.load_gather(stg, [gidx])
        y = x / (1.0 + jnp.exp(-x))
        act[pl.ds(row_base + c * CHUNK_ROWS + i * L, L)] = y

      @pl.when(c + 2 < N_CHUNKS)
      def _next_stage():
        pltpu.async_copy(tab_hbm.at[pl.ds((c + 2) * CW, CW)], stg, tsem)

    def build_pair(k, carry):
      build_chunk(2 * k, st0, ts0)
      build_chunk(2 * k + 1, st1, ts1)
      return carry

    lax.fori_loop(0, N_CHUNKS // 2, build_pair, 0)
    pltpu.sync_copy(act.at[pl.ds(row_base, N_ROWS_PAD)],
                    tabx_hbm.at[cid, pl.ds(row_base, N_ROWS_PAD)])
    plsc.subcore_barrier()
    pltpu.sync_copy(tabx_hbm.at[cid], act)

    def do_row(r, ib, ob, isem, osem):
      t = t0 + r

      @pl.when(r >= 2)
      def _wait_out():
        pltpu.make_async_copy(ob, out_hbm.at[:, t - 2, :], osem).wait()

      pltpu.make_async_copy(idx_hbm.at[pl.ds(t * S, S)], ib, isem).wait()

      @plsc.parallel_loop(0, S // L, unroll=4)
      def _inner(i):
        iv = ib[pl.ds(i * L, L)]
        for d in range(NUM_HEADS):
          ob[d, pl.ds(i * L, L)] = plsc.load_gather(
              act, [iv + d * N_ROWS_PAD])

      pltpu.async_copy(ob, out_hbm.at[:, t, :], osem)

      @pl.when(r + 4 < ROWS_PER_W)
      def _next_idx():
        pltpu.async_copy(idx_hbm.at[pl.ds((t + 4) * S, S)], ib, isem)

    def quad(k, carry):
      for u in range(4):
        do_row(4 * k + u, ibufs[u], (ob0, ob1)[u % 2],
               isems[u], (os0, os1)[u % 2])
      return carry

    lax.fori_loop(0, ROWS_PER_W // 4, quad, 0)
    pltpu.make_async_copy(ob0, out_hbm.at[:, t0 + ROWS_PER_W - 2, :],
                          os0).wait()
    pltpu.make_async_copy(ob1, out_hbm.at[:, t0 + ROWS_PER_W - 1, :],
                          os1).wait()

  return run(table_flat, idx_flat)


def kernel(context_win, memory_win, embeddings_table, rel_pos_index):
  del context_win, memory_win
  tab = jnp.pad(embeddings_table.astype(jnp.float32),
                ((0, N_ROWS_PAD - N_ROWS), (0, 0)))
  out, _ = _silu_gather(tab.reshape(-1),
                        rel_pos_index.reshape(-1).astype(jnp.int32))
  return out

# --- scband reference (transcript-rebuilt; emitter-appended) ---
"""Pipeline reference for scband-relative-position2-d-42700564857053 (READ-ONLY COPY).

The authoritative reference and input builder live on the scoring server;
editing this copy changes nothing except your own understanding.
"""

import jax, jax.numpy as jnp
import numpy as np

NUM_HEADS = 16
MAX_W = 32
MAX_H = 32
W = MAX_W
H = MAX_H

def _build_rel_pos_index():
    coords_w = np.arange(W)
    coords_h = np.arange(H)
    cw, ch = np.meshgrid(coords_w, coords_h, indexing='ij')
    coords = np.stack([cw, ch])  # [2, W, H]
    flat = coords.reshape(2, -1)  # [2, W*H]
    rel = flat[:, :, None] - flat[:, None, :]  # [2, WH, WH]
    rel = rel.transpose(1, 2, 0).astype(np.int64)  # [WH, WH, 2]
    r0 = rel[:, :, 0] + (MAX_W - 1)
    r1 = rel[:, :, 1] + (MAX_H - 1)
    r0 = r0 * (2 * MAX_H - 1)
    idx = (r0 + r1)
    idx = np.clip(idx, 0, (2 * MAX_H - 1) * (2 * MAX_W - 1) - 1)
    return jnp.asarray(idx, dtype=jnp.int32)

def setup_inputs(seed: int = 0) -> dict:
    key = jax.random.key(seed)
    k1, k2, k3 = jax.random.split(key, 3)
    context_win = jax.random.normal(k1, (1024, 16), dtype=jnp.float32)
    memory_win = jax.random.normal(k2, (1024, 16), dtype=jnp.float32)
    n_rows = (2 * MAX_H - 1) * (2 * MAX_W - 1)
    # xavier_uniform over [n_rows, num_heads]
    bound = float(np.sqrt(6.0 / (n_rows + NUM_HEADS)))
    embeddings_table = jax.random.uniform(k3, (n_rows, NUM_HEADS), dtype=jnp.float32, minval=-bound, maxval=bound)
    rel_pos_index = _build_rel_pos_index()
    return {"context_win": context_win, "memory_win": memory_win, "embeddings_table": embeddings_table, "rel_pos_index": rel_pos_index}

def reference(context_win, memory_win, embeddings_table, rel_pos_index):
    wh = W * H
    flat_idx = rel_pos_index.reshape(-1)
    emb = jnp.take(embeddings_table, flat_idx, axis=0).reshape(wh, wh, -1)
    act = emb * jax.nn.sigmoid(emb)  # SiLU
    return jnp.transpose(act, (2, 0, 1))  # 't s d -> d t s'

if __name__ == "__main__":
    import jax
    _d = setup_inputs()
    print(jax.jit(kernel)(*tuple(_d.values())))

</pallas_src>

<mosaic_0001>
#map = affine_map<(d0, d1) -> (0)>
#map1 = affine_map<(d0, d1) -> (0, 0, 0)>
#map2 = affine_map<(d0, d1) -> (0, 0)>
module attributes {stable_mosaic.version = 14 : i64} {
  func.func @run(%arg0: i32, %arg1: i32, %arg2: memref<65536xf32, #tpu.memory_space<hbm>>, %arg3: memref<1048576xi32, #tpu.memory_space<hbm>>, %arg4: memref<16x1024x1024xf32, #tpu.memory_space<hbm>>, %arg5: memref<2x65536xf32, #tpu.memory_space<hbm>>, %arg6: memref<65536xf32, #tpu.memory_space<vmem>>, %arg7: memref<8192xf32, #tpu.memory_space<vmem>>, %arg8: memref<8192xf32, #tpu.memory_space<vmem>>, %arg9: memref<1024xi32, #tpu.memory_space<vmem>>, %arg10: memref<1024xi32, #tpu.memory_space<vmem>>, %arg11: memref<1024xi32, #tpu.memory_space<vmem>>, %arg12: memref<1024xi32, #tpu.memory_space<vmem>>, %arg13: memref<16x1024xf32, #tpu.memory_space<vmem>>, %arg14: memref<16x1024xf32, #tpu.memory_space<vmem>>, %arg15: memref<!tpu.dma_semaphore, #tpu.memory_space<semaphore_mem>>, %arg16: memref<!tpu.dma_semaphore, #tpu.memory_space<semaphore_mem>>, %arg17: memref<!tpu.dma_semaphore, #tpu.memory_space<semaphore_mem>>, %arg18: memref<!tpu.dma_semaphore, #tpu.memory_space<semaphore_mem>>, %arg19: memref<!tpu.dma_semaphore, #tpu.memory_space<semaphore_mem>>, %arg20: memref<!tpu.dma_semaphore, #tpu.memory_space<semaphore_mem>>, %arg21: memref<!tpu.dma_semaphore, #tpu.memory_space<semaphore_mem>>, %arg22: memref<!tpu.dma_semaphore, #tpu.memory_space<semaphore_mem>>) attributes {dimension_semantics = [#tpu.dimension_semantics<core_parallel>, #tpu.dimension_semantics<subcore_parallel>], iteration_bounds = array<i64: 2, 16>, scalar_prefetch = 0 : i64, scratch_operands = 17 : i64, tpu.core_type = #tpu.core_type<sc_vector_subcore>, window_params = [{transform_indices = #map}, {transform_indices = #map}, {transform_indices = #map1}, {transform_indices = #map2}]} {
    %mul3A = arith.constant 2 : i32
    %mul3A_0 = arith.muli %arg1, %mul3A : i32
    %add3A = arith.addi %mul3A_0, %arg0 : i32
    %mul3A_1 = arith.constant 32 : i32
    %mul3A_2 = arith.muli %add3A, %mul3A_1 : i32
    %add3A_3 = arith.constant 0 : i32
    %add3A_4 = arith.addi %mul3A_2, %add3A_3 : i32
    %mul3A_5 = arith.constant 1024 : i32
    %mul3A_6 = arith.muli %add3A_4, %mul3A_5 : i32
    %dma_start3A = tpu.memref_slice %arg3[%mul3A_6] : memref<1048576xi32, #tpu.memory_space<hbm>> -> memref<1024xi32, #tpu.memory_space<hbm>>
    %dma_start3A_7 = tpu.memref_slice %arg3[%mul3A_6] : memref<1048576xi32, #tpu.memory_space<hbm>> -> memref<1024xi32, #tpu.memory_space<hbm>>
    tpu.enqueue_dma source(%dma_start3A_7 : memref<1024xi32, #tpu.memory_space<hbm>>) target(%arg9 : memref<1024xi32, #tpu.memory_space<vmem>>) target_semaphore(%arg15 : memref<!tpu.dma_semaphore, #tpu.memory_space<semaphore_mem>>)
    %add3A_8 = arith.constant 1 : i32
    %add3A_9 = arith.addi %mul3A_2, %add3A_8 : i32
    %mul3A_10 = arith.constant 1024 : i32
    %mul3A_11 = arith.muli %add3A_9, %mul3A_10 : i32
    %dma_start3A_12 = tpu.memref_slice %arg3[%mul3A_11] : memref<1048576xi32, #tpu.memory_space<hbm>> -> memref<1024xi32, #tpu.memory_space<hbm>>
    %dma_start3A_13 = tpu.memref_slice %arg3[%mul3A_11] : memref<1048576xi32, #tpu.memory_space<hbm>> -> memref<1024xi32, #tpu.memory_space<hbm>>
    tpu.enqueue_dma source(%dma_start3A_13 : memref<1024xi32, #tpu.memory_space<hbm>>) target(%arg10 : memref<1024xi32, #tpu.memory_space<vmem>>) target_semaphore(%arg16 : memref<!tpu.dma_semaphore, #tpu.memory_space<semaphore_mem>>)
    %add3A_14 = arith.constant 2 : i32
    %add3A_15 = arith.addi %mul3A_2, %add3A_14 : i32
    %mul3A_16 = arith.constant 1024 : i32
    %mul3A_17 = arith.muli %add3A_15, %mul3A_16 : i32
    %dma_start3A_18 = tpu.memref_slice %arg3[%mul3A_17] : memref<1048576xi32, #tpu.memory_space<hbm>> -> memref<1024xi32, #tpu.memory_space<hbm>>
    %dma_start3A_19 = tpu.memref_slice %arg3[%mul3A_17] : memref<1048576xi32, #tpu.memory_space<hbm>> -> memref<1024xi32, #tpu.memory_space<hbm>>
    tpu.enqueue_dma source(%dma_start3A_19 : memref<1024xi32, #tpu.memory_space<hbm>>) target(%arg11 : memref<1024xi32, #tpu.memory_space<vmem>>) target_semaphore(%arg17 : memref<!tpu.dma_semaphore, #tpu.memory_space<semaphore_mem>>)
    %add3A_20 = arith.constant 3 : i32
    %add3A_21 = arith.addi %mul3A_2, %add3A_20 : i32
    %mul3A_22 = arith.constant 1024 : i32
    %mul3A_23 = arith.muli %add3A_21, %mul3A_22 : i32
    %dma_start3A_24 = tpu.memref_slice %arg3[%mul3A_23] : memref<1048576xi32, #tpu.memory_space<hbm>> -> memref<1024xi32, #tpu.memory_space<hbm>>
    %dma_start3A_25 = tpu.memref_slice %arg3[%mul3A_23] : memref<1048576xi32, #tpu.memory_space<hbm>> -> memref<1024xi32, #tpu.memory_space<hbm>>
    tpu.enqueue_dma source(%dma_start3A_25 : memref<1024xi32, #tpu.memory_space<hbm>>) target(%arg12 : memref<1024xi32, #tpu.memory_space<vmem>>) target_semaphore(%arg18 : memref<!tpu.dma_semaphore, #tpu.memory_space<semaphore_mem>>)
    %iota3A = tpu.iota {dimensions = array<i32: 0>} : vector<16xi32>
    %mul3A_26 = arith.constant 4096 : i32
    %mul3A_27 = arith.muli %arg1, %mul3A_26 : i32
    %dma_start3A_28 = arith.constant 0 : i32
    %dma_start3A_29 = tpu.memref_slice %arg2[%dma_start3A_28] : memref<65536xf32, #tpu.memory_space<hbm>> -> memref<8192xf32, #tpu.memory_space<hbm>>
    %dma_start3A_30 = arith.constant 0 : i32
    %dma_start3A_31 = tpu.memref_slice %arg2[%dma_start3A_30] : memref<65536xf32, #tpu.memory_space<hbm>> -> memref<8192xf32, #tpu.memory_space<hbm>>
    tpu.enqueue_dma source(%dma_start3A_31 : memref<8192xf32, #tpu.memory_space<hbm>>) target(%arg7 : memref<8192xf32, #tpu.memory_space<vmem>>) target_semaphore(%arg21 : memref<!tpu.dma_semaphore, #tpu.memory_space<semaphore_mem>>)
    %dma_start3A_32 = arith.constant 8192 : i32
    %dma_start3A_33 = tpu.memref_slice %arg2[%dma_start3A_32] : memref<65536xf32, #tpu.memory_space<hbm>> -> memref<8192xf32, #tpu.memory_space<hbm>>
    %dma_start3A_34 = arith.constant 8192 : i32
    %dma_start3A_35 = tpu.memref_slice %arg2[%dma_start3A_34] : memref<65536xf32, #tpu.memory_space<hbm>> -> memref<8192xf32, #tpu.memory_space<hbm>>
    tpu.enqueue_dma source(%dma_start3A_35 : memref<8192xf32, #tpu.memory_space<hbm>>) target(%arg8 : memref<8192xf32, #tpu.memory_space<vmem>>) target_semaphore(%arg22 : memref<!tpu.dma_semaphore, #tpu.memory_space<semaphore_mem>>)
    %scan3A = arith.constant 0 : i32
    %scan3A_36 = arith.constant 0 : i32
    %scan3A_37 = arith.constant 4 : i32
    %scan3A_38 = arith.addi %scan3A_36, %scan3A_37 : i32
    %scan3A_39 = arith.constant 1 : i32
    scf.for %scan3A_69 = %scan3A_36 to %scan3A_38 step %scan3A_39  : i32 {
      %mul3A_70 = arith.constant 2 : i32
      %mul3A_71 = arith.muli %mul3A_70, %scan3A_69 : i32
      %mul3A_72 = arith.constant 8192 : i32
      %mul3A_73 = arith.muli %mul3A_71, %mul3A_72 : i32
      %dma_wait3A_74 = tpu.memref_slice %arg2[%mul3A_73] : memref<65536xf32, #tpu.memory_space<hbm>> -> memref<8192xf32, #tpu.memory_space<hbm>>
      %dma_wait3A_75 = tpu.memref_slice %arg2[%mul3A_73] : memref<65536xf32, #tpu.memory_space<hbm>> -> memref<8192xf32, #tpu.memory_space<hbm>>
      tpu.wait_dma2 semaphore(%arg21 : memref<!tpu.dma_semaphore, #tpu.memory_space<semaphore_mem>>) src(%dma_wait3A_75 : memref<8192xf32, #tpu.memory_space<hbm>>) dst(%arg7 : memref<8192xf32, #tpu.memory_space<vmem>>)
      %parallel_loop3A = arith.constant 0 : i32
      %parallel_loop3A_76 = arith.constant 32 : i32
      %parallel_loop3A_77 = arith.constant 1 : i32
      scf.for %parallel_loop3A_100 = %parallel_loop3A to %parallel_loop3A_76 step %parallel_loop3A_77  : i32 {
        %parallel_loop3A_101 = arith.constant 256 : i32
        %parallel_loop3A_102 = arith.muli %parallel_loop3A_100, %parallel_loop3A_101 : i32
        %parallel_loop3A_103 = arith.constant 16 : i32
        %parallel_loop3A_104 = vector.broadcast %parallel_loop3A_103 : i32 to vector<16xi32>
        %parallel_loop3A_105 = arith.muli %iota3A, %parallel_loop3A_104 : vector<16xi32>
        %parallel_loop3A_106 = vector.broadcast %parallel_loop3A_102 : i32 to vector<16xi32>
        %parallel_loop3A_107 = arith.addi %parallel_loop3A_106, %parallel_loop3A_105 : vector<16xi32>
        %parallel_loop3A_108 = vector.broadcast %arg1 : i32 to vector<16xi32>
        %parallel_loop3A_109 = arith.addi %parallel_loop3A_107, %parallel_loop3A_108 : vector<16xi32>
        %parallel_loop3A_110 = tpu.vector_load_idx %arg7[%parallel_loop3A_109] : memref<8192xf32, #tpu.memory_space<vmem>>[vector<16xi32>], vector<16xf32>,
        %parallel_loop3A_111 = arith.constant 0.000000e+00 : f32
        %parallel_loop3A_112 = vector.broadcast %parallel_loop3A_111 : f32 to vector<16xf32>
        %parallel_loop3A_113 = arith.subf %parallel_loop3A_112, %parallel_loop3A_110 : vector<16xf32>
        %parallel_loop3A_114 = math.exp %parallel_loop3A_113 : vector<16xf32>
        %parallel_loop3A_115 = arith.constant 1.000000e+00 : f32
        %parallel_loop3A_116 = vector.broadcast %parallel_loop3A_115 : f32 to vector<16xf32>
        %parallel_loop3A_117 = arith.addf %parallel_loop3A_116, %parallel_loop3A_114 : vector<16xf32>
        %parallel_loop3A_118 = arith.divf %parallel_loop3A_110, %parallel_loop3A_117 : vector<16xf32>
        %parallel_loop3A_119 = arith.constant 512 : i32
        %parallel_loop3A_120 = arith.muli %mul3A_71, %parallel_loop3A_119 : i32
        %parallel_loop3A_121 = arith.addi %mul3A_27, %parallel_loop3A_120 : i32
        %parallel_loop3A_122 = arith.constant 16 : i32
        %parallel_loop3A_123 = arith.muli %parallel_loop3A_100, %parallel_loop3A_122 : i32
        %parallel_loop3A_124 = arith.addi %parallel_loop3A_121, %parallel_loop3A_123 : i32
        %parallel_loop3A_125 = arith.index_cast %parallel_loop3A_124 : i32 to index
        %parallel_loop3A_126 = tpu.vector_load %arg6[%parallel_loop3A_125] {strides = array<i32>} : memref<65536xf32, #tpu.memory_space<vmem>>, vector<16xf32>,
        tpu.vector_store %arg6[%parallel_loop3A_125], %parallel_loop3A_118 {strides = array<i32>} : memref<65536xf32, #tpu.memory_space<vmem>>, vector<16xf32>,
      } {sc.loop_unroll_factor = 4 : i64, sc.parallel_access}
      %add3A_78 = arith.constant 2 : i32
      %add3A_79 = arith.addi %mul3A_71, %add3A_78 : i32
      %lt3A = arith.constant 8 : i32
      %lt3A_80 = arith.cmpi slt, %add3A_79, %lt3A : i32
      %convert_element_type3A = arith.extui %lt3A_80 : i1 to i32
      %cond3A = arith.constant 0 : i32
      %cond3A_81 = arith.cmpi ne, %convert_element_type3A, %cond3A : i32
      scf.if %cond3A_81 {
        %add3A_100 = arith.constant 2 : i32
        %add3A_101 = arith.addi %mul3A_71, %add3A_100 : i32
        %mul3A_102 = arith.constant 8192 : i32
        %mul3A_103 = arith.muli %add3A_101, %mul3A_102 : i32
        %dma_start3A_104 = tpu.memref_slice %arg2[%mul3A_103] : memref<65536xf32, #tpu.memory_space<hbm>> -> memref<8192xf32, #tpu.memory_space<hbm>>
        %dma_start3A_105 = tpu.memref_slice %arg2[%mul3A_103] : memref<65536xf32, #tpu.memory_space<hbm>> -> memref<8192xf32, #tpu.memory_space<hbm>>
        tpu.enqueue_dma source(%dma_start3A_105 : memref<8192xf32, #tpu.memory_space<hbm>>) target(%arg7 : memref<8192xf32, #tpu.memory_space<vmem>>) target_semaphore(%arg21 : memref<!tpu.dma_semaphore, #tpu.memory_space<semaphore_mem>>)
      } else {
      }
      %mul3A_82 = arith.constant 2 : i32
      %mul3A_83 = arith.muli %mul3A_82, %scan3A_69 : i32
      %add3A_84 = arith.constant 1 : i32
      %add3A_85 = arith.addi %mul3A_83, %add3A_84 : i32
      %mul3A_86 = arith.constant 8192 : i32
      %mul3A_87 = arith.muli %add3A_85, %mul3A_86 : i32
      %dma_wait3A_88 = tpu.memref_slice %arg2[%mul3A_87] : memref<65536xf32, #tpu.memory_space<hbm>> -> memref<8192xf32, #tpu.memory_space<hbm>>
      %dma_wait3A_89 = tpu.memref_slice %arg2[%mul3A_87] : memref<65536xf32, #tpu.memory_space<hbm>> -> memref<8192xf32, #tpu.memory_space<hbm>>
      tpu.wait_dma2 semaphore(%arg22 : memref<!tpu.dma_semaphore, #tpu.memory_space<semaphore_mem>>) src(%dma_wait3A_89 : memref<8192xf32, #tpu.memory_space<hbm>>) dst(%arg8 : memref<8192xf32, #tpu.memory_space<vmem>>)
      %parallel_loop3A_90 = arith.constant 0 : i32
      %parallel_loop3A_91 = arith.constant 32 : i32
      %parallel_loop3A_92 = arith.constant 1 : i32
      scf.for %parallel_loop3A_100 = %parallel_loop3A_90 to %parallel_loop3A_91 step %parallel_loop3A_92  : i32 {
        %parallel_loop3A_101 = arith.constant 256 : i32
        %parallel_loop3A_102 = arith.muli %parallel_loop3A_100, %parallel_loop3A_101 : i32
        %parallel_loop3A_103 = arith.constant 16 : i32
        %parallel_loop3A_104 = vector.broadcast %parallel_loop3A_103 : i32 to vector<16xi32>
        %parallel_loop3A_105 = arith.muli %iota3A, %parallel_loop3A_104 : vector<16xi32>
        %parallel_loop3A_106 = vector.broadcast %parallel_loop3A_102 : i32 to vector<16xi32>
        %parallel_loop3A_107 = arith.addi %parallel_loop3A_106, %parallel_loop3A_105 : vector<16xi32>
        %parallel_loop3A_108 = vector.broadcast %arg1 : i32 to vector<16xi32>
        %parallel_loop3A_109 = arith.addi %parallel_loop3A_107, %parallel_loop3A_108 : vector<16xi32>
        %parallel_loop3A_110 = tpu.vector_load_idx %arg8[%parallel_loop3A_109] : memref<8192xf32, #tpu.memory_space<vmem>>[vector<16xi32>], vector<16xf32>,
        %parallel_loop3A_111 = arith.constant 0.000000e+00 : f32
        %parallel_loop3A_112 = vector.broadcast %parallel_loop3A_111 : f32 to vector<16xf32>
        %parallel_loop3A_113 = arith.subf %parallel_loop3A_112, %parallel_loop3A_110 : vector<16xf32>
        %parallel_loop3A_114 = math.exp %parallel_loop3A_113 : vector<16xf32>
        %parallel_loop3A_115 = arith.constant 1.000000e+00 : f32
        %parallel_loop3A_116 = vector.broadcast %parallel_loop3A_115 : f32 to vector<16xf32>
        %parallel_loop3A_117 = arith.addf %parallel_loop3A_116, %parallel_loop3A_114 : vector<16xf32>
        %parallel_loop3A_118 = arith.divf %parallel_loop3A_110, %parallel_loop3A_117 : vector<16xf32>
        %parallel_loop3A_119 = arith.constant 512 : i32
        %parallel_loop3A_120 = arith.muli %add3A_85, %parallel_loop3A_119 : i32
        %parallel_loop3A_121 = arith.addi %mul3A_27, %parallel_loop3A_120 : i32
        %parallel_loop3A_122 = arith.constant 16 : i32
        %parallel_loop3A_123 = arith.muli %parallel_loop3A_100, %parallel_loop3A_122 : i32
        %parallel_loop3A_124 = arith.addi %parallel_loop3A_121, %parallel_loop3A_123 : i32
        %parallel_loop3A_125 = arith.index_cast %parallel_loop3A_124 : i32 to index
        %parallel_loop3A_126 = tpu.vector_load %arg6[%parallel_loop3A_125] {strides = array<i32>} : memref<65536xf32, #tpu.memory_space<vmem>>, vector<16xf32>,
        tpu.vector_store %arg6[%parallel_loop3A_125], %parallel_loop3A_118 {strides = array<i32>} : memref<65536xf32, #tpu.memory_space<vmem>>, vector<16xf32>,
      } {sc.loop_unroll_factor = 4 : i64, sc.parallel_access}
      %add3A_93 = arith.constant 2 : i32
      %add3A_94 = arith.addi %add3A_85, %add3A_93 : i32
      %lt3A_95 = arith.constant 8 : i32
      %lt3A_96 = arith.cmpi slt, %add3A_94, %lt3A_95 : i32
      %convert_element_type3A_97 = arith.extui %lt3A_96 : i1 to i32
      %cond3A_98 = arith.constant 0 : i32
      %cond3A_99 = arith.cmpi ne, %convert_element_type3A_97, %cond3A_98 : i32
      scf.if %cond3A_99 {
        %add3A_100 = arith.constant 2 : i32
        %add3A_101 = arith.addi %add3A_85, %add3A_100 : i32
        %mul3A_102 = arith.constant 8192 : i32
        %mul3A_103 = arith.muli %add3A_101, %mul3A_102 : i32
        %dma_start3A_104 = tpu.memref_slice %arg2[%mul3A_103] : memref<65536xf32, #tpu.memory_space<hbm>> -> memref<8192xf32, #tpu.memory_space<hbm>>
        %dma_start3A_105 = tpu.memref_slice %arg2[%mul3A_103] : memref<65536xf32, #tpu.memory_space<hbm>> -> memref<8192xf32, #tpu.memory_space<hbm>>
        tpu.enqueue_dma source(%dma_start3A_105 : memref<8192xf32, #tpu.memory_space<hbm>>) target(%arg8 : memref<8192xf32, #tpu.memory_space<vmem>>) target_semaphore(%arg22 : memref<!tpu.dma_semaphore, #tpu.memory_space<semaphore_mem>>)
      } else {
      }
    }
    %scan3A_40 = arith.constant 4 : i32
    "tpu.region"() ({
      %run_scoped3A = tpu.sem_alloc : memref<!tpu.dma_semaphore, #tpu.memory_space<semaphore_mem>>
      %dma_start3A_69 = tpu.memref_slice %arg6[%mul3A_27] : memref<65536xf32, #tpu.memory_space<vmem>> -> memref<4096xf32, #tpu.memory_space<vmem>>
      %dma_start3A_70 = tpu.memref_slice %arg5[%arg0, %mul3A_27] : memref<2x65536xf32, #tpu.memory_space<hbm>> -> memref<1x4096xf32, #tpu.memory_space<hbm>>
      %dma_start3A_71 = tpu.memref_squeeze %dma_start3A_70 : memref<1x4096xf32, #tpu.memory_space<hbm>> -> memref<4096xf32, #tpu.memory_space<hbm>>
      %dma_start3A_72 = tpu.memref_slice %arg5[%arg0, %mul3A_27] : memref<2x65536xf32, #tpu.memory_space<hbm>> -> memref<1x4096xf32, #tpu.memory_space<hbm>>
      %dma_start3A_73 = tpu.memref_squeeze %dma_start3A_72 : memref<1x4096xf32, #tpu.memory_space<hbm>> -> memref<4096xf32, #tpu.memory_space<hbm>>
      %dma_start3A_74 = tpu.memref_slice %arg6[%mul3A_27] : memref<65536xf32, #tpu.memory_space<vmem>> -> memref<4096xf32, #tpu.memory_space<vmem>>
      tpu.enqueue_dma source(%dma_start3A_74 : memref<4096xf32, #tpu.memory_space<vmem>>) target(%dma_start3A_73 : memref<4096xf32, #tpu.memory_space<hbm>>) target_semaphore(%run_scoped3A : memref<!tpu.dma_semaphore, #tpu.memory_space<semaphore_mem>>)
      %dma_wait3A_75 = tpu.memref_slice %arg6[%mul3A_27] : memref<65536xf32, #tpu.memory_space<vmem>> -> memref<4096xf32, #tpu.memory_space<vmem>>
      %dma_wait3A_76 = tpu.memref_slice %arg5[%arg0, %mul3A_27] : memref<2x65536xf32, #tpu.memory_space<hbm>> -> memref<1x4096xf32, #tpu.memory_space<hbm>>
      %dma_wait3A_77 = tpu.memref_squeeze %dma_wait3A_76 : memref<1x4096xf32, #tpu.memory_space<hbm>> -> memref<4096xf32, #tpu.memory_space<hbm>>
      %dma_wait3A_78 = tpu.memref_slice %arg5[%arg0, %mul3A_27] : memref<2x65536xf32, #tpu.memory_space<hbm>> -> memref<1x4096xf32, #tpu.memory_space<hbm>>
      %dma_wait3A_79 = tpu.memref_squeeze %dma_wait3A_78 : memref<1x4096xf32, #tpu.memory_space<hbm>> -> memref<4096xf32, #tpu.memory_space<hbm>>
      %dma_wait3A_80 = tpu.memref_slice %arg6[%mul3A_27] : memref<65536xf32, #tpu.memory_space<vmem>> -> memref<4096xf32, #tpu.memory_space<vmem>>
      tpu.wait_dma2 semaphore(%run_scoped3A : memref<!tpu.dma_semaphore, #tpu.memory_space<semaphore_mem>>) src(%dma_wait3A_80 : memref<4096xf32, #tpu.memory_space<vmem>>) dst(%dma_wait3A_79 : memref<4096xf32, #tpu.memory_space<hbm>>)
      tpu.yield
    }) : () -> ()
    %barrier3A = arith.constant 0 : index
    tpu.barrier barrier_id(%barrier3A)
    "tpu.region"() ({
      %run_scoped3A = tpu.sem_alloc : memref<!tpu.dma_semaphore, #tpu.memory_space<semaphore_mem>>
      %dma_start3A_69 = arith.constant 0 : i32
      %dma_start3A_70 = tpu.memref_slice %arg5[%arg0, %dma_start3A_69] : memref<2x65536xf32, #tpu.memory_space<hbm>> -> memref<1x65536xf32, #tpu.memory_space<hbm>>
      %dma_start3A_71 = tpu.memref_squeeze %dma_start3A_70 : memref<1x65536xf32, #tpu.memory_space<hbm>> -> memref<65536xf32, #tpu.memory_space<hbm>>
      %dma_start3A_72 = arith.constant 0 : i32
      %dma_start3A_73 = tpu.memref_slice %arg5[%arg0, %dma_start3A_72] : memref<2x65536xf32, #tpu.memory_space<hbm>> -> memref<1x65536xf32, #tpu.memory_space<hbm>>
      %dma_start3A_74 = tpu.memref_squeeze %dma_start3A_73 : memref<1x65536xf32, #tpu.memory_space<hbm>> -> memref<65536xf32, #tpu.memory_space<hbm>>
      tpu.enqueue_dma source(%dma_start3A_74 : memref<65536xf32, #tpu.memory_space<hbm>>) target(%arg6 : memref<65536xf32, #tpu.memory_space<vmem>>) target_semaphore(%run_scoped3A : memref<!tpu.dma_semaphore, #tpu.memory_space<semaphore_mem>>)
      %dma_wait3A_75 = arith.constant 0 : i32
      %dma_wait3A_76 = tpu.memref_slice %arg5[%arg0, %dma_wait3A_75] : memref<2x65536xf32, #tpu.memory_space<hbm>> -> memref<1x65536xf32, #tpu.memory_space<hbm>>
      %dma_wait3A_77 = tpu.memref_squeeze %dma_wait3A_76 : memref<1x65536xf32, #tpu.memory_space<hbm>> -> memref<65536xf32, #tpu.memory_space<hbm>>
      %dma_wait3A_78 = arith.constant 0 : i32
      %dma_wait3A_79 = tpu.memref_slice %arg5[%arg0, %dma_wait3A_78] : memref<2x65536xf32, #tpu.memory_space<hbm>> -> memref<1x65536xf32, #tpu.memory_space<hbm>>
      %dma_wait3A_80 = tpu.memref_squeeze %dma_wait3A_79 : memref<1x65536xf32, #tpu.memory_space<hbm>> -> memref<65536xf32, #tpu.memory_space<hbm>>
      tpu.wait_dma2 semaphore(%run_scoped3A : memref<!tpu.dma_semaphore, #tpu.memory_space<semaphore_mem>>) src(%dma_wait3A_80 : memref<65536xf32, #tpu.memory_space<hbm>>) dst(%arg6 : memref<65536xf32, #tpu.memory_space<vmem>>)
      tpu.yield
    }) : () -> ()
    %scan3A_41 = arith.constant 0 : i32
    %scan3A_42 = arith.constant 0 : i32
    %scan3A_43 = arith.constant 8 : i32
    %scan3A_44 = arith.addi %scan3A_42, %scan3A_43 : i32
    %scan3A_45 = arith.constant 1 : i32
    scf.for %scan3A_69 = %scan3A_42 to %scan3A_44 step %scan3A_45  : i32 {
      %mul3A_70 = arith.constant 4 : i32
      %mul3A_71 = arith.muli %mul3A_70, %scan3A_69 : i32
      %add3A_72 = arith.constant 0 : i32
      %add3A_73 = arith.addi %mul3A_71, %add3A_72 : i32
      %add3A_74 = arith.addi %mul3A_2, %add3A_73 : i32
      %ge3A = arith.constant 2 : i32
      %ge3A_75 = arith.cmpi sge, %add3A_73, %ge3A : i32
      %convert_element_type3A = arith.extui %ge3A_75 : i1 to i32
      %cond3A = arith.constant 0 : i32
      %cond3A_76 = arith.cmpi ne, %convert_element_type3A, %cond3A : i32
      scf.if %cond3A_76 {
        %sub3A_193 = arith.constant 2 : i32
        %sub3A_194 = arith.subi %add3A_74, %sub3A_193 : i32
        %dma_wait3A_195 = arith.constant 0 : i32
        %dma_wait3A_196 = arith.constant 0 : i32
        %dma_wait3A_197 = tpu.memref_slice %arg4[%dma_wait3A_195, %sub3A_194, %dma_wait3A_196] : memref<16x1024x1024xf32, #tpu.memory_space<hbm>> -> memref<16x1x1024xf32, #tpu.memory_space<hbm>>
        %dma_wait3A_198 = tpu.memref_squeeze %dma_wait3A_197 : memref<16x1x1024xf32, #tpu.memory_space<hbm>> -> memref<16x1024xf32, #tpu.memory_space<hbm>>
        %dma_wait3A_199 = arith.constant 0 : i32
        %dma_wait3A_200 = arith.constant 0 : i32
        %dma_wait3A_201 = tpu.memref_slice %arg4[%dma_wait3A_199, %sub3A_194, %dma_wait3A_200] : memref<16x1024x1024xf32, #tpu.memory_space<hbm>> -> memref<16x1x1024xf32, #tpu.memory_space<hbm>>
        %dma_wait3A_202 = tpu.memref_squeeze %dma_wait3A_201 : memref<16x1x1024xf32, #tpu.memory_space<hbm>> -> memref<16x1024xf32, #tpu.memory_space<hbm>>
        tpu.wait_dma2 semaphore(%arg19 : memref<!tpu.dma_semaphore, #tpu.memory_space<semaphore_mem>>) src(%arg13 : memref<16x1024xf32, #tpu.memory_space<vmem>>) dst(%dma_wait3A_202 : memref<16x1024xf32, #tpu.memory_space<hbm>>)
      } else {
      }
      %mul3A_77 = arith.constant 1024 : i32
      %mul3A_78 = arith.muli %add3A_74, %mul3A_77 : i32
      %dma_wait3A_79 = tpu.memref_slice %arg3[%mul3A_78] : memref<1048576xi32, #tpu.memory_space<hbm>> -> memref<1024xi32, #tpu.memory_space<hbm>>
      %dma_wait3A_80 = tpu.memref_slice %arg3[%mul3A_78] : memref<1048576xi32, #tpu.memory_space<hbm>> -> memref<1024xi32, #tpu.memory_space<hbm>>
      tpu.wait_dma2 semaphore(%arg15 : memref<!tpu.dma_semaphore, #tpu.memory_space<semaphore_mem>>) src(%dma_wait3A_80 : memref<1024xi32, #tpu.memory_space<hbm>>) dst(%arg9 : memref<1024xi32, #tpu.memory_space<vmem>>)
      %parallel_loop3A = arith.constant 0 : i32
      %parallel_loop3A_81 = arith.constant 64 : i32
      %parallel_loop3A_82 = arith.constant 1 : i32
      scf.for %parallel_loop3A_193 = %parallel_loop3A to %parallel_loop3A_81 step %parallel_loop3A_82  : i32 {
        %parallel_loop3A_194 = arith.constant 16 : i32
        %parallel_loop3A_195 = arith.muli %parallel_loop3A_193, %parallel_loop3A_194 : i32
        %parallel_loop3A_196 = arith.index_cast %parallel_loop3A_195 : i32 to index
        %parallel_loop3A_197 = tpu.vector_load %arg9[%parallel_loop3A_196] {strides = array<i32>} : memref<1024xi32, #tpu.memory_space<vmem>>, vector<16xi32>,
        %parallel_loop3A_198 = arith.constant 0 : i32
        %parallel_loop3A_199 = vector.broadcast %parallel_loop3A_198 : i32 to vector<16xi32>
        %parallel_loop3A_200 = arith.addi %parallel_loop3A_197, %parallel_loop3A_199 : vector<16xi32>
        %parallel_loop3A_201 = tpu.vector_load_idx %arg6[%parallel_loop3A_200] : memref<65536xf32, #tpu.memory_space<vmem>>[vector<16xi32>], vector<16xf32>,
        %parallel_loop3A_202 = arith.constant 16 : i32
        %parallel_loop3A_203 = arith.muli %parallel_loop3A_193, %parallel_loop3A_202 : i32
        %parallel_loop3A_204 = arith.constant 0 : i32
        %parallel_loop3A_205 = arith.index_cast %parallel_loop3A_204 : i32 to index
        %parallel_loop3A_206 = arith.index_cast %parallel_loop3A_203 : i32 to index
        %parallel_loop3A_207 = tpu.vector_load %arg13[%parallel_loop3A_205, %parallel_loop3A_206] {strides = array<i32>} : memref<16x1024xf32, #tpu.memory_space<vmem>>, vector<16xf32>,
        tpu.vector_store %arg13[%parallel_loop3A_205, %parallel_loop3A_206], %parallel_loop3A_201 {strides = array<i32>} : memref<16x1024xf32, #tpu.memory_space<vmem>>, vector<16xf32>,
        %parallel_loop3A_208 = arith.constant 4096 : i32
        %parallel_loop3A_209 = vector.broadcast %parallel_loop3A_208 : i32 to vector<16xi32>
        %parallel_loop3A_210 = arith.addi %parallel_loop3A_197, %parallel_loop3A_209 : vector<16xi32>
        %parallel_loop3A_211 = tpu.vector_load_idx %arg6[%parallel_loop3A_210] : memref<65536xf32, #tpu.memory_space<vmem>>[vector<16xi32>], vector<16xf32>,
        %parallel_loop3A_212 = arith.constant 16 : i32
        %parallel_loop3A_213 = arith.muli %parallel_loop3A_193, %parallel_loop3A_212 : i32
        %parallel_loop3A_214 = arith.constant 1 : i32
        %parallel_loop3A_215 = arith.index_cast %parallel_loop3A_214 : i32 to index
        %parallel_loop3A_216 = arith.index_cast %parallel_loop3A_213 : i32 to index
        %parallel_loop3A_217 = tpu.vector_load %arg13[%parallel_loop3A_215, %parallel_loop3A_216] {strides = array<i32>} : memref<16x1024xf32, #tpu.memory_space<vmem>>, vector<16xf32>,
        tpu.vector_store %arg13[%parallel_loop3A_215, %parallel_loop3A_216], %parallel_loop3A_211 {strides = array<i32>} : memref<16x1024xf32, #tpu.memory_space<vmem>>, vector<16xf32>,
        %parallel_loop3A_218 = arith.constant 8192 : i32
        %parallel_loop3A_219 = vector.broadcast %parallel_loop3A_218 : i32 to vector<16xi32>
        %parallel_loop3A_220 = arith.addi %parallel_loop3A_197, %parallel_loop3A_219 : vector<16xi32>
        %parallel_loop3A_221 = tpu.vector_load_idx %arg6[%parallel_loop3A_220] : memref<65536xf32, #tpu.memory_space<vmem>>[vector<16xi32>], vector<16xf32>,
        %parallel_loop3A_222 = arith.constant 16 : i32
        %parallel_loop3A_223 = arith.muli %parallel_loop3A_193, %parallel_loop3A_222 : i32
        %parallel_loop3A_224 = arith.constant 2 : i32
        %parallel_loop3A_225 = arith.index_cast %parallel_loop3A_224 : i32 to index
        %parallel_loop3A_226 = arith.index_cast %parallel_loop3A_223 : i32 to index
        %parallel_loop3A_227 = tpu.vector_load %arg13[%parallel_loop3A_225, %parallel_loop3A_226] {strides = array<i32>} : memref<16x1024xf32, #tpu.memory_space<vmem>>, vector<16xf32>,
        tpu.vector_store %arg13[%parallel_loop3A_225, %parallel_loop3A_226], %parallel_loop3A_221 {strides = array<i32>} : memref<16x1024xf32, #tpu.memory_space<vmem>>, vector<16xf32>,
        %parallel_loop3A_228 = arith.constant 12288 : i32
        %parallel_loop3A_229 = vector.broadcast %parallel_loop3A_228 : i32 to vector<16xi32>
        %parallel_loop3A_230 = arith.addi %parallel_loop3A_197, %parallel_loop3A_229 : vector<16xi32>
        %parallel_loop3A_231 = tpu.vector_load_idx %arg6[%parallel_loop3A_230] : memref<65536xf32, #tpu.memory_space<vmem>>[vector<16xi32>], vector<16xf32>,
        %parallel_loop3A_232 = arith.constant 16 : i32
        %parallel_loop3A_233 = arith.muli %parallel_loop3A_193, %parallel_loop3A_232 : i32
        %parallel_loop3A_234 = arith.constant 3 : i32
        %parallel_loop3A_235 = arith.index_cast %parallel_loop3A_234 : i32 to index
        %parallel_loop3A_236 = arith.index_cast %parallel_loop3A_233 : i32 to index
        %parallel_loop3A_237 = tpu.vector_load %arg13[%parallel_loop3A_235, %parallel_loop3A_236] {strides = array<i32>} : memref<16x1024xf32, #tpu.memory_space<vmem>>, vector<16xf32>,
        tpu.vector_store %arg13[%parallel_loop3A_235, %parallel_loop3A_236], %parallel_loop3A_231 {strides = array<i32>} : memref<16x1024xf32, #tpu.memory_space<vmem>>, vector<16xf32>,
        %parallel_loop3A_238 = arith.constant 16384 : i32
        %parallel_loop3A_239 = vector.broadcast %parallel_loop3A_238 : i32 to vector<16xi32>
        %parallel_loop3A_240 = arith.addi %parallel_loop3A_197, %parallel_loop3A_239 : vector<16xi32>
        %parallel_loop3A_241 = tpu.vector_load_idx %arg6[%parallel_loop3A_240] : memref<65536xf32, #tpu.memory_space<vmem>>[vector<16xi32>], vector<16xf32>,
        %parallel_loop3A_242 = arith.constant 16 : i32
        %parallel_loop3A_243 = arith.muli %parallel_loop3A_193, %parallel_loop3A_242 : i32
        %parallel_loop3A_244 = arith.constant 4 : i32
        %parallel_loop3A_245 = arith.index_cast %parallel_loop3A_244 : i32 to index
        %parallel_loop3A_246 = arith.index_cast %parallel_loop3A_243 : i32 to index
        %parallel_loop3A_247 = tpu.vector_load %arg13[%parallel_loop3A_245, %parallel_loop3A_246] {strides = array<i32>} : memref<16x1024xf32, #tpu.memory_space<vmem>>, vector<16xf32>,
        tpu.vector_store %arg13[%parallel_loop3A_245, %parallel_loop3A_246], %parallel_loop3A_241 {strides = array<i32>} : memref<16x1024xf32, #tpu.memory_space<vmem>>, vector<16xf32>,
        %parallel_loop3A_248 = arith.constant 20480 : i32
        %parallel_loop3A_249 = vector.broadcast %parallel_loop3A_248 : i32 to vector<16xi32>
        %parallel_loop3A_250 = arith.addi %parallel_loop3A_197, %parallel_loop3A_249 : vector<16xi32>
        %parallel_loop3A_251 = tpu.vector_load_idx %arg6[%parallel_loop3A_250] : memref<65536xf32, #tpu.memory_space<vmem>>[vector<16xi32>], vector<16xf32>,
        %parallel_loop3A_252 = arith.constant 16 : i32
        %parallel_loop3A_253 = arith.muli %parallel_loop3A_193, %parallel_loop3A_252 : i32
        %parallel_loop3A_254 = arith.constant 5 : i32
        %parallel_loop3A_255 = arith.index_cast %parallel_loop3A_254 : i32 to index
        %parallel_loop3A_256 = arith.index_cast %parallel_loop3A_253 : i32 to index
        %parallel_loop3A_257 = tpu.vector_load %arg13[%parallel_loop3A_255, %parallel_loop3A_256] {strides = array<i32>} : memref<16x1024xf32, #tpu.memory_space<vmem>>, vector<16xf32>,
        tpu.vector_store %arg13[%parallel_loop3A_255, %parallel_loop3A_256], %parallel_loop3A_251 {strides = array<i32>} : memref<16x1024xf32, #tpu.memory_space<vmem>>, vector<16xf32>,
        %parallel_loop3A_258 = arith.constant 24576 : i32
        %parallel_loop3A_259 = vector.broadcast %parallel_loop3A_258 : i32 to vector<16xi32>
        %parallel_loop3A_260 = arith.addi %parallel_loop3A_197, %parallel_loop3A_259 : vector<16xi32>
        %parallel_loop3A_261 = tpu.vector_load_idx %arg6[%parallel_loop3A_260] : memref<65536xf32, #tpu.memory_space<vmem>>[vector<16xi32>], vector<16xf32>,
        %parallel_loop3A_262 = arith.constant 16 : i32
        %parallel_loop3A_263 = arith.muli %parallel_loop3A_193, %parallel_loop3A_262 : i32
        %parallel_loop3A_264 = arith.constant 6 : i32
        %parallel_loop3A_265 = arith.index_cast %parallel_loop3A_264 : i32 to index
        %parallel_loop3A_266 = arith.index_cast %parallel_loop3A_263 : i32 to index
        %parallel_loop3A_267 = tpu.vector_load %arg13[%parallel_loop3A_265, %parallel_loop3A_266] {strides = array<i32>} : memref<16x1024xf32, #tpu.memory_space<vmem>>, vector<16xf32>,
        tpu.vector_store %arg13[%parallel_loop3A_265, %parallel_loop3A_266], %parallel_loop3A_261 {strides = array<i32>} : memref<16x1024xf32, #tpu.memory_space<vmem>>, vector<16xf32>,
        %parallel_loop3A_268 = arith.constant 28672 : i32
        %parallel_loop3A_269 = vector.broadcast %parallel_loop3A_268 : i32 to vector<16xi32>
        %parallel_loop3A_270 = arith.addi %parallel_loop3A_197, %parallel_loop3A_269 : vector<16xi32>
        %parallel_loop3A_271 = tpu.vector_load_idx %arg6[%parallel_loop3A_270] : memref<65536xf32, #tpu.memory_space<vmem>>[vector<16xi32>], vector<16xf32>,
        %parallel_loop3A_272 = arith.constant 16 : i32
        %parallel_loop3A_273 = arith.muli %parallel_loop3A_193, %parallel_loop3A_272 : i32
        %parallel_loop3A_274 = arith.constant 7 : i32
        %parallel_loop3A_275 = arith.index_cast %parallel_loop3A_274 : i32 to index
        %parallel_loop3A_276 = arith.index_cast %parallel_loop3A_273 : i32 to index
        %parallel_loop3A_277 = tpu.vector_load %arg13[%parallel_loop3A_275, %parallel_loop3A_276] {strides = array<i32>} : memref<16x1024xf32, #tpu.memory_space<vmem>>, vector<16xf32>,
        tpu.vector_store %arg13[%parallel_loop3A_275, %parallel_loop3A_276], %parallel_loop3A_271 {strides = array<i32>} : memref<16x1024xf32, #tpu.memory_space<vmem>>, vector<16xf32>,
        %parallel_loop3A_278 = arith.constant 32768 : i32
        %parallel_loop3A_279 = vector.broadcast %parallel_loop3A_278 : i32 to vector<16xi32>
        %parallel_loop3A_280 = arith.addi %parallel_loop3A_197, %parallel_loop3A_279 : vector<16xi32>
        %parallel_loop3A_281 = tpu.vector_load_idx %arg6[%parallel_loop3A_280] : memref<65536xf32, #tpu.memory_space<vmem>>[vector<16xi32>], vector<16xf32>,
        %parallel_loop3A_282 = arith.constant 16 : i32
        %parallel_loop3A_283 = arith.muli %parallel_loop3A_193, %parallel_loop3A_282 : i32
        %parallel_loop3A_284 = arith.constant 8 : i32
        %parallel_loop3A_285 = arith.index_cast %parallel_loop3A_284 : i32 to index
        %parallel_loop3A_286 = arith.index_cast %parallel_loop3A_283 : i32 to index
        %parallel_loop3A_287 = tpu.vector_load %arg13[%parallel_loop3A_285, %parallel_loop3A_286] {strides = array<i32>} : memref<16x1024xf32, #tpu.memory_space<vmem>>, vector<16xf32>,
        tpu.vector_store %arg13[%parallel_loop3A_285, %parallel_loop3A_286], %parallel_loop3A_281 {strides = array<i32>} : memref<16x1024xf32, #tpu.memory_space<vmem>>, vector<16xf32>,
        %parallel_loop3A_288 = arith.constant 36864 : i32
        %parallel_loop3A_289 = vector.broadcast %parallel_loop3A_288 : i32 to vector<16xi32>
        %parallel_loop3A_290 = arith.addi %parallel_loop3A_197, %parallel_loop3A_289 : vector<16xi32>
        %parallel_loop3A_291 = tpu.vector_load_idx %arg6[%parallel_loop3A_290] : memref<65536xf32, #tpu.memory_space<vmem>>[vector<16xi32>], vector<16xf32>,
        %parallel_loop3A_292 = arith.constant 16 : i32
        %parallel_loop3A_293 = arith.muli %parallel_loop3A_193, %parallel_loop3A_292 : i32
        %parallel_loop3A_294 = arith.constant 9 : i32
        %parallel_loop3A_295 = arith.index_cast %parallel_loop3A_294 : i32 to index
        %parallel_loop3A_296 = arith.index_cast %parallel_loop3A_293 : i32 to index
        %parallel_loop3A_297 = tpu.vector_load %arg13[%parallel_loop3A_295, %parallel_loop3A_296] {strides = array<i32>} : memref<16x1024xf32, #tpu.memory_space<vmem>>, vector<16xf32>,
        tpu.vector_store %arg13[%parallel_loop3A_295, %parallel_loop3A_296], %parallel_loop3A_291 {strides = array<i32>} : memref<16x1024xf32, #tpu.memory_space<vmem>>, vector<16xf32>,
        %parallel_loop3A_298 = arith.constant 40960 : i32
        %parallel_loop3A_299 = vector.broadcast %parallel_loop3A_298 : i32 to vector<16xi32>
        %parallel_loop3A_300 = arith.addi %parallel_loop3A_197, %parallel_loop3A_299 : vector<16xi32>
        %parallel_loop3A_301 = tpu.vector_load_idx %arg6[%parallel_loop3A_300] : memref<65536xf32, #tpu.memory_space<vmem>>[vector<16xi32>], vector<16xf32>,
        %parallel_loop3A_302 = arith.constant 16 : i32
        %parallel_loop3A_303 = arith.muli %parallel_loop3A_193, %parallel_loop3A_302 : i32
        %parallel_loop3A_304 = arith.constant 10 : i32
        %parallel_loop3A_305 = arith.index_cast %parallel_loop3A_304 : i32 to index
        %parallel_loop3A_306 = arith.index_cast %parallel_loop3A_303 : i32 to index
        %parallel_loop3A_307 = tpu.vector_load %arg13[%parallel_loop3A_305, %parallel_loop3A_306] {strides = array<i32>} : memref<16x1024xf32, #tpu.memory_space<vmem>>, vector<16xf32>,
        tpu.vector_store %arg13[%parallel_loop3A_305, %parallel_loop3A_306], %parallel_loop3A_301 {strides = array<i32>} : memref<16x1024xf32, #tpu.memory_space<vmem>>, vector<16xf32>,
        %parallel_loop3A_308 = arith.constant 45056 : i32
        %parallel_loop3A_309 = vector.broadcast %parallel_loop3A_308 : i32 to vector<16xi32>
        %parallel_loop3A_310 = arith.addi %parallel_loop3A_197, %parallel_loop3A_309 : vector<16xi32>
        %parallel_loop3A_311 = tpu.vector_load_idx %arg6[%parallel_loop3A_310] : memref<65536xf32, #tpu.memory_space<vmem>>[vector<16xi32>], vector<16xf32>,
        %parallel_loop3A_312 = arith.constant 16 : i32
        %parallel_loop3A_313 = arith.muli %parallel_loop3A_193, %parallel_loop3A_312 : i32
        %parallel_loop3A_314 = arith.constant 11 : i32
        %parallel_loop3A_315 = arith.index_cast %parallel_loop3A_314 : i32 to index
        %parallel_loop3A_316 = arith.index_cast %parallel_loop3A_313 : i32 to index
        %parallel_loop3A_317 = tpu.vector_load %arg13[%parallel_loop3A_315, %parallel_loop3A_316] {strides = array<i32>} : memref<16x1024xf32, #tpu.memory_space<vmem>>, vector<16xf32>,
        tpu.vector_store %arg13[%parallel_loop3A_315, %parallel_loop3A_316], %parallel_loop3A_311 {strides = array<i32>} : memref<16x1024xf32, #tpu.memory_space<vmem>>, vector<16xf32>,
        %parallel_loop3A_318 = arith.constant 49152 : i32
        %parallel_loop3A_319 = vector.broadcast %parallel_loop3A_318 : i32 to vector<16xi32>
        %parallel_loop3A_320 = arith.addi %parallel_loop3A_197, %parallel_loop3A_319 : vector<16xi32>
        %parallel_loop3A_321 = tpu.vector_load_idx %arg6[%parallel_loop3A_320] : memref<65536xf32, #tpu.memory_space<vmem>>[vector<16xi32>], vector<16xf32>,
        %parallel_loop3A_322 = arith.constant 16 : i32
        %parallel_loop3A_323 = arith.muli %parallel_loop3A_193, %parallel_loop3A_322 : i32
        %parallel_loop3A_324 = arith.constant 12 : i32
        %parallel_loop3A_325 = arith.index_cast %parallel_loop3A_324 : i32 to index
        %parallel_loop3A_326 = arith.index_cast %parallel_loop3A_323 : i32 to index
        %parallel_loop3A_327 = tpu.vector_load %arg13[%parallel_loop3A_325, %parallel_loop3A_326] {strides = array<i32>} : memref<16x1024xf32, #tpu.memory_space<vmem>>, vector<16xf32>,
        tpu.vector_store %arg13[%parallel_loop3A_325, %parallel_loop3A_326], %parallel_loop3A_321 {strides = array<i32>} : memref<16x1024xf32, #tpu.memory_space<vmem>>, vector<16xf32>,
        %parallel_loop3A_328 = arith.constant 53248 : i32
        %parallel_loop3A_329 = vector.broadcast %parallel_loop3A_328 : i32 to vector<16xi32>
        %parallel_loop3A_330 = arith.addi %parallel_loop3A_197, %parallel_loop3A_329 : vector<16xi32>
        %parallel_loop3A_331 = tpu.vector_load_idx %arg6[%parallel_loop3A_330] : memref<65536xf32, #tpu.memory_space<vmem>>[vector<16xi32>], vector<16xf32>,
        %parallel_loop3A_332 = arith.constant 16 : i32
        %parallel_loop3A_333 = arith.muli %parallel_loop3A_193, %parallel_loop3A_332 : i32
        %parallel_loop3A_334 = arith.constant 13 : i32
        %parallel_loop3A_335 = arith.index_cast %parallel_loop3A_334 : i32 to index
        %parallel_loop3A_336 = arith.index_cast %parallel_loop3A_333 : i32 to index
        %parallel_loop3A_337 = tpu.vector_load %arg13[%parallel_loop3A_335, %parallel_loop3A_336] {strides = array<i32>} : memref<16x1024xf32, #tpu.memory_space<vmem>>, vector<16xf32>,
        tpu.vector_store %arg13[%parallel_loop3A_335, %parallel_loop3A_336], %parallel_loop3A_331 {strides = array<i32>} : memref<16x1024xf32, #tpu.memory_space<vmem>>, vector<16xf32>,
        %parallel_loop3A_338 = arith.constant 57344 : i32
        %parallel_loop3A_339 = vector.broadcast %parallel_loop3A_338 : i32 to vector<16xi32>
        %parallel_loop3A_340 = arith.addi %parallel_loop3A_197, %parallel_loop3A_339 : vector<16xi32>
        %parallel_loop3A_341 = tpu.vector_load_idx %arg6[%parallel_loop3A_340] : memref<65536xf32, #tpu.memory_space<vmem>>[vector<16xi32>], vector<16xf32>,
        %parallel_loop3A_342 = arith.constant 16 : i32
        %parallel_loop3A_343 = arith.muli %parallel_loop3A_193, %parallel_loop3A_342 : i32
        %parallel_loop3A_344 = arith.constant 14 : i32
        %parallel_loop3A_345 = arith.index_cast %parallel_loop3A_344 : i32 to index
        %parallel_loop3A_346 = arith.index_cast %parallel_loop3A_343 : i32 to index
        %parallel_loop3A_347 = tpu.vector_load %arg13[%parallel_loop3A_345, %parallel_loop3A_346] {strides = array<i32>} : memref<16x1024xf32, #tpu.memory_space<vmem>>, vector<16xf32>,
        tpu.vector_store %arg13[%parallel_loop3A_345, %parallel_loop3A_346], %parallel_loop3A_341 {strides = array<i32>} : memref<16x1024xf32, #tpu.memory_space<vmem>>, vector<16xf32>,
        %parallel_loop3A_348 = arith.constant 61440 : i32
        %parallel_loop3A_349 = vector.broadcast %parallel_loop3A_348 : i32 to vector<16xi32>
        %parallel_loop3A_350 = arith.addi %parallel_loop3A_197, %parallel_loop3A_349 : vector<16xi32>
        %parallel_loop3A_351 = tpu.vector_load_idx %arg6[%parallel_loop3A_350] : memref<65536xf32, #tpu.memory_space<vmem>>[vector<16xi32>], vector<16xf32>,
        %parallel_loop3A_352 = arith.constant 16 : i32
        %parallel_loop3A_353 = arith.muli %parallel_loop3A_193, %parallel_loop3A_352 : i32
        %parallel_loop3A_354 = arith.constant 15 : i32
        %parallel_loop3A_355 = arith.index_cast %parallel_loop3A_354 : i32 to index
        %parallel_loop3A_356 = arith.index_cast %parallel_loop3A_353 : i32 to index
        %parallel_loop3A_357 = tpu.vector_load %arg13[%parallel_loop3A_355, %parallel_loop3A_356] {strides = array<i32>} : memref<16x1024xf32, #tpu.memory_space<vmem>>, vector<16xf32>,
        tpu.vector_store %arg13[%parallel_loop3A_355, %parallel_loop3A_356], %parallel_loop3A_351 {strides = array<i32>} : memref<16x1024xf32, #tpu.memory_space<vmem>>, vector<16xf32>,
      } {sc.loop_unroll_factor = 4 : i64, sc.parallel_access}
      %dma_start3A_83 = arith.constant 0 : i32
      %dma_start3A_84 = arith.constant 0 : i32
      %dma_start3A_85 = tpu.memref_slice %arg4[%dma_start3A_83, %add3A_74, %dma_start3A_84] : memref<16x1024x1024xf32, #tpu.memory_space<hbm>> -> memref<16x1x1024xf32, #tpu.memory_space<hbm>>
      %dma_start3A_86 = tpu.memref_squeeze %dma_start3A_85 : memref<16x1x1024xf32, #tpu.memory_space<hbm>> -> memref<16x1024xf32, #tpu.memory_space<hbm>>
      %dma_start3A_87 = arith.constant 0 : i32
      %dma_start3A_88 = arith.constant 0 : i32
      %dma_start3A_89 = tpu.memref_slice %arg4[%dma_start3A_87, %add3A_74, %dma_start3A_88] : memref<16x1024x1024xf32, #tpu.memory_space<hbm>> -> memref<16x1x1024xf32, #tpu.memory_space<hbm>>
      %dma_start3A_90 = tpu.memref_squeeze %dma_start3A_89 : memref<16x1x1024xf32, #tpu.memory_space<hbm>> -> memref<16x1024xf32, #tpu.memory_space<hbm>>
      tpu.enqueue_dma source(%arg13 : memref<16x1024xf32, #tpu.memory_space<vmem>>) target(%dma_start3A_90 : memref<16x1024xf32, #tpu.memory_space<hbm>>) target_semaphore(%arg19 : memref<!tpu.dma_semaphore, #tpu.memory_space<semaphore_mem>>)
      %add3A_91 = arith.constant 4 : i32
      %add3A_92 = arith.addi %add3A_73, %add3A_91 : i32
      %lt3A = arith.constant 32 : i32
      %lt3A_93 = arith.cmpi slt, %add3A_92, %lt3A : i32
      %convert_element_type3A_94 = arith.extui %lt3A_93 : i1 to i32
      %cond3A_95 = arith.constant 0 : i32
      %cond3A_96 = arith.cmpi ne, %convert_element_type3A_94, %cond3A_95 : i32
      scf.if %cond3A_96 {
        %add3A_193 = arith.constant 4 : i32
        %add3A_194 = arith.addi %add3A_74, %add3A_193 : i32
        %mul3A_195 = arith.constant 1024 : i32
        %mul3A_196 = arith.muli %add3A_194, %mul3A_195 : i32
        %dma_start3A_197 = tpu.memref_slice %arg3[%mul3A_196] : memref<1048576xi32, #tpu.memory_space<hbm>> -> memref<1024xi32, #tpu.memory_space<hbm>>
        %dma_start3A_198 = tpu.memref_slice %arg3[%mul3A_196] : memref<1048576xi32, #tpu.memory_space<hbm>> -> memref<1024xi32, #tpu.memory_space<hbm>>
        tpu.enqueue_dma source(%dma_start3A_198 : memref<1024xi32, #tpu.memory_space<hbm>>) target(%arg9 : memref<1024xi32, #tpu.memory_space<vmem>>) target_semaphore(%arg15 : memref<!tpu.dma_semaphore, #tpu.memory_space<semaphore_mem>>)
      } else {
      }
      %mul3A_97 = arith.constant 4 : i32
      %mul3A_98 = arith.muli %mul3A_97, %scan3A_69 : i32
      %add3A_99 = arith.constant 1 : i32
      %add3A_100 = arith.addi %mul3A_98, %add3A_99 : i32
      %add3A_101 = arith.addi %mul3A_2, %add3A_100 : i32
      %ge3A_102 = arith.constant 2 : i32
      %ge3A_103 = arith.cmpi sge, %add3A_100, %ge3A_102 : i32
      %convert_element_type3A_104 = arith.extui %ge3A_103 : i1 to i32
      %cond3A_105 = arith.constant 0 : i32
      %cond3A_106 = arith.cmpi ne, %convert_element_type3A_104, %cond3A_105 : i32
      scf.if %cond3A_106 {
        %sub3A_193 = arith.constant 2 : i32
        %sub3A_194 = arith.subi %add3A_101, %sub3A_193 : i32
        %dma_wait3A_195 = arith.constant 0 : i32
        %dma_wait3A_196 = arith.constant 0 : i32
        %dma_wait3A_197 = tpu.memref_slice %arg4[%dma_wait3A_195, %sub3A_194, %dma_wait3A_196] : memref<16x1024x1024xf32, #tpu.memory_space<hbm>> -> memref<16x1x1024xf32, #tpu.memory_space<hbm>>
        %dma_wait3A_198 = tpu.memref_squeeze %dma_wait3A_197 : memref<16x1x1024xf32, #tpu.memory_space<hbm>> -> memref<16x1024xf32, #tpu.memory_space<hbm>>
        %dma_wait3A_199 = arith.constant 0 : i32
        %dma_wait3A_200 = arith.constant 0 : i32
        %dma_wait3A_201 = tpu.memref_slice %arg4[%dma_wait3A_199, %sub3A_194, %dma_wait3A_200] : memref<16x1024x1024xf32, #tpu.memory_space<hbm>> -> memref<16x1x1024xf32, #tpu.memory_space<hbm>>
        %dma_wait3A_202 = tpu.memref_squeeze %dma_wait3A_201 : memref<16x1x1024xf32, #tpu.memory_space<hbm>> -> memref<16x1024xf32, #tpu.memory_space<hbm>>
        tpu.wait_dma2 semaphore(%arg20 : memref<!tpu.dma_semaphore, #tpu.memory_space<semaphore_mem>>) src(%arg14 : memref<16x1024xf32, #tpu.memory_space<vmem>>) dst(%dma_wait3A_202 : memref<16x1024xf32, #tpu.memory_space<hbm>>)
      } else {
      }
      %mul3A_107 = arith.constant 1024 : i32
      %mul3A_108 = arith.muli %add3A_101, %mul3A_107 : i32
      %dma_wait3A_109 = tpu.memref_slice %arg3[%mul3A_108] : memref<1048576xi32, #tpu.memory_space<hbm>> -> memref<1024xi32, #tpu.memory_space<hbm>>
      %dma_wait3A_110 = tpu.memref_slice %arg3[%mul3A_108] : memref<1048576xi32, #tpu.memory_space<hbm>> -> memref<1024xi32, #tpu.memory_space<hbm>>
      tpu.wait_dma2 semaphore(%arg16 : memref<!tpu.dma_semaphore, #tpu.memory_space<semaphore_mem>>) src(%dma_wait3A_110 : memref<1024xi32, #tpu.memory_space<hbm>>) dst(%arg10 : memref<1024xi32, #tpu.memory_space<vmem>>)
      %parallel_loop3A_111 = arith.constant 0 : i32
      %parallel_loop3A_112 = arith.constant 64 : i32
      %parallel_loop3A_113 = arith.constant 1 : i32
      scf.for %parallel_loop3A_193 = %parallel_loop3A_111 to %parallel_loop3A_112 step %parallel_loop3A_113  : i32 {
        %parallel_loop3A_194 = arith.constant 16 : i32
        %parallel_loop3A_195 = arith.muli %parallel_loop3A_193, %parallel_loop3A_194 : i32
        %parallel_loop3A_196 = arith.index_cast %parallel_loop3A_195 : i32 to index
        %parallel_loop3A_197 = tpu.vector_load %arg10[%parallel_loop3A_196] {strides = array<i32>} : memref<1024xi32, #tpu.memory_space<vmem>>, vector<16xi32>,
        %parallel_loop3A_198 = arith.constant 0 : i32
        %parallel_loop3A_199 = vector.broadcast %parallel_loop3A_198 : i32 to vector<16xi32>
        %parallel_loop3A_200 = arith.addi %parallel_loop3A_197, %parallel_loop3A_199 : vector<16xi32>
        %parallel_loop3A_201 = tpu.vector_load_idx %arg6[%parallel_loop3A_200] : memref<65536xf32, #tpu.memory_space<vmem>>[vector<16xi32>], vector<16xf32>,
        %parallel_loop3A_202 = arith.constant 16 : i32
        %parallel_loop3A_203 = arith.muli %parallel_loop3A_193, %parallel_loop3A_202 : i32
        %parallel_loop3A_204 = arith.constant 0 : i32
        %parallel_loop3A_205 = arith.index_cast %parallel_loop3A_204 : i32 to index
        %parallel_loop3A_206 = arith.index_cast %parallel_loop3A_203 : i32 to index
        %parallel_loop3A_207 = tpu.vector_load %arg14[%parallel_loop3A_205, %parallel_loop3A_206] {strides = array<i32>} : memref<16x1024xf32, #tpu.memory_space<vmem>>, vector<16xf32>,
        tpu.vector_store %arg14[%parallel_loop3A_205, %parallel_loop3A_206], %parallel_loop3A_201 {strides = array<i32>} : memref<16x1024xf32, #tpu.memory_space<vmem>>, vector<16xf32>,
        %parallel_loop3A_208 = arith.constant 4096 : i32
        %parallel_loop3A_209 = vector.broadcast %parallel_loop3A_208 : i32 to vector<16xi32>
        %parallel_loop3A_210 = arith.addi %parallel_loop3A_197, %parallel_loop3A_209 : vector<16xi32>
        %parallel_loop3A_211 = tpu.vector_load_idx %arg6[%parallel_loop3A_210] : memref<65536xf32, #tpu.memory_space<vmem>>[vector<16xi32>], vector<16xf32>,
        %parallel_loop3A_212 = arith.constant 16 : i32
        %parallel_loop3A_213 = arith.muli %parallel_loop3A_193, %parallel_loop3A_212 : i32
        %parallel_loop3A_214 = arith.constant 1 : i32
        %parallel_loop3A_215 = arith.index_cast %parallel_loop3A_214 : i32 to index
        %parallel_loop3A_216 = arith.index_cast %parallel_loop3A_213 : i32 to index
        %parallel_loop3A_217 = tpu.vector_load %arg14[%parallel_loop3A_215, %parallel_loop3A_216] {strides = array<i32>} : memref<16x1024xf32, #tpu.memory_space<vmem>>, vector<16xf32>,
        tpu.vector_store %arg14[%parallel_loop3A_215, %parallel_loop3A_216], %parallel_loop3A_211 {strides = array<i32>} : memref<16x1024xf32, #tpu.memory_space<vmem>>, vector<16xf32>,
        %parallel_loop3A_218 = arith.constant 8192 : i32
        %parallel_loop3A_219 = vector.broadcast %parallel_loop3A_218 : i32 to vector<16xi32>
        %parallel_loop3A_220 = arith.addi %parallel_loop3A_197, %parallel_loop3A_219 : vector<16xi32>
        %parallel_loop3A_221 = tpu.vector_load_idx %arg6[%parallel_loop3A_220] : memref<65536xf32, #tpu.memory_space<vmem>>[vector<16xi32>], vector<16xf32>,
        %parallel_loop3A_222 = arith.constant 16 : i32
        %parallel_loop3A_223 = arith.muli %parallel_loop3A_193, %parallel_loop3A_222 : i32
        %parallel_loop3A_224 = arith.constant 2 : i32
        %parallel_loop3A_225 = arith.index_cast %parallel_loop3A_224 : i32 to index
        %parallel_loop3A_226 = arith.index_cast %parallel_loop3A_223 : i32 to index
        %parallel_loop3A_227 = tpu.vector_load %arg14[%parallel_loop3A_225, %parallel_loop3A_226] {strides = array<i32>} : memref<16x1024xf32, #tpu.memory_space<vmem>>, vector<16xf32>,
        tpu.vector_store %arg14[%parallel_loop3A_225, %parallel_loop3A_226], %parallel_loop3A_221 {strides = array<i32>} : memref<16x1024xf32, #tpu.memory_space<vmem>>, vector<16xf32>,
        %parallel_loop3A_228 = arith.constant 12288 : i32
        %parallel_loop3A_229 = vector.broadcast %parallel_loop3A_228 : i32 to vector<16xi32>
        %parallel_loop3A_230 = arith.addi %parallel_loop3A_197, %parallel_loop3A_229 : vector<16xi32>
        %parallel_loop3A_231 = tpu.vector_load_idx %arg6[%parallel_loop3A_230] : memref<65536xf32, #tpu.memory_space<vmem>>[vector<16xi32>], vector<16xf32>,
        %parallel_loop3A_232 = arith.constant 16 : i32
        %parallel_loop3A_233 = arith.muli %parallel_loop3A_193, %parallel_loop3A_232 : i32
        %parallel_loop3A_234 = arith.constant 3 : i32
        %parallel_loop3A_235 = arith.index_cast %parallel_loop3A_234 : i32 to index
        %parallel_loop3A_236 = arith.index_cast %parallel_loop3A_233 : i32 to index
        %parallel_loop3A_237 = tpu.vector_load %arg14[%parallel_loop3A_235, %parallel_loop3A_236] {strides = array<i32>} : memref<16x1024xf32, #tpu.memory_space<vmem>>, vector<16xf32>,
        tpu.vector_store %arg14[%parallel_loop3A_235, %parallel_loop3A_236], %parallel_loop3A_231 {strides = array<i32>} : memref<16x1024xf32, #tpu.memory_space<vmem>>, vector<16xf32>,
        %parallel_loop3A_238 = arith.constant 16384 : i32
        %parallel_loop3A_239 = vector.broadcast %parallel_loop3A_238 : i32 to vector<16xi32>
        %parallel_loop3A_240 = arith.addi %parallel_loop3A_197, %parallel_loop3A_239 : vector<16xi32>
        %parallel_loop3A_241 = tpu.vector_load_idx %arg6[%parallel_loop3A_240] : memref<65536xf32, #tpu.memory_space<vmem>>[vector<16xi32>], vector<16xf32>,
        %parallel_loop3A_242 = arith.constant 16 : i32
        %parallel_loop3A_243 = arith.muli %parallel_loop3A_193, %parallel_loop3A_242 : i32
        %parallel_loop3A_244 = arith.constant 4 : i32
        %parallel_loop3A_245 = arith.index_cast %parallel_loop3A_244 : i32 to index
        %parallel_loop3A_246 = arith.index_cast %parallel_loop3A_243 : i32 to index
        %parallel_loop3A_247 = tpu.vector_load %arg14[%parallel_loop3A_245, %parallel_loop3A_246] {strides = array<i32>} : memref<16x1024xf32, #tpu.memory_space<vmem>>, vector<16xf32>,
        tpu.vector_store %arg14[%parallel_loop3A_245, %parallel_loop3A_246], %parallel_loop3A_241 {strides = array<i32>} : memref<16x1024xf32, #tpu.memory_space<vmem>>, vector<16xf32>,
        %parallel_loop3A_248 = arith.constant 20480 : i32
        %parallel_loop3A_249 = vector.broadcast %parallel_loop3A_248 : i32 to vector<16xi32>
        %parallel_loop3A_250 = arith.addi %parallel_loop3A_197, %parallel_loop3A_249 : vector<16xi32>
        %parallel_loop3A_251 = tpu.vector_load_idx %arg6[%parallel_loop3A_250] : memref<65536xf32, #tpu.memory_space<vmem>>[vector<16xi32>], vector<16xf32>,
        %parallel_loop3A_252 = arith.constant 16 : i32
        %parallel_loop3A_253 = arith.muli %parallel_loop3A_193, %parallel_loop3A_252 : i32
        %parallel_loop3A_254 = arith.constant 5 : i32
        %parallel_loop3A_255 = arith.index_cast %parallel_loop3A_254 : i32 to index
        %parallel_loop3A_256 = arith.index_cast %parallel_loop3A_253 : i32 to index
        %parallel_loop3A_257 = tpu.vector_load %arg14[%parallel_loop3A_255, %parallel_loop3A_256] {strides = array<i32>} : memref<16x1024xf32, #tpu.memory_space<vmem>>, vector<16xf32>,
        tpu.vector_store %arg14[%parallel_loop3A_255, %parallel_loop3A_256], %parallel_loop3A_251 {strides = array<i32>} : memref<16x1024xf32, #tpu.memory_space<vmem>>, vector<16xf32>,
        %parallel_loop3A_258 = arith.constant 24576 : i32
        %parallel_loop3A_259 = vector.broadcast %parallel_loop3A_258 : i32 to vector<16xi32>
        %parallel_loop3A_260 = arith.addi %parallel_loop3A_197, %parallel_loop3A_259 : vector<16xi32>
        %parallel_loop3A_261 = tpu.vector_load_idx %arg6[%parallel_loop3A_260] : memref<65536xf32, #tpu.memory_space<vmem>>[vector<16xi32>], vector<16xf32>,
        %parallel_loop3A_262 = arith.constant 16 : i32
        %parallel_loop3A_263 = arith.muli %parallel_loop3A_193, %parallel_loop3A_262 : i32
        %parallel_loop3A_264 = arith.constant 6 : i32
        %parallel_loop3A_265 = arith.index_cast %parallel_loop3A_264 : i32 to index
        %parallel_loop3A_266 = arith.index_cast %parallel_loop3A_263 : i32 to index
        %parallel_loop3A_267 = tpu.vector_load %arg14[%parallel_loop3A_265, %parallel_loop3A_266] {strides = array<i32>} : memref<16x1024xf32, #tpu.memory_space<vmem>>, vector<16xf32>,
        tpu.vector_store %arg14[%parallel_loop3A_265, %parallel_loop3A_266], %parallel_loop3A_261 {strides = array<i32>} : memref<16x1024xf32, #tpu.memory_space<vmem>>, vector<16xf32>,
        %parallel_loop3A_268 = arith.constant 28672 : i32
        %parallel_loop3A_269 = vector.broadcast %parallel_loop3A_268 : i32 to vector<16xi32>
        %parallel_loop3A_270 = arith.addi %parallel_loop3A_197, %parallel_loop3A_269 : vector<16xi32>
        %parallel_loop3A_271 = tpu.vector_load_idx %arg6[%parallel_loop3A_270] : memref<65536xf32, #tpu.memory_space<vmem>>[vector<16xi32>], vector<16xf32>,
        %parallel_loop3A_272 = arith.constant 16 : i32
        %parallel_loop3A_273 = arith.muli %parallel_loop3A_193, %parallel_loop3A_272 : i32
        %parallel_loop3A_274 = arith.constant 7 : i32
        %parallel_loop3A_275 = arith.index_cast %parallel_loop3A_274 : i32 to index
        %parallel_loop3A_276 = arith.index_cast %parallel_loop3A_273 : i32 to index
        %parallel_loop3A_277 = tpu.vector_load %arg14[%parallel_loop3A_275, %parallel_loop3A_276] {strides = array<i32>} : memref<16x1024xf32, #tpu.memory_space<vmem>>, vector<16xf32>,
        tpu.vector_store %arg14[%parallel_loop3A_275, %parallel_loop3A_276], %parallel_loop3A_271 {strides = array<i32>} : memref<16x1024xf32, #tpu.memory_space<vmem>>, vector<16xf32>,
        %parallel_loop3A_278 = arith.constant 32768 : i32
        %parallel_loop3A_279 = vector.broadcast %parallel_loop3A_278 : i32 to vector<16xi32>
        %parallel_loop3A_280 = arith.addi %parallel_loop3A_197, %parallel_loop3A_279 : vector<16xi32>
        %parallel_loop3A_281 = tpu.vector_load_idx %arg6[%parallel_loop3A_280] : memref<65536xf32, #tpu.memory_space<vmem>>[vector<16xi32>], vector<16xf32>,
        %parallel_loop3A_282 = arith.constant 16 : i32
        %parallel_loop3A_283 = arith.muli %parallel_loop3A_193, %parallel_loop3A_282 : i32
        %parallel_loop3A_284 = arith.constant 8 : i32
        %parallel_loop3A_285 = arith.index_cast %parallel_loop3A_284 : i32 to index
        %parallel_loop3A_286 = arith.index_cast %parallel_loop3A_283 : i32 to index
        %parallel_loop3A_287 = tpu.vector_load %arg14[%parallel_loop3A_285, %parallel_loop3A_286] {strides = array<i32>} : memref<16x1024xf32, #tpu.memory_space<vmem>>, vector<16xf32>,
        tpu.vector_store %arg14[%parallel_loop3A_285, %parallel_loop3A_286], %parallel_loop3A_281 {strides = array<i32>} : memref<16x1024xf32, #tpu.memory_space<vmem>>, vector<16xf32>,
        %parallel_loop3A_288 = arith.constant 36864 : i32
        %parallel_loop3A_289 = vector.broadcast %parallel_loop3A_288 : i32 to vector<16xi32>
        %parallel_loop3A_290 = arith.addi %parallel_loop3A_197, %parallel_loop3A_289 : vector<16xi32>
        %parallel_loop3A_291 = tpu.vector_load_idx %arg6[%parallel_loop3A_290] : memref<65536xf32, #tpu.memory_space<vmem>>[vector<16xi32>], vector<16xf32>,
        %parallel_loop3A_292 = arith.constant 16 : i32
        %parallel_loop3A_293 = arith.muli %parallel_loop3A_193, %parallel_loop3A_292 : i32
        %parallel_loop3A_294 = arith.constant 9 : i32
        %parallel_loop3A_295 = arith.index_cast %parallel_loop3A_294 : i32 to index
        %parallel_loop3A_296 = arith.index_cast %parallel_loop3A_293 : i32 to index
        %parallel_loop3A_297 = tpu.vector_load %arg14[%parallel_loop3A_295, %parallel_loop3A_296] {strides = array<i32>} : memref<16x1024xf32, #tpu.memory_space<vmem>>, vector<16xf32>,
        tpu.vector_store %arg14[%parallel_loop3A_295, %parallel_loop3A_296], %parallel_loop3A_291 {strides = array<i32>} : memref<16x1024xf32, #tpu.memory_space<vmem>>, vector<16xf32>,
        %parallel_loop3A_298 = arith.constant 40960 : i32
        %parallel_loop3A_299 = vector.broadcast %parallel_loop3A_298 : i32 to vector<16xi32>
        %parallel_loop3A_300 = arith.addi %parallel_loop3A_197, %parallel_loop3A_299 : vector<16xi32>
        %parallel_loop3A_301 = tpu.vector_load_idx %arg6[%parallel_loop3A_300] : memref<65536xf32, #tpu.memory_space<vmem>>[vector<16xi32>], vector<16xf32>,
        %parallel_loop3A_302 = arith.constant 16 : i32
        %parallel_loop3A_303 = arith.muli %parallel_loop3A_193, %parallel_loop3A_302 : i32
        %parallel_loop3A_304 = arith.constant 10 : i32
        %parallel_loop3A_305 = arith.index_cast %parallel_loop3A_304 : i32 to index
        %parallel_loop3A_306 = arith.index_cast %parallel_loop3A_303 : i32 to index
        %parallel_loop3A_307 = tpu.vector_load %arg14[%parallel_loop3A_305, %parallel_loop3A_306] {strides = array<i32>} : memref<16x1024xf32, #tpu.memory_space<vmem>>, vector<16xf32>,
        tpu.vector_store %arg14[%parallel_loop3A_305, %parallel_loop3A_306], %parallel_loop3A_301 {strides = array<i32>} : memref<16x1024xf32, #tpu.memory_space<vmem>>, vector<16xf32>,
        %parallel_loop3A_308 = arith.constant 45056 : i32
        %parallel_loop3A_309 = vector.broadcast %parallel_loop3A_308 : i32 to vector<16xi32>
        %parallel_loop3A_310 = arith.addi %parallel_loop3A_197, %parallel_loop3A_309 : vector<16xi32>
        %parallel_loop3A_311 = tpu.vector_load_idx %arg6[%parallel_loop3A_310] : memref<65536xf32, #tpu.memory_space<vmem>>[vector<16xi32>], vector<16xf32>,
        %parallel_loop3A_312 = arith.constant 16 : i32
        %parallel_loop3A_313 = arith.muli %parallel_loop3A_193, %parallel_loop3A_312 : i32
        %parallel_loop3A_314 = arith.constant 11 : i32
        %parallel_loop3A_315 = arith.index_cast %parallel_loop3A_314 : i32 to index
        %parallel_loop3A_316 = arith.index_cast %parallel_loop3A_313 : i32 to index
        %parallel_loop3A_317 = tpu.vector_load %arg14[%parallel_loop3A_315, %parallel_loop3A_316] {strides = array<i32>} : memref<16x1024xf32, #tpu.memory_space<vmem>>, vector<16xf32>,
        tpu.vector_store %arg14[%parallel_loop3A_315, %parallel_loop3A_316], %parallel_loop3A_311 {strides = array<i32>} : memref<16x1024xf32, #tpu.memory_space<vmem>>, vector<16xf32>,
        %parallel_loop3A_318 = arith.constant 49152 : i32
        %parallel_loop3A_319 = vector.broadcast %parallel_loop3A_318 : i32 to vector<16xi32>
        %parallel_loop3A_320 = arith.addi %parallel_loop3A_197, %parallel_loop3A_319 : vector<16xi32>
        %parallel_loop3A_321 = tpu.vector_load_idx %arg6[%parallel_loop3A_320] : memref<65536xf32, #tpu.memory_space<vmem>>[vector<16xi32>], vector<16xf32>,
        %parallel_loop3A_322 = arith.constant 16 : i32
        %parallel_loop3A_323 = arith.muli %parallel_loop3A_193, %parallel_loop3A_322 : i32
        %parallel_loop3A_324 = arith.constant 12 : i32
        %parallel_loop3A_325 = arith.index_cast %parallel_loop3A_324 : i32 to index
        %parallel_loop3A_326 = arith.index_cast %parallel_loop3A_323 : i32 to index
        %parallel_loop3A_327 = tpu.vector_load %arg14[%parallel_loop3A_325, %parallel_loop3A_326] {strides = array<i32>} : memref<16x1024xf32, #tpu.memory_space<vmem>>, vector<16xf32>,
        tpu.vector_store %arg14[%parallel_loop3A_325, %parallel_loop3A_326], %parallel_loop3A_321 {strides = array<i32>} : memref<16x1024xf32, #tpu.memory_space<vmem>>, vector<16xf32>,
        %parallel_loop3A_328 = arith.constant 53248 : i32
        %parallel_loop3A_329 = vector.broadcast %parallel_loop3A_328 : i32 to vector<16xi32>
        %parallel_loop3A_330 = arith.addi %parallel_loop3A_197, %parallel_loop3A_329 : vector<16xi32>
        %parallel_loop3A_331 = tpu.vector_load_idx %arg6[%parallel_loop3A_330] : memref<65536xf32, #tpu.memory_space<vmem>>[vector<16xi32>], vector<16xf32>,
        %parallel_loop3A_332 = arith.constant 16 : i32
        %parallel_loop3A_333 = arith.muli %parallel_loop3A_193, %parallel_loop3A_332 : i32
        %parallel_loop3A_334 = arith.constant 13 : i32
        %parallel_loop3A_335 = arith.index_cast %parallel_loop3A_334 : i32 to index
        %parallel_loop3A_336 = arith.index_cast %parallel_loop3A_333 : i32 to index
        %parallel_loop3A_337 = tpu.vector_load %arg14[%parallel_loop3A_335, %parallel_loop3A_336] {strides = array<i32>} : memref<16x1024xf32, #tpu.memory_space<vmem>>, vector<16xf32>,
        tpu.vector_store %arg14[%parallel_loop3A_335, %parallel_loop3A_336], %parallel_loop3A_331 {strides = array<i32>} : memref<16x1024xf32, #tpu.memory_space<vmem>>, vector<16xf32>,
        %parallel_loop3A_338 = arith.constant 57344 : i32
        %parallel_loop3A_339 = vector.broadcast %parallel_loop3A_338 : i32 to vector<16xi32>
        %parallel_loop3A_340 = arith.addi %parallel_loop3A_197, %parallel_loop3A_339 : vector<16xi32>
        %parallel_loop3A_341 = tpu.vector_load_idx %arg6[%parallel_loop3A_340] : memref<65536xf32, #tpu.memory_space<vmem>>[vector<16xi32>], vector<16xf32>,
        %parallel_loop3A_342 = arith.constant 16 : i32
        %parallel_loop3A_343 = arith.muli %parallel_loop3A_193, %parallel_loop3A_342 : i32
        %parallel_loop3A_344 = arith.constant 14 : i32
        %parallel_loop3A_345 = arith.index_cast %parallel_loop3A_344 : i32 to index
        %parallel_loop3A_346 = arith.index_cast %parallel_loop3A_343 : i32 to index
        %parallel_loop3A_347 = tpu.vector_load %arg14[%parallel_loop3A_345, %parallel_loop3A_346] {strides = array<i32>} : memref<16x1024xf32, #tpu.memory_space<vmem>>, vector<16xf32>,
        tpu.vector_store %arg14[%parallel_loop3A_345, %parallel_loop3A_346], %parallel_loop3A_341 {strides = array<i32>} : memref<16x1024xf32, #tpu.memory_space<vmem>>, vector<16xf32>,
        %parallel_loop3A_348 = arith.constant 61440 : i32
        %parallel_loop3A_349 = vector.broadcast %parallel_loop3A_348 : i32 to vector<16xi32>
        %parallel_loop3A_350 = arith.addi %parallel_loop3A_197, %parallel_loop3A_349 : vector<16xi32>
        %parallel_loop3A_351 = tpu.vector_load_idx %arg6[%parallel_loop3A_350] : memref<65536xf32, #tpu.memory_space<vmem>>[vector<16xi32>], vector<16xf32>,
        %parallel_loop3A_352 = arith.constant 16 : i32
        %parallel_loop3A_353 = arith.muli %parallel_loop3A_193, %parallel_loop3A_352 : i32
        %parallel_loop3A_354 = arith.constant 15 : i32
        %parallel_loop3A_355 = arith.index_cast %parallel_loop3A_354 : i32 to index
        %parallel_loop3A_356 = arith.index_cast %parallel_loop3A_353 : i32 to index
        %parallel_loop3A_357 = tpu.vector_load %arg14[%parallel_loop3A_355, %parallel_loop3A_356] {strides = array<i32>} : memref<16x1024xf32, #tpu.memory_space<vmem>>, vector<16xf32>,
        tpu.vector_store %arg14[%parallel_loop3A_355, %parallel_loop3A_356], %parallel_loop3A_351 {strides = array<i32>} : memref<16x1024xf32, #tpu.memory_space<vmem>>, vector<16xf32>,
      } {sc.loop_unroll_factor = 4 : i64, sc.parallel_access}
      %dma_start3A_114 = arith.constant 0 : i32
      %dma_start3A_115 = arith.constant 0 : i32
      %dma_start3A_116 = tpu.memref_slice %arg4[%dma_start3A_114, %add3A_101, %dma_start3A_115] : memref<16x1024x1024xf32, #tpu.memory_space<hbm>> -> memref<16x1x1024xf32, #tpu.memory_space<hbm>>
      %dma_start3A_117 = tpu.memref_squeeze %dma_start3A_116 : memref<16x1x1024xf32, #tpu.memory_space<hbm>> -> memref<16x1024xf32, #tpu.memory_space<hbm>>
      %dma_start3A_118 = arith.constant 0 : i32
      %dma_start3A_119 = arith.constant 0 : i32
      %dma_start3A_120 = tpu.memref_slice %arg4[%dma_start3A_118, %add3A_101, %dma_start3A_119] : memref<16x1024x1024xf32, #tpu.memory_space<hbm>> -> memref<16x1x1024xf32, #tpu.memory_space<hbm>>
      %dma_start3A_121 = tpu.memref_squeeze %dma_start3A_120 : memref<16x1x1024xf32, #tpu.memory_space<hbm>> -> memref<16x1024xf32, #tpu.memory_space<hbm>>
      tpu.enqueue_dma source(%arg14 : memref<16x1024xf32, #tpu.memory_space<vmem>>) target(%dma_start3A_121 : memref<16x1024xf32, #tpu.memory_space<hbm>>) target_semaphore(%arg20 : memref<!tpu.dma_semaphore, #tpu.memory_space<semaphore_mem>>)
      %add3A_122 = arith.constant 4 : i32
      %add3A_123 = arith.addi %add3A_100, %add3A_122 : i32
      %lt3A_124 = arith.constant 32 : i32
      %lt3A_125 = arith.cmpi slt, %add3A_123, %lt3A_124 : i32
      %convert_element_type3A_126 = arith.extui %lt3A_125 : i1 to i32
      %cond3A_127 = arith.constant 0 : i32
      %cond3A_128 = arith.cmpi ne, %convert_element_type3A_126, %cond3A_127 : i32
      scf.if %cond3A_128 {
        %add3A_193 = arith.constant 4 : i32
        %add3A_194 = arith.addi %add3A_101, %add3A_193 : i32
        %mul3A_195 = arith.constant 1024 : i32
        %mul3A_196 = arith.muli %add3A_194, %mul3A_195 : i32
        %dma_start3A_197 = tpu.memref_slice %arg3[%mul3A_196] : memref<1048576xi32, #tpu.memory_space<hbm>> -> memref<1024xi32, #tpu.memory_space<hbm>>
        %dma_start3A_198 = tpu.memref_slice %arg3[%mul3A_196] : memref<1048576xi32, #tpu.memory_space<hbm>> -> memref<1024xi32, #tpu.memory_space<hbm>>
        tpu.enqueue_dma source(%dma_start3A_198 : memref<1024xi32, #tpu.memory_space<hbm>>) target(%arg10 : memref<1024xi32, #tpu.memory_space<vmem>>) target_semaphore(%arg16 : memref<!tpu.dma_semaphore, #tpu.memory_space<semaphore_mem>>)
      } else {
      }
      %mul3A_129 = arith.constant 4 : i32
      %mul3A_130 = arith.muli %mul3A_129, %scan3A_69 : i32
      %add3A_131 = arith.constant 2 : i32
      %add3A_132 = arith.addi %mul3A_130, %add3A_131 : i32
      %add3A_133 = arith.addi %mul3A_2, %add3A_132 : i32
      %ge3A_134 = arith.constant 2 : i32
      %ge3A_135 = arith.cmpi sge, %add3A_132, %ge3A_134 : i32
      %convert_element_type3A_136 = arith.extui %ge3A_135 : i1 to i32
      %cond3A_137 = arith.constant 0 : i32
      %cond3A_138 = arith.cmpi ne, %convert_element_type3A_136, %cond3A_137 : i32
      scf.if %cond3A_138 {
        %sub3A_193 = arith.constant 2 : i32
        %sub3A_194 = arith.subi %add3A_133, %sub3A_193 : i32
        %dma_wait3A_195 = arith.constant 0 : i32
        %dma_wait3A_196 = arith.constant 0 : i32
        %dma_wait3A_197 = tpu.memref_slice %arg4[%dma_wait3A_195, %sub3A_194, %dma_wait3A_196] : memref<16x1024x1024xf32, #tpu.memory_space<hbm>> -> memref<16x1x1024xf32, #tpu.memory_space<hbm>>
        %dma_wait3A_198 = tpu.memref_squeeze %dma_wait3A_197 : memref<16x1x1024xf32, #tpu.memory_space<hbm>> -> memref<16x1024xf32, #tpu.memory_space<hbm>>
        %dma_wait3A_199 = arith.constant 0 : i32
        %dma_wait3A_200 = arith.constant 0 : i32
        %dma_wait3A_201 = tpu.memref_slice %arg4[%dma_wait3A_199, %sub3A_194, %dma_wait3A_200] : memref<16x1024x1024xf32, #tpu.memory_space<hbm>> -> memref<16x1x1024xf32, #tpu.memory_space<hbm>>
        %dma_wait3A_202 = tpu.memref_squeeze %dma_wait3A_201 : memref<16x1x1024xf32, #tpu.memory_space<hbm>> -> memref<16x1024xf32, #tpu.memory_space<hbm>>
        tpu.wait_dma2 semaphore(%arg19 : memref<!tpu.dma_semaphore, #tpu.memory_space<semaphore_mem>>) src(%arg13 : memref<16x1024xf32, #tpu.memory_space<vmem>>) dst(%dma_wait3A_202 : memref<16x1024xf32, #tpu.memory_space<hbm>>)
      } else {
      }
      %mul3A_139 = arith.constant 1024 : i32
      %mul3A_140 = arith.muli %add3A_133, %mul3A_139 : i32
      %dma_wait3A_141 = tpu.memref_slice %arg3[%mul3A_140] : memref<1048576xi32, #tpu.memory_space<hbm>> -> memref<1024xi32, #tpu.memory_space<hbm>>
      %dma_wait3A_142 = tpu.memref_slice %arg3[%mul3A_140] : memref<1048576xi32, #tpu.memory_space<hbm>> -> memref<1024xi32, #tpu.memory_space<hbm>>
      tpu.wait_dma2 semaphore(%arg17 : memref<!tpu.dma_semaphore, #tpu.memory_space<semaphore_mem>>) src(%dma_wait3A_142 : memref<1024xi32, #tpu.memory_space<hbm>>) dst(%arg11 : memref<1024xi32, #tpu.memory_space<vmem>>)
      %parallel_loop3A_143 = arith.constant 0 : i32
      %parallel_loop3A_144 = arith.constant 64 : i32
      %parallel_loop3A_145 = arith.constant 1 : i32
      scf.for %parallel_loop3A_193 = %parallel_loop3A_143 to %parallel_loop3A_144 step %parallel_loop3A_145  : i32 {
        %parallel_loop3A_194 = arith.constant 16 : i32
        %parallel_loop3A_195 = arith.muli %parallel_loop3A_193, %parallel_loop3A_194 : i32
        %parallel_loop3A_196 = arith.index_cast %parallel_loop3A_195 : i32 to index
        %parallel_loop3A_197 = tpu.vector_load %arg11[%parallel_loop3A_196] {strides = array<i32>} : memref<1024xi32, #tpu.memory_space<vmem>>, vector<16xi32>,
        %parallel_loop3A_198 = arith.constant 0 : i32
        %parallel_loop3A_199 = vector.broadcast %parallel_loop3A_198 : i32 to vector<16xi32>
        %parallel_loop3A_200 = arith.addi %parallel_loop3A_197, %parallel_loop3A_199 : vector<16xi32>
        %parallel_loop3A_201 = tpu.vector_load_idx %arg6[%parallel_loop3A_200] : memref<65536xf32, #tpu.memory_space<vmem>>[vector<16xi32>], vector<16xf32>,
        %parallel_loop3A_202 = arith.constant 16 : i32
        %parallel_loop3A_203 = arith.muli %parallel_loop3A_193, %parallel_loop3A_202 : i32
        %parallel_loop3A_204 = arith.constant 0 : i32
        %parallel_loop3A_205 = arith.index_cast %parallel_loop3A_204 : i32 to index
        %parallel_loop3A_206 = arith.index_cast %parallel_loop3A_203 : i32 to index
        %parallel_loop3A_207 = tpu.vector_load %arg13[%parallel_loop3A_205, %parallel_loop3A_206] {strides = array<i32>} : memref<16x1024xf32, #tpu.memory_space<vmem>>, vector<16xf32>,
        tpu.vector_store %arg13[%parallel_loop3A_205, %parallel_loop3A_206], %parallel_loop3A_201 {strides = array<i32>} : memref<16x1024xf32, #tpu.memory_space<vmem>>, vector<16xf32>,
        %parallel_loop3A_208 = arith.constant 4096 : i32
        %parallel_loop3A_209 = vector.broadcast %parallel_loop3A_208 : i32 to vector<16xi32>
        %parallel_loop3A_210 = arith.addi %parallel_loop3A_197, %parallel_loop3A_209 : vector<16xi32>
        %parallel_loop3A_211 = tpu.vector_load_idx %arg6[%parallel_loop3A_210] : memref<65536xf32, #tpu.memory_space<vmem>>[vector<16xi32>], vector<16xf32>,
        %parallel_loop3A_212 = arith.constant 16 : i32
        %parallel_loop3A_213 = arith.muli %parallel_loop3A_193, %parallel_loop3A_212 : i32
        %parallel_loop3A_214 = arith.constant 1 : i32
        %parallel_loop3A_215 = arith.index_cast %parallel_loop3A_214 : i32 to index
        %parallel_loop3A_216 = arith.index_cast %parallel_loop3A_213 : i32 to index
        %parallel_loop3A_217 = tpu.vector_load %arg13[%parallel_loop3A_215, %parallel_loop3A_216] {strides = array<i32>} : memref<16x1024xf32, #tpu.memory_space<vmem>>, vector<16xf32>,
        tpu.vector_store %arg13[%parallel_loop3A_215, %parallel_loop3A_216], %parallel_loop3A_211 {strides = array<i32>} : memref<16x1024xf32, #tpu.memory_space<vmem>>, vector<16xf32>,
        %parallel_loop3A_218 = arith.constant 8192 : i32
        %parallel_loop3A_219 = vector.broadcast %parallel_loop3A_218 : i32 to vector<16xi32>
        %parallel_loop3A_220 = arith.addi %parallel_loop3A_197, %parallel_loop3A_219 : vector<16xi32>
        %parallel_loop3A_221 = tpu.vector_load_idx %arg6[%parallel_loop3A_220] : memref<65536xf32, #tpu.memory_space<vmem>>[vector<16xi32>], vector<16xf32>,
        %parallel_loop3A_222 = arith.constant 16 : i32
        %parallel_loop3A_223 = arith.muli %parallel_loop3A_193, %parallel_loop3A_222 : i32
        %parallel_loop3A_224 = arith.constant 2 : i32
        %parallel_loop3A_225 = arith.index_cast %parallel_loop3A_224 : i32 to index
        %parallel_loop3A_226 = arith.index_cast %parallel_loop3A_223 : i32 to index
        %parallel_loop3A_227 = tpu.vector_load %arg13[%parallel_loop3A_225, %parallel_loop3A_226] {strides = array<i32>} : memref<16x1024xf32, #tpu.memory_space<vmem>>, vector<16xf32>,
        tpu.vector_store %arg13[%parallel_loop3A_225, %parallel_loop3A_226], %parallel_loop3A_221 {strides = array<i32>} : memref<16x1024xf32, #tpu.memory_space<vmem>>, vector<16xf32>,
        %parallel_loop3A_228 = arith.constant 12288 : i32
        %parallel_loop3A_229 = vector.broadcast %parallel_loop3A_228 : i32 to vector<16xi32>
        %parallel_loop3A_230 = arith.addi %parallel_loop3A_197, %parallel_loop3A_229 : vector<16xi32>
        %parallel_loop3A_231 = tpu.vector_load_idx %arg6[%parallel_loop3A_230] : memref<65536xf32, #tpu.memory_space<vmem>>[vector<16xi32>], vector<16xf32>,
        %parallel_loop3A_232 = arith.constant 16 : i32
        %parallel_loop3A_233 = arith.muli %parallel_loop3A_193, %parallel_loop3A_232 : i32
        %parallel_loop3A_234 = arith.constant 3 : i32
        %parallel_loop3A_235 = arith.index_cast %parallel_loop3A_234 : i32 to index
        %parallel_loop3A_236 = arith.index_cast %parallel_loop3A_233 : i32 to index
        %parallel_loop3A_237 = tpu.vector_load %arg13[%parallel_loop3A_235, %parallel_loop3A_236] {strides = array<i32>} : memref<16x1024xf32, #tpu.memory_space<vmem>>, vector<16xf32>,
        tpu.vector_store %arg13[%parallel_loop3A_235, %parallel_loop3A_236], %parallel_loop3A_231 {strides = array<i32>} : memref<16x1024xf32, #tpu.memory_space<vmem>>, vector<16xf32>,
        %parallel_loop3A_238 = arith.constant 16384 : i32
        %parallel_loop3A_239 = vector.broadcast %parallel_loop3A_238 : i32 to vector<16xi32>
        %parallel_loop3A_240 = arith.addi %parallel_loop3A_197, %parallel_loop3A_239 : vector<16xi32>
        %parallel_loop3A_241 = tpu.vector_load_idx %arg6[%parallel_loop3A_240] : memref<65536xf32, #tpu.memory_space<vmem>>[vector<16xi32>], vector<16xf32>,
        %parallel_loop3A_242 = arith.constant 16 : i32
        %parallel_loop3A_243 = arith.muli %parallel_loop3A_193, %parallel_loop3A_242 : i32
        %parallel_loop3A_244 = arith.constant 4 : i32
        %parallel_loop3A_245 = arith.index_cast %parallel_loop3A_244 : i32 to index
        %parallel_loop3A_246 = arith.index_cast %parallel_loop3A_243 : i32 to index
        %parallel_loop3A_247 = tpu.vector_load %arg13[%parallel_loop3A_245, %parallel_loop3A_246] {strides = array<i32>} : memref<16x1024xf32, #tpu.memory_space<vmem>>, vector<16xf32>,
        tpu.vector_store %arg13[%parallel_loop3A_245, %parallel_loop3A_246], %parallel_loop3A_241 {strides = array<i32>} : memref<16x1024xf32, #tpu.memory_space<vmem>>, vector<16xf32>,
        %parallel_loop3A_248 = arith.constant 20480 : i32
        %parallel_loop3A_249 = vector.broadcast %parallel_loop3A_248 : i32 to vector<16xi32>
        %parallel_loop3A_250 = arith.addi %parallel_loop3A_197, %parallel_loop3A_249 : vector<16xi32>
        %parallel_loop3A_251 = tpu.vector_load_idx %arg6[%parallel_loop3A_250] : memref<65536xf32, #tpu.memory_space<vmem>>[vector<16xi32>], vector<16xf32>,
        %parallel_loop3A_252 = arith.constant 16 : i32
        %parallel_loop3A_253 = arith.muli %parallel_loop3A_193, %parallel_loop3A_252 : i32
        %parallel_loop3A_254 = arith.constant 5 : i32
        %parallel_loop3A_255 = arith.index_cast %parallel_loop3A_254 : i32 to index
        %parallel_loop3A_256 = arith.index_cast %parallel_loop3A_253 : i32 to index
        %parallel_loop3A_257 = tpu.vector_load %arg13[%parallel_loop3A_255, %parallel_loop3A_256] {strides = array<i32>} : memref<16x1024xf32, #tpu.memory_space<vmem>>, vector<16xf32>,
        tpu.vector_store %arg13[%parallel_loop3A_255, %parallel_loop3A_256], %parallel_loop3A_251 {strides = array<i32>} : memref<16x1024xf32, #tpu.memory_space<vmem>>, vector<16xf32>,
        %parallel_loop3A_258 = arith.constant 24576 : i32
        %parallel_loop3A_259 = vector.broadcast %parallel_loop3A_258 : i32 to vector<16xi32>
        %parallel_loop3A_260 = arith.addi %parallel_loop3A_197, %parallel_loop3A_259 : vector<16xi32>
        %parallel_loop3A_261 = tpu.vector_load_idx %arg6[%parallel_loop3A_260] : memref<65536xf32, #tpu.memory_space<vmem>>[vector<16xi32>], vector<16xf32>,
        %parallel_loop3A_262 = arith.constant 16 : i32
        %parallel_loop3A_263 = arith.muli %parallel_loop3A_193, %parallel_loop3A_262 : i32
        %parallel_loop3A_264 = arith.constant 6 : i32
        %parallel_loop3A_265 = arith.index_cast %parallel_loop3A_264 : i32 to index
        %parallel_loop3A_266 = arith.index_cast %parallel_loop3A_263 : i32 to index
        %parallel_loop3A_267 = tpu.vector_load %arg13[%parallel_loop3A_265, %parallel_loop3A_266] {strides = array<i32>} : memref<16x1024xf32, #tpu.memory_space<vmem>>, vector<16xf32>,
        tpu.vector_store %arg13[%parallel_loop3A_265, %parallel_loop3A_266], %parallel_loop3A_261 {strides = array<i32>} : memref<16x1024xf32, #tpu.memory_space<vmem>>, vector<16xf32>,
        %parallel_loop3A_268 = arith.constant 28672 : i32
        %parallel_loop3A_269 = vector.broadcast %parallel_loop3A_268 : i32 to vector<16xi32>
        %parallel_loop3A_270 = arith.addi %parallel_loop3A_197, %parallel_loop3A_269 : vector<16xi32>
        %parallel_loop3A_271 = tpu.vector_load_idx %arg6[%parallel_loop3A_270] : memref<65536xf32, #tpu.memory_space<vmem>>[vector<16xi32>], vector<16xf32>,
        %parallel_loop3A_272 = arith.constant 16 : i32
        %parallel_loop3A_273 = arith.muli %parallel_loop3A_193, %parallel_loop3A_272 : i32
        %parallel_loop3A_274 = arith.constant 7 : i32
        %parallel_loop3A_275 = arith.index_cast %parallel_loop3A_274 : i32 to index
        %parallel_loop3A_276 = arith.index_cast %parallel_loop3A_273 : i32 to index
        %parallel_loop3A_277 = tpu.vector_load %arg13[%parallel_loop3A_275, %parallel_loop3A_276] {strides = array<i32>} : memref<16x1024xf32, #tpu.memory_space<vmem>>, vector<16xf32>,
        tpu.vector_store %arg13[%parallel_loop3A_275, %parallel_loop3A_276], %parallel_loop3A_271 {strides = array<i32>} : memref<16x1024xf32, #tpu.memory_space<vmem>>, vector<16xf32>,
        %parallel_loop3A_278 = arith.constant 32768 : i32
        %parallel_loop3A_279 = vector.broadcast %parallel_loop3A_278 : i32 to vector<16xi32>
        %parallel_loop3A_280 = arith.addi %parallel_loop3A_197, %parallel_loop3A_279 : vector<16xi32>
        %parallel_loop3A_281 = tpu.vector_load_idx %arg6[%parallel_loop3A_280] : memref<65536xf32, #tpu.memory_space<vmem>>[vector<16xi32>], vector<16xf32>,
        %parallel_loop3A_282 = arith.constant 16 : i32
        %parallel_loop3A_283 = arith.muli %parallel_loop3A_193, %parallel_loop3A_282 : i32
        %parallel_loop3A_284 = arith.constant 8 : i32
        %parallel_loop3A_285 = arith.index_cast %parallel_loop3A_284 : i32 to index
        %parallel_loop3A_286 = arith.index_cast %parallel_loop3A_283 : i32 to index
        %parallel_loop3A_287 = tpu.vector_load %arg13[%parallel_loop3A_285, %parallel_loop3A_286] {strides = array<i32>} : memref<16x1024xf32, #tpu.memory_space<vmem>>, vector<16xf32>,
        tpu.vector_store %arg13[%parallel_loop3A_285, %parallel_loop3A_286], %parallel_loop3A_281 {strides = array<i32>} : memref<16x1024xf32, #tpu.memory_space<vmem>>, vector<16xf32>,
        %parallel_loop3A_288 = arith.constant 36864 : i32
        %parallel_loop3A_289 = vector.broadcast %parallel_loop3A_288 : i32 to vector<16xi32>
        %parallel_loop3A_290 = arith.addi %parallel_loop3A_197, %parallel_loop3A_289 : vector<16xi32>
        %parallel_loop3A_291 = tpu.vector_load_idx %arg6[%parallel_loop3A_290] : memref<65536xf32, #tpu.memory_space<vmem>>[vector<16xi32>], vector<16xf32>,
        %parallel_loop3A_292 = arith.constant 16 : i32
        %parallel_loop3A_293 = arith.muli %parallel_loop3A_193, %parallel_loop3A_292 : i32
        %parallel_loop3A_294 = arith.constant 9 : i32
        %parallel_loop3A_295 = arith.index_cast %parallel_loop3A_294 : i32 to index
        %parallel_loop3A_296 = arith.index_cast %parallel_loop3A_293 : i32 to index
        %parallel_loop3A_297 = tpu.vector_load %arg13[%parallel_loop3A_295, %parallel_loop3A_296] {strides = array<i32>} : memref<16x1024xf32, #tpu.memory_space<vmem>>, vector<16xf32>,
        tpu.vector_store %arg13[%parallel_loop3A_295, %parallel_loop3A_296], %parallel_loop3A_291 {strides = array<i32>} : memref<16x1024xf32, #tpu.memory_space<vmem>>, vector<16xf32>,
        %parallel_loop3A_298 = arith.constant 40960 : i32
        %parallel_loop3A_299 = vector.broadcast %parallel_loop3A_298 : i32 to vector<16xi32>
        %parallel_loop3A_300 = arith.addi %parallel_loop3A_197, %parallel_loop3A_299 : vector<16xi32>
        %parallel_loop3A_301 = tpu.vector_load_idx %arg6[%parallel_loop3A_300] : memref<65536xf32, #tpu.memory_space<vmem>>[vector<16xi32>], vector<16xf32>,
        %parallel_loop3A_302 = arith.constant 16 : i32
        %parallel_loop3A_303 = arith.muli %parallel_loop3A_193, %parallel_loop3A_302 : i32
        %parallel_loop3A_304 = arith.constant 10 : i32
        %parallel_loop3A_305 = arith.index_cast %parallel_loop3A_304 : i32 to index
        %parallel_loop3A_306 = arith.index_cast %parallel_loop3A_303 : i32 to index
        %parallel_loop3A_307 = tpu.vector_load %arg13[%parallel_loop3A_305, %parallel_loop3A_306] {strides = array<i32>} : memref<16x1024xf32, #tpu.memory_space<vmem>>, vector<16xf32>,
        tpu.vector_store %arg13[%parallel_loop3A_305, %parallel_loop3A_306], %parallel_loop3A_301 {strides = array<i32>} : memref<16x1024xf32, #tpu.memory_space<vmem>>, vector<16xf32>,
        %parallel_loop3A_308 = arith.constant 45056 : i32
        %parallel_loop3A_309 = vector.broadcast %parallel_loop3A_308 : i32 to vector<16xi32>
        %parallel_loop3A_310 = arith.addi %parallel_loop3A_197, %parallel_loop3A_309 : vector<16xi32>
        %parallel_loop3A_311 = tpu.vector_load_idx %arg6[%parallel_loop3A_310] : memref<65536xf32, #tpu.memory_space<vmem>>[vector<16xi32>], vector<16xf32>,
        %parallel_loop3A_312 = arith.constant 16 : i32
        %parallel_loop3A_313 = arith.muli %parallel_loop3A_193, %parallel_loop3A_312 : i32
        %parallel_loop3A_314 = arith.constant 11 : i32
        %parallel_loop3A_315 = arith.index_cast %parallel_loop3A_314 : i32 to index
        %parallel_loop3A_316 = arith.index_cast %parallel_loop3A_313 : i32 to index
        %parallel_loop3A_317 = tpu.vector_load %arg13[%parallel_loop3A_315, %parallel_loop3A_316] {strides = array<i32>} : memref<16x1024xf32, #tpu.memory_space<vmem>>, vector<16xf32>,
        tpu.vector_store %arg13[%parallel_loop3A_315, %parallel_loop3A_316], %parallel_loop3A_311 {strides = array<i32>} : memref<16x1024xf32, #tpu.memory_space<vmem>>, vector<16xf32>,
        %parallel_loop3A_318 = arith.constant 49152 : i32
        %parallel_loop3A_319 = vector.broadcast %parallel_loop3A_318 : i32 to vector<16xi32>
        %parallel_loop3A_320 = arith.addi %parallel_loop3A_197, %parallel_loop3A_319 : vector<16xi32>
        %parallel_loop3A_321 = tpu.vector_load_idx %arg6[%parallel_loop3A_320] : memref<65536xf32, #tpu.memory_space<vmem>>[vector<16xi32>], vector<16xf32>,
        %parallel_loop3A_322 = arith.constant 16 : i32
        %parallel_loop3A_323 = arith.muli %parallel_loop3A_193, %parallel_loop3A_322 : i32
        %parallel_loop3A_324 = arith.constant 12 : i32
        %parallel_loop3A_325 = arith.index_cast %parallel_loop3A_324 : i32 to index
        %parallel_loop3A_326 = arith.index_cast %parallel_loop3A_323 : i32 to index
        %parallel_loop3A_327 = tpu.vector_load %arg13[%parallel_loop3A_325, %parallel_loop3A_326] {strides = array<i32>} : memref<16x1024xf32, #tpu.memory_space<vmem>>, vector<16xf32>,
        tpu.vector_store %arg13[%parallel_loop3A_325, %parallel_loop3A_326], %parallel_loop3A_321 {strides = array<i32>} : memref<16x1024xf32, #tpu.memory_space<vmem>>, vector<16xf32>,
        %parallel_loop3A_328 = arith.constant 53248 : i32
        %parallel_loop3A_329 = vector.broadcast %parallel_loop3A_328 : i32 to vector<16xi32>
        %parallel_loop3A_330 = arith.addi %parallel_loop3A_197, %parallel_loop3A_329 : vector<16xi32>
        %parallel_loop3A_331 = tpu.vector_load_idx %arg6[%parallel_loop3A_330] : memref<65536xf32, #tpu.memory_space<vmem>>[vector<16xi32>], vector<16xf32>,
        %parallel_loop3A_332 = arith.constant 16 : i32
        %parallel_loop3A_333 = arith.muli %parallel_loop3A_193, %parallel_loop3A_332 : i32
        %parallel_loop3A_334 = arith.constant 13 : i32
        %parallel_loop3A_335 = arith.index_cast %parallel_loop3A_334 : i32 to index
        %parallel_loop3A_336 = arith.index_cast %parallel_loop3A_333 : i32 to index
        %parallel_loop3A_337 = tpu.vector_load %arg13[%parallel_loop3A_335, %parallel_loop3A_336] {strides = array<i32>} : memref<16x1024xf32, #tpu.memory_space<vmem>>, vector<16xf32>,
        tpu.vector_store %arg13[%parallel_loop3A_335, %parallel_loop3A_336], %parallel_loop3A_331 {strides = array<i32>} : memref<16x1024xf32, #tpu.memory_space<vmem>>, vector<16xf32>,
        %parallel_loop3A_338 = arith.constant 57344 : i32
        %parallel_loop3A_339 = vector.broadcast %parallel_loop3A_338 : i32 to vector<16xi32>
        %parallel_loop3A_340 = arith.addi %parallel_loop3A_197, %parallel_loop3A_339 : vector<16xi32>
        %parallel_loop3A_341 = tpu.vector_load_idx %arg6[%parallel_loop3A_340] : memref<65536xf32, #tpu.memory_space<vmem>>[vector<16xi32>], vector<16xf32>,
        %parallel_loop3A_342 = arith.constant 16 : i32
        %parallel_loop3A_343 = arith.muli %parallel_loop3A_193, %parallel_loop3A_342 : i32
        %parallel_loop3A_344 = arith.constant 14 : i32
        %parallel_loop3A_345 = arith.index_cast %parallel_loop3A_344 : i32 to index
        %parallel_loop3A_346 = arith.index_cast %parallel_loop3A_343 : i32 to index
        %parallel_loop3A_347 = tpu.vector_load %arg13[%parallel_loop3A_345, %parallel_loop3A_346] {strides = array<i32>} : memref<16x1024xf32, #tpu.memory_space<vmem>>, vector<16xf32>,
        tpu.vector_store %arg13[%parallel_loop3A_345, %parallel_loop3A_346], %parallel_loop3A_341 {strides = array<i32>} : memref<16x1024xf32, #tpu.memory_space<vmem>>, vector<16xf32>,
        %parallel_loop3A_348 = arith.constant 61440 : i32
        %parallel_loop3A_349 = vector.broadcast %parallel_loop3A_348 : i32 to vector<16xi32>
        %parallel_loop3A_350 = arith.addi %parallel_loop3A_197, %parallel_loop3A_349 : vector<16xi32>
        %parallel_loop3A_351 = tpu.vector_load_idx %arg6[%parallel_loop3A_350] : memref<65536xf32, #tpu.memory_space<vmem>>[vector<16xi32>], vector<16xf32>,
        %parallel_loop3A_352 = arith.constant 16 : i32
        %parallel_loop3A_353 = arith.muli %parallel_loop3A_193, %parallel_loop3A_352 : i32
        %parallel_loop3A_354 = arith.constant 15 : i32
        %parallel_loop3A_355 = arith.index_cast %parallel_loop3A_354 : i32 to index
        %parallel_loop3A_356 = arith.index_cast %parallel_loop3A_353 : i32 to index
        %parallel_loop3A_357 = tpu.vector_load %arg13[%parallel_loop3A_355, %parallel_loop3A_356] {strides = array<i32>} : memref<16x1024xf32, #tpu.memory_space<vmem>>, vector<16xf32>,
        tpu.vector_store %arg13[%parallel_loop3A_355, %parallel_loop3A_356], %parallel_loop3A_351 {strides = array<i32>} : memref<16x1024xf32, #tpu.memory_space<vmem>>, vector<16xf32>,
      } {sc.loop_unroll_factor = 4 : i64, sc.parallel_access}
      %dma_start3A_146 = arith.constant 0 : i32
      %dma_start3A_147 = arith.constant 0 : i32
      %dma_start3A_148 = tpu.memref_slice %arg4[%dma_start3A_146, %add3A_133, %dma_start3A_147] : memref<16x1024x1024xf32, #tpu.memory_space<hbm>> -> memref<16x1x1024xf32, #tpu.memory_space<hbm>>
      %dma_start3A_149 = tpu.memref_squeeze %dma_start3A_148 : memref<16x1x1024xf32, #tpu.memory_space<hbm>> -> memref<16x1024xf32, #tpu.memory_space<hbm>>
      %dma_start3A_150 = arith.constant 0 : i32
      %dma_start3A_151 = arith.constant 0 : i32
      %dma_start3A_152 = tpu.memref_slice %arg4[%dma_start3A_150, %add3A_133, %dma_start3A_151] : memref<16x1024x1024xf32, #tpu.memory_space<hbm>> -> memref<16x1x1024xf32, #tpu.memory_space<hbm>>
      %dma_start3A_153 = tpu.memref_squeeze %dma_start3A_152 : memref<16x1x1024xf32, #tpu.memory_space<hbm>> -> memref<16x1024xf32, #tpu.memory_space<hbm>>
      tpu.enqueue_dma source(%arg13 : memref<16x1024xf32, #tpu.memory_space<vmem>>) target(%dma_start3A_153 : memref<16x1024xf32, #tpu.memory_space<hbm>>) target_semaphore(%arg19 : memref<!tpu.dma_semaphore, #tpu.memory_space<semaphore_mem>>)
      %add3A_154 = arith.constant 4 : i32
      %add3A_155 = arith.addi %add3A_132, %add3A_154 : i32
      %lt3A_156 = arith.constant 32 : i32
      %lt3A_157 = arith.cmpi slt, %add3A_155, %lt3A_156 : i32
      %convert_element_type3A_158 = arith.extui %lt3A_157 : i1 to i32
      %cond3A_159 = arith.constant 0 : i32
      %cond3A_160 = arith.cmpi ne, %convert_element_type3A_158, %cond3A_159 : i32
      scf.if %cond3A_160 {
        %add3A_193 = arith.constant 4 : i32
        %add3A_194 = arith.addi %add3A_133, %add3A_193 : i32
        %mul3A_195 = arith.constant 1024 : i32
        %mul3A_196 = arith.muli %add3A_194, %mul3A_195 : i32
        %dma_start3A_197 = tpu.memref_slice %arg3[%mul3A_196] : memref<1048576xi32, #tpu.memory_space<hbm>> -> memref<1024xi32, #tpu.memory_space<hbm>>
        %dma_start3A_198 = tpu.memref_slice %arg3[%mul3A_196] : memref<1048576xi32, #tpu.memory_space<hbm>> -> memref<1024xi32, #tpu.memory_space<hbm>>
        tpu.enqueue_dma source(%dma_start3A_198 : memref<1024xi32, #tpu.memory_space<hbm>>) target(%arg11 : memref<1024xi32, #tpu.memory_space<vmem>>) target_semaphore(%arg17 : memref<!tpu.dma_semaphore, #tpu.memory_space<semaphore_mem>>)
      } else {
      }
      %mul3A_161 = arith.constant 4 : i32
      %mul3A_162 = arith.muli %mul3A_161, %scan3A_69 : i32
      %add3A_163 = arith.constant 3 : i32
      %add3A_164 = arith.addi %mul3A_162, %add3A_163 : i32
      %add3A_165 = arith.addi %mul3A_2, %add3A_164 : i32
      %ge3A_166 = arith.constant 2 : i32
      %ge3A_167 = arith.cmpi sge, %add3A_164, %ge3A_166 : i32
      %convert_element_type3A_168 = arith.extui %ge3A_167 : i1 to i32
      %cond3A_169 = arith.constant 0 : i32
      %cond3A_170 = arith.cmpi ne, %convert_element_type3A_168, %cond3A_169 : i32
      scf.if %cond3A_170 {
        %sub3A_193 = arith.constant 2 : i32
        %sub3A_194 = arith.subi %add3A_165, %sub3A_193 : i32
        %dma_wait3A_195 = arith.constant 0 : i32
        %dma_wait3A_196 = arith.constant 0 : i32
        %dma_wait3A_197 = tpu.memref_slice %arg4[%dma_wait3A_195, %sub3A_194, %dma_wait3A_196] : memref<16x1024x1024xf32, #tpu.memory_space<hbm>> -> memref<16x1x1024xf32, #tpu.memory_space<hbm>>
        %dma_wait3A_198 = tpu.memref_squeeze %dma_wait3A_197 : memref<16x1x1024xf32, #tpu.memory_space<hbm>> -> memref<16x1024xf32, #tpu.memory_space<hbm>>
        %dma_wait3A_199 = arith.constant 0 : i32
        %dma_wait3A_200 = arith.constant 0 : i32
        %dma_wait3A_201 = tpu.memref_slice %arg4[%dma_wait3A_199, %sub3A_194, %dma_wait3A_200] : memref<16x1024x1024xf32, #tpu.memory_space<hbm>> -> memref<16x1x1024xf32, #tpu.memory_space<hbm>>
        %dma_wait3A_202 = tpu.memref_squeeze %dma_wait3A_201 : memref<16x1x1024xf32, #tpu.memory_space<hbm>> -> memref<16x1024xf32, #tpu.memory_space<hbm>>
        tpu.wait_dma2 semaphore(%arg20 : memref<!tpu.dma_semaphore, #tpu.memory_space<semaphore_mem>>) src(%arg14 : memref<16x1024xf32, #tpu.memory_space<vmem>>) dst(%dma_wait3A_202 : memref<16x1024xf32, #tpu.memory_space<hbm>>)
      } else {
      }
      %mul3A_171 = arith.constant 1024 : i32
      %mul3A_172 = arith.muli %add3A_165, %mul3A_171 : i32
      %dma_wait3A_173 = tpu.memref_slice %arg3[%mul3A_172] : memref<1048576xi32, #tpu.memory_space<hbm>> -> memref<1024xi32, #tpu.memory_space<hbm>>
      %dma_wait3A_174 = tpu.memref_slice %arg3[%mul3A_172] : memref<1048576xi32, #tpu.memory_space<hbm>> -> memref<1024xi32, #tpu.memory_space<hbm>>
      tpu.wait_dma2 semaphore(%arg18 : memref<!tpu.dma_semaphore, #tpu.memory_space<semaphore_mem>>) src(%dma_wait3A_174 : memref<1024xi32, #tpu.memory_space<hbm>>) dst(%arg12 : memref<1024xi32, #tpu.memory_space<vmem>>)
      %parallel_loop3A_175 = arith.constant 0 : i32
      %parallel_loop3A_176 = arith.constant 64 : i32
      %parallel_loop3A_177 = arith.constant 1 : i32
      scf.for %parallel_loop3A_193 = %parallel_loop3A_175 to %parallel_loop3A_176 step %parallel_loop3A_177  : i32 {
        %parallel_loop3A_194 = arith.constant 16 : i32
        %parallel_loop3A_195 = arith.muli %parallel_loop3A_193, %parallel_loop3A_194 : i32
        %parallel_loop3A_196 = arith.index_cast %parallel_loop3A_195 : i32 to index
        %parallel_loop3A_197 = tpu.vector_load %arg12[%parallel_loop3A_196] {strides = array<i32>} : memref<1024xi32, #tpu.memory_space<vmem>>, vector<16xi32>,
        %parallel_loop3A_198 = arith.constant 0 : i32
        %parallel_loop3A_199 = vector.broadcast %parallel_loop3A_198 : i32 to vector<16xi32>
        %parallel_loop3A_200 = arith.addi %parallel_loop3A_197, %parallel_loop3A_199 : vector<16xi32>
        %parallel_loop3A_201 = tpu.vector_load_idx %arg6[%parallel_loop3A_200] : memref<65536xf32, #tpu.memory_space<vmem>>[vector<16xi32>], vector<16xf32>,
        %parallel_loop3A_202 = arith.constant 16 : i32
        %parallel_loop3A_203 = arith.muli %parallel_loop3A_193, %parallel_loop3A_202 : i32
        %parallel_loop3A_204 = arith.constant 0 : i32
        %parallel_loop3A_205 = arith.index_cast %parallel_loop3A_204 : i32 to index
        %parallel_loop3A_206 = arith.index_cast %parallel_loop3A_203 : i32 to index
        %parallel_loop3A_207 = tpu.vector_load %arg14[%parallel_loop3A_205, %parallel_loop3A_206] {strides = array<i32>} : memref<16x1024xf32, #tpu.memory_space<vmem>>, vector<16xf32>,
        tpu.vector_store %arg14[%parallel_loop3A_205, %parallel_loop3A_206], %parallel_loop3A_201 {strides = array<i32>} : memref<16x1024xf32, #tpu.memory_space<vmem>>, vector<16xf32>,
        %parallel_loop3A_208 = arith.constant 4096 : i32
        %parallel_loop3A_209 = vector.broadcast %parallel_loop3A_208 : i32 to vector<16xi32>
        %parallel_loop3A_210 = arith.addi %parallel_loop3A_197, %parallel_loop3A_209 : vector<16xi32>
        %parallel_loop3A_211 = tpu.vector_load_idx %arg6[%parallel_loop3A_210] : memref<65536xf32, #tpu.memory_space<vmem>>[vector<16xi32>], vector<16xf32>,
        %parallel_loop3A_212 = arith.constant 16 : i32
        %parallel_loop3A_213 = arith.muli %parallel_loop3A_193, %parallel_loop3A_212 : i32
        %parallel_loop3A_214 = arith.constant 1 : i32
        %parallel_loop3A_215 = arith.index_cast %parallel_loop3A_214 : i32 to index
        %parallel_loop3A_216 = arith.index_cast %parallel_loop3A_213 : i32 to index
        %parallel_loop3A_217 = tpu.vector_load %arg14[%parallel_loop3A_215, %parallel_loop3A_216] {strides = array<i32>} : memref<16x1024xf32, #tpu.memory_space<vmem>>, vector<16xf32>,
        tpu.vector_store %arg14[%parallel_loop3A_215, %parallel_loop3A_216], %parallel_loop3A_211 {strides = array<i32>} : memref<16x1024xf32, #tpu.memory_space<vmem>>, vector<16xf32>,
        %parallel_loop3A_218 = arith.constant 8192 : i32
        %parallel_loop3A_219 = vector.broadcast %parallel_loop3A_218 : i32 to vector<16xi32>
        %parallel_loop3A_220 = arith.addi %parallel_loop3A_197, %parallel_loop3A_219 : vector<16xi32>
        %parallel_loop3A_221 = tpu.vector_load_idx %arg6[%parallel_loop3A_220] : memref<65536xf32, #tpu.memory_space<vmem>>[vector<16xi32>], vector<16xf32>,
        %parallel_loop3A_222 = arith.constant 16 : i32
        %parallel_loop3A_223 = arith.muli %parallel_loop3A_193, %parallel_loop3A_222 : i32
        %parallel_loop3A_224 = arith.constant 2 : i32
        %parallel_loop3A_225 = arith.index_cast %parallel_loop3A_224 : i32 to index
        %parallel_loop3A_226 = arith.index_cast %parallel_loop3A_223 : i32 to index
        %parallel_loop3A_227 = tpu.vector_load %arg14[%parallel_loop3A_225, %parallel_loop3A_226] {strides = array<i32>} : memref<16x1024xf32, #tpu.memory_space<vmem>>, vector<16xf32>,
        tpu.vector_store %arg14[%parallel_loop3A_225, %parallel_loop3A_226], %parallel_loop3A_221 {strides = array<i32>} : memref<16x1024xf32, #tpu.memory_space<vmem>>, vector<16xf32>,
        %parallel_loop3A_228 = arith.constant 12288 : i32
        %parallel_loop3A_229 = vector.broadcast %parallel_loop3A_228 : i32 to vector<16xi32>
        %parallel_loop3A_230 = arith.addi %parallel_loop3A_197, %parallel_loop3A_229 : vector<16xi32>
        %parallel_loop3A_231 = tpu.vector_load_idx %arg6[%parallel_loop3A_230] : memref<65536xf32, #tpu.memory_space<vmem>>[vector<16xi32>], vector<16xf32>,
        %parallel_loop3A_232 = arith.constant 16 : i32
        %parallel_loop3A_233 = arith.muli %parallel_loop3A_193, %parallel_loop3A_232 : i32
        %parallel_loop3A_234 = arith.constant 3 : i32
        %parallel_loop3A_235 = arith.index_cast %parallel_loop3A_234 : i32 to index
        %parallel_loop3A_236 = arith.index_cast %parallel_loop3A_233 : i32 to index
        %parallel_loop3A_237 = tpu.vector_load %arg14[%parallel_loop3A_235, %parallel_loop3A_236] {strides = array<i32>} : memref<16x1024xf32, #tpu.memory_space<vmem>>, vector<16xf32>,
        tpu.vector_store %arg14[%parallel_loop3A_235, %parallel_loop3A_236], %parallel_loop3A_231 {strides = array<i32>} : memref<16x1024xf32, #tpu.memory_space<vmem>>, vector<16xf32>,
        %parallel_loop3A_238 = arith.constant 16384 : i32
        %parallel_loop3A_239 = vector.broadcast %parallel_loop3A_238 : i32 to vector<16xi32>
        %parallel_loop3A_240 = arith.addi %parallel_loop3A_197, %parallel_loop3A_239 : vector<16xi32>
        %parallel_loop3A_241 = tpu.vector_load_idx %arg6[%parallel_loop3A_240] : memref<65536xf32, #tpu.memory_space<vmem>>[vector<16xi32>], vector<16xf32>,
        %parallel_loop3A_242 = arith.constant 16 : i32
        %parallel_loop3A_243 = arith.muli %parallel_loop3A_193, %parallel_loop3A_242 : i32
        %parallel_loop3A_244 = arith.constant 4 : i32
        %parallel_loop3A_245 = arith.index_cast %parallel_loop3A_244 : i32 to index
        %parallel_loop3A_246 = arith.index_cast %parallel_loop3A_243 : i32 to index
        %parallel_loop3A_247 = tpu.vector_load %arg14[%parallel_loop3A_245, %parallel_loop3A_246] {strides = array<i32>} : memref<16x1024xf32, #tpu.memory_space<vmem>>, vector<16xf32>,
        tpu.vector_store %arg14[%parallel_loop3A_245, %parallel_loop3A_246], %parallel_loop3A_241 {strides = array<i32>} : memref<16x1024xf32, #tpu.memory_space<vmem>>, vector<16xf32>,
        %parallel_loop3A_248 = arith.constant 20480 : i32
        %parallel_loop3A_249 = vector.broadcast %parallel_loop3A_248 : i32 to vector<16xi32>
        %parallel_loop3A_250 = arith.addi %parallel_loop3A_197, %parallel_loop3A_249 : vector<16xi32>
        %parallel_loop3A_251 = tpu.vector_load_idx %arg6[%parallel_loop3A_250] : memref<65536xf32, #tpu.memory_space<vmem>>[vector<16xi32>], vector<16xf32>,
        %parallel_loop3A_252 = arith.constant 16 : i32
        %parallel_loop3A_253 = arith.muli %parallel_loop3A_193, %parallel_loop3A_252 : i32
        %parallel_loop3A_254 = arith.constant 5 : i32
        %parallel_loop3A_255 = arith.index_cast %parallel_loop3A_254 : i32 to index
        %parallel_loop3A_256 = arith.index_cast %parallel_loop3A_253 : i32 to index
        %parallel_loop3A_257 = tpu.vector_load %arg14[%parallel_loop3A_255, %parallel_loop3A_256] {strides = array<i32>} : memref<16x1024xf32, #tpu.memory_space<vmem>>, vector<16xf32>,
        tpu.vector_store %arg14[%parallel_loop3A_255, %parallel_loop3A_256], %parallel_loop3A_251 {strides = array<i32>} : memref<16x1024xf32, #tpu.memory_space<vmem>>, vector<16xf32>,
        %parallel_loop3A_258 = arith.constant 24576 : i32
        %parallel_loop3A_259 = vector.broadcast %parallel_loop3A_258 : i32 to vector<16xi32>
        %parallel_loop3A_260 = arith.addi %parallel_loop3A_197, %parallel_loop3A_259 : vector<16xi32>
        %parallel_loop3A_261 = tpu.vector_load_idx %arg6[%parallel_loop3A_260] : memref<65536xf32, #tpu.memory_space<vmem>>[vector<16xi32>], vector<16xf32>,
        %parallel_loop3A_262 = arith.constant 16 : i32
        %parallel_loop3A_263 = arith.muli %parallel_loop3A_193, %parallel_loop3A_262 : i32
        %parallel_loop3A_264 = arith.constant 6 : i32
        %parallel_loop3A_265 = arith.index_cast %parallel_loop3A_264 : i32 to index
        %parallel_loop3A_266 = arith.index_cast %parallel_loop3A_263 : i32 to index
        %parallel_loop3A_267 = tpu.vector_load %arg14[%parallel_loop3A_265, %parallel_loop3A_266] {strides = array<i32>} : memref<16x1024xf32, #tpu.memory_space<vmem>>, vector<16xf32>,
        tpu.vector_store %arg14[%parallel_loop3A_265, %parallel_loop3A_266], %parallel_loop3A_261 {strides = array<i32>} : memref<16x1024xf32, #tpu.memory_space<vmem>>, vector<16xf32>,
        %parallel_loop3A_268 = arith.constant 28672 : i32
        %parallel_loop3A_269 = vector.broadcast %parallel_loop3A_268 : i32 to vector<16xi32>
        %parallel_loop3A_270 = arith.addi %parallel_loop3A_197, %parallel_loop3A_269 : vector<16xi32>
        %parallel_loop3A_271 = tpu.vector_load_idx %arg6[%parallel_loop3A_270] : memref<65536xf32, #tpu.memory_space<vmem>>[vector<16xi32>], vector<16xf32>,
        %parallel_loop3A_272 = arith.constant 16 : i32
        %parallel_loop3A_273 = arith.muli %parallel_loop3A_193, %parallel_loop3A_272 : i32
        %parallel_loop3A_274 = arith.constant 7 : i32
        %parallel_loop3A_275 = arith.index_cast %parallel_loop3A_274 : i32 to index
        %parallel_loop3A_276 = arith.index_cast %parallel_loop3A_273 : i32 to index
        %parallel_loop3A_277 = tpu.vector_load %arg14[%parallel_loop3A_275, %parallel_loop3A_276] {strides = array<i32>} : memref<16x1024xf32, #tpu.memory_space<vmem>>, vector<16xf32>,
        tpu.vector_store %arg14[%parallel_loop3A_275, %parallel_loop3A_276], %parallel_loop3A_271 {strides = array<i32>} : memref<16x1024xf32, #tpu.memory_space<vmem>>, vector<16xf32>,
        %parallel_loop3A_278 = arith.constant 32768 : i32
        %parallel_loop3A_279 = vector.broadcast %parallel_loop3A_278 : i32 to vector<16xi32>
        %parallel_loop3A_280 = arith.addi %parallel_loop3A_197, %parallel_loop3A_279 : vector<16xi32>
        %parallel_loop3A_281 = tpu.vector_load_idx %arg6[%parallel_loop3A_280] : memref<65536xf32, #tpu.memory_space<vmem>>[vector<16xi32>], vector<16xf32>,
        %parallel_loop3A_282 = arith.constant 16 : i32
        %parallel_loop3A_283 = arith.muli %parallel_loop3A_193, %parallel_loop3A_282 : i32
        %parallel_loop3A_284 = arith.constant 8 : i32
        %parallel_loop3A_285 = arith.index_cast %parallel_loop3A_284 : i32 to index
        %parallel_loop3A_286 = arith.index_cast %parallel_loop3A_283 : i32 to index
        %parallel_loop3A_287 = tpu.vector_load %arg14[%parallel_loop3A_285, %parallel_loop3A_286] {strides = array<i32>} : memref<16x1024xf32, #tpu.memory_space<vmem>>, vector<16xf32>,
        tpu.vector_store %arg14[%parallel_loop3A_285, %parallel_loop3A_286], %parallel_loop3A_281 {strides = array<i32>} : memref<16x1024xf32, #tpu.memory_space<vmem>>, vector<16xf32>,
        %parallel_loop3A_288 = arith.constant 36864 : i32
        %parallel_loop3A_289 = vector.broadcast %parallel_loop3A_288 : i32 to vector<16xi32>
        %parallel_loop3A_290 = arith.addi %parallel_loop3A_197, %parallel_loop3A_289 : vector<16xi32>
        %parallel_loop3A_291 = tpu.vector_load_idx %arg6[%parallel_loop3A_290] : memref<65536xf32, #tpu.memory_space<vmem>>[vector<16xi32>], vector<16xf32>,
        %parallel_loop3A_292 = arith.constant 16 : i32
        %parallel_loop3A_293 = arith.muli %parallel_loop3A_193, %parallel_loop3A_292 : i32
        %parallel_loop3A_294 = arith.constant 9 : i32
        %parallel_loop3A_295 = arith.index_cast %parallel_loop3A_294 : i32 to index
        %parallel_loop3A_296 = arith.index_cast %parallel_loop3A_293 : i32 to index
        %parallel_loop3A_297 = tpu.vector_load %arg14[%parallel_loop3A_295, %parallel_loop3A_296] {strides = array<i32>} : memref<16x1024xf32, #tpu.memory_space<vmem>>, vector<16xf32>,
        tpu.vector_store %arg14[%parallel_loop3A_295, %parallel_loop3A_296], %parallel_loop3A_291 {strides = array<i32>} : memref<16x1024xf32, #tpu.memory_space<vmem>>, vector<16xf32>,
        %parallel_loop3A_298 = arith.constant 40960 : i32
        %parallel_loop3A_299 = vector.broadcast %parallel_loop3A_298 : i32 to vector<16xi32>
        %parallel_loop3A_300 = arith.addi %parallel_loop3A_197, %parallel_loop3A_299 : vector<16xi32>
        %parallel_loop3A_301 = tpu.vector_load_idx %arg6[%parallel_loop3A_300] : memref<65536xf32, #tpu.memory_space<vmem>>[vector<16xi32>], vector<16xf32>,
        %parallel_loop3A_302 = arith.constant 16 : i32
        %parallel_loop3A_303 = arith.muli %parallel_loop3A_193, %parallel_loop3A_302 : i32
        %parallel_loop3A_304 = arith.constant 10 : i32
        %parallel_loop3A_305 = arith.index_cast %parallel_loop3A_304 : i32 to index
        %parallel_loop3A_306 = arith.index_cast %parallel_loop3A_303 : i32 to index
        %parallel_loop3A_307 = tpu.vector_load %arg14[%parallel_loop3A_305, %parallel_loop3A_306] {strides = array<i32>} : memref<16x1024xf32, #tpu.memory_space<vmem>>, vector<16xf32>,
        tpu.vector_store %arg14[%parallel_loop3A_305, %parallel_loop3A_306], %parallel_loop3A_301 {strides = array<i32>} : memref<16x1024xf32, #tpu.memory_space<vmem>>, vector<16xf32>,
        %parallel_loop3A_308 = arith.constant 45056 : i32
        %parallel_loop3A_309 = vector.broadcast %parallel_loop3A_308 : i32 to vector<16xi32>
        %parallel_loop3A_310 = arith.addi %parallel_loop3A_197, %parallel_loop3A_309 : vector<16xi32>
        %parallel_loop3A_311 = tpu.vector_load_idx %arg6[%parallel_loop3A_310] : memref<65536xf32, #tpu.memory_space<vmem>>[vector<16xi32>], vector<16xf32>,
        %parallel_loop3A_312 = arith.constant 16 : i32
        %parallel_loop3A_313 = arith.muli %parallel_loop3A_193, %parallel_loop3A_312 : i32
        %parallel_loop3A_314 = arith.constant 11 : i32
        %parallel_loop3A_315 = arith.index_cast %parallel_loop3A_314 : i32 to index
        %parallel_loop3A_316 = arith.index_cast %parallel_loop3A_313 : i32 to index
        %parallel_loop3A_317 = tpu.vector_load %arg14[%parallel_loop3A_315, %parallel_loop3A_316] {strides = array<i32>} : memref<16x1024xf32, #tpu.memory_space<vmem>>, vector<16xf32>,
        tpu.vector_store %arg14[%parallel_loop3A_315, %parallel_loop3A_316], %parallel_loop3A_311 {strides = array<i32>} : memref<16x1024xf32, #tpu.memory_space<vmem>>, vector<16xf32>,
        %parallel_loop3A_318 = arith.constant 49152 : i32
        %parallel_loop3A_319 = vector.broadcast %parallel_loop3A_318 : i32 to vector<16xi32>
        %parallel_loop3A_320 = arith.addi %parallel_loop3A_197, %parallel_loop3A_319 : vector<16xi32>
        %parallel_loop3A_321 = tpu.vector_load_idx %arg6[%parallel_loop3A_320] : memref<65536xf32, #tpu.memory_space<vmem>>[vector<16xi32>], vector<16xf32>,
        %parallel_loop3A_322 = arith.constant 16 : i32
        %parallel_loop3A_323 = arith.muli %parallel_loop3A_193, %parallel_loop3A_322 : i32
        %parallel_loop3A_324 = arith.constant 12 : i32
        %parallel_loop3A_325 = arith.index_cast %parallel_loop3A_324 : i32 to index
        %parallel_loop3A_326 = arith.index_cast %parallel_loop3A_323 : i32 to index
        %parallel_loop3A_327 = tpu.vector_load %arg14[%parallel_loop3A_325, %parallel_loop3A_326] {strides = array<i32>} : memref<16x1024xf32, #tpu.memory_space<vmem>>, vector<16xf32>,
        tpu.vector_store %arg14[%parallel_loop3A_325, %parallel_loop3A_326], %parallel_loop3A_321 {strides = array<i32>} : memref<16x1024xf32, #tpu.memory_space<vmem>>, vector<16xf32>,
        %parallel_loop3A_328 = arith.constant 53248 : i32
        %parallel_loop3A_329 = vector.broadcast %parallel_loop3A_328 : i32 to vector<16xi32>
        %parallel_loop3A_330 = arith.addi %parallel_loop3A_197, %parallel_loop3A_329 : vector<16xi32>
        %parallel_loop3A_331 = tpu.vector_load_idx %arg6[%parallel_loop3A_330] : memref<65536xf32, #tpu.memory_space<vmem>>[vector<16xi32>], vector<16xf32>,
        %parallel_loop3A_332 = arith.constant 16 : i32
        %parallel_loop3A_333 = arith.muli %parallel_loop3A_193, %parallel_loop3A_332 : i32
        %parallel_loop3A_334 = arith.constant 13 : i32
        %parallel_loop3A_335 = arith.index_cast %parallel_loop3A_334 : i32 to index
        %parallel_loop3A_336 = arith.index_cast %parallel_loop3A_333 : i32 to index
        %parallel_loop3A_337 = tpu.vector_load %arg14[%parallel_loop3A_335, %parallel_loop3A_336] {strides = array<i32>} : memref<16x1024xf32, #tpu.memory_space<vmem>>, vector<16xf32>,
        tpu.vector_store %arg14[%parallel_loop3A_335, %parallel_loop3A_336], %parallel_loop3A_331 {strides = array<i32>} : memref<16x1024xf32, #tpu.memory_space<vmem>>, vector<16xf32>,
        %parallel_loop3A_338 = arith.constant 57344 : i32
        %parallel_loop3A_339 = vector.broadcast %parallel_loop3A_338 : i32 to vector<16xi32>
        %parallel_loop3A_340 = arith.addi %parallel_loop3A_197, %parallel_loop3A_339 : vector<16xi32>
        %parallel_loop3A_341 = tpu.vector_load_idx %arg6[%parallel_loop3A_340] : memref<65536xf32, #tpu.memory_space<vmem>>[vector<16xi32>], vector<16xf32>,
        %parallel_loop3A_342 = arith.constant 16 : i32
        %parallel_loop3A_343 = arith.muli %parallel_loop3A_193, %parallel_loop3A_342 : i32
        %parallel_loop3A_344 = arith.constant 14 : i32
        %parallel_loop3A_345 = arith.index_cast %parallel_loop3A_344 : i32 to index
        %parallel_loop3A_346 = arith.index_cast %parallel_loop3A_343 : i32 to index
        %parallel_loop3A_347 = tpu.vector_load %arg14[%parallel_loop3A_345, %parallel_loop3A_346] {strides = array<i32>} : memref<16x1024xf32, #tpu.memory_space<vmem>>, vector<16xf32>,
        tpu.vector_store %arg14[%parallel_loop3A_345, %parallel_loop3A_346], %parallel_loop3A_341 {strides = array<i32>} : memref<16x1024xf32, #tpu.memory_space<vmem>>, vector<16xf32>,
        %parallel_loop3A_348 = arith.constant 61440 : i32
        %parallel_loop3A_349 = vector.broadcast %parallel_loop3A_348 : i32 to vector<16xi32>
        %parallel_loop3A_350 = arith.addi %parallel_loop3A_197, %parallel_loop3A_349 : vector<16xi32>
        %parallel_loop3A_351 = tpu.vector_load_idx %arg6[%parallel_loop3A_350] : memref<65536xf32, #tpu.memory_space<vmem>>[vector<16xi32>], vector<16xf32>,
        %parallel_loop3A_352 = arith.constant 16 : i32
        %parallel_loop3A_353 = arith.muli %parallel_loop3A_193, %parallel_loop3A_352 : i32
        %parallel_loop3A_354 = arith.constant 15 : i32
        %parallel_loop3A_355 = arith.index_cast %parallel_loop3A_354 : i32 to index
        %parallel_loop3A_356 = arith.index_cast %parallel_loop3A_353 : i32 to index
        %parallel_loop3A_357 = tpu.vector_load %arg14[%parallel_loop3A_355, %parallel_loop3A_356] {strides = array<i32>} : memref<16x1024xf32, #tpu.memory_space<vmem>>, vector<16xf32>,
        tpu.vector_store %arg14[%parallel_loop3A_355, %parallel_loop3A_356], %parallel_loop3A_351 {strides = array<i32>} : memref<16x1024xf32, #tpu.memory_space<vmem>>, vector<16xf32>,
      } {sc.loop_unroll_factor = 4 : i64, sc.parallel_access}
      %dma_start3A_178 = arith.constant 0 : i32
      %dma_start3A_179 = arith.constant 0 : i32
      %dma_start3A_180 = tpu.memref_slice %arg4[%dma_start3A_178, %add3A_165, %dma_start3A_179] : memref<16x1024x1024xf32, #tpu.memory_space<hbm>> -> memref<16x1x1024xf32, #tpu.memory_space<hbm>>
      %dma_start3A_181 = tpu.memref_squeeze %dma_start3A_180 : memref<16x1x1024xf32, #tpu.memory_space<hbm>> -> memref<16x1024xf32, #tpu.memory_space<hbm>>
      %dma_start3A_182 = arith.constant 0 : i32
      %dma_start3A_183 = arith.constant 0 : i32
      %dma_start3A_184 = tpu.memref_slice %arg4[%dma_start3A_182, %add3A_165, %dma_start3A_183] : memref<16x1024x1024xf32, #tpu.memory_space<hbm>> -> memref<16x1x1024xf32, #tpu.memory_space<hbm>>
      %dma_start3A_185 = tpu.memref_squeeze %dma_start3A_184 : memref<16x1x1024xf32, #tpu.memory_space<hbm>> -> memref<16x1024xf32, #tpu.memory_space<hbm>>
      tpu.enqueue_dma source(%arg14 : memref<16x1024xf32, #tpu.memory_space<vmem>>) target(%dma_start3A_185 : memref<16x1024xf32, #tpu.memory_space<hbm>>) target_semaphore(%arg20 : memref<!tpu.dma_semaphore, #tpu.memory_space<semaphore_mem>>)
      %add3A_186 = arith.constant 4 : i32
      %add3A_187 = arith.addi %add3A_164, %add3A_186 : i32
      %lt3A_188 = arith.constant 32 : i32
      %lt3A_189 = arith.cmpi slt, %add3A_187, %lt3A_188 : i32
      %convert_element_type3A_190 = arith.extui %lt3A_189 : i1 to i32
      %cond3A_191 = arith.constant 0 : i32
      %cond3A_192 = arith.cmpi ne, %convert_element_type3A_190, %cond3A_191 : i32
      scf.if %cond3A_192 {
        %add3A_193 = arith.constant 4 : i32
        %add3A_194 = arith.addi %add3A_165, %add3A_193 : i32
        %mul3A_195 = arith.constant 1024 : i32
        %mul3A_196 = arith.muli %add3A_194, %mul3A_195 : i32
        %dma_start3A_197 = tpu.memref_slice %arg3[%mul3A_196] : memref<1048576xi32, #tpu.memory_space<hbm>> -> memref<1024xi32, #tpu.memory_space<hbm>>
        %dma_start3A_198 = tpu.memref_slice %arg3[%mul3A_196] : memref<1048576xi32, #tpu.memory_space<hbm>> -> memref<1024xi32, #tpu.memory_space<hbm>>
        tpu.enqueue_dma source(%dma_start3A_198 : memref<1024xi32, #tpu.memory_space<hbm>>) target(%arg12 : memref<1024xi32, #tpu.memory_space<vmem>>) target_semaphore(%arg18 : memref<!tpu.dma_semaphore, #tpu.memory_space<semaphore_mem>>)
      } else {
      }
    }
    %scan3A_46 = arith.constant 8 : i32
    %add3A_47 = arith.constant 32 : i32
    %add3A_48 = arith.addi %mul3A_2, %add3A_47 : i32
    %sub3A = arith.constant 2 : i32
    %sub3A_49 = arith.subi %add3A_48, %sub3A : i32
    %dma_wait3A = arith.constant 0 : i32
    %dma_wait3A_50 = arith.constant 0 : i32
    %dma_wait3A_51 = tpu.memref_slice %arg4[%dma_wait3A, %sub3A_49, %dma_wait3A_50] : memref<16x1024x1024xf32, #tpu.memory_space<hbm>> -> memref<16x1x1024xf32, #tpu.memory_space<hbm>>
    %dma_wait3A_52 = tpu.memref_squeeze %dma_wait3A_51 : memref<16x1x1024xf32, #tpu.memory_space<hbm>> -> memref<16x1024xf32, #tpu.memory_space<hbm>>
    %dma_wait3A_53 = arith.constant 0 : i32
    %dma_wait3A_54 = arith.constant 0 : i32
    %dma_wait3A_55 = tpu.memref_slice %arg4[%dma_wait3A_53, %sub3A_49, %dma_wait3A_54] : memref<16x1024x1024xf32, #tpu.memory_space<hbm>> -> memref<16x1x1024xf32, #tpu.memory_space<hbm>>
    %dma_wait3A_56 = tpu.memref_squeeze %dma_wait3A_55 : memref<16x1x1024xf32, #tpu.memory_space<hbm>> -> memref<16x1024xf32, #tpu.memory_space<hbm>>
    tpu.wait_dma2 semaphore(%arg19 : memref<!tpu.dma_semaphore, #tpu.memory_space<semaphore_mem>>) src(%arg13 : memref<16x1024xf32, #tpu.memory_space<vmem>>) dst(%dma_wait3A_56 : memref<16x1024xf32, #tpu.memory_space<hbm>>)
    %add3A_57 = arith.constant 32 : i32
    %add3A_58 = arith.addi %mul3A_2, %add3A_57 : i32
    %sub3A_59 = arith.constant 1 : i32
    %sub3A_60 = arith.subi %add3A_58, %sub3A_59 : i32
    %dma_wait3A_61 = arith.constant 0 : i32
    %dma_wait3A_62 = arith.constant 0 : i32
    %dma_wait3A_63 = tpu.memref_slice %arg4[%dma_wait3A_61, %sub3A_60, %dma_wait3A_62] : memref<16x1024x1024xf32, #tpu.memory_space<hbm>> -> memref<16x1x1024xf32, #tpu.memory_space<hbm>>
    %dma_wait3A_64 = tpu.memref_squeeze %dma_wait3A_63 : memref<16x1x1024xf32, #tpu.memory_space<hbm>> -> memref<16x1024xf32, #tpu.memory_space<hbm>>
    %dma_wait3A_65 = arith.constant 0 : i32
    %dma_wait3A_66 = arith.constant 0 : i32
    %dma_wait3A_67 = tpu.memref_slice %arg4[%dma_wait3A_65, %sub3A_60, %dma_wait3A_66] : memref<16x1024x1024xf32, #tpu.memory_space<hbm>> -> memref<16x1x1024xf32, #tpu.memory_space<hbm>>
    %dma_wait3A_68 = tpu.memref_squeeze %dma_wait3A_67 : memref<16x1x1024xf32, #tpu.memory_space<hbm>> -> memref<16x1024xf32, #tpu.memory_space<hbm>>
    tpu.wait_dma2 semaphore(%arg20 : memref<!tpu.dma_semaphore, #tpu.memory_space<semaphore_mem>>) src(%arg14 : memref<16x1024xf32, #tpu.memory_space<vmem>>) dst(%dma_wait3A_68 : memref<16x1024xf32, #tpu.memory_space<hbm>>)
    return
  }
}

</mosaic_0001>

<sc_bundles>
// kernel: kernel.3.cloned.1.call-start
scs
__scs_entry_jumppad:
0x0: {  	(pc) =	sbr.rel $0x88, $3  }
0x1: {  	(tag) =	ssettag $0x0;
	lr =	simm.s32 $0x1  }
0x2: {  	[smem:$0x3F9F] =	sst lr;
	_ =	strace $0xD0000000  }
0x3: {  	_ = 	snop  }
0x4: {  	_ = 	snop  }
0x5: {  	_ = 	snop  }
0x6: {  	_ = 	snop  }
0x7: {  	_ = 	snop  }
__scs_overlays_trampoline_lowered:
0x8: {  	[smem:$0x3FAE] =	sst s0  }
0x9: {  	[smem:$0x3FAF] =	sst s1  }
0xa: {  	[smem:$0x3FB0] =	sst s2  }
0xb: {  	[smem:$0x3FB1] =	sst s3  }
0xc: {  	[smem:$0x3FB2] =	sst s4  }
0xd: {  	[smem:$0x3FB3] =	sst s5  }
0xe: {  	[smem:$0x3FB4] =	sst s6  }
0xf: {  	[smem:$0x3FB5] =	sst s7  }
0x10: {  	[smem:$0x3FB6] =	sst s8  }
0x11: {  	[smem:$0x3FB7] =	sst s9;
	s0 =	simm.s32 @!p0 $0x0  }
0x12: {  	s1 =	sld [smem:$0x3F9D];
	s0 =	simm.s32 @p0 $0x1  }
0x13: {  	[smem:$0x3FB8] =	sst s0;
	s0 =	simm.s32 @!p1 $0x0  }
0x14: {  	s2 =	sld [smem:$0x3F9C];
	s0 =	simm.s32 @p1 $0x1  }
0x15: {  	[smem:$0x3FB9] =	sst s0;
	s0 =	simm.s32 @!p2 $0x0  }
0x16: {  	s3 =	sld [smem:$0x3FDB];
	s0 =	simm.s32 @p2 $0x1  }
0x17: {  	s4 =	simm.s32 $0x1BF5;
	[smem:$0x3FBB] =	sst s0  }
0x18: {  	s0 =	sld [smem:$0x3F9E];
	_ =	swait.ge [sflag:s4], $0x0  }
0x19: {  	s7 =	sld [smem:$0x3F9F]  }
0x1a: {  	s8 =	sadd.s32 $0xFFFFE003, lr  }
0x1b: {  	s9 =	sadd.s32 $0xFFFFFEF7, lr;
	s5 =	simm.s32 $0xFFFFFFFF;
	p2 =	slt.u32 s8, $0xFFFFF086  }
0x1c: {  	p1 =	slt.u32 s9, $0xF7A;
	s5 =	simm.s32 @!p2 $0x0  }
0x1d: {  	s5 =	simm.s32 @p1 $0x1;
	p0 =	seq.s32 s7, s2  }
0x1e: {  	s7 =	smul.u32 @!p0 $0xF7A, s2;
	p2 =	seq.s32 @!p0 s5, $0x0  }
0x1f: {  	s9 =	smul.u32 $0xF7A, s1;
	s8 =	simm.s32 @!p0 $0x1BF5;
	p2 =	por !p2, p0  }
0x20: {  	[sflag:s8] =	ssyncset.s32 @!p0 $0xFFFFF086;
	s6 =	sadd.s32 @!p0 s3, s7;
	s7 =	simm.s32 @!p0 $0x108  }
0x21: {  	s3 =	sadd.s32 s3, s9;
	s6 =	sadd.s32 @!p0 $0x88, s6;
	s7 =	simm.s32 @p2 $0x1082  }
0x22: {  	[simem:s7], [sflag:s8] =	dma.local @!p0 [hbm:s6], $0xF7A  }
0x23: {  	s9 =	sor.u32 $0xD0000000, s2;
	s6 =	simm.s32 $0x108;
	_ =	swait.ge @!p0 [sflag:s8], $0x0  }
0x24: {  	s3 =	sadd.s32 $0x88, s3;
	s6 =	simm.s32 @!p1 $0x1082;
	[sflag:s4] =	ssyncset.s32 $0xFFFFF086  }
0x25: {  	[simem:s6], [sflag:s4] =	dma.local [hbm:s3], $0xF7A  }
0x26: {  	[smem:$0x3F9F] =	sst s1;
	(tag) =	ssettag s2;
	_ =	strace s9  }
0x27: {  	s1 =	sld [smem:$0x3FAF]  }
0x28: {  	s2 =	sld [smem:$0x3FB0]  }
0x29: {  	s4 =	sld [smem:$0x3FB2]  }
0x2a: {  	p0 =	seq.s32 s5, $0x0;
	s5 =	sld [smem:$0x3FB3]  }
0x2b: {  	s6 =	sld [smem:$0x3FB4]  }
0x2c: {  	s7 =	sld [smem:$0x3FB5]  }
0x2d: {  	s3 =	simm.s32 $0x108;
	s8 =	sld [smem:$0x3FB6]  }
0x2e: {  	s3 =	simm.s32 @!p0 $0x1082;
	s9 =	sld [smem:$0x3FB7]  }
0x2f: {  	lr =	sadd.s32 s0, s3;
	s0 =	sld [smem:$0x3FAE]  }
0x30: {  	s3 =	sld [smem:$0x3FB1]  }
0x31: {  	[smem:$0x3FBA] =	sst s10  }
0x32: {  	s10 =	sld [smem:$0x3FB8];
	_ =	sdelay $0x3  }
0x33: {  	p0 =	seq.s32 s10, $0x1;
	s10 =	sld [smem:$0x3FBA];
	_ =	sdelay $0x3  }
0x34: {  	[smem:$0x3FBA] =	sst s10  }
0x35: {  	s10 =	sld [smem:$0x3FB9];
	_ =	sdelay $0x3  }
0x36: {  	p1 =	seq.s32 s10, $0x1;
	s10 =	sld [smem:$0x3FBA];
	_ =	sdelay $0x3  }
0x37: {  	[smem:$0x3FBA] =	sst s10  }
0x38: {  	s10 =	sld [smem:$0x3FBB]  }
0x39: {  	_ = 	snop;
	(pc) =	sbr.ind lr, $3  }
0x3a: {  	_ = 	snop  }
0x3b: {  	_ = 	snop  }
0x3c: {  	p2 =	seq.s32 s10, $0x1;
	s10 =	sld [smem:$0x3FBA]  }
0x3d: {  	_ =	shalt  }
0x3e: {  	_ =	shalt  }
0x3f: {  	_ =	shalt  }
0x40: {  	_ =	shalt  }
0x41: {  	_ =	shalt  }
0x42: {  	_ =	shalt  }
0x43: {  	_ =	shalt  }
0x44: {  	_ =	shalt  }
0x45: {  	_ =	shalt  }
0x46: {  	_ =	shalt  }
0x47: {  	_ =	shalt  }
0x48: {  	_ =	shalt  }
0x49: {  	_ =	shalt  }
0x4a: {  	_ =	shalt  }
0x4b: {  	_ =	shalt  }
0x4c: {  	_ =	shalt  }
0x4d: {  	_ =	shalt  }
0x4e: {  	_ =	shalt  }
0x4f: {  	_ =	shalt  }
0x50: {  	_ =	shalt  }
0x51: {  	_ =	shalt  }
0x52: {  	_ =	shalt  }
0x53: {  	_ =	shalt  }
0x54: {  	_ =	shalt  }
0x55: {  	_ =	shalt  }
0x56: {  	_ =	shalt  }
0x57: {  	_ =	shalt  }
0x58: {  	_ =	shalt  }
0x59: {  	_ =	shalt  }
0x5a: {  	_ =	shalt  }
0x5b: {  	_ =	shalt  }
0x5c: {  	_ =	shalt  }
0x5d: {  	_ =	shalt  }
0x5e: {  	_ =	shalt  }
0x5f: {  	_ =	shalt  }
0x60: {  	_ =	shalt  }
0x61: {  	_ =	shalt  }
0x62: {  	_ =	shalt  }
0x63: {  	_ =	shalt  }
0x64: {  	_ =	shalt  }
0x65: {  	_ =	shalt  }
0x66: {  	_ =	shalt  }
0x67: {  	_ =	shalt  }
0x68: {  	_ =	shalt  }
0x69: {  	_ =	shalt  }
0x6a: {  	_ =	shalt  }
0x6b: {  	_ =	shalt  }
0x6c: {  	_ =	shalt  }
0x6d: {  	_ =	shalt  }
0x6e: {  	_ =	shalt  }
0x6f: {  	_ =	shalt  }
0x70: {  	_ =	shalt  }
0x71: {  	_ =	shalt  }
0x72: {  	_ =	shalt  }
0x73: {  	_ =	shalt  }
0x74: {  	_ =	shalt  }
0x75: {  	_ =	shalt  }
0x76: {  	_ =	shalt  }
0x77: {  	_ =	shalt  }
0x78: {  	_ =	shalt  }
0x79: {  	_ =	shalt  }
0x7a: {  	_ =	shalt  }
0x7b: {  	_ =	shalt  }
0x7c: {  	_ =	shalt  }
0x7d: {  	_ =	shalt  }
0x7e: {  	_ =	shalt  }
0x7f: {  	_ =	shalt  }
0x80: {  	_ =	shalt  }
0x81: {  	_ =	shalt  }
0x82: {  	_ =	shalt  }
0x83: {  	_ =	shalt  }
0x84: {  	_ =	shalt  }
0x85: {  	_ =	shalt  }
0x86: {  	_ =	shalt  }
0x87: {  	_ =	shalt  }
.Lfunc_end0:
.L_simem_size_0:
called_computation_lowered:
.L_overlay_start_0:
0x88: {  	s2 =	sld [smem:$0x3FD9]  }
0x89: {  	s3 =	sld [smem:$0x3FFE];
	_ =	sdelay $0x1  }
0x8a: {  	s1 =	srdreg.scid  }
0x8b: {  	s0 =	sand.u32 $0x1, s1  }
0x8c: {  	s17 =	sshll.u32 s0, $0xA;
	s2 =	sadd.s32 s3, s2  }
0x8d: {  	s2 =	sadd.s32 s2, s17  }
0x8e: {  	[smem:$0x3FC6] =	sst s2  }
0x8f: {  	_ = 	snop  }
0x90: {  	s2 =	sld [smem:$0x3FD0];
	(tm) =	ssettm $0x1  }
0x91: {  	s18 =	sld [smem:$0x3FFB];
	_ =	sdelay $0x3  }
0x92: {  	_ =	strace s18  }
0x93: {  	s3 =	sld [smem:$0x3FFC];
	_ =	sdelay $0x3  }
0x94: {  	_ =	strace s3  }
0x95: {  	s3 =	sld [smem:$0x3FFD];
	_ =	sdelay $0x3  }
0x96: {  	_ =	strace s3  }
0x97: {  	_ =	strace $0x8FFFFFFF  }
0x98: {  	s19 =	sld [smem:$0x3FDB];
	_ =	sdelay $0x1  }
0x99: {  	s4 =	simm.s32 $_scs_section_size  }
0x9a: {  	s5 =	simm.s32 $_size__tile_overlayer_lowered;
	s6 =	simm.s32 $_tile_overlayer_lowered  }
0x9b: {  	s22 =	simm.s32 $0x1BFF;
	s21 =	sshll.u32 s6, $0x1;
	s3 =	sadd.s32 s4, s19  }
0x9c: {  	s7 =	simm.s32 $0x0;
	s20 =	sshll.u32 s5, $0x1;
	s5 =	sadd.s32 s21, s3  }
0x9d: {  	[timem:s7], [sflag:s22] =	dma.local [hbm:s5], s20  }
0x9e: {  	_ =	swait.ge [sflag:s22], s20  }
0x9f: {  	s4 =	ssub.s32 $0x0, s20;
	[sflag:s22] =	ssyncset.done $0x0  }
0xa0: {  	[sflag:s22] =	ssyncadd.s32 s4;
	_ =	sdelay $0x1  }
0xa1: {  	s23 =	simm.s32 $0x1B8B  }
0xa2: {  	_ =	swait.ge [sflag:s23], $0x1  }
0xa3: {  	[sflag:s23] =	ssyncset.done $0x0  }
0xa4: {  	s25 =	simm.s32 $0x1B8E;
	s24 =	sld [smem:$0x3FFE];
	[sflag:s23] =	ssyncadd.s32 $0xFFFFFFFF  }
0xa5: {  	s26 =	simm.s32 $execute0_lowered;
	[smem:$0x3FD2] =	sst s25  }
0xa6: {  	s5 =	sshll.u32 s26, $0x1;
	_ =	strace $0x80000046;
	[dreg:$0x1] =	wrdreg $0xFFFFFFFF  }
0xa7: {  	s28 =	simm.s32 $_size_execute0_lowered;
	s3 =	sadd.s32 s3, s5;
	[dreg:$0x0] =	wrdreg $0x0  }
0xa8: {  	s5 =	sshll.u32 s28, $0x1;
	[dreg:$0x2] =	wrdreg s3  }
0xa9: {  	[dreg:$0x3] =	wrdreg s5  }
0xaa: {  	[dreg:$0x4] =	wrdreg $0xC0  }
0xab: {  	_ =	task [dreg:s7], $0x5FFFF  }
0xac: {  	[dreg:$0x1] =	wrdreg $0xFFFFFFFF  }
0xad: {  	[dreg:$0x0] =	wrdreg $0x60  }
0xae: {  	[dreg:$0x2] =	wrdreg s24  }
0xaf: {  	[dreg:$0x3] =	wrdreg s2  }
0xb0: {  	[dreg:$0x4] =	wrdreg $0x9  }
0xb1: {  	_ =	task.clear_ibuf [dreg:s7], $0x5FFFF;
	_ =	strace $0x90000046  }
0xb2: {  	s29 =	simm.s32 $0x9;
	_ =	strace $0x80000048  }
0xb3: {  	_ =	swait.ge [sflag:s29], $0x1  }
0xb4: {  	[sflag:s29] =	ssyncadd.s32 $0xFFFFFFFF  }
0xb5: {  	_ =	strace $0x90000048  }
0xb6: {  	_ =	sfence  }
0xb7: {  	s30 =	sld [smem:$0x0];
	_ =	sdelay $0x2  }
0xb8: {  	s31 =	sshll.u32 s1, $0xD;
	s1 =	sshrl.u32 s1, $0x2  }
0xb9: {  	s3 =	sand.u32 $0x4000, s31;
	s1 =	sadd.s32 s1, s30  }
0xba: {  	s0 =	sor.u32 s3, s0;
	s1 =	sshll.u32 s1, $0x11  }
0xbb: {  	s0 =	sor.u32 s1, s0  }
0xbc: {  	s0 =	sadd.s32 $0x8F2B, s0  }
0xbd: {  	[sflag:s0] =	ssyncadd.remote.s32 $0x1  }
0xbe: {  	_ =	sfence.sel $0xFFFF  }
0xbf: {  	[dreg:$0x0] =	wrdreg $0xFFFFFFFF;
	(pc) =	sbr.abs _section_cstart, $3  }
0xc0: {  	[dreg:$0x1] =	wrdreg $0xFFFFFFFF  }
0xc1: {  	_ =	task.clear_ibuf [dreg:s7], $0x2FFFF;
	_ =	strace $0x9FFFFFFF  }
0xc2: {  	(tm) =	ssettm $0x7FFFFFFF  }
0xc3: {  	_ =	shalt  }
tec
execute0_lowered:
.L_overlay_start_1:
0x0: {  	(tag) =	ssettag $0x1  }
0x1: {  	s0 =	rddreg [dreg:$0x0];
	s3 =	simm.s32 $0x0;
	s1 =	srdreg.scid  }
0x2: {  	s16 =	stileid.u32;
	[smem:$0x7FF] =	sst s3;
	s1 =	sand.u32 $0x1, s1  }
0x3: {  	s2 =	sshll.u32 s16, $0x1;
	s4 =	sadd.s32 $0xA00, s0;
	s6 =	sadd.s32 $0x22A00, s0  }
0x4: {  	s28 =	sadd.s32 $0xE00, s0;
	_ =	strace $0x80000047;
	[dreg:$0x14] =	wrdreg s4  }
0x5: {  	s29 =	sshll.u32 s16, $0xA;
	s17 =	sshll.u32 s16, $0xC;
	[dreg:$0x1a] =	wrdreg s28  }
0x6: {  	s18 =	sadd.s32 $0x1200, s0;
	s19 =	sadd.s32 $0x1600, s0;
	[dreg:$0x1b] =	wrdreg s17  }
0x7: {  	s2 =	sor.u32 s1, s2;
	s5 =	ssub.s32 $0x2, s1;
	[dreg:$0x1c] =	wrdreg s18  }
0x8: {  	s1 =	sshll.u32 s1, $0x4;
	[dreg:$0x1d] =	wrdreg s19;
	s21 =	sshll.u32 s2, $0xC  }
0x9: {  	s22 =	sshll.u32 s2, $0x5;
	s2 =	sor.u32 s1, s29;
	s1 =	sadd.s32 s6, s1  }
0xa: {  	[dreg:$0x1f] =	wrdreg s1  }
0xb: {  	s2 =	sadd.s32 s6, s2;
	[dreg:$0x15] =	wrdreg s22  }
0xc: {  	s4 =	sadd.s32 s21, s0;
	s0 =	sadd.s32 $0x2C00, s0;
	[dreg:$0x1e] =	wrdreg s2  }
0xd: {  	s20 =	simm.s32 $0x10000;
	s30 =	sor.u32 $0x1D, s22;
	[smem:$0x7FB] =	sst s0  }
0xe: {  	s7 =	sshrl.u32 s5, $0x1;
	s23 =	sadd.s32 $0x2A00, s4;
	[smem:$0x7FC] =	sst s30  }
.Ltmp0:
0xf: {  	s24 =	sadd.s32 $0x2A80, s4;
	[dreg:$0x16] =	wrdreg s23;
	(pc) =	sbr.rel .LBB2_1-.Ltmp0, $4  }
0x10: {  	s5 =	ssub.s32 s5, s7;
	s25 =	sadd.s32 $0x2B00, s4;
	[dreg:$0x17] =	wrdreg s24  }
0x11: {  	s21 =	simm.s32 $0x12000;
	s26 =	sadd.s32 $0x2B80, s4;
	[dreg:$0x18] =	wrdreg s25  }
0x12: {  	v0 =	vlaneseq.u32;
	s22 =	simm.s32 $0x7;
	s31 =	smax.u32 s5, $0x1;
	[dreg:$0x19] =	wrdreg s26  }
0x13: {  	v0 =	vmul.u32 $0x10, v0;
	s2 =	simm.s32 $0x0;
	[smem:$0x7FD] =	sst s31;
	s23 =	simm.s32 $0x8  }
.LBB2_22:
0x14: {  	s0 =	simm.s32 $0x5  }
0x15: {  	_ =	swait.ge [sflag:s0], $0x4000  }
0x16: {  	[sflag:s0] =	ssyncset.done $0x0  }
0x17: {  	s1 =	simm.s32 $0x6;
	[sflag:s0] =	ssyncadd.s32 $0xFFFFC000  }
0x18: {  	_ =	swait.ge [sflag:s1], $0x4000  }
0x19: {  	s2 =	sld [smem:$0x7FA]  }
0x1a: {  	s31 =	sld [smem:$0x7FD];
	_ =	sdelay $0x1  }
0x1b: {  	s2 =	sadd.s32 $0x1, s2  }
0x1c: {  	p0 =	sne.s32 s2, s31  }
.Ltmp1:
0x1d: {  	_ = 	snop;
	(pc) =	sbr.rel @!p0 .LBB2_23-.Ltmp1, $4  }
0x1e: {  	s16 =	stileid.u32  }
0x1f: {  	s20 =	simm.s32 $0x10000;
	s21 =	simm.s32 $0x12000;
	s17 =	rddreg [dreg:$0x1b]  }
0x20: {  	s22 =	simm.s32 $0x7;
	[sflag:s1] =	ssyncset.done $0x0;
	s18 =	rddreg [dreg:$0x1c]  }
0x21: {  	s23 =	simm.s32 $0x8;
	s19 =	rddreg [dreg:$0x1d];
	[sflag:s1] =	ssyncadd.s32 $0xFFFFC000  }
.LBB2_1:
0x22: {  	[smem:$0x7FA] =	sst s2  }
0x23: {  	s0 =	rddreg [dreg:$0x16];
	s1 =	simm.s32 $0x14000  }
0x24: {  	[tilespmem:s1], [sflag:$0x1] =	stream.linear.gather [hbm4b:s0+s3], $0x400, $0x38;
	[tilespmem:$0x1D000] =	vst v63  }
0x25: {  	s15 =	rddreg [dreg:$0x17];
	s24 =	simm.s32 $0x14400  }
0x26: {  	[tilespmem:s24], [sflag:$0x2] =	stream.linear.gather [hbm4b:s15+s3], $0x400, $0x38;
	[tilespmem:$0x1D000] =	vst v63  }
0x27: {  	s25 =	rddreg [dreg:$0x18];
	s26 =	simm.s32 $0x14800  }
0x28: {  	[tilespmem:s26], [sflag:$0x3] =	stream.linear.gather [hbm4b:s25+s3], $0x400, $0x38;
	[tilespmem:$0x1D000] =	vst v63  }
0x29: {  	s28 =	rddreg [dreg:$0x19];
	s29 =	simm.s32 $0x14C00  }
0x2a: {  	[tilespmem:s29], [sflag:$0x4] =	stream.linear.gather [hbm4b:s28+s3], $0x400, $0x38;
	[tilespmem:$0x1D000] =	vst v63  }
0x2b: {  	s30 =	rddreg [dreg:$0x14]  }
0x2c: {  	[tilespmem:s20], [sflag:$0x7] =	stream.linear.gather [hbm4b:s30+s3], $0x2000, $0x38;
	[tilespmem:$0x1D000] =	vst v63  }
0x2d: {  	s31 =	rddreg [dreg:$0x1a];
	s4 =	simm.s32 $0x0  }
0x2e: {  	[tilespmem:s21], [sflag:$0x8] =	stream.linear.gather [hbm4b:s31+s3], $0x2000, $0x38;
	[tilespmem:$0x1D000] =	vst v63  }
.LBB2_2:
0x2f: {  	s0 =	simm.s32 $0x300  }
0x30: {  	s1 =	simm.s32 $0x0;
	s0 =	sor.u32 s16, s0  }
0x31: {  	s25 =	sor.u32 s16, s1;
	v1 =	vor.u32 s0, v0  }
0x32: {  	v2 =	vor.u32 s25, v0  }
0x33: {  	_ =	swait.ge [sflag:s22], $0x2000  }
0x34: {  	s26 =	simm.s32 $0x100;
	[sflag:s22] =	ssyncset.done $0x0  }
0x35: {  	s28 =	simm.s32 $0x200;
	[sflag:s22] =	ssyncadd.s32 $0xFFFFE000;
	s0 =	sor.u32 s16, s26  }
0x36: {  	s29 =	sor.u32 s16, s28;
	v3 =	vor.u32 s0, v0;
	v4 =	vld.idx.msk [tilespmem:v1+s20+$0x0], $0xffff  }
0x37: {  	v1 =	vor.u32 s29, v0;
	v17 =	vld.idx.msk [tilespmem:v2+s20+$0x0], $0xffff;
	_ =	sdelay $0x2  }
0x38: {  	s30 =	simm.s32 $0x700  }
0x39: {  	s0 =	sor.u32 s16, s30;
	v2 =	vld.idx.msk [tilespmem:v3+s20+$0x0], $0xffff;
	v6 =	vsub.f32 $0.0e+00, v4  }
0x3a: {  	s31 =	simm.s32 $0x400;
	v3 =	vor.u32 s0, v0;
	v5 =	vld.idx.msk [tilespmem:v1+s20+$0x0], $0xffff;
	v1 =	vsub.f32 $0.0e+00, v17  }
0x3b: {  	s2 =	sor.u32 s16, s31;
	v6 =	vmul.f32 $1.442695020e+00, v6  }
0x3c: {  	v7 =	vor.u32 s2, v0;
	v8 =	vmul.f32 $1.442695020e+00, v1  }
0x3d: {  	(erf) = vpow2.f32 v6  }
0x3e: {  	s5 =	simm.s32 $0x500;
	(erf) = vpow2.f32 v8  }
0x3f: {  	s6 =	simm.s32 $0x600;
	s0 =	sor.u32 s16, s5;
	v10 =	vsub.f32 $0.0e+00, v2;
	v1 =	vld.idx.msk [tilespmem:v3+s20+$0x0], $0xffff  }
0x40: {  	v9 =	vor.u32 s0, v0;
	s0 =	sor.u32 s16, s6  }
0x41: {  	v6 =	vld.idx.msk [tilespmem:v7+s20+$0x0], $0xffff;
	v7 =	vmul.f32 $1.442695020e+00, v10;
	v8 =	vor.u32 s0, v0  }
0x42: {  	v3 =	vsub.f32 $0.0e+00, v5  }
0x43: {  	s7 =	simm.s32 $0xB00;
	s8 =	simm.s32 $0x800;
	(erf) = vpow2.f32 v7  }
0x44: {  	s9 =	sor.u32 s16, s8;
	s0 =	sor.u32 s16, s7;
	v10 =	vmul.f32 $1.442695020e+00, v3;
	v7 =	vsub.f32 $0.0e+00, v1  }
0x45: {  	s2 =	simm.s32 $0x900;
	v11 =	vor.u32 s9, v0;
	s5 =	simm.s32 $0xA00;
	v3 =	vld.idx.msk [tilespmem:v9+s20+$0x0], $0xffff;
	v9 =	vor.u32 s0, v0  }
0x46: {  	s10 =	sor.u32 s16, s2;
	s11 =	sor.u32 s16, s5;
	(erf) = vpow2.f32 v10;
	v10 =	vsub.f32 $0.0e+00, v6;
	v12 =	vmul.f32 $1.442695020e+00, v7;
	v7 =	vld.idx.msk [tilespmem:v8+s20+$0x0], $0xffff;
	v8 =	vpop (erf)  }
0x47: {  	v13 =	vor.u32 s10, v0;
	v14 =	vor.u32 s11, v0;
	v16 =	vadd.f32 $1.000000000e+00, v8;
	v8 =	vpop (erf)  }
0x48: {  	v10 =	vmul.f32 $1.442695020e+00, v10;
	(erf) = vpow2.f32 v12;
	v12 =	vadd.f32 $1.000000000e+00, v8;
	_ =	sdelay $0x1  }
0x49: {  	v15 =	vsub.f32 $0.0e+00, v3;
	(erf) = vpow2.f32 v10;
	v8 =	vld.idx.msk [tilespmem:v9+s20+$0x0], $0xffff  }
0x4a: {  	v10 =	vld.idx.msk [tilespmem:v11+s20+$0x0], $0xffff;
	(erf) = vrcp.f32 v16  }
0x4b: {  	v15 =	vmul.f32 $1.442695020e+00, v15;
	v9 =	vld.idx.msk [tilespmem:v14+s20+$0x0], $0xffff;
	(erf) = vrcp.f32 v12;
	v12 =	vpop (erf)  }
0x4c: {  	v11 =	vsub.f32 $0.0e+00, v7;
	v14 =	vadd.f32 $1.000000000e+00, v12;
	v12 =	vld.idx.msk [tilespmem:v13+s20+$0x0], $0xffff  }
0x4d: {  	s13 =	simm.s32 $0xC00;
	(erf) = vpow2.f32 v15  }
0x4e: {  	s1 =	sor.u32 s16, s13;
	s5 =	simm.s32 $0xF00;
	v11 =	vmul.f32 $1.442695020e+00, v11;
	v13 =	vpop (erf);
	(erf) = vrcp.f32 v14;
	v14 =	vsub.f32 $0.0e+00, v8  }
0x4f: {  	s12 =	sshll.u32 s4, $0xA;
	v21 =	vor.u32 s1, v0;
	s14 =	sor.u32 s16, s5;
	v13 =	vadd.f32 $1.000000000e+00, v13  }
0x50: {  	s15 =	simm.s32 $0x30;
	s24 =	simm.s32 $0xD00;
	s8 =	simm.s32 $0xE00;
	v19 =	vor.u32 s14, v0;
	(erf) = vpow2.f32 v11;
	v15 =	vmul.f32 $1.442695020e+00, v14  }
0x51: {  	s28 =	sand.u32 $0x180, s15;
	s26 =	sor.u32 s16, s8;
	s30 =	simm.s32 $0x0;
	v11 =	vsub.f32 $0.0e+00, v10;
	(erf) = vrcp.f32 v13;
	v22 =	vsub.f32 $0.0e+00, v12  }
0x52: {  	s25 =	sor.u32 s16, s24;
	s2 =	simm.s32 $0x70;
	s9 =	sand.u32 $0x180, s30;
	v16 =	vpop (erf);
	v13 =	vsub.f32 $0.0e+00, v9;
	(erf) = vpow2.f32 v15;
	v15 =	vor.u32 s26, v0  }
0x53: {  	s8 =	sand.u32 $0x40, s30;
	s10 =	simm.s32 $0x10;
	s0 =	sand.u32 $0x3FFFFC00, s12;
	v23 =	vpop (erf);
	v20 =	vmul.f32 $1.442695020e+00, v11  }
0x54: {  	s6 =	simm.s32 $0xC;
	s11 =	simm.s32 $0x20;
	s7 =	sadd.s32 s0, s17;
	v24 =	vadd.f32 $1.000000000e+00, v16;
	v14 =	vor.u32 s25, v0;
	v16 =	vpop (erf);
	v18 =	vmul.f32 $1.442695020e+00, v13  }
0x55: {  	s0 =	sand.u32 $0x70, s15;
	s29 =	sadd.s32 s28, s7;
	s31 =	sadd.s32 s9, s7;
	v11 =	vld.idx.msk [tilespmem:v19+s20+$0x0], $0xffff;
	v19 =	vmul.f32 $1.442695020e+00, v22;
	(erf) = vpow2.f32 v20;
	v20 =	vadd.f32 $1.000000000e+00, v23;
	v22 =	vpop (erf)  }
0x56: {  	s9 =	sand.u32 $0x60, s11;
	s0 =	sadd.s32 s0, s29;
	s8 =	sadd.s32 s8, s31;
	v13 =	vld.idx.msk [tilespmem:v21+s20+$0x0], $0xffff;
	(erf) = vrcp.f32 v24;
	v21 =	vpop (erf);
	v17 =	vmul.f32 v22, v17  }
.LBB2_3:
0x57: {  	s6 =	sadd.s32 $0x4, s6;
	v22 =	vld.idx.msk [tilespmem:v15+s20+$0x0], $0xffff;
	v15 =	vadd.f32 $1.000000000e+00, v21;
	(erf) = vrcp.f32 v20;
	v20 =	vpop (erf)  }
0x58: {  	s12 =	sand.u32 $0x180, s10;
	s11 =	sand.u32 $0x180, s11;
	v16 =	vmul.f32 v16, v4;
	v4 =	vmovc v1;
	v1 =	vmovc v8;
	v23 =	vmov v6;
	v6 =	vmov v10;
	s1 =	smov.u32 s2  }
0x59: {  	s5 =	sadd.s32 $0x400, s5;
	v24 =	vld.idx.msk [tilespmem:v14+s20+$0x0], $0xffff;
	(erf) = vpow2.f32 v19;
	v8 =	vpop (erf);
	[tilespmem:s8+$0x0] =	vst v17;
	v17 =	vmul.f32 v20, v2;
	s8 =	sand.u32 $0x50, s10;
	s10 =	sadd.s32 s11, s7;
	v2 =	vmov v3  }
0x5a: {  	s11 =	sadd.s32 $0xFFFFFD00, s5;
	s13 =	sor.u32 s16, s5;
	v3 =	vmov v12;
	v14 =	vadd.f32 $1.000000000e+00, v8;
	(erf) = vrcp.f32 v15;
	s9 =	sadd.s32 s9, s10;
	v10 =	vpop (erf)  }
0x5b: {  	s14 =	sadd.s32 $0xFFFFFF00, s5;
	s12 =	sadd.s32 s12, s7;
	s10 =	sadd.s32 $0xFFFFFE00, s5;
	v12 =	vor.u32 s13, v0;
	(erf) = vpow2.f32 v18;
	v15 =	vmul.f32 v10, v5;
	v5 =	vmovc v7;
	v7 =	vmovc v9  }
0x5c: {  	s11 =	sor.u32 s16, s11;
	s8 =	sadd.s32 s8, s12;
	v8 =	vmov v11;
	s10 =	sor.u32 s16, s10;
	v9 =	vsub.f32 $0.0e+00, v11;
	(erf) = vrcp.f32 v14;
	[tilespmem:s0+$0x0] =	vst v16  }
0x5d: {  	p0 =	slt.u32 s6, $0x1C;
	v21 =	vor.u32 s11, v0;
	v14 =	vor.u32 s10, v0;
	s0 =	sor.u32 s16, s14;
	v11 =	vsub.f32 $0.0e+00, v13;
	s10 =	sand.u32 $0x180, s2;
	v10 =	vmovc v13;
	[tilespmem:s9+$0x0] =	vst v15  }
.Ltmp2:
0x5e: {  	v15 =	vor.u32 s0, v0;
	v13 =	vsub.f32 $0.0e+00, v22;
	v26 =	vmul.f32 $1.442695020e+00, v9;
	s0 =	sadd.s32 s10, s7;
	v16 =	vpop (erf);
	[tilespmem:s8+$0x0] =	vst v17;
	(pc) =	sbr.rel @p0 .LBB2_3-.Ltmp2, $4  }
0x5f: {  	s9 =	sand.u32 $0x70, s2;
	v17 =	vmul.f32 $1.442695020e+00, v11;
	v19 =	vsub.f32 $0.0e+00, v24;
	s8 =	sadd.s32 $0xFFFFFFD0, s2;
	v25 =	vadd.f32 $1.000000000e+00, v16;
	v16 =	vpop (erf)  }
0x60: {  	s0 =	sadd.s32 s9, s0;
	v18 =	vmul.f32 $1.442695020e+00, v13;
	s10 =	sand.u32 $0x180, s8;
	s8 =	sand.u32 $0x40, s8;
	v11 =	vld.idx.msk [tilespmem:v12+s20+$0x0], $0xffff;
	(erf) = vpow2.f32 v26;
	v20 =	vadd.f32 $1.000000000e+00, v16;
	v16 =	vpop (erf)  }
0x61: {  	s11 =	sadd.s32 $0xFFFFFFF0, s1;
	s2 =	sadd.s32 $0x40, s2;
	v9 =	vmov v22;
	v19 =	vmul.f32 $1.442695020e+00, v19;
	s9 =	sadd.s32 s10, s7;
	(erf) = vpow2.f32 v17;
	v12 =	vpop (erf)  }
0x62: {  	s10 =	sadd.s32 $0xFFFFFFE0, s1;
	s8 =	sadd.s32 s8, s9;
	s9 =	sand.u32 $0x60, s11;
	v13 =	vld.idx.msk [tilespmem:v21+s20+$0x0], $0xffff;
	v21 =	vpop (erf);
	(erf) = vrcp.f32 v25;
	v17 =	vmul.f32 v12, v23;
	v12 =	vmov v24  }
0x63: {  	(erf) = vrcp.f32 v20  }
0x64: {  	(erf) = vpow2.f32 v19;
	v19 =	vadd.f32 $1.000000000e+00, v21  }
0x65: {  	v20 =	vpop (erf)  }
0x66: {  	v21 =	vpop (erf);
	v22 =	vsub.f32 $0.0e+00, v11  }
0x67: {  	v21 =	vadd.f32 $1.000000000e+00, v21;
	(erf) = vrcp.f32 v19;
	v23 =	vsub.f32 $0.0e+00, v13  }
0x68: {  	v14 =	vld.idx.msk [tilespmem:v14+s20+$0x0], $0xffff;
	v19 =	vpop (erf);
	(erf) = vpow2.f32 v18;
	v18 =	vmul.f32 $1.442695020e+00, v22  }
0x69: {  	v15 =	vld.idx.msk [tilespmem:v15+s20+$0x0], $0xffff;
	(erf) = vrcp.f32 v21;
	v21 =	vmul.f32 $1.442695020e+00, v23  }
0x6a: {  	v22 =	vpop (erf)  }
0x6b: {  	v23 =	vpop (erf)  }
0x6c: {  	(erf) = vpow2.f32 v18;
	v18 =	vpop (erf)  }
0x6d: {  	v24 =	vsub.f32 $0.0e+00, v14;
	v22 =	vadd.f32 $1.000000000e+00, v22;
	(erf) = vpow2.f32 v21;
	v21 =	vpop (erf)  }
0x6e: {  	v25 =	vsub.f32 $0.0e+00, v15;
	v23 =	vadd.f32 $1.000000000e+00, v23;
	v26 =	vpop (erf)  }
0x6f: {  	v24 =	vmul.f32 $1.442695020e+00, v24;
	(erf) = vrcp.f32 v22;
	v22 =	vadd.f32 $1.000000000e+00, v26  }
0x70: {  	(erf) = vrcp.f32 v23;
	v23 =	vmul.f32 $1.442695020e+00, v25  }
0x71: {  	(erf) = vpow2.f32 v24  }
0x72: {  	(erf) = vrcp.f32 v22  }
0x73: {  	s1 =	sand.u32 $0x180, s11;
	s5 =	sand.u32 $0x180, s10;
	s6 =	sand.u32 $0x50, s10;
	v22 =	vpop (erf);
	(erf) = vpow2.f32 v23  }
0x74: {  	s13 =	sand.u32 $0x180, s2;
	s14 =	sadd.s32 $0xFFFFFFD0, s2;
	s15 =	sand.u32 $0x70, s2;
	v23 =	vpop (erf)  }
0x75: {  	s26 =	sadd.s32 $0xFFFFFFF0, s2;
	s12 =	sadd.s32 $0x40, s2;
	s28 =	sadd.s32 $0xFFFFFFE0, s2;
	v58 =	vpop (erf)  }
0x76: {  	p0 =	seq.s32 s4, $0x3;
	s1 =	sadd.s32 s1, s7;
	s5 =	sadd.s32 s5, s7;
	v59 =	vpop (erf)  }
0x77: {  	s24 =	sand.u32 $0x180, s14;
	s29 =	sand.u32 $0x60, s26;
	s11 =	sand.u32 $0x180, s26;
	v60 =	vpop (erf)  }
0x78: {  	s2 =	sand.u32 $0x50, s28;
	s31 =	sand.u32 $0x180, s12;
	s26 =	sadd.s32 $0xFFFFFFF0, s12;
	v27 =	vpop (erf)  }
0x79: {  	s1 =	sadd.s32 s9, s1;
	s5 =	sadd.s32 s6, s5;
	s6 =	sadd.s32 s13, s7;
	v23 =	vadd.f32 $1.000000000e+00, v23;
	v28 =	vpop (erf)  }
0x7a: {  	s9 =	sand.u32 $0x40, s14;
	s25 =	sadd.s32 s24, s7;
	s13 =	sand.u32 $0x180, s28;
	v25 =	vadd.f32 $1.000000000e+00, v59;
	v29 =	vpop (erf)  }
0x7b: {  	v4 =	vmul.f32 v16, v4;
	s11 =	sadd.s32 s11, s7;
	s14 =	sadd.s32 $0xFFFFFFD0, s12;
	s28 =	sadd.s32 $0x40, s12;
	(erf) = vrcp.f32 v23;
	v23 =	vadd.f32 $1.000000000e+00, v60;
	v61 =	vpop (erf)  }
0x7c: {  	[tilespmem:s8+$0x0] =	vst v17;
	v2 =	vmul.f32 v20, v2;
	s8 =	sand.u32 $0x60, s26;
	s6 =	sadd.s32 s15, s6;
	s9 =	sadd.s32 s9, s25;
	(erf) = vrcp.f32 v25;
	v16 =	vadd.f32 $1.000000000e+00, v29;
	v62 =	vpop (erf)  }
0x7d: {  	[tilespmem:s0+$0x0] =	vst v4;
	s10 =	sadd.s32 s29, s11;
	s30 =	sadd.s32 s13, s7;
	s13 =	sadd.s32 s31, s7;
	v5 =	vmul.f32 v19, v5;
	(erf) = vrcp.f32 v23;
	v17 =	vadd.f32 $1.000000000e+00, v62  }
0x7e: {  	s15 =	sand.u32 $0x70, s12;
	s24 =	sand.u32 $0x180, s14;
	s11 =	sand.u32 $0x40, s14;
	[tilespmem:s5+$0x0] =	vst v2;
	v1 =	vmul.f32 v18, v1;
	(erf) = vrcp.f32 v16  }
0x7f: {  	s29 =	sand.u32 $0x180, s26;
	s26 =	sadd.s32 $0xFFFFFFF0, s28;
	s5 =	sadd.s32 $0xFFFFFFE0, s28;
	[tilespmem:s1+$0x0] =	vst v5;
	v4 =	vmul.f32 v21, v6;
	(erf) = vrcp.f32 v17  }
0x80: {  	s2 =	sadd.s32 s2, s30;
	s0 =	sadd.s32 s15, s13;
	s25 =	sadd.s32 s24, s7;
	[tilespmem:s6+$0x0] =	vst v1;
	v3 =	vmul.f32 v22, v3;
	v2 =	vmul.f32 v58, v7  }
0x81: {  	s30 =	sadd.s32 $0xFFFFFFE0, s12;
	s12 =	sadd.s32 $0xFFFFFFD0, s28;
	s24 =	sand.u32 $0x70, s28;
	[tilespmem:s9+$0x0] =	vst v4  }
0x82: {  	s31 =	sand.u32 $0x180, s30;
	s15 =	sand.u32 $0x180, s12;
	s1 =	sadd.s32 s11, s25;
	[tilespmem:s10+$0x0] =	vst v2;
	v2 =	vmul.f32 v27, v8  }
0x83: {  	s11 =	sadd.s32 s29, s7;
	s25 =	sand.u32 $0x40, s12;
	s29 =	sand.u32 $0x180, s5;
	[tilespmem:s2+$0x0] =	vst v3;
	v1 =	vmul.f32 v28, v10  }
0x84: {  	s8 =	sadd.s32 s8, s11;
	s6 =	sadd.s32 s31, s7;
	s9 =	sand.u32 $0x50, s30;
	[tilespmem:s0+$0x0] =	vst v2;
	v4 =	vmul.f32 v61, v12;
	v3 =	vpop (erf)  }
0x85: {  	s11 =	sand.u32 $0x180, s28;
	s28 =	sand.u32 $0x60, s26;
	s13 =	sadd.s32 s9, s6;
	[tilespmem:s1+$0x0] =	vst v1;
	v1 =	vmul.f32 v3, v9;
	v3 =	vpop (erf)  }
0x86: {  	s14 =	sadd.s32 s11, s7;
	s31 =	sadd.s32 s29, s7;
	s30 =	sand.u32 $0x50, s5;
	[tilespmem:s13+$0x0] =	vst v4;
	v2 =	vpop (erf);
	v3 =	vmul.f32 v3, v11  }
0x87: {  	s9 =	sadd.s32 s15, s7;
	s0 =	sand.u32 $0x180, s26;
	s1 =	sadd.s32 s24, s14;
	[tilespmem:s8+$0x0] =	vst v1;
	v1 =	vmul.f32 v2, v13;
	v2 =	vpop (erf)  }
0x88: {  	s6 =	sshll.u32 s4, $0xB;
	s9 =	sadd.s32 s25, s9;
	s0 =	sadd.s32 s0, s7;
	[tilespmem:s1+$0x0] =	vst v3;
	v2 =	vmul.f32 v2, v14;
	v4 =	vpop (erf)  }
0x89: {  	s2 =	sadd.s32 s30, s31;
	s0 =	sadd.s32 s28, s0;
	s8 =	simm.s32 $0x300;
	[tilespmem:s9+$0x0] =	vst v1;
	v1 =	vmul.f32 v4, v15  }
0x8a: {  	s1 =	sor.u32 s16, s8;
	s8 =	simm.s32 @!p0 $0x10000;
	s9 =	simm.s32 $0x0;
	[tilespmem:s2+$0x0] =	vst v2  }
0x8b: {  	s10 =	sor.u32 s16, s9;
	s2 =	simm.s32 @!p0 $0x0;
	[tilespmem:s0+$0x0] =	vst v1;
	s0 =	sadd.s32 @!p0 s6, s18;
	v1 =	vor.u32 s1, v0  }
0x8c: {  	v2 =	vor.u32 s10, v0;
	[tilespmem:s8], [sflag:$0x7] =	stream.linear.gather @!p0 [hbm4b:s0+s2], $0x2000, $0x38;
	[tilespmem:$0x1D000] =	vst v63  }
0x8d: {  	_ =	swait.ge [sflag:s23], $0x2000  }
0x8e: {  	s11 =	simm.s32 $0x100;
	[sflag:s23] =	ssyncset.done $0x0  }
0x8f: {  	s12 =	simm.s32 $0x200;
	s0 =	sor.u32 s16, s11;
	[sflag:s23] =	ssyncadd.s32 $0xFFFFE000  }
0x90: {  	s13 =	sor.u32 s16, s12;
	v3 =	vor.u32 s0, v0;
	v4 =	vld.idx.msk [tilespmem:v1+s21+$0x0], $0xffff  }
0x91: {  	v1 =	vor.u32 s13, v0;
	v17 =	vld.idx.msk [tilespmem:v2+s21+$0x0], $0xffff;
	_ =	sdelay $0x2  }
0x92: {  	s14 =	simm.s32 $0x700  }
0x93: {  	s0 =	sor.u32 s16, s14;
	v2 =	vld.idx.msk [tilespmem:v3+s21+$0x0], $0xffff;
	v6 =	vsub.f32 $0.0e+00, v4  }
0x94: {  	s15 =	simm.s32 $0x400;
	v3 =	vor.u32 s0, v0;
	v5 =	vld.idx.msk [tilespmem:v1+s21+$0x0], $0xffff;
	v1 =	vsub.f32 $0.0e+00, v17  }
0x95: {  	s24 =	sor.u32 s16, s15;
	v6 =	vmul.f32 $1.442695020e+00, v6  }
0x96: {  	v7 =	vor.u32 s24, v0;
	v8 =	vmul.f32 $1.442695020e+00, v1  }
0x97: {  	s25 =	simm.s32 $0x500;
	(erf) = vpow2.f32 v6  }
0x98: {  	s0 =	sor.u32 s16, s25;
	(erf) = vpow2.f32 v8  }
0x99: {  	s26 =	simm.s32 $0x600;
	v9 =	vor.u32 s0, v0;
	v10 =	vsub.f32 $0.0e+00, v2;
	v1 =	vld.idx.msk [tilespmem:v3+s21+$0x0], $0xffff  }
0x9a: {  	s0 =	sor.u32 s16, s26  }
0x9b: {  	v6 =	vld.idx.msk [tilespmem:v7+s21+$0x0], $0xffff;
	v7 =	vmul.f32 $1.442695020e+00, v10;
	v8 =	vor.u32 s0, v0  }
0x9c: {  	v3 =	vsub.f32 $0.0e+00, v5  }
0x9d: {  	s28 =	simm.s32 $0xB00;
	(erf) = vpow2.f32 v7  }
0x9e: {  	s0 =	sor.u32 s16, s28;
	v10 =	vmul.f32 $1.442695020e+00, v3;
	v3 =	vld.idx.msk [tilespmem:v9+s21+$0x0], $0xffff;
	v7 =	vsub.f32 $0.0e+00, v1  }
0x9f: {  	s29 =	simm.s32 $0x800;
	v9 =	vor.u32 s0, v0  }
0xa0: {  	s8 =	sor.u32 s16, s29;
	(erf) = vpow2.f32 v10;
	v10 =	vsub.f32 $0.0e+00, v6;
	v12 =	vmul.f32 $1.442695020e+00, v7;
	v7 =	vld.idx.msk [tilespmem:v8+s21+$0x0], $0xffff;
	v8 =	vpop (erf)  }
0xa1: {  	s31 =	simm.s32 $0xA00;
	v11 =	vor.u32 s8, v0;
	v16 =	vadd.f32 $1.000000000e+00, v8;
	v8 =	vpop (erf)  }
0xa2: {  	s30 =	simm.s32 $0x900;
	s10 =	sor.u32 s16, s31;
	v10 =	vmul.f32 $1.442695020e+00, v10;
	(erf) = vpow2.f32 v12;
	v12 =	vadd.f32 $1.000000000e+00, v8  }
0xa3: {  	s9 =	sor.u32 s16, s30;
	v14 =	vor.u32 s10, v0;
	v15 =	vsub.f32 $0.0e+00, v3  }
0xa4: {  	v13 =	vor.u32 s9, v0;
	(erf) = vpow2.f32 v10;
	v8 =	vld.idx.msk [tilespmem:v9+s21+$0x0], $0xffff  }
0xa5: {  	v10 =	vmul.f32 $1.442695020e+00, v15;
	(erf) = vrcp.f32 v16  }
0xa6: {  	v11 =	vld.idx.msk [tilespmem:v11+s21+$0x0], $0xffff;
	(erf) = vrcp.f32 v12;
	v12 =	vpop (erf)  }
0xa7: {  	v15 =	vsub.f32 $0.0e+00, v7;
	(erf) = vpow2.f32 v10;
	v10 =	vadd.f32 $1.000000000e+00, v12  }
0xa8: {  	s11 =	simm.s32 $0xC00;
	v9 =	vld.idx.msk [tilespmem:v14+s21+$0x0], $0xffff  }
0xa9: {  	s0 =	sor.u32 s16, s11;
	v14 =	vmul.f32 $1.442695020e+00, v15;
	v12 =	vld.idx.msk [tilespmem:v13+s21+$0x0], $0xffff;
	v13 =	vpop (erf);
	v15 =	vsub.f32 $0.0e+00, v8;
	(erf) = vrcp.f32 v10  }
0xaa: {  	s5 =	simm.s32 $0xF00;
	v21 =	vor.u32 s0, v0;
	v13 =	vadd.f32 $1.000000000e+00, v13  }
0xab: {  	s7 =	sadd.s32 $0x200, s7;
	s15 =	simm.s32 $0xE00;
	s12 =	sor.u32 s16, s5;
	v16 =	vsub.f32 $0.0e+00, v11;
	v15 =	vmul.f32 $1.442695020e+00, v15;
	(erf) = vpow2.f32 v14  }
0xac: {  	s29 =	simm.s32 $0x0;
	s8 =	simm.s32 $0xC;
	s25 =	sor.u32 s16, s15;
	v10 =	vor.u32 s12, v0;
	(erf) = vrcp.f32 v13  }
0xad: {  	s14 =	simm.s32 $0xD00;
	s30 =	sand.u32 $0x180, s29;
	s13 =	simm.s32 $0x30;
	v18 =	vpop (erf);
	v13 =	vsub.f32 $0.0e+00, v9;
	(erf) = vpow2.f32 v15;
	v15 =	vor.u32 s25, v0  }
0xae: {  	s9 =	sand.u32 $0x40, s29;
	s24 =	sor.u32 s16, s14;
	s26 =	sand.u32 $0x180, s13;
	v20 =	vmul.f32 $1.442695020e+00, v16;
	v22 =	vpop (erf);
	v19 =	vsub.f32 $0.0e+00, v12  }
0xaf: {  	s31 =	sadd.s32 s30, s7;
	s2 =	sand.u32 $0x70, s13;
	s28 =	sadd.s32 s26, s7;
	v14 =	vor.u32 s24, v0;
	v23 =	vadd.f32 $1.000000000e+00, v18;
	v16 =	vpop (erf);
	v18 =	vmul.f32 $1.442695020e+00, v13  }
0xb0: {  	s9 =	sadd.s32 s9, s31;
	s2 =	sadd.s32 s2, s28;
	s11 =	simm.s32 $0x20;
	(erf) = vpow2.f32 v20;
	v63 =	vpop (erf);
	v20 =	vadd.f32 $1.000000000e+00, v22;
	v13 =	vld.idx.msk [tilespmem:v21+s21+$0x0], $0xffff;
	v19 =	vmul.f32 $1.442695020e+00, v19  }
0xb1: {  	s0 =	simm.s32 $0x70;
	s10 =	sand.u32 $0x60, s11;
	s12 =	simm.s32 $0x10;
	v10 =	vld.idx.msk [tilespmem:v10+s21+$0x0], $0xffff;
	(erf) = vrcp.f32 v23;
	v17 =	vmul.f32 v63, v17;
	v21 =	vpop (erf)  }
.LBB2_5:
0xb2: {  	s8 =	sadd.s32 $0x4, s8;
	v22 =	vld.idx.msk [tilespmem:v15+s21+$0x0], $0xffff;
	v15 =	vadd.f32 $1.000000000e+00, v21;
	(erf) = vrcp.f32 v20;
	v20 =	vpop (erf)  }
0xb3: {  	s13 =	sand.u32 $0x180, s12;
	s11 =	sand.u32 $0x180, s11;
	v16 =	vmul.f32 v16, v4;
	v4 =	vmovc v1;
	v1 =	vmovc v8;
	v23 =	vmov v6;
	v6 =	vmov v11;
	s1 =	smov.u32 s0  }
0xb4: {  	s5 =	sadd.s32 $0x400, s5;
	v24 =	vld.idx.msk [tilespmem:v14+s21+$0x0], $0xffff;
	(erf) = vpow2.f32 v19;
	v8 =	vpop (erf);
	[tilespmem:s9+$0x0] =	vst v17;
	v17 =	vmul.f32 v20, v2;
	s9 =	sand.u32 $0x50, s12;
	s11 =	sadd.s32 s11, s7;
	v2 =	vmov v3  }
0xb5: {  	s12 =	sadd.s32 $0xFFFFFD00, s5;
	s14 =	sor.u32 s16, s5;
	v3 =	vmov v12;
	v14 =	vadd.f32 $1.000000000e+00, v8;
	(erf) = vrcp.f32 v15;
	s10 =	sadd.s32 s10, s11;
	v11 =	vpop (erf)  }
0xb6: {  	s15 =	sadd.s32 $0xFFFFFF00, s5;
	s13 =	sadd.s32 s13, s7;
	s11 =	sadd.s32 $0xFFFFFE00, s5;
	v12 =	vor.u32 s14, v0;
	(erf) = vpow2.f32 v18;
	v15 =	vmul.f32 v11, v5;
	v5 =	vmovc v7;
	v7 =	vmovc v9  }
0xb7: {  	s12 =	sor.u32 s16, s12;
	s9 =	sadd.s32 s9, s13;
	v8 =	vmov v10;
	s11 =	sor.u32 s16, s11;
	v9 =	vsub.f32 $0.0e+00, v10;
	(erf) = vrcp.f32 v14;
	[tilespmem:s2+$0x0] =	vst v16  }
0xb8: {  	p1 =	slt.u32 s8, $0x1C;
	v21 =	vor.u32 s12, v0;
	v14 =	vor.u32 s11, v0;
	s2 =	sor.u32 s16, s15;
	v10 =	vsub.f32 $0.0e+00, v13;
	s11 =	sand.u32 $0x180, s0;
	v11 =	vmovc v13;
	[tilespmem:s10+$0x0] =	vst v15  }
.Ltmp3:
0xb9: {  	v15 =	vor.u32 s2, v0;
	v13 =	vsub.f32 $0.0e+00, v22;
	v26 =	vmul.f32 $1.442695020e+00, v9;
	s2 =	sadd.s32 s11, s7;
	v16 =	vpop (erf);
	[tilespmem:s9+$0x0] =	vst v17;
	(pc) =	sbr.rel @p1 .LBB2_5-.Ltmp3, $4  }
0xba: {  	s10 =	sand.u32 $0x70, s0;
	v17 =	vmul.f32 $1.442695020e+00, v10;
	v19 =	vsub.f32 $0.0e+00, v24;
	s9 =	sadd.s32 $0xFFFFFFD0, s0;
	v25 =	vadd.f32 $1.000000000e+00, v16;
	v16 =	vpop (erf)  }
0xbb: {  	s2 =	sadd.s32 s10, s2;
	v18 =	vmul.f32 $1.442695020e+00, v13;
	s11 =	sand.u32 $0x180, s9;
	s9 =	sand.u32 $0x40, s9;
	v10 =	vld.idx.msk [tilespmem:v12+s21+$0x0], $0xffff;
	(erf) = vpow2.f32 v26;
	v20 =	vadd.f32 $1.000000000e+00, v16;
	v16 =	vpop (erf)  }
0xbc: {  	s0 =	sadd.s32 $0x40, s0;
	v9 =	vmov v22;
	v19 =	vmul.f32 $1.442695020e+00, v19;
	s10 =	sadd.s32 s11, s7;
	s11 =	sadd.s32 $0xFFFFFFF0, s1;
	(erf) = vpow2.f32 v17;
	v12 =	vpop (erf)  }
0xbd: {  	s12 =	sadd.s32 $0xFFFFFFE0, s1;
	s9 =	sadd.s32 s9, s10;
	s10 =	sand.u32 $0x60, s11;
	v13 =	vld.idx.msk [tilespmem:v21+s21+$0x0], $0xffff;
	v21 =	vpop (erf);
	(erf) = vrcp.f32 v25;
	v17 =	vmul.f32 v12, v23;
	v12 =	vmov v24  }
0xbe: {  	_ = 	snop  }
0xbf: {  	(erf) = vrcp.f32 v20  }
0xc0: {  	(erf) = vpow2.f32 v19;
	_ =	sdelay $0x1  }
0xc1: {  	v39 =	vadd.f32 $1.000000000e+00, v21;
	v40 =	vpop (erf);
	v14 =	vld.idx.msk [tilespmem:v14+s21+$0x0], $0xffff  }
0xc2: {  	v41 =	vpop (erf);
	v22 =	vsub.f32 $0.0e+00, v10  }
0xc3: {  	v15 =	vld.idx.msk [tilespmem:v15+s21+$0x0], $0xffff;
	v21 =	vadd.f32 $1.000000000e+00, v41;
	(erf) = vrcp.f32 v39;
	v42 =	vpop (erf);
	v23 =	vsub.f32 $0.0e+00, v13  }
0xc4: {  	(erf) = vpow2.f32 v18;
	v43 =	vmul.f32 $1.442695020e+00, v22;
	v44 =	vpop (erf)  }
0xc5: {  	(erf) = vrcp.f32 v21;
	v45 =	vmul.f32 $1.442695020e+00, v23;
	v46 =	vpop (erf)  }
0xc6: {  	v24 =	vsub.f32 $0.0e+00, v14;
	(erf) = vpow2.f32 v43;
	v22 =	vadd.f32 $1.000000000e+00, v44;
	v47 =	vpop (erf)  }
0xc7: {  	v23 =	vadd.f32 $1.000000000e+00, v46;
	(erf) = vpow2.f32 v45;
	v48 =	vpop (erf)  }
0xc8: {  	v25 =	vsub.f32 $0.0e+00, v15;
	v24 =	vmul.f32 $1.442695020e+00, v24;
	(erf) = vrcp.f32 v22;
	v26 =	vpop (erf)  }
0xc9: {  	(erf) = vrcp.f32 v23;
	v49 =	vadd.f32 $1.000000000e+00, v26  }
0xca: {  	v50 =	vmul.f32 $1.442695020e+00, v25;
	(erf) = vpow2.f32 v24  }
0xcb: {  	(erf) = vrcp.f32 v49  }
0xcc: {  	v51 =	vpop (erf);
	(erf) = vpow2.f32 v50  }
0xcd: {  	s1 =	sand.u32 $0x180, s12;
	s5 =	sand.u32 $0x180, s11;
	s8 =	sand.u32 $0x50, s12;
	v52 =	vpop (erf)  }
0xce: {  	s11 =	sadd.s32 $0xFFFFFFD0, s0;
	s12 =	sand.u32 $0x70, s0;
	s15 =	sadd.s32 $0xFFFFFFF0, s0;
	v53 =	vpop (erf)  }
0xcf: {  	s24 =	sadd.s32 $0xFFFFFFE0, s0;
	s5 =	sadd.s32 s5, s7;
	s1 =	sadd.s32 s1, s7;
	v54 =	vpop (erf)  }
0xd0: {  	s13 =	sand.u32 $0x180, s11;
	s25 =	sand.u32 $0x180, s15;
	s5 =	sadd.s32 s10, s5;
	v55 =	vpop (erf)  }
0xd1: {  	s1 =	sadd.s32 s8, s1;
	s10 =	sand.u32 $0x180, s0;
	s14 =	sadd.s32 s13, s7;
	v27 =	vpop (erf)  }
0xd2: {  	s13 =	sadd.s32 $0x40, s0;
	s0 =	sand.u32 $0x50, s24;
	s8 =	sadd.s32 s10, s7;
	v23 =	vadd.f32 $1.000000000e+00, v52;
	v28 =	vpop (erf)  }
0xd3: {  	s10 =	sand.u32 $0x40, s11;
	s11 =	sadd.s32 s25, s7;
	s28 =	sand.u32 $0x180, s13;
	v25 =	vadd.f32 $1.000000000e+00, v54;
	v29 =	vpop (erf)  }
0xd4: {  	v4 =	vmul.f32 v16, v4;
	s29 =	sadd.s32 $0xFFFFFFD0, s13;
	s30 =	sand.u32 $0x70, s13;
	s25 =	sadd.s32 $0xFFFFFFE0, s13;
	(erf) = vrcp.f32 v23;
	v56 =	vadd.f32 $1.000000000e+00, v55;
	v57 =	vpop (erf)  }
0xd5: {  	[tilespmem:s9+$0x0] =	vst v17;
	v2 =	vmul.f32 v40, v2;
	s8 =	sadd.s32 s12, s8;
	s10 =	sadd.s32 s10, s14;
	s12 =	sand.u32 $0x60, s15;
	(erf) = vrcp.f32 v25;
	v58 =	vadd.f32 $1.000000000e+00, v29;
	v59 =	vpop (erf)  }
0xd6: {  	[tilespmem:s2+$0x0] =	vst v4;
	v5 =	vmul.f32 v42, v5;
	s14 =	sand.u32 $0x180, s24;
	s2 =	sadd.s32 s28, s7;
	s31 =	sand.u32 $0x180, s29;
	(erf) = vrcp.f32 v56;
	v60 =	vadd.f32 $1.000000000e+00, v59  }
0xd7: {  	[tilespmem:s1+$0x0] =	vst v2;
	s24 =	sadd.s32 $0xFFFFFFF0, s13;
	s28 =	sand.u32 $0x180, s25;
	s9 =	sadd.s32 s12, s11;
	v1 =	vmul.f32 v47, v1;
	(erf) = vrcp.f32 v58  }
0xd8: {  	s26 =	sadd.s32 s14, s7;
	[tilespmem:s5+$0x0] =	vst v5;
	s1 =	sadd.s32 s30, s2;
	s14 =	sand.u32 $0x40, s29;
	v61 =	vmul.f32 v48, v6;
	(erf) = vrcp.f32 v60  }
0xd9: {  	s15 =	sadd.s32 s31, s7;
	s5 =	sadd.s32 $0x40, s13;
	s0 =	sadd.s32 s0, s26;
	[tilespmem:s8+$0x0] =	vst v1;
	v3 =	vmul.f32 v51, v3;
	v2 =	vmul.f32 v53, v7  }
0xda: {  	s2 =	sadd.s32 s14, s15;
	s26 =	sand.u32 $0x60, s24;
	s11 =	sadd.s32 $0xFFFFFFD0, s5;
	[tilespmem:s10+$0x0] =	vst v61  }
0xdb: {  	s30 =	sand.u32 $0x180, s5;
	s12 =	sand.u32 $0x70, s5;
	s13 =	sand.u32 $0x180, s11;
	[tilespmem:s9+$0x0] =	vst v2;
	v2 =	vmul.f32 v27, v8  }
0xdc: {  	s15 =	sadd.s32 s13, s7;
	s8 =	sand.u32 $0x50, s25;
	s10 =	sand.u32 $0x180, s24;
	[tilespmem:s0+$0x0] =	vst v3;
	v1 =	vmul.f32 v28, v11  }
0xdd: {  	s24 =	sadd.s32 $0xFFFFFFF0, s5;
	s10 =	sadd.s32 s10, s7;
	s9 =	sadd.s32 s28, s7;
	[tilespmem:s1+$0x0] =	vst v2;
	v62 =	vmul.f32 v57, v12;
	v3 =	vpop (erf)  }
0xde: {  	s29 =	sadd.s32 s26, s10;
	s10 =	sadd.s32 s30, s7;
	s31 =	sadd.s32 s8, s9;
	[tilespmem:s2+$0x0] =	vst v1;
	v1 =	vmul.f32 v3, v9;
	v3 =	vpop (erf)  }
0xdf: {  	s25 =	sadd.s32 $0xFFFFFFE0, s5;
	s26 =	sand.u32 $0x180, s24;
	s14 =	sadd.s32 s12, s10;
	[tilespmem:s31+$0x0] =	vst v62;
	v3 =	vmul.f32 v3, v10;
	v2 =	vpop (erf)  }
.Ltmp4:
0xe0: {  	s28 =	sand.u32 $0x180, s25;
	s9 =	sand.u32 $0x40, s11;
	[tilespmem:s29+$0x0] =	vst v1;
	v1 =	vmul.f32 v2, v13;
	v2 =	vpop (erf);
	(pc) =	sbr.rel @p0 .LBB2_8-.Ltmp4, $4  }
0xe1: {  	s30 =	sadd.s32 s28, s7;
	s1 =	sadd.s32 s9, s15;
	s2 =	sand.u32 $0x50, s25;
	[tilespmem:s14+$0x0] =	vst v3;
	v2 =	vmul.f32 v2, v14;
	v63 =	vpop (erf)  }
0xe2: {  	s8 =	sand.u32 $0x60, s24;
	s31 =	sadd.s32 s2, s30;
	s29 =	sadd.s32 s26, s7;
	[tilespmem:s1+$0x0] =	vst v1;
	v1 =	vmul.f32 v63, v15  }
0xe3: {  	s1 =	sadd.s32 s8, s29;
	[tilespmem:s31+$0x0] =	vst v2  }
0xe4: {  	[tilespmem:s1+$0x0] =	vst v1  }
.Ltmp5:
0xe5: {  	(pc) =	sbr.rel .LBB2_2-.Ltmp5, $3  }
0xe6: {  	_ =	sdelay $0x1  }
0xe7: {  	s0 =	sadd.s32 s6, s19;
	s4 =	sadd.s32 $0x1, s4  }
0xe8: {  	[tilespmem:s21], [sflag:$0x8] =	stream.linear.gather [hbm4b:s0+s3], $0x2000, $0x38;
	[tilespmem:$0x1D000] =	vst v63  }
.LBB2_8:
0xe9: {  	s0 =	rddreg [dreg:$0x1e]  }
0xea: {  	s1 =	simm.s32 $0x80;
	s2 =	simm.s32 $0x100;
	s4 =	simm.s32 $0x9  }
0xeb: {  	[hbm4b:s0+s1] =	stream.strided.scatter [tilespmem:s17], [sflag:$0x9], $0x1000, s2, s1, $0x38;
	[tilespmem:$0x1D000] =	vst v63  }
0xec: {  	_ =	swait.ge [sflag:s4], $0x1000  }
0xed: {  	[sflag:s4] =	ssyncset.done $0x0  }
0xee: {  	[sflag:s4] =	ssyncadd.s32 $0xFFFFF000  }
0xef: {  	[bflag:$0x0] =	sbarrier.arrive $0xFFFF  }
0xf0: {  	s5 =	simm.s32 $0x0;
	s31 =	rddreg [dreg:$0x1f]  }
0xf1: {  	[tilespmem:s5], [sflag:$0x9] =	stream.strided.gather [hbm4b:s31+s1], $0x10000, s2, s1, $0x38;
	[tilespmem:$0x1D000] =	vst v63  }
0xf2: {  	_ =	swait.ge [sflag:s4], $0x10000  }
0xf3: {  	[sflag:s4] =	ssyncset.done $0x0  }
0xf4: {  	s9 =	simm.s32 $0x0;
	[sflag:s4] =	ssyncadd.s32 $0xFFFF0000  }
.LBB2_9:
0xf5: {  	p0 =	seq.s32 s9, $0x0  }
0xf6: {  	s0 =	simm.s32 @!p0 $0x5  }
0xf7: {  	_ =	swait.ge @!p0 [sflag:s0], $0x4000  }
0xf8: {  	[sflag:s0] =	ssyncset.done @!p0 $0x0  }
0xf9: {  	s1 =	simm.s32 $0x1;
	s8 =	simm.s32 $0x0;
	[sflag:s0] =	ssyncadd.s32 @!p0 $0xFFFFC000  }
0xfa: {  	s18 =	sand.u32 $0x40, s8;
	s20 =	sand.u32 $0x380, s8;
	_ =	swait.ge [sflag:s1], $0x400  }
0xfb: {  	s11 =	sor.u32 $0x30, s18;
	s0 =	sor.u32 $0x14000, s20;
	[sflag:s1] =	ssyncset.done $0x0  }
0xfc: {  	s13 =	sor.u32 $0x10, s18;
	s21 =	sor.u32 s11, s0;
	[sflag:s1] =	ssyncadd.s32 $0xFFFFFC00  }
0xfd: {  	s4 =	sor.u32 $0x20, s18;
	s2 =	sor.u32 s13, s0;
	v6 =	vld [tilespmem:s21+$0x0]  }
0xfe: {  	s0 =	sor.u32 s4, s0;
	v5 =	vld [tilespmem:s2+$0x0]  }
0xff: {  	v4 =	vld [tilespmem:s0+$0x0];
	_ =	sdelay $0x1  }
0x100: {  	s22 =	simm.s32 $0x14000  }
0x101: {  	v1 =	vld [tilespmem:s22+$0x0];
	_ =	sdelay $0x2  }
0x102: {  	v2 =	vld.idx.msk [tilespmem:v6+s3+$0x0], $0xffff  }
0x103: {  	v7 =	vadd.s32 $0x1000, v6;
	v3 =	vld.idx.msk [tilespmem:v5+s3+$0x0], $0xffff  }
0x104: {  	s12 =	sand.u32 $0x1C00, s8;
	v8 =	vadd.s32 $0x1000, v5;
	v9 =	vld.idx.msk [tilespmem:v4+s3+$0x0], $0xffff  }
0x105: {  	s23 =	sadd.s32 $0x15000, s12;
	v10 =	vadd.s32 $0x1000, v4  }
0x106: {  	s24 =	sor.u32 s11, s23  }
0x107: {  	s25 =	sor.u32 s13, s23;
	v11 =	vld.idx.msk [tilespmem:v1+s3+$0x0], $0xffff;
	[tilespmem:s24+$0x0] =	vst v2  }
0x108: {  	s5 =	sor.u32 s4, s23;
	v2 =	vadd.s32 $0x1000, v1;
	[tilespmem:s25+$0x0] =	vst v3;
	v3 =	vld.idx.msk [tilespmem:v7+s3+$0x0], $0xffff  }
0x109: {  	[tilespmem:s5+$0x0] =	vst v9;
	v7 =	vld.idx.msk [tilespmem:v8+s3+$0x0], $0xffff;
	v8 =	vadd.s32 $0x2000, v6  }
0x10a: {  	v9 =	vadd.s32 $0x2000, v5;
	v10 =	vld.idx.msk [tilespmem:v10+s3+$0x0], $0xffff  }
0x10b: {  	s0 =	sor.u32 s18, s23;
	v12 =	vadd.s32 $0x2000, v4  }
0x10c: {  	[tilespmem:s0+$0x0] =	vst v11  }
0x10d: {  	v2 =	vld.idx.msk [tilespmem:v2+s3+$0x0], $0xffff;
	[tilespmem:s24+$0x80] =	vst v3  }
0x10e: {  	v3 =	vadd.s32 $0x2000, v1;
	[tilespmem:s25+$0x80] =	vst v7;
	v7 =	vld.idx.msk [tilespmem:v8+s3+$0x0], $0xffff  }
0x10f: {  	[tilespmem:s5+$0x80] =	vst v10;
	v8 =	vld.idx.msk [tilespmem:v9+s3+$0x0], $0xffff;
	v9 =	vadd.s32 $0x3000, v6  }
0x110: {  	v10 =	vadd.s32 $0x3000, v5;
	v11 =	vld.idx.msk [tilespmem:v12+s3+$0x0], $0xffff  }
0x111: {  	v12 =	vadd.s32 $0x3000, v4  }
0x112: {  	[tilespmem:s0+$0x80] =	vst v2  }
0x113: {  	v2 =	vld.idx.msk [tilespmem:v3+s3+$0x0], $0xffff;
	[tilespmem:s24+$0x100] =	vst v7  }
0x114: {  	v3 =	vadd.s32 $0x3000, v1;
	[tilespmem:s25+$0x100] =	vst v8;
	v7 =	vld.idx.msk [tilespmem:v9+s3+$0x0], $0xffff  }
0x115: {  	[tilespmem:s5+$0x100] =	vst v11;
	v8 =	vld.idx.msk [tilespmem:v10+s3+$0x0], $0xffff;
	v9 =	vadd.s32 $0x4000, v6  }
0x116: {  	v10 =	vadd.s32 $0x4000, v5;
	v11 =	vld.idx.msk [tilespmem:v12+s3+$0x0], $0xffff  }
0x117: {  	v12 =	vadd.s32 $0x4000, v4  }
0x118: {  	[tilespmem:s0+$0x100] =	vst v2  }
0x119: {  	p0 =	por $0x0, $0x0;
	s1 =	simm.s32 $0x1;
	v2 =	vld.idx.msk [tilespmem:v3+s3+$0x0], $0xffff;
	[tilespmem:s24+$0x180] =	vst v7  }
0x11a: {  	s1 =	simm.s32 @!p0 $0x0;
	v3 =	vadd.s32 $0x4000, v1;
	[tilespmem:s25+$0x180] =	vst v8;
	v7 =	vld.idx.msk [tilespmem:v9+s3+$0x0], $0xffff  }
0x11b: {  	s1 =	sshll.u32 s1, $0x6;
	[tilespmem:s5+$0x180] =	vst v11;
	v8 =	vld.idx.msk [tilespmem:v10+s3+$0x0], $0xffff;
	v9 =	vadd.s32 $0x5000, v6  }
0x11c: {  	s1 =	sadd.s32 $0x0, s1;
	v10 =	vadd.s32 $0x5000, v5;
	v11 =	vld.idx.msk [tilespmem:v12+s3+$0x0], $0xffff  }
0x11d: {  	s26 =	sadd.s32 $0x30, s1;
	v12 =	vadd.s32 $0x5000, v4  }
0x11e: {  	s30 =	sadd.s32 $0x10, s1;
	s10 =	sor.u32 $0x200, s26;
	[tilespmem:s0+$0x180] =	vst v2  }
0x11f: {  	s6 =	sadd.s32 $0x20, s1;
	s7 =	sor.u32 $0x200, s30;
	v2 =	vld.idx.msk [tilespmem:v3+s3+$0x0], $0xffff;
	[tilespmem:s10+$0x15000] =	vst v7  }
0x120: {  	s14 =	sor.u32 $0x200, s6;
	v3 =	vadd.s32 $0x5000, v1;
	[tilespmem:s7+$0x15000] =	vst v8;
	v7 =	vld.idx.msk [tilespmem:v9+s3+$0x0], $0xffff  }
0x121: {  	[tilespmem:s14+$0x15000] =	vst v11;
	v8 =	vld.idx.msk [tilespmem:v10+s3+$0x0], $0xffff;
	v9 =	vadd.s32 $0x6000, v6  }
0x122: {  	v10 =	vadd.s32 $0x6000, v5;
	v11 =	vld.idx.msk [tilespmem:v12+s3+$0x0], $0xffff  }
0x123: {  	s15 =	sor.u32 $0x200, s1;
	v12 =	vadd.s32 $0x6000, v4  }
0x124: {  	s16 =	sor.u32 $0x280, s26;
	[tilespmem:s15+$0x15000] =	vst v2  }
0x125: {  	s17 =	sor.u32 $0x280, s30;
	v2 =	vld.idx.msk [tilespmem:v3+s3+$0x0], $0xffff;
	[tilespmem:s16+$0x15000] =	vst v7  }
0x126: {  	s19 =	sor.u32 $0x280, s6;
	v3 =	vadd.s32 $0x6000, v1;
	[tilespmem:s17+$0x15000] =	vst v8;
	v7 =	vld.idx.msk [tilespmem:v9+s3+$0x0], $0xffff  }
0x127: {  	[tilespmem:s19+$0x15000] =	vst v11;
	v8 =	vld.idx.msk [tilespmem:v10+s3+$0x0], $0xffff;
	v9 =	vadd.s32 $0x7000, v6  }
0x128: {  	v10 =	vadd.s32 $0x7000, v5;
	v11 =	vld.idx.msk [tilespmem:v12+s3+$0x0], $0xffff  }
0x129: {  	s20 =	sor.u32 $0x280, s1;
	v12 =	vadd.s32 $0x7000, v4  }
0x12a: {  	s21 =	sor.u32 $0x300, s26;
	[tilespmem:s20+$0x15000] =	vst v2  }
0x12b: {  	s22 =	sor.u32 $0x300, s30;
	v3 =	vld.idx.msk [tilespmem:v3+s3+$0x0], $0xffff;
	[tilespmem:s21+$0x15000] =	vst v7  }
0x12c: {  	s23 =	sor.u32 $0x300, s6;
	v7 =	vadd.s32 $0x7000, v1;
	[tilespmem:s22+$0x15000] =	vst v8;
	v8 =	vld.idx.msk [tilespmem:v9+s3+$0x0], $0xffff  }
0x12d: {  	[tilespmem:s23+$0x15000] =	vst v11;
	v9 =	vld.idx.msk [tilespmem:v10+s3+$0x0], $0xffff;
	v10 =	vadd.s32 $0x8000, v6  }
0x12e: {  	v11 =	vadd.s32 $0x8000, v5;
	v12 =	vld.idx.msk [tilespmem:v12+s3+$0x0], $0xffff  }
0x12f: {  	s1 =	sor.u32 $0x300, s1;
	v13 =	vadd.s32 $0x8000, v4;
	s24 =	simm.s32 $0x14040  }
0x130: {  	s25 =	sor.u32 $0x380, s26;
	v2 =	vld [tilespmem:s24+$0x0];
	[tilespmem:s1+$0x15000] =	vst v3  }
0x131: {  	s0 =	sor.u32 $0x380, s30;
	s14 =	simm.s32 $0x40;
	v7 =	vld.idx.msk [tilespmem:v7+s3+$0x0], $0xffff;
	[tilespmem:s25+$0x15000] =	vst v8  }
0x132: {  	s26 =	sor.u32 $0x380, s6;
	s6 =	sand.u32 $0x40, s14;
	s30 =	sand.u32 $0x380, s14;
	[tilespmem:s0+$0x15000] =	vst v9;
	v8 =	vld.idx.msk [tilespmem:v10+s3+$0x0], $0xffff  }
0x133: {  	s22 =	sor.u32 $0x30, s6;
	s0 =	sor.u32 $0x14000, s30;
	[tilespmem:s26+$0x15000] =	vst v12;
	v9 =	vld.idx.msk [tilespmem:v11+s3+$0x0], $0xffff;
	v11 =	vadd.s32 $0x8000, v1  }
0x134: {  	s31 =	sor.u32 $0x10, s6;
	v10 =	vadd.s32 $0x9000, v6;
	s2 =	sor.u32 s22, s0;
	v12 =	vld.idx.msk [tilespmem:v13+s3+$0x0], $0xffff  }
0x135: {  	s10 =	sor.u32 $0x20, s6;
	s15 =	sor.u32 s8, s8;
	v13 =	vadd.s32 $0x9000, v5;
	s5 =	sor.u32 s31, s0;
	v3 =	vld [tilespmem:s2+$0x0]  }
0x136: {  	v14 =	vadd.s32 $0x9000, v4;
	s7 =	sadd.s32 $0x17000, s12;
	s0 =	sor.u32 s10, s0;
	v18 =	vld [tilespmem:s5+$0x0];
	s5 =	sor.u32 $0x380, s15  }
0x137: {  	s16 =	sor.u32 s11, s7;
	v27 =	vld [tilespmem:s0+$0x0];
	[tilespmem:s5+$0x15000] =	vst v7  }
0x138: {  	s17 =	sor.u32 s13, s7;
	[tilespmem:s16+$0x0] =	vst v8;
	v8 =	vld.idx.msk [tilespmem:v11+s3+$0x0], $0xffff  }
0x139: {  	s19 =	sor.u32 s4, s7;
	[tilespmem:s17+$0x0] =	vst v9;
	v7 =	vld.idx.msk [tilespmem:v10+s3+$0x0], $0xffff  }
0x13a: {  	[tilespmem:s19+$0x0] =	vst v12;
	v9 =	vld.idx.msk [tilespmem:v13+s3+$0x0], $0xffff  }
0x13b: {  	v10 =	vadd.s32 $0xA000, v6;
	v11 =	vld.idx.msk [tilespmem:v14+s3+$0x0], $0xffff  }
0x13c: {  	v12 =	vadd.s32 $0x9000, v1;
	v13 =	vld.idx.msk [tilespmem:v2+s3+$0x0], $0xffff  }
0x13d: {  	s20 =	sadd.s32 $0x17080, s12;
	s23 =	sor.u32 s18, s7;
	v14 =	vadd.s32 $0xA000, v5;
	v15 =	vld.idx.msk [tilespmem:v3+s3+$0x0], $0xffff  }
0x13e: {  	v16 =	vadd.s32 $0xA000, v4;
	s21 =	sor.u32 s11, s20;
	s15 =	simm.s32 $0x200;
	v17 =	vld.idx.msk [tilespmem:v18+s3+$0x0], $0xffff;
	[tilespmem:s23+$0x0] =	vst v8  }
0x13f: {  	s24 =	sor.u32 s13, s20;
	s7 =	sand.u32 $0x1C00, s15;
	v8 =	vld.idx.msk [tilespmem:v27+s3+$0x0], $0xffff;
	[tilespmem:s21+$0x0] =	vst v7;
	v7 =	vadd.s32 $0x1000, v3  }
0x140: {  	s25 =	sor.u32 s4, s20;
	s16 =	sadd.s32 $0x15000, s7;
	[tilespmem:s24+$0x0] =	vst v9;
	v10 =	vld.idx.msk [tilespmem:v10+s3+$0x0], $0xffff  }
0x141: {  	v19 =	vadd.s32 $0x1000, v18;
	s5 =	sor.u32 s22, s16;
	v9 =	vld.idx.msk [tilespmem:v12+s3+$0x0], $0xffff;
	[tilespmem:s25+$0x0] =	vst v11  }
0x142: {  	s2 =	sor.u32 s31, s16;
	v12 =	vadd.s32 $0xB000, v6;
	v11 =	vld.idx.msk [tilespmem:v14+s3+$0x0], $0xffff;
	[tilespmem:s5+$0x0] =	vst v15  }
0x143: {  	s17 =	sadd.s32 $0x17100, s12;
	v20 =	vadd.s32 $0x1000, v27;
	v15 =	vld.idx.msk [tilespmem:v16+s3+$0x0], $0xffff;
	[tilespmem:s2+$0x0] =	vst v17  }
0x144: {  	s26 =	sor.u32 s11, s17;
	v14 =	vadd.s32 $0x1000, v2;
	v7 =	vld.idx.msk [tilespmem:v7+s3+$0x0], $0xffff;
	[dreg:$0x3] =	wrdreg s10  }
0x145: {  	s1 =	sor.u32 s10, s16;
	v16 =	vadd.s32 $0xA000, v1;
	[tilespmem:s26+$0x0] =	vst v10  }
0x146: {  	s0 =	sor.u32 s6, s16;
	v17 =	vadd.s32 $0xB000, v5;
	v19 =	vld.idx.msk [tilespmem:v19+s3+$0x0], $0xffff;
	[tilespmem:s1+$0x0] =	vst v8  }
0x147: {  	s8 =	sor.u32 s18, s20;
	v8 =	vadd.s32 $0x2000, v3;
	[tilespmem:s0+$0x0] =	vst v13;
	v10 =	vld.idx.msk [tilespmem:v12+s3+$0x0], $0xffff  }
0x148: {  	s30 =	sor.u32 s13, s17;
	[tilespmem:s8+$0x0] =	vst v9;
	v12 =	vadd.s32 $0x2000, v18;
	v13 =	vld.idx.msk [tilespmem:v20+s3+$0x0], $0xffff  }
0x149: {  	s24 =	sor.u32 s4, s17;
	v9 =	vadd.s32 $0xC000, v6;
	[tilespmem:s30+$0x0] =	vst v11;
	v14 =	vld.idx.msk [tilespmem:v14+s3+$0x0], $0xffff  }
0x14a: {  	v20 =	vadd.s32 $0x2000, v27;
	v16 =	vld.idx.msk [tilespmem:v16+s3+$0x0], $0xffff;
	[tilespmem:s24+$0x0] =	vst v15  }
0x14b: {  	s10 =	sadd.s32 $0x17180, s12;
	v11 =	vadd.s32 $0x2000, v2;
	[tilespmem:s5+$0x80] =	vst v7;
	v7 =	vld.idx.msk [tilespmem:v17+s3+$0x0], $0xffff  }
0x14c: {  	s23 =	sor.u32 s11, s10;
	v17 =	vadd.s32 $0xB000, v4;
	[tilespmem:s2+$0x80] =	vst v19;
	v8 =	vld.idx.msk [tilespmem:v8+s3+$0x0], $0xffff  }
0x14d: {  	v19 =	vadd.s32 $0xB000, v1;
	v12 =	vld.idx.msk [tilespmem:v12+s3+$0x0], $0xffff;
	[tilespmem:s23+$0x0] =	vst v10  }
0x14e: {  	[tilespmem:s1+$0x80] =	vst v13;
	v10 =	vadd.s32 $0x3000, v3;
	v9 =	vld.idx.msk [tilespmem:v9+s3+$0x0], $0xffff  }
0x14f: {  	s17 =	sor.u32 s18, s17;
	v13 =	vadd.s32 $0x3000, v18;
	[tilespmem:s0+$0x80] =	vst v14;
	v14 =	vld.idx.msk [tilespmem:v20+s3+$0x0], $0xffff  }
0x150: {  	s21 =	sor.u32 s13, s10;
	v15 =	vadd.s32 $0xD000, v6;
	v11 =	vld.idx.msk [tilespmem:v11+s3+$0x0], $0xffff;
	[tilespmem:s17+$0x0] =	vst v16  }
0x151: {  	v20 =	vadd.s32 $0x3000, v27;
	v16 =	vld.idx.msk [tilespmem:v17+s3+$0x0], $0xffff;
	[tilespmem:s21+$0x0] =	vst v7  }
0x152: {  	s25 =	sadd.s32 $0x17200, s12;
	v17 =	vadd.s32 $0x3000, v2;
	[tilespmem:s5+$0x100] =	vst v8;
	v8 =	vld.idx.msk [tilespmem:v19+s3+$0x0], $0xffff  }
0x153: {  	s20 =	sor.u32 s11, s25;
	v19 =	vadd.s32 $0xC000, v5;
	[tilespmem:s2+$0x100] =	vst v12;
	v10 =	vld.idx.msk [tilespmem:v10+s3+$0x0], $0xffff  }
0x154: {  	v12 =	vadd.s32 $0xC000, v4;
	v13 =	vld.idx.msk [tilespmem:v13+s3+$0x0], $0xffff;
	[tilespmem:s20+$0x0] =	vst v9  }
0x155: {  	[tilespmem:s1+$0x100] =	vst v14;
	v9 =	vadd.s32 $0x4000, v3;
	v14 =	vld.idx.msk [tilespmem:v15+s3+$0x0], $0xffff  }
0x156: {  	s19 =	sor.u32 s4, s10;
	[tilespmem:s0+$0x100] =	vst v11;
	v15 =	vadd.s32 $0x4000, v18;
	v11 =	vld.idx.msk [tilespmem:v20+s3+$0x0], $0xffff  }
0x157: {  	v7 =	vadd.s32 $0xE000, v6;
	v17 =	vld.idx.msk [tilespmem:v17+s3+$0x0], $0xffff;
	[tilespmem:s19+$0x0] =	vst v16  }
0x158: {  	s23 =	sadd.s32 $0x17280, s12;
	v19 =	vld.idx.msk [tilespmem:v19+s3+$0x0], $0xffff;
	[tilespmem:s5+$0x180] =	vst v10  }
0x159: {  	s26 =	sor.u32 s11, s23;
	v20 =	vadd.s32 $0x4000, v27;
	v10 =	vld.idx.msk [tilespmem:v12+s3+$0x0], $0xffff;
	[tilespmem:s2+$0x180] =	vst v13  }
0x15a: {  	s30 =	sor.u32 s15, s14;
	v16 =	vadd.s32 $0x4000, v2;
	v9 =	vld.idx.msk [tilespmem:v9+s3+$0x0], $0xffff;
	[tilespmem:s26+$0x0] =	vst v14  }
0x15b: {  	p0 =	por !p0, !p0;
	s17 =	simm.s32 $0x1;
	v12 =	vadd.s32 $0xC000, v1;
	s2 =	sor.u32 $0x380, s30;
	v15 =	vld.idx.msk [tilespmem:v15+s3+$0x0], $0xffff;
	[tilespmem:s1+$0x180] =	vst v11  }
0x15c: {  	s17 =	simm.s32 @!p0 $0x0;
	v14 =	vld.idx.msk [tilespmem:v7+s3+$0x0], $0xffff;
	[dreg:$0x6] =	wrdreg s2  }
0x15d: {  	s10 =	sor.u32 s18, s10;
	s17 =	sshll.u32 s17, $0x6;
	v13 =	vadd.s32 $0xD000, v5;
	[tilespmem:s0+$0x180] =	vst v17  }
0x15e: {  	s19 =	sor.u32 s4, s25;
	v11 =	vadd.s32 $0x5000, v3;
	s0 =	sadd.s32 $0x200, s17;
	v17 =	vld.idx.msk [tilespmem:v20+s3+$0x0], $0xffff;
	s17 =	sor.u32 s13, s25;
	[tilespmem:s10+$0x0] =	vst v8  }
0x15f: {  	v21 =	vadd.s32 $0x5000, v18;
	s26 =	sor.u32 s18, s23;
	s2 =	sor.u32 s18, s25;
	v20 =	vld.idx.msk [tilespmem:v16+s3+$0x0], $0xffff;
	s29 =	sadd.s32 $0x30, s0;
	[tilespmem:s17+$0x0] =	vst v19  }
0x160: {  	v8 =	vadd.s32 $0xF000, v6;
	s25 =	sadd.s32 $0x10, s0;
	v12 =	vld.idx.msk [tilespmem:v12+s3+$0x0], $0xffff;
	s24 =	sor.u32 $0x200, s29;
	[dreg:$0x7] =	wrdreg s26  }
0x161: {  	v22 =	vadd.s32 $0x5000, v27;
	s30 =	sor.u32 $0x200, s25;
	[tilespmem:s24+$0x15000] =	vst v9  }
0x162: {  	s10 =	sadd.s32 $0x17300, s12;
	v19 =	vadd.s32 $0x5000, v2;
	v28 =	vld.idx.msk [tilespmem:v13+s3+$0x0], $0xffff;
	[tilespmem:s30+$0x15000] =	vst v15  }
0x163: {  	v29 =	vadd.s32 $0xD000, v1;
	s20 =	sor.u32 s11, s10;
	s26 =	sadd.s32 $0x20, s0;
	[tilespmem:s19+$0x0] =	vst v10;
	v11 =	vld.idx.msk [tilespmem:v11+s3+$0x0], $0xffff  }
0x164: {  	s16 =	sor.u32 s13, s23;
	s21 =	sor.u32 s4, s23;
	v9 =	vadd.s32 $0xD000, v4;
	s23 =	sor.u32 $0x200, s26;
	v23 =	vld.idx.msk [tilespmem:v21+s3+$0x0], $0xffff;
	[tilespmem:s20+$0x0] =	vst v14  }
0x165: {  	v32 =	vadd.s32 $0x6000, v3;
	s17 =	sor.u32 $0x200, s0;
	[tilespmem:s23+$0x15000] =	vst v17;
	v34 =	vld.idx.msk [tilespmem:v8+s3+$0x0], $0xffff  }
0x166: {  	v35 =	vadd.s32 $0x6000, v18;
	s12 =	sadd.s32 $0x17380, s12;
	[tilespmem:s17+$0x15000] =	vst v20;
	v31 =	vld.idx.msk [tilespmem:v22+s3+$0x0], $0xffff  }
0x167: {  	v26 =	vadd.s32 $0x6000, v27;
	v25 =	vadd.s32 $0x7000, v18;
	v24 =	vadd.s32 $0x7000, v27;
	s28 =	sor.u32 $0x300, s0;
	s5 =	sor.u32 s4, s10;
	s24 =	sor.u32 $0x280, s29;
	[tilespmem:s2+$0x0] =	vst v12;
	v33 =	vld.idx.msk [tilespmem:v19+s3+$0x0], $0xffff  }
0x168: {  	v7 =	vadd.s32 $0xE000, v4;
	v6 =	vadd.s32 $0xE000, v5;
	v16 =	vadd.s32 $0x9000, v18;
	s11 =	sor.u32 s11, s12;
	s1 =	sor.u32 $0x300, s25;
	s30 =	sor.u32 $0x280, s25;
	v29 =	vld.idx.msk [tilespmem:v29+s3+$0x0], $0xffff;
	[tilespmem:s24+$0x15000] =	vst v11  }
0x169: {  	s8 =	sor.u32 $0x280, s26;
	v15 =	vadd.s32 $0xA000, v27;
	v13 =	vadd.s32 $0xB000, v27;
	s19 =	sor.u32 s13, s12;
	v10 =	vadd.s32 $0xC000, v27;
	s20 =	sor.u32 s18, s12;
	v30 =	vld.idx.msk [tilespmem:v9+s3+$0x0], $0xffff;
	[tilespmem:s30+$0x15000] =	vst v23  }
0x16a: {  	v21 =	vadd.s32 $0x8000, v18;
	v14 =	vadd.s32 $0xA000, v18;
	s23 =	sor.u32 $0x280, s0;
	s0 =	sor.u32 s13, s10;
	v17 =	vadd.s32 $0x9000, v27;
	v32 =	vld.idx.msk [tilespmem:v32+s3+$0x0], $0xffff;
	[smem:$0x7F7] =	sst s9  }
0x16b: {  	v8 =	vadd.s32 $0xD000, v18;
	s13 =	simm.s32 $0x14080;
	v20 =	vadd.s32 $0x8000, v27;
	v12 =	vadd.s32 $0xB000, v18;
	s2 =	sor.u32 s4, s12;
	s4 =	sor.u32 $0x380, s26;
	[tilespmem:s11+$0x0] =	vst v34  }
0x16c: {  	v22 =	vadd.s32 $0xE000, v27;
	v19 =	vadd.s32 $0xF000, v18;
	v9 =	vadd.s32 $0xD000, v27;
	s24 =	sor.u32 $0x300, s26;
	s26 =	sshll.u32 s9, $0x2;
	s30 =	rddreg [dreg:$0x15]  }
0x16d: {  	s17 =	sor.u32 s18, s10;
	v11 =	vadd.s32 $0xC000, v18;
	v23 =	vadd.s32 $0xE000, v18;
	v18 =	vadd.s32 $0xF000, v27;
	v27 =	vld.idx.msk [tilespmem:v35+s3+$0x0], $0xffff;
	[smem:$0x7F8] =	sst s26;
	s9 =	sor.u32 s30, s26  }
0x16e: {  	v5 =	vadd.s32 $0xF000, v5;
	v4 =	vadd.s32 $0xF000, v4;
	s18 =	sor.u32 $0x380, s25;
	v34 =	vadd.s32 $0x6000, v2;
	s11 =	simm.s32 $0x4;
	[smem:$0x7F9] =	sst s9  }
.LBB2_10:
0x16f: {  	_ = 	snop  }
0x170: {  	v35 =	vld [tilespmem:s13+$0x0];
	[tilespmem:s16+$0x0] =	vst v28  }
0x171: {  	v56 =	vadd.s32 $0xE000, v1;
	v28 =	vld.idx.msk [tilespmem:v6+s3+$0x0], $0xffff;
	[tilespmem:s8+$0x15000] =	vst v31  }
0x172: {  	v31 =	vadd.s32 $0x7000, v3;
	[tilespmem:s23+$0x15000] =	vst v33;
	v26 =	vld.idx.msk [tilespmem:v26+s3+$0x0], $0xffff  }
0x173: {  	v33 =	vld.idx.msk [tilespmem:v34+s3+$0x0], $0xffff;
	[tilespmem:s21+$0x0] =	vst v30  }
0x174: {  	s8 =	rddreg [dreg:$0x7];
	[tilespmem:s1+$0x15000] =	vst v27;
	v30 =	vld.idx.msk [tilespmem:v7+s3+$0x0], $0xffff  }
0x175: {  	v6 =	vmov v23;
	v23 =	vadd.s32 $0x7000, v2;
	s23 =	sor.u32 $0x300, s29;
	[tilespmem:s8+$0x0] =	vst v29;
	v25 =	vld.idx.msk [tilespmem:v25+s3+$0x0], $0xffff  }
0x176: {  	[tilespmem:s23+$0x15000] =	vst v32;
	v27 =	vld.idx.msk [tilespmem:v56+s3+$0x0], $0xffff  }
0x177: {  	v7 =	vmov v22;
	[tilespmem:s0+$0x0] =	vst v28;
	v22 =	vld.idx.msk [tilespmem:v31+s3+$0x0], $0xffff  }
0x178: {  	v31 =	vld.idx.msk [tilespmem:v5+s3+$0x0], $0xffff;
	[tilespmem:s24+$0x15000] =	vst v26;
	v26 =	vadd.s32 $0x8000, v3  }
0x179: {  	[tilespmem:s28+$0x15000] =	vst v33;
	v24 =	vld.idx.msk [tilespmem:v24+s3+$0x0], $0xffff  }
0x17a: {  	s14 =	sadd.s32 $0x40, s14;
	v29 =	vadd.s32 $0xF000, v1;
	v23 =	vld.idx.msk [tilespmem:v23+s3+$0x0], $0xffff;
	[tilespmem:s5+$0x0] =	vst v30  }
0x17b: {  	s9 =	sor.u32 $0x380, s29;
	s12 =	sand.u32 $0x40, s14;
	s10 =	sand.u32 $0x380, s14;
	v5 =	vmov v19;
	[tilespmem:s18+$0x15000] =	vst v25;
	v19 =	vld.idx.msk [tilespmem:v4+s3+$0x0], $0xffff  }
0x17c: {  	s0 =	sor.u32 $0x14000, s10;
	s10 =	sor.u32 $0x30, s12;
	v21 =	vld.idx.msk [tilespmem:v21+s3+$0x0], $0xffff;
	[tilespmem:s9+$0x15000] =	vst v22  }
0x17d: {  	s16 =	sor.u32 s10, s0;
	[tilespmem:s17+$0x0] =	vst v27;
	v4 =	vmov v18;
	v18 =	vld.idx.msk [tilespmem:v26+s3+$0x0], $0xffff  }
0x17e: {  	v1 =	vmov v2;
	s17 =	rddreg [dreg:$0x6];
	v22 =	vadd.s32 $0x9000, v3;
	v28 =	vld [tilespmem:s16+$0x0];
	[tilespmem:s4+$0x15000] =	vst v24  }
0x17f: {  	s26 =	smov.u32 s22;
	s30 =	smov.u32 s31;
	s31 =	sor.u32 $0x10, s12;
	v24 =	vld.idx.msk [tilespmem:v29+s3+$0x0], $0xffff;
	[tilespmem:s17+$0x15000] =	vst v23;
	v23 =	vadd.s32 $0x8000, v1  }
0x180: {  	s21 =	sadd.s32 $0x17000, s7;
	s18 =	sor.u32 s31, s0;
	s9 =	sor.u32 $0x20, s12;
	[tilespmem:s19+$0x0] =	vst v31;
	v20 =	vld.idx.msk [tilespmem:v20+s3+$0x0], $0xffff  }
0x181: {  	s24 =	sor.u32 s26, s21;
	s0 =	sor.u32 s9, s0;
	v37 =	vld [tilespmem:s18+$0x0];
	[tilespmem:s2+$0x0] =	vst v19  }
0x182: {  	s22 =	rddreg [dreg:$0x3];
	v2 =	vmov v35;
	v38 =	vld [tilespmem:s0+$0x0];
	[tilespmem:s24+$0x0] =	vst v18  }
0x183: {  	s25 =	smov.u32 s22;
	s23 =	sor.u32 s30, s21;
	v18 =	vld.idx.msk [tilespmem:v22+s3+$0x0], $0xffff  }
0x184: {  	s16 =	sor.u32 s25, s21;
	[tilespmem:s23+$0x0] =	vst v21;
	v19 =	vld.idx.msk [tilespmem:v23+s3+$0x0], $0xffff  }
0x185: {  	v23 =	vld.idx.msk [tilespmem:v16+s3+$0x0], $0xffff;
	[tilespmem:s16+$0x0] =	vst v20;
	v16 =	vadd.s32 $0xA000, v3  }
0x186: {  	[tilespmem:s20+$0x0] =	vst v24;
	v57 =	vld.idx.msk [tilespmem:v17+s3+$0x0], $0xffff  }
0x187: {  	s17 =	sadd.s32 $0x17080, s7;
	v22 =	vadd.s32 $0x9000, v1;
	v43 =	vld.idx.msk [tilespmem:v2+s3+$0x0], $0xffff  }
0x188: {  	s22 =	sor.u32 s6, s21;
	s21 =	sor.u32 s26, s17;
	v46 =	vld.idx.msk [tilespmem:v28+s3+$0x0], $0xffff  }
0x189: {  	s15 =	sadd.s32 $0x200, s15;
	v47 =	vld.idx.msk [tilespmem:v37+s3+$0x0], $0xffff;
	[tilespmem:s21+$0x0] =	vst v18  }
0x18a: {  	s2 =	sand.u32 $0x1C00, s15;
	v41 =	vadd.s32 $0x1000, v37;
	s20 =	sor.u32 s30, s17;
	[tilespmem:s22+$0x0] =	vst v19;
	v48 =	vld.idx.msk [tilespmem:v16+s3+$0x0], $0xffff  }
0x18b: {  	v40 =	vadd.s32 $0x1000, v2;
	s0 =	sor.u32 s25, s17;
	s23 =	sadd.s32 $0x15000, s2;
	v49 =	vld.idx.msk [tilespmem:v38+s3+$0x0], $0xffff;
	[tilespmem:s20+$0x0] =	vst v23  }
0x18c: {  	s16 =	sor.u32 s10, s23;
	v18 =	vadd.s32 $0x1000, v28;
	v50 =	vld.idx.msk [tilespmem:v22+s3+$0x0], $0xffff;
	[tilespmem:s0+$0x0] =	vst v57  }
0x18d: {  	v51 =	vadd.s32 $0xB000, v3;
	s5 =	sor.u32 s31, s23;
	v54 =	vld.idx.msk [tilespmem:v14+s3+$0x0], $0xffff;
	[tilespmem:s16+$0x0] =	vst v46  }
0x18e: {  	v44 =	vadd.s32 $0x1000, v38;
	s0 =	sor.u32 s12, s23;
	[tilespmem:s5+$0x0] =	vst v47;
	v46 =	vld.idx.msk [tilespmem:v15+s3+$0x0], $0xffff  }
0x18f: {  	v39 =	vadd.s32 $0xA000, v1;
	s24 =	sadd.s32 $0x17100, s7;
	s22 =	sor.u32 s15, s14;
	v41 =	vld.idx.msk [tilespmem:v41+s3+$0x0], $0xffff;
	[tilespmem:s0+$0x0] =	vst v43  }
0x190: {  	s20 =	sor.u32 s26, s24;
	s4 =	sor.u32 $0x380, s22;
	v40 =	vld.idx.msk [tilespmem:v40+s3+$0x0], $0xffff  }
0x191: {  	v42 =	vadd.s32 $0x2000, v37;
	[dreg:$0x6] =	wrdreg s4;
	s4 =	sor.u32 s9, s23;
	v58 =	vld.idx.msk [tilespmem:v18+s3+$0x0], $0xffff;
	[tilespmem:s20+$0x0] =	vst v48  }
0x192: {  	v62 =	vadd.s32 $0xC000, v3;
	v63 =	vadd.s32 $0x2000, v2;
	s18 =	sor.u32 s6, s17;
	v59 =	vadd.s32 $0x2000, v28;
	[tilespmem:s4+$0x0] =	vst v49;
	v60 =	vld.idx.msk [tilespmem:v51+s3+$0x0], $0xffff  }
0x193: {  	[dreg:$0x12] =	wrdreg s10;
	v36 =	vadd.s32 $0x3000, v37;
	v33 =	vadd.s32 $0x4000, v37;
	v30 =	vadd.s32 $0x5000, v37;
	s10 =	sor.u32 s30, s24;
	v61 =	vld.idx.msk [tilespmem:v44+s3+$0x0], $0xffff;
	[tilespmem:s18+$0x0] =	vst v50  }
0x194: {  	v27 =	vadd.s32 $0x6000, v37;
	v25 =	vadd.s32 $0x7000, v37;
	v21 =	vadd.s32 $0x8000, v37;
	[tilespmem:s10+$0x0] =	vst v54;
	v39 =	vld.idx.msk [tilespmem:v39+s3+$0x0], $0xffff  }
0x195: {  	v52 =	vadd.s32 $0xB000, v37;
	v55 =	vadd.s32 $0xC000, v37;
	v45 =	vadd.s32 $0x2000, v38;
	v47 =	vld.idx.msk [tilespmem:v12+s3+$0x0], $0xffff;
	[tilespmem:s5+$0x80] =	vst v41  }
0x196: {  	v34 =	vadd.s32 $0xD000, v37;
	s21 =	sadd.s32 $0x17180, s7;
	v16 =	vadd.s32 $0x9000, v37;
	v19 =	vadd.s32 $0xA000, v37;
	v41 =	vld.idx.msk [tilespmem:v42+s3+$0x0], $0xffff;
	[tilespmem:s16+$0x80] =	vst v58  }
0x197: {  	v23 =	vadd.s32 $0xE000, v37;
	v14 =	vmovc v19;
	v19 =	vadd.s32 $0xF000, v37;
	s23 =	sor.u32 s26, s21;
	v54 =	vadd.s32 $0xB000, v1;
	[tilespmem:s0+$0x80] =	vst v40;
	v37 =	vld.idx.msk [tilespmem:v59+s3+$0x0], $0xffff  }
0x198: {  	[tilespmem:s23+$0x0] =	vst v60;
	v60 =	vld.idx.msk [tilespmem:v63+s3+$0x0], $0xffff  }
0x199: {  	s8 =	sor.u32 s25, s24;
	[tilespmem:s4+$0x80] =	vst v61;
	v58 =	vld.idx.msk [tilespmem:v62+s3+$0x0], $0xffff  }
0x19a: {  	[dreg:$0x3] =	wrdreg s9;
	v57 =	vadd.s32 $0x3000, v28;
	s9 =	sor.u32 s6, s24;
	v59 =	vld.idx.msk [tilespmem:v45+s3+$0x0], $0xffff;
	[tilespmem:s8+$0x0] =	vst v46  }
0x19b: {  	v35 =	vadd.s32 $0x3000, v38;
	v31 =	vadd.s32 $0x4000, v38;
	v63 =	vadd.s32 $0x3000, v2;
	[tilespmem:s9+$0x0] =	vst v39;
	v62 =	vld.idx.msk [tilespmem:v13+s3+$0x0], $0xffff  }
0x19c: {  	v29 =	vadd.s32 $0x5000, v38;
	v26 =	vadd.s32 $0x6000, v38;
	s22 =	sor.u32 s30, s21;
	v61 =	vadd.s32 $0xD000, v3;
	v48 =	vld.idx.msk [tilespmem:v54+s3+$0x0], $0xffff;
	[tilespmem:s5+$0x100] =	vst v41  }
0x19d: {  	v24 =	vadd.s32 $0x7000, v38;
	v20 =	vadd.s32 $0x8000, v38;
	v53 =	vadd.s32 $0xB000, v38;
	v36 =	vld.idx.msk [tilespmem:v36+s3+$0x0], $0xffff;
	[tilespmem:s22+$0x0] =	vst v47  }
0x19e: {  	v17 =	vadd.s32 $0x9000, v38;
	v56 =	vadd.s32 $0xC000, v38;
	v22 =	vadd.s32 $0xA000, v38;
	s24 =	sadd.s32 $0x17200, s7;
	v13 =	vmovc v53;
	[tilespmem:s16+$0x100] =	vst v37;
	v53 =	vld.idx.msk [tilespmem:v11+s3+$0x0], $0xffff  }
0x19f: {  	v32 =	vadd.s32 $0xD000, v38;
	v15 =	vmovc v22;
	v22 =	vadd.s32 $0xE000, v38;
	v18 =	vadd.s32 $0xF000, v38;
	s9 =	sor.u32 s26, s24;
	v38 =	vld.idx.msk [tilespmem:v57+s3+$0x0], $0xffff;
	[tilespmem:s0+$0x100] =	vst v60  }
0x1a0: {  	[tilespmem:s9+$0x0] =	vst v58;
	v51 =	vld.idx.msk [tilespmem:v63+s3+$0x0], $0xffff  }
0x1a1: {  	v49 =	vadd.s32 $0x4000, v28;
	s18 =	sor.u32 s25, s21;
	[tilespmem:s4+$0x100] =	vst v59;
	v50 =	vld.idx.msk [tilespmem:v61+s3+$0x0], $0xffff  }
0x1a2: {  	v54 =	vadd.s32 $0x4000, v2;
	v35 =	vld.idx.msk [tilespmem:v35+s3+$0x0], $0xffff;
	[tilespmem:s18+$0x0] =	vst v62  }
0x1a3: {  	v12 =	vmov v52;
	v52 =	vadd.s32 $0xE000, v3;
	s8 =	sor.u32 s30, s24;
	v11 =	vmov v55;
	v55 =	vld.idx.msk [tilespmem:v10+s3+$0x0], $0xffff;
	[tilespmem:s5+$0x180] =	vst v36  }
0x1a4: {  	p0 =	por !p0, !p0;
	s18 =	simm.s32 $0x1;
	v33 =	vld.idx.msk [tilespmem:v33+s3+$0x0], $0xffff;
	[tilespmem:s8+$0x0] =	vst v53  }
0x1a5: {  	s11 =	sadd.s32 $0x4, s11;
	s10 =	sadd.s32 $0x17280, s7;
	v57 =	vadd.s32 $0xC000, v1;
	v58 =	vadd.s32 $0x5000, v28;
	v59 =	vadd.s32 $0xF000, v3;
	v3 =	vmovc v28;
	s18 =	simm.s32 @!p0 $0x0;
	[tilespmem:s16+$0x180] =	vst v38;
	v28 =	vld.idx.msk [tilespmem:v8+s3+$0x0], $0xffff  }
0x1a6: {  	s13 =	sadd.s32 $0x40, s13;
	s22 =	sor.u32 s26, s10;
	v10 =	vmov v56;
	s23 =	sshll.u32 s18, $0x6;
	v56 =	vld.idx.msk [tilespmem:v49+s3+$0x0], $0xffff;
	[tilespmem:s0+$0x180] =	vst v51  }
0x1a7: {  	p1 =	slt.u32 s11, $0x3C;
	s1 =	sor.u32 s6, s21;
	s0 =	sadd.s32 s23, s15;
	[tilespmem:s22+$0x0] =	vst v50;
	v39 =	vld.idx.msk [tilespmem:v54+s3+$0x0], $0xffff  }
0x1a8: {  	s19 =	sor.u32 s6, s24;
	s20 =	sor.u32 s25, s24;
	v60 =	vadd.s32 $0x5000, v2;
	[tilespmem:s4+$0x180] =	vst v35;
	s4 =	sadd.s32 $0x10, s0;
	v41 =	vld.idx.msk [tilespmem:v52+s3+$0x0], $0xffff  }
0x1a9: {  	s21 =	sor.u32 s6, s10;
	s29 =	sadd.s32 $0x30, s0;
	[tilespmem:s1+$0x0] =	vst v48;
	v31 =	vld.idx.msk [tilespmem:v31+s3+$0x0], $0xffff;
	s1 =	sor.u32 $0x200, s4  }
0x1aa: {  	[dreg:$0x7] =	wrdreg s21;
	s21 =	sor.u32 s25, s10;
	s24 =	sor.u32 $0x200, s29;
	v40 =	vld.idx.msk [tilespmem:v57+s3+$0x0], $0xffff;
	[tilespmem:s1+$0x15000] =	vst v33  }
0x1ab: {  	v62 =	vadd.s32 $0xD000, v1;
	s16 =	sor.u32 s30, s10;
	s9 =	sor.u32 $0x200, s0;
	s22 =	sadd.s32 $0x17300, s7;
	v61 =	vld.idx.msk [tilespmem:v30+s3+$0x0], $0xffff;
	[tilespmem:s24+$0x15000] =	vst v56  }
0x1ac: {  	s5 =	sadd.s32 $0x20, s0;
	s23 =	sor.u32 $0x280, s0;
	s18 =	sor.u32 s26, s22;
	v35 =	vld.idx.msk [tilespmem:v58+s3+$0x0], $0xffff;
	[tilespmem:s9+$0x15000] =	vst v39  }
0x1ad: {  	s28 =	sor.u32 $0x300, s0;
	s17 =	sor.u32 $0x200, s5;
	s10 =	sor.u32 $0x280, s4;
	[tilespmem:s18+$0x0] =	vst v41;
	v33 =	vld.idx.msk [tilespmem:v60+s3+$0x0], $0xffff  }
0x1ae: {  	v63 =	vadd.s32 $0x6000, v3;
	s8 =	sor.u32 $0x280, s5;
	s0 =	sor.u32 s30, s22;
	s1 =	sor.u32 $0x300, s4;
	[tilespmem:s17+$0x15000] =	vst v31;
	v37 =	vld.idx.msk [tilespmem:v59+s3+$0x0], $0xffff  }
.Ltmp6:
0x1af: {  	s24 =	sor.u32 $0x300, s5;
	s9 =	sadd.s32 $0x17380, s7;
	[tilespmem:s19+$0x0] =	vst v40;
	v31 =	vld.idx.msk [tilespmem:v29+s3+$0x0], $0xffff;
	(pc) =	sbr.rel @p1 .LBB2_10-.Ltmp6, $4  }
0x1b0: {  	s7 =	smov.u32 s2;
	s18 =	sor.u32 $0x380, s4;
	s4 =	sor.u32 $0x380, s5;
	[tilespmem:s20+$0x0] =	vst v55;
	v29 =	vld.idx.msk [tilespmem:v62+s3+$0x0], $0xffff  }
0x1b1: {  	s17 =	sor.u32 s6, s22;
	s5 =	sor.u32 s25, s22;
	s20 =	sor.u32 $0x280, s29;
	v30 =	vld.idx.msk [tilespmem:v9+s3+$0x0], $0xffff;
	[tilespmem:s10+$0x15000] =	vst v61  }
0x1b2: {  	s22 =	rddreg [dreg:$0x12];
	s19 =	sor.u32 s30, s9;
	s30 =	sor.u32 s26, s9;
	v27 =	vld.idx.msk [tilespmem:v27+s3+$0x0], $0xffff;
	[tilespmem:s20+$0x15000] =	vst v35  }
0x1b3: {  	v8 =	vmov v34;
	v34 =	vadd.s32 $0x6000, v2;
	s2 =	sor.u32 s25, s9;
	v9 =	vmov v32;
	s20 =	sor.u32 s6, s9;
	s6 =	smov.u32 s12;
	v32 =	vld.idx.msk [tilespmem:v63+s3+$0x0], $0xffff;
	[tilespmem:s30+$0x0] =	vst v37  }
0x1b4: {  	_ =	sdelay $0x2  }
0x1b5: {  	[tilespmem:s8+$0x15000] =	vst v31;
	v58 =	vadd.s32 $0x7000, v3  }
0x1b6: {  	v26 =	vld.idx.msk [tilespmem:v26+s3+$0x0], $0xffff  }
0x1b7: {  	[tilespmem:s23+$0x15000] =	vst v33  }
0x1b8: {  	s23 =	sor.u32 $0x300, s29;
	v33 =	vld.idx.msk [tilespmem:v34+s3+$0x0], $0xffff;
	[tilespmem:s1+$0x15000] =	vst v27  }
0x1b9: {  	v59 =	vadd.s32 $0x7000, v2;
	[tilespmem:s23+$0x15000] =	vst v32;
	v25 =	vld.idx.msk [tilespmem:v25+s3+$0x0], $0xffff  }
0x1ba: {  	v60 =	vld.idx.msk [tilespmem:v58+s3+$0x0], $0xffff  }
0x1bb: {  	v61 =	vadd.s32 $0x8000, v3;
	[tilespmem:s24+$0x15000] =	vst v26  }
0x1bc: {  	v24 =	vld.idx.msk [tilespmem:v24+s3+$0x0], $0xffff  }
0x1bd: {  	[tilespmem:s28+$0x15000] =	vst v33  }
0x1be: {  	s25 =	sor.u32 $0x380, s29;
	v62 =	vld.idx.msk [tilespmem:v59+s3+$0x0], $0xffff;
	[tilespmem:s18+$0x15000] =	vst v25  }
0x1bf: {  	v63 =	vadd.s32 $0x8000, v2;
	[tilespmem:s25+$0x15000] =	vst v60;
	v21 =	vld.idx.msk [tilespmem:v21+s3+$0x0], $0xffff  }
0x1c0: {  	v34 =	vld.idx.msk [tilespmem:v61+s3+$0x0], $0xffff  }
0x1c1: {  	v35 =	vadd.s32 $0x9000, v3;
	[tilespmem:s4+$0x15000] =	vst v24  }
0x1c2: {  	s26 =	sadd.s32 $0x17000, s7;
	s1 =	rddreg [dreg:$0x6]  }
0x1c3: {  	s29 =	sor.u32 s31, s26;
	v20 =	vld.idx.msk [tilespmem:v20+s3+$0x0], $0xffff;
	[tilespmem:s1+$0x15000] =	vst v62  }
0x1c4: {  	s28 =	sor.u32 s22, s26;
	v36 =	vld.idx.msk [tilespmem:v63+s3+$0x0], $0xffff;
	[tilespmem:s29+$0x0] =	vst v21  }
0x1c5: {  	v37 =	vadd.s32 $0x9000, v2;
	[tilespmem:s28+$0x0] =	vst v34;
	v16 =	vld.idx.msk [tilespmem:v16+s3+$0x0], $0xffff  }
0x1c6: {  	s8 =	rddreg [dreg:$0x3];
	v38 =	vld.idx.msk [tilespmem:v35+s3+$0x0], $0xffff  }
0x1c7: {  	v39 =	vadd.s32 $0xA000, v3;
	s30 =	sor.u32 s8, s26  }
0x1c8: {  	s9 =	sadd.s32 $0x17080, s7;
	s1 =	sor.u32 s6, s26;
	[tilespmem:s30+$0x0] =	vst v20  }
0x1c9: {  	s11 =	sor.u32 s31, s9;
	v17 =	vld.idx.msk [tilespmem:v17+s3+$0x0], $0xffff;
	[tilespmem:s1+$0x0] =	vst v36  }
0x1ca: {  	s10 =	sor.u32 s22, s9;
	v40 =	vld.idx.msk [tilespmem:v37+s3+$0x0], $0xffff;
	[tilespmem:s11+$0x0] =	vst v16  }
0x1cb: {  	v41 =	vadd.s32 $0xA000, v2;
	[tilespmem:s10+$0x0] =	vst v38;
	v14 =	vld.idx.msk [tilespmem:v14+s3+$0x0], $0xffff  }
0x1cc: {  	v42 =	vld.idx.msk [tilespmem:v39+s3+$0x0], $0xffff  }
0x1cd: {  	v43 =	vadd.s32 $0xB000, v3;
	s12 =	sor.u32 s8, s9  }
0x1ce: {  	s13 =	sadd.s32 $0x17100, s7;
	s1 =	sor.u32 s6, s9;
	[tilespmem:s12+$0x0] =	vst v17  }
0x1cf: {  	s15 =	sor.u32 s31, s13;
	v15 =	vld.idx.msk [tilespmem:v15+s3+$0x0], $0xffff;
	[tilespmem:s1+$0x0] =	vst v40  }
0x1d0: {  	s14 =	sor.u32 s22, s13;
	v44 =	vld.idx.msk [tilespmem:v41+s3+$0x0], $0xffff;
	[tilespmem:s15+$0x0] =	vst v14  }
0x1d1: {  	v45 =	vadd.s32 $0xB000, v2;
	[tilespmem:s14+$0x0] =	vst v42;
	v12 =	vld.idx.msk [tilespmem:v12+s3+$0x0], $0xffff  }
0x1d2: {  	v46 =	vld.idx.msk [tilespmem:v43+s3+$0x0], $0xffff  }
0x1d3: {  	v47 =	vadd.s32 $0xC000, v3;
	s18 =	sor.u32 s8, s13  }
0x1d4: {  	s23 =	sadd.s32 $0x17180, s7;
	s1 =	sor.u32 s6, s13;
	[tilespmem:s18+$0x0] =	vst v15  }
0x1d5: {  	s25 =	sor.u32 s31, s23;
	[tilespmem:s1+$0x0] =	vst v44;
	v13 =	vld.idx.msk [tilespmem:v13+s3+$0x0], $0xffff  }
0x1d6: {  	s24 =	sor.u32 s22, s23;
	v48 =	vld.idx.msk [tilespmem:v45+s3+$0x0], $0xffff;
	[tilespmem:s25+$0x0] =	vst v12  }
0x1d7: {  	[tilespmem:s24+$0x0] =	vst v46;
	v11 =	vld.idx.msk [tilespmem:v11+s3+$0x0], $0xffff  }
0x1d8: {  	v49 =	vadd.s32 $0xC000, v2;
	[tilespmem:s16+$0x0] =	vst v28;
	v50 =	vld.idx.msk [tilespmem:v47+s3+$0x0], $0xffff  }
0x1d9: {  	v51 =	vadd.s32 $0xD000, v3;
	[tilespmem:s21+$0x0] =	vst v30;
	s26 =	sor.u32 s8, s23;
	v6 =	vld.idx.msk [tilespmem:v6+s3+$0x0], $0xffff  }
0x1da: {  	s28 =	sadd.s32 $0x17200, s7;
	v7 =	vld.idx.msk [tilespmem:v7+s3+$0x0], $0xffff;
	s1 =	sor.u32 s6, s23;
	[tilespmem:s26+$0x0] =	vst v13  }
0x1db: {  	s30 =	sor.u32 s31, s28;
	[tilespmem:s1+$0x0] =	vst v48  }
0x1dc: {  	v54 =	vadd.s32 $0xE000, v1;
	s29 =	sor.u32 s22, s28;
	v10 =	vld.idx.msk [tilespmem:v10+s3+$0x0], $0xffff;
	s4 =	rddreg [dreg:$0x7];
	[tilespmem:s30+$0x0] =	vst v11  }
0x1dd: {  	v52 =	vld.idx.msk [tilespmem:v49+s3+$0x0], $0xffff;
	[tilespmem:s29+$0x0] =	vst v50  }
0x1de: {  	v53 =	vadd.s32 $0xD000, v2;
	[tilespmem:s0+$0x0] =	vst v6;
	v55 =	vld.idx.msk [tilespmem:v51+s3+$0x0], $0xffff  }
0x1df: {  	v56 =	vadd.s32 $0xE000, v3;
	[tilespmem:s5+$0x0] =	vst v7;
	v8 =	vld.idx.msk [tilespmem:v8+s3+$0x0], $0xffff  }
0x1e0: {  	s9 =	sor.u32 s8, s28;
	[tilespmem:s4+$0x0] =	vst v29;
	v5 =	vld.idx.msk [tilespmem:v5+s3+$0x0], $0xffff  }
0x1e1: {  	s10 =	sadd.s32 $0x17280, s7;
	s1 =	sor.u32 s6, s28;
	v58 =	vld.idx.msk [tilespmem:v54+s3+$0x0], $0xffff;
	[tilespmem:s9+$0x0] =	vst v10  }
0x1e2: {  	v1 =	vadd.s32 $0xF000, v1;
	s11 =	sor.u32 s22, s10;
	[tilespmem:s1+$0x0] =	vst v52;
	v9 =	vld.idx.msk [tilespmem:v9+s3+$0x0], $0xffff  }
0x1e3: {  	s12 =	sor.u32 s31, s10;
	v57 =	vld.idx.msk [tilespmem:v53+s3+$0x0], $0xffff;
	[tilespmem:s11+$0x0] =	vst v55  }
0x1e4: {  	v59 =	vadd.s32 $0xE000, v2;
	[tilespmem:s12+$0x0] =	vst v8;
	v60 =	vld.idx.msk [tilespmem:v56+s3+$0x0], $0xffff  }
0x1e5: {  	v3 =	vadd.s32 $0xF000, v3;
	[tilespmem:s19+$0x0] =	vst v5;
	v61 =	vld.idx.msk [tilespmem:v23+s3+$0x0], $0xffff  }
0x1e6: {  	s13 =	sor.u32 s8, s10;
	v4 =	vld.idx.msk [tilespmem:v4+s3+$0x0], $0xffff;
	[tilespmem:s17+$0x0] =	vst v58  }
0x1e7: {  	s14 =	sadd.s32 $0x17300, s7;
	s0 =	sor.u32 s6, s10;
	v1 =	vld.idx.msk [tilespmem:v1+s3+$0x0], $0xffff;
	[tilespmem:s13+$0x0] =	vst v9  }
0x1e8: {  	s15 =	sor.u32 s22, s14;
	[tilespmem:s0+$0x0] =	vst v57;
	v62 =	vld.idx.msk [tilespmem:v22+s3+$0x0], $0xffff  }
0x1e9: {  	s16 =	sor.u32 s31, s14;
	v7 =	vld.idx.msk [tilespmem:v59+s3+$0x0], $0xffff;
	[tilespmem:s15+$0x0] =	vst v60  }
0x1ea: {  	[tilespmem:s16+$0x0] =	vst v61;
	v3 =	vld.idx.msk [tilespmem:v3+s3+$0x0], $0xffff  }
0x1eb: {  	[tilespmem:s2+$0x0] =	vst v4;
	v63 =	vld.idx.msk [tilespmem:v19+s3+$0x0], $0xffff  }
0x1ec: {  	v2 =	vadd.s32 $0xF000, v2;
	s17 =	sor.u32 s8, s14;
	[tilespmem:s20+$0x0] =	vst v1  }
0x1ed: {  	s18 =	sadd.s32 $0x17380, s7;
	s0 =	sor.u32 s6, s14;
	[tilespmem:s17+$0x0] =	vst v62  }
0x1ee: {  	s19 =	sor.u32 s22, s18;
	[tilespmem:s0+$0x0] =	vst v7  }
0x1ef: {  	s20 =	sor.u32 s31, s18;
	[tilespmem:s19+$0x0] =	vst v3  }
0x1f0: {  	v6 =	vld.idx.msk [tilespmem:v18+s3+$0x0], $0xffff;
	s7 =	sld [smem:$0x7F7];
	[tilespmem:s20+$0x0] =	vst v63  }
0x1f1: {  	v2 =	vld.idx.msk [tilespmem:v2+s3+$0x0], $0xffff;
	s4 =	sld [smem:$0x7F9];
	_ =	sdelay $0x1  }
0x1f2: {  	s24 =	rddreg [dreg:$0x1];
	s26 =	simm.s32 $0x15000;
	s21 =	sshll.u32 s7, $0x6  }
0x1f3: {  	s22 =	sor.u32 s8, s18;
	s4 =	sshll.u32 s4, $0x7;
	s1 =	sand.u32 $0x40, s21  }
0x1f4: {  	s0 =	sor.u32 s6, s18;
	[tilespmem:s22+$0x0] =	vst v6;
	s23 =	sand.u32 $0xFFFFC00, s4;
	s1 =	sadd.s32 s24, s1  }
0x1f5: {  	s5 =	simm.s32 $0x100000;
	s2 =	simm.s32 $0x80;
	[tilespmem:s0+$0x0] =	vst v2;
	s25 =	sadd.s32 s23, s1  }
0x1f6: {  	[hbm4b:s25+s2] =	stream.strided.scatter [tilespmem:s26], [sflag:$0x5], $0x400, s5, s2, $0x38;
	[tilespmem:$0x1D000] =	vst v63  }
0x1f7: {  	s29 =	simm.s32 $0x15400;
	s28 =	sadd.s32 $0x80, s25  }
0x1f8: {  	[hbm4b:s28+s2] =	stream.strided.scatter [tilespmem:s29], [sflag:$0x5], $0x400, s5, s2, $0x38;
	[tilespmem:$0x1D000] =	vst v63  }
0x1f9: {  	s31 =	simm.s32 $0x15800;
	s30 =	sadd.s32 $0x100, s25  }
0x1fa: {  	[hbm4b:s30+s2] =	stream.strided.scatter [tilespmem:s31], [sflag:$0x5], $0x400, s5, s2, $0x38;
	[tilespmem:$0x1D000] =	vst v63  }
0x1fb: {  	s8 =	simm.s32 $0x15C00;
	s6 =	sadd.s32 $0x180, s25  }
0x1fc: {  	[hbm4b:s6+s2] =	stream.strided.scatter [tilespmem:s8], [sflag:$0x5], $0x400, s5, s2, $0x38;
	[tilespmem:$0x1D000] =	vst v63  }
0x1fd: {  	s10 =	simm.s32 $0x16000;
	s9 =	sadd.s32 $0x200, s25  }
0x1fe: {  	[hbm4b:s9+s2] =	stream.strided.scatter [tilespmem:s10], [sflag:$0x5], $0x400, s5, s2, $0x38;
	[tilespmem:$0x1D000] =	vst v63  }
0x1ff: {  	s12 =	simm.s32 $0x16400;
	s11 =	sadd.s32 $0x280, s25  }
0x200: {  	[hbm4b:s11+s2] =	stream.strided.scatter [tilespmem:s12], [sflag:$0x5], $0x400, s5, s2, $0x38;
	[tilespmem:$0x1D000] =	vst v63  }
0x201: {  	s14 =	simm.s32 $0x16800;
	s13 =	sadd.s32 $0x300, s25  }
0x202: {  	[hbm4b:s13+s2] =	stream.strided.scatter [tilespmem:s14], [sflag:$0x5], $0x400, s5, s2, $0x38;
	[tilespmem:$0x1D000] =	vst v63  }
0x203: {  	s16 =	simm.s32 $0x16C00;
	s15 =	sadd.s32 $0x380, s25  }
0x204: {  	[hbm4b:s15+s2] =	stream.strided.scatter [tilespmem:s16], [sflag:$0x5], $0x400, s5, s2, $0x38;
	[tilespmem:$0x1D000] =	vst v63  }
0x205: {  	s17 =	simm.s32 $0x17000;
	s0 =	sadd.s32 $0x100000, s25  }
0x206: {  	[hbm4b:s0+s2] =	stream.strided.scatter [tilespmem:s17], [sflag:$0x5], $0x400, s5, s2, $0x38;
	[tilespmem:$0x1D000] =	vst v63  }
0x207: {  	s19 =	simm.s32 $0x17400;
	s18 =	sadd.s32 $0x80, s0  }
0x208: {  	[hbm4b:s18+s2] =	stream.strided.scatter [tilespmem:s19], [sflag:$0x5], $0x400, s5, s2, $0x38;
	[tilespmem:$0x1D000] =	vst v63  }
0x209: {  	s21 =	simm.s32 $0x17800;
	s20 =	sadd.s32 $0x100, s0  }
0x20a: {  	[hbm4b:s20+s2] =	stream.strided.scatter [tilespmem:s21], [sflag:$0x5], $0x400, s5, s2, $0x38;
	[tilespmem:$0x1D000] =	vst v63  }
0x20b: {  	s23 =	simm.s32 $0x17C00;
	s22 =	sadd.s32 $0x180, s0  }
0x20c: {  	[hbm4b:s22+s2] =	stream.strided.scatter [tilespmem:s23], [sflag:$0x5], $0x400, s5, s2, $0x38;
	[tilespmem:$0x1D000] =	vst v63  }
0x20d: {  	s25 =	simm.s32 $0x18000;
	s24 =	sadd.s32 $0x200, s0  }
0x20e: {  	[hbm4b:s24+s2] =	stream.strided.scatter [tilespmem:s25], [sflag:$0x5], $0x400, s5, s2, $0x38;
	[tilespmem:$0x1D000] =	vst v63  }
0x20f: {  	s26 =	sadd.s32 $0x280, s0;
	s28 =	simm.s32 $0x18400  }
0x210: {  	[hbm4b:s26+s2] =	stream.strided.scatter [tilespmem:s28], [sflag:$0x5], $0x400, s5, s2, $0x38;
	[tilespmem:$0x1D000] =	vst v63  }
0x211: {  	s29 =	sadd.s32 $0x300, s0;
	s30 =	simm.s32 $0x18800  }
0x212: {  	[hbm4b:s29+s2] =	stream.strided.scatter [tilespmem:s30], [sflag:$0x5], $0x400, s5, s2, $0x38;
	[tilespmem:$0x1D000] =	vst v63  }
0x213: {  	s31 =	simm.s32 $0x18C00;
	s0 =	sadd.s32 $0x380, s0  }
0x214: {  	[hbm4b:s0+s2] =	stream.strided.scatter [tilespmem:s31], [sflag:$0x5], $0x400, s5, s2, $0x38;
	[tilespmem:$0x1D000] =	vst v63  }
0x215: {  	p0 =	seq.s32 s7, $0x7;
	s0 =	sld [smem:$0x7FB]  }
0x216: {  	p1 =	seq.s32 @!p0 s7, $0x0  }
0x217: {  	p1 =	por p0, !p1  }
0x218: {  	s1 =	simm.s32 @!p0 $0x0;
	s2 =	simm.s32 @!p0 $0x14000;
	s0 =	sadd.s32 @!p0 s4, s0  }
0x219: {  	[tilespmem:s2], [sflag:$0x1] =	stream.linear.gather @!p0 [hbm4b:s0+s1], $0x400, $0x38;
	[tilespmem:$0x1D000] =	vst v63  }
.Ltmp7:
0x21a: {  	s0 =	sld [smem:$0x7F8];
	(pc) =	sbr.rel @!p1 .LBB2_12-.Ltmp7, $3  }
0x21b: {  	_ =	sdelay $0x1  }
0x21c: {  	s2 =	sor.u32 @!p0 $0x1, s0;
	s0 =	rddreg [dreg:$0x15]  }
0x21d: {  	s4 =	sor.u32 @!p0 s0, s2  }
0x21e: {  	s1 =	simm.s32 $0x6  }
0x21f: {  	_ =	swait.ge [sflag:s1], $0x4000  }
.Ltmp8:
0x220: {  	s0 =	sld [smem:$0x7FC];
	(pc) =	sbr.rel .LBB2_14-.Ltmp8, $4  }
0x221: {  	_ = 	snop  }
0x222: {  	s2 =	simm.s32 @p0 $0x1D  }
0x223: {  	[sflag:s1] =	ssyncset.done $0x0;
	[smem:$0x7F6] =	sst s2;
	s4 =	smov.u32 @p0 s0  }
0x224: {  	[sflag:s1] =	ssyncadd.s32 $0xFFFFC000;
	[smem:$0x7F5] =	sst s4  }
.LBB2_12:
0x225: {  	[smem:$0x7F5] =	sst s4  }
0x226: {  	[smem:$0x7F6] =	sst s2  }
.LBB2_14:
0x227: {  	s0 =	simm.s32 $0x0;
	s2 =	simm.s32 $0x2  }
0x228: {  	_ =	swait.ge [sflag:s2], $0x400;
	s13 =	sand.u32 $0x40, s0;
	s1 =	sand.u32 $0x380, s0  }
0x229: {  	[sflag:s2] =	ssyncset.done $0x0;
	s1 =	sor.u32 $0x14400, s1;
	s26 =	sor.u32 $0x30, s13  }
0x22a: {  	s31 =	sor.u32 $0x10, s13;
	[sflag:s2] =	ssyncadd.s32 $0xFFFFFC00;
	s19 =	sor.u32 s26, s1  }
0x22b: {  	s25 =	sor.u32 $0x20, s13;
	s4 =	sor.u32 s31, s1;
	v6 =	vld [tilespmem:s19+$0x0]  }
0x22c: {  	s1 =	sor.u32 s25, s1;
	v5 =	vld [tilespmem:s4+$0x0]  }
0x22d: {  	v4 =	vld [tilespmem:s1+$0x0];
	_ =	sdelay $0x1  }
0x22e: {  	s20 =	simm.s32 $0x14400  }
0x22f: {  	v1 =	vld [tilespmem:s20+$0x0];
	_ =	sdelay $0x2  }
0x230: {  	v2 =	vld.idx.msk [tilespmem:v6+s3+$0x0], $0xffff  }
0x231: {  	v7 =	vadd.s32 $0x1000, v6;
	v3 =	vld.idx.msk [tilespmem:v5+s3+$0x0], $0xffff  }
0x232: {  	s12 =	sand.u32 $0x1C00, s0;
	v8 =	vadd.s32 $0x1000, v5;
	v9 =	vld.idx.msk [tilespmem:v4+s3+$0x0], $0xffff  }
0x233: {  	s21 =	sadd.s32 $0x19000, s12;
	v10 =	vadd.s32 $0x1000, v4  }
0x234: {  	s22 =	sor.u32 s26, s21  }
0x235: {  	s23 =	sor.u32 s31, s21;
	v11 =	vld.idx.msk [tilespmem:v1+s3+$0x0], $0xffff;
	[tilespmem:s22+$0x0] =	vst v2  }
0x236: {  	s5 =	sor.u32 s25, s21;
	v2 =	vadd.s32 $0x1000, v1;
	[tilespmem:s23+$0x0] =	vst v3;
	v3 =	vld.idx.msk [tilespmem:v7+s3+$0x0], $0xffff  }
0x237: {  	[tilespmem:s5+$0x0] =	vst v9;
	v7 =	vld.idx.msk [tilespmem:v8+s3+$0x0], $0xffff;
	v8 =	vadd.s32 $0x2000, v6  }
0x238: {  	v9 =	vadd.s32 $0x2000, v5;
	v10 =	vld.idx.msk [tilespmem:v10+s3+$0x0], $0xffff  }
0x239: {  	s1 =	sor.u32 s13, s21;
	v12 =	vadd.s32 $0x2000, v4  }
0x23a: {  	[tilespmem:s1+$0x0] =	vst v11  }
0x23b: {  	v2 =	vld.idx.msk [tilespmem:v2+s3+$0x0], $0xffff;
	[tilespmem:s22+$0x80] =	vst v3  }
0x23c: {  	v3 =	vadd.s32 $0x2000, v1;
	[tilespmem:s23+$0x80] =	vst v7;
	v7 =	vld.idx.msk [tilespmem:v8+s3+$0x0], $0xffff  }
0x23d: {  	[tilespmem:s5+$0x80] =	vst v10;
	v8 =	vld.idx.msk [tilespmem:v9+s3+$0x0], $0xffff;
	v9 =	vadd.s32 $0x3000, v6  }
0x23e: {  	v10 =	vadd.s32 $0x3000, v5;
	v11 =	vld.idx.msk [tilespmem:v12+s3+$0x0], $0xffff  }
0x23f: {  	v12 =	vadd.s32 $0x3000, v4  }
0x240: {  	[tilespmem:s1+$0x80] =	vst v2  }
0x241: {  	v2 =	vld.idx.msk [tilespmem:v3+s3+$0x0], $0xffff;
	[tilespmem:s22+$0x100] =	vst v7  }
0x242: {  	v3 =	vadd.s32 $0x3000, v1;
	[tilespmem:s23+$0x100] =	vst v8;
	v7 =	vld.idx.msk [tilespmem:v9+s3+$0x0], $0xffff  }
0x243: {  	[tilespmem:s5+$0x100] =	vst v11;
	v8 =	vld.idx.msk [tilespmem:v10+s3+$0x0], $0xffff;
	v9 =	vadd.s32 $0x4000, v6  }
0x244: {  	v10 =	vadd.s32 $0x4000, v5;
	v11 =	vld.idx.msk [tilespmem:v12+s3+$0x0], $0xffff  }
0x245: {  	v12 =	vadd.s32 $0x4000, v4  }
0x246: {  	[tilespmem:s1+$0x100] =	vst v2  }
0x247: {  	p1 =	por $0x0, $0x0;
	s2 =	simm.s32 $0x1;
	v2 =	vld.idx.msk [tilespmem:v3+s3+$0x0], $0xffff;
	[tilespmem:s22+$0x180] =	vst v7  }
0x248: {  	s2 =	simm.s32 @!p1 $0x0;
	v3 =	vadd.s32 $0x4000, v1;
	[tilespmem:s23+$0x180] =	vst v8;
	v7 =	vld.idx.msk [tilespmem:v9+s3+$0x0], $0xffff  }
0x249: {  	s2 =	sshll.u32 s2, $0x6;
	[tilespmem:s5+$0x180] =	vst v11;
	v8 =	vld.idx.msk [tilespmem:v10+s3+$0x0], $0xffff;
	v9 =	vadd.s32 $0x5000, v6  }
0x24a: {  	s2 =	sadd.s32 $0x0, s2;
	v10 =	vadd.s32 $0x5000, v5;
	v11 =	vld.idx.msk [tilespmem:v12+s3+$0x0], $0xffff  }
0x24b: {  	s24 =	sadd.s32 $0x30, s2;
	v12 =	vadd.s32 $0x5000, v4  }
0x24c: {  	s8 =	sadd.s32 $0x10, s2;
	s9 =	sor.u32 $0x200, s24;
	[tilespmem:s1+$0x180] =	vst v2  }
0x24d: {  	s6 =	sadd.s32 $0x20, s2;
	s7 =	sor.u32 $0x200, s8;
	v2 =	vld.idx.msk [tilespmem:v3+s3+$0x0], $0xffff;
	[tilespmem:s9+$0x19000] =	vst v7  }
0x24e: {  	s10 =	sor.u32 $0x200, s6;
	v3 =	vadd.s32 $0x5000, v1;
	[tilespmem:s7+$0x19000] =	vst v8;
	v7 =	vld.idx.msk [tilespmem:v9+s3+$0x0], $0xffff  }
0x24f: {  	[tilespmem:s10+$0x19000] =	vst v11;
	v8 =	vld.idx.msk [tilespmem:v10+s3+$0x0], $0xffff;
	v9 =	vadd.s32 $0x6000, v6  }
0x250: {  	v10 =	vadd.s32 $0x6000, v5;
	v11 =	vld.idx.msk [tilespmem:v12+s3+$0x0], $0xffff  }
0x251: {  	s11 =	sor.u32 $0x200, s2;
	v12 =	vadd.s32 $0x6000, v4  }
0x252: {  	s14 =	sor.u32 $0x280, s24;
	[tilespmem:s11+$0x19000] =	vst v2  }
0x253: {  	s15 =	sor.u32 $0x280, s8;
	v2 =	vld.idx.msk [tilespmem:v3+s3+$0x0], $0xffff;
	[tilespmem:s14+$0x19000] =	vst v7  }
0x254: {  	s16 =	sor.u32 $0x280, s6;
	v3 =	vadd.s32 $0x6000, v1;
	[tilespmem:s15+$0x19000] =	vst v8;
	v7 =	vld.idx.msk [tilespmem:v9+s3+$0x0], $0xffff  }
0x255: {  	[tilespmem:s16+$0x19000] =	vst v11;
	v8 =	vld.idx.msk [tilespmem:v10+s3+$0x0], $0xffff;
	v9 =	vadd.s32 $0x7000, v6  }
0x256: {  	v10 =	vadd.s32 $0x7000, v5;
	v11 =	vld.idx.msk [tilespmem:v12+s3+$0x0], $0xffff  }
0x257: {  	s17 =	sor.u32 $0x280, s2;
	v12 =	vadd.s32 $0x7000, v4  }
0x258: {  	s18 =	sor.u32 $0x300, s24;
	[tilespmem:s17+$0x19000] =	vst v2  }
0x259: {  	s19 =	sor.u32 $0x300, s8;
	v3 =	vld.idx.msk [tilespmem:v3+s3+$0x0], $0xffff;
	[tilespmem:s18+$0x19000] =	vst v7  }
0x25a: {  	s20 =	sor.u32 $0x300, s6;
	v7 =	vadd.s32 $0x7000, v1;
	[tilespmem:s19+$0x19000] =	vst v8;
	v8 =	vld.idx.msk [tilespmem:v9+s3+$0x0], $0xffff  }
0x25b: {  	[tilespmem:s20+$0x19000] =	vst v11;
	v9 =	vld.idx.msk [tilespmem:v10+s3+$0x0], $0xffff;
	v10 =	vadd.s32 $0x8000, v6  }
0x25c: {  	v11 =	vadd.s32 $0x8000, v5;
	v12 =	vld.idx.msk [tilespmem:v12+s3+$0x0], $0xffff  }
0x25d: {  	s21 =	simm.s32 $0x14440;
	s2 =	sor.u32 $0x300, s2;
	v13 =	vadd.s32 $0x8000, v4  }
0x25e: {  	s22 =	sor.u32 $0x380, s24;
	v2 =	vld [tilespmem:s21+$0x0];
	[tilespmem:s2+$0x19000] =	vst v3  }
0x25f: {  	s1 =	sor.u32 $0x380, s8;
	s18 =	simm.s32 $0x40;
	v7 =	vld.idx.msk [tilespmem:v7+s3+$0x0], $0xffff;
	[tilespmem:s22+$0x19000] =	vst v8  }
0x260: {  	s23 =	sor.u32 $0x380, s6;
	s15 =	sand.u32 $0x40, s18;
	s24 =	sand.u32 $0x380, s18;
	[tilespmem:s1+$0x19000] =	vst v9;
	v8 =	vld.idx.msk [tilespmem:v10+s3+$0x0], $0xffff  }
0x261: {  	s11 =	sor.u32 $0x30, s15;
	s1 =	sor.u32 $0x14400, s24;
	[tilespmem:s23+$0x19000] =	vst v12;
	v9 =	vld.idx.msk [tilespmem:v11+s3+$0x0], $0xffff;
	v11 =	vadd.s32 $0x8000, v1  }
0x262: {  	s14 =	sor.u32 $0x10, s15;
	v10 =	vadd.s32 $0x9000, v6;
	s4 =	sor.u32 s11, s1;
	v12 =	vld.idx.msk [tilespmem:v13+s3+$0x0], $0xffff  }
0x263: {  	s0 =	sor.u32 s0, s0;
	s8 =	sor.u32 $0x20, s15;
	v13 =	vadd.s32 $0x9000, v5;
	s5 =	sor.u32 s14, s1;
	v3 =	vld [tilespmem:s4+$0x0]  }
0x264: {  	s0 =	sor.u32 $0x380, s0;
	v14 =	vadd.s32 $0x9000, v4;
	s6 =	sadd.s32 $0x1B000, s12;
	s1 =	sor.u32 s8, s1;
	v18 =	vld [tilespmem:s5+$0x0]  }
0x265: {  	s7 =	sor.u32 s26, s6;
	v27 =	vld [tilespmem:s1+$0x0];
	[tilespmem:s0+$0x19000] =	vst v7  }
0x266: {  	s9 =	sor.u32 s31, s6;
	[tilespmem:s7+$0x0] =	vst v8;
	v8 =	vld.idx.msk [tilespmem:v11+s3+$0x0], $0xffff  }
0x267: {  	s10 =	sor.u32 s25, s6;
	[tilespmem:s9+$0x0] =	vst v9;
	v7 =	vld.idx.msk [tilespmem:v10+s3+$0x0], $0xffff  }
0x268: {  	[tilespmem:s10+$0x0] =	vst v12;
	v9 =	vld.idx.msk [tilespmem:v13+s3+$0x0], $0xffff  }
0x269: {  	v12 =	vadd.s32 $0x9000, v1;
	v11 =	vld.idx.msk [tilespmem:v14+s3+$0x0], $0xffff  }
0x26a: {  	v10 =	vadd.s32 $0xA000, v6;
	v13 =	vld.idx.msk [tilespmem:v2+s3+$0x0], $0xffff  }
0x26b: {  	s16 =	sadd.s32 $0x1B080, s12;
	s19 =	sor.u32 s13, s6;
	v14 =	vadd.s32 $0xA000, v5;
	v15 =	vld.idx.msk [tilespmem:v3+s3+$0x0], $0xffff  }
0x26c: {  	s30 =	simm.s32 $0x200;
	v16 =	vadd.s32 $0xA000, v4;
	s17 =	sor.u32 s26, s16;
	v17 =	vld.idx.msk [tilespmem:v18+s3+$0x0], $0xffff;
	[tilespmem:s19+$0x0] =	vst v8  }
0x26d: {  	s20 =	sor.u32 s31, s16;
	s9 =	sand.u32 $0x1C00, s30;
	v19 =	vadd.s32 $0x1000, v18;
	v8 =	vld.idx.msk [tilespmem:v27+s3+$0x0], $0xffff;
	[tilespmem:s17+$0x0] =	vst v7  }
0x26e: {  	s21 =	sor.u32 s25, s16;
	s22 =	sadd.s32 $0x19000, s9;
	v7 =	vadd.s32 $0x1000, v3;
	[tilespmem:s20+$0x0] =	vst v9;
	v9 =	vld.idx.msk [tilespmem:v12+s3+$0x0], $0xffff  }
0x26f: {  	v20 =	vadd.s32 $0x1000, v27;
	s2 =	sor.u32 s11, s22;
	[tilespmem:s21+$0x0] =	vst v11;
	v10 =	vld.idx.msk [tilespmem:v10+s3+$0x0], $0xffff  }
0x270: {  	s23 =	sor.u32 s14, s22;
	v11 =	vld.idx.msk [tilespmem:v14+s3+$0x0], $0xffff;
	v14 =	vadd.s32 $0x1000, v2;
	[tilespmem:s2+$0x0] =	vst v15  }
0x271: {  	s0 =	sor.u32 s15, s22;
	v12 =	vadd.s32 $0xB000, v6;
	v15 =	vld.idx.msk [tilespmem:v16+s3+$0x0], $0xffff;
	[tilespmem:s23+$0x0] =	vst v17  }
0x272: {  	s1 =	sor.u32 s8, s22;
	[tilespmem:s0+$0x0] =	vst v13;
	v16 =	vadd.s32 $0xA000, v1;
	v19 =	vld.idx.msk [tilespmem:v19+s3+$0x0], $0xffff  }
0x273: {  	s24 =	sadd.s32 $0x1B100, s12;
	s5 =	sor.u32 s13, s16;
	v17 =	vadd.s32 $0xB000, v5;
	[tilespmem:s1+$0x0] =	vst v8;
	v7 =	vld.idx.msk [tilespmem:v7+s3+$0x0], $0xffff  }
0x274: {  	s10 =	sor.u32 s26, s24;
	v8 =	vadd.s32 $0x2000, v3;
	v13 =	vld.idx.msk [tilespmem:v20+s3+$0x0], $0xffff;
	[tilespmem:s5+$0x0] =	vst v9  }
0x275: {  	s16 =	sor.u32 s31, s24;
	v20 =	vadd.s32 $0x2000, v27;
	[tilespmem:s10+$0x0] =	vst v10;
	v14 =	vld.idx.msk [tilespmem:v14+s3+$0x0], $0xffff  }
0x276: {  	[tilespmem:s16+$0x0] =	vst v11;
	v10 =	vld.idx.msk [tilespmem:v12+s3+$0x0], $0xffff;
	v12 =	vadd.s32 $0x2000, v18  }
0x277: {  	v11 =	vadd.s32 $0x2000, v2;
	v16 =	vld.idx.msk [tilespmem:v16+s3+$0x0], $0xffff;
	[tilespmem:s23+$0x80] =	vst v19  }
0x278: {  	v9 =	vadd.s32 $0xC000, v6;
	[tilespmem:s2+$0x80] =	vst v7;
	v7 =	vld.idx.msk [tilespmem:v17+s3+$0x0], $0xffff  }
0x279: {  	s17 =	sadd.s32 $0x1B180, s12;
	v17 =	vadd.s32 $0xB000, v4;
	[tilespmem:s1+$0x80] =	vst v13;
	v8 =	vld.idx.msk [tilespmem:v8+s3+$0x0], $0xffff  }
0x27a: {  	s19 =	sor.u32 s26, s17;
	v19 =	vadd.s32 $0xB000, v1;
	[tilespmem:s0+$0x80] =	vst v14;
	v14 =	vld.idx.msk [tilespmem:v20+s3+$0x0], $0xffff  }
0x27b: {  	s20 =	sor.u32 s25, s24;
	v12 =	vld.idx.msk [tilespmem:v12+s3+$0x0], $0xffff;
	[tilespmem:s19+$0x0] =	vst v10;
	v10 =	vadd.s32 $0x3000, v3  }
0x27c: {  	s7 =	sor.u32 s13, s24;
	[tilespmem:s20+$0x0] =	vst v15;
	v20 =	vadd.s32 $0x3000, v27;
	v11 =	vld.idx.msk [tilespmem:v11+s3+$0x0], $0xffff  }
0x27d: {  	v13 =	vadd.s32 $0x3000, v18;
	v9 =	vld.idx.msk [tilespmem:v9+s3+$0x0], $0xffff;
	[tilespmem:s7+$0x0] =	vst v16  }
0x27e: {  	v15 =	vadd.s32 $0xD000, v6;
	v16 =	vld.idx.msk [tilespmem:v17+s3+$0x0], $0xffff;
	[tilespmem:s2+$0x100] =	vst v8  }
0x27f: {  	v17 =	vadd.s32 $0x3000, v2;
	v8 =	vld.idx.msk [tilespmem:v19+s3+$0x0], $0xffff;
	[tilespmem:s1+$0x100] =	vst v14  }
0x280: {  	s5 =	sadd.s32 $0x1B200, s12;
	v19 =	vadd.s32 $0xC000, v5;
	[tilespmem:s23+$0x100] =	vst v12;
	v10 =	vld.idx.msk [tilespmem:v10+s3+$0x0], $0xffff  }
0x281: {  	s21 =	sor.u32 s26, s5;
	v12 =	vadd.s32 $0xC000, v4;
	[tilespmem:s0+$0x100] =	vst v11;
	v11 =	vld.idx.msk [tilespmem:v20+s3+$0x0], $0xffff  }
0x282: {  	p1 =	por !p1, !p1;
	s22 =	sor.u32 s31, s17;
	s7 =	simm.s32 $0x1;
	v13 =	vld.idx.msk [tilespmem:v13+s3+$0x0], $0xffff;
	[tilespmem:s21+$0x0] =	vst v9;
	v9 =	vadd.s32 $0x4000, v3  }
0x283: {  	s10 =	sor.u32 s25, s17;
	s7 =	simm.s32 @!p1 $0x0;
	[tilespmem:s22+$0x0] =	vst v7;
	v14 =	vld.idx.msk [tilespmem:v15+s3+$0x0], $0xffff;
	v15 =	vadd.s32 $0x4000, v18  }
0x284: {  	v7 =	vadd.s32 $0xE000, v6;
	s24 =	sshll.u32 s7, $0x6;
	s7 =	sor.u32 s13, s17;
	v17 =	vld.idx.msk [tilespmem:v17+s3+$0x0], $0xffff;
	[tilespmem:s10+$0x0] =	vst v16  }
0x285: {  	v20 =	vadd.s32 $0x4000, v27;
	v19 =	vld.idx.msk [tilespmem:v19+s3+$0x0], $0xffff;
	[tilespmem:s7+$0x0] =	vst v8  }
0x286: {  	s4 =	sadd.s32 $0x1B280, s12;
	v16 =	vadd.s32 $0x4000, v2;
	[tilespmem:s2+$0x180] =	vst v10;
	v10 =	vld.idx.msk [tilespmem:v12+s3+$0x0], $0xffff  }
0x287: {  	v12 =	vadd.s32 $0xC000, v1;
	[tilespmem:s23+$0x180] =	vst v13;
	v9 =	vld.idx.msk [tilespmem:v9+s3+$0x0], $0xffff;
	s23 =	sor.u32 s26, s4  }
0x288: {  	v13 =	vadd.s32 $0xD000, v5;
	v15 =	vld.idx.msk [tilespmem:v15+s3+$0x0], $0xffff;
	[tilespmem:s23+$0x0] =	vst v14  }
0x289: {  	s10 =	sadd.s32 $0x200, s24;
	[tilespmem:s1+$0x180] =	vst v11;
	v11 =	vadd.s32 $0x5000, v3;
	v14 =	vld.idx.msk [tilespmem:v7+s3+$0x0], $0xffff  }
0x28a: {  	v21 =	vadd.s32 $0x5000, v18;
	s19 =	sor.u32 s31, s5;
	s29 =	sadd.s32 $0x30, s10;
	[tilespmem:s0+$0x180] =	vst v17;
	v17 =	vld.idx.msk [tilespmem:v20+s3+$0x0], $0xffff  }
0x28b: {  	v8 =	vadd.s32 $0xF000, v6;
	s6 =	sadd.s32 $0x10, s10;
	s21 =	sor.u32 $0x200, s29;
	v20 =	vld.idx.msk [tilespmem:v16+s3+$0x0], $0xffff;
	[tilespmem:s19+$0x0] =	vst v19  }
0x28c: {  	v22 =	vadd.s32 $0x5000, v27;
	s16 =	sor.u32 s13, s5;
	s20 =	sor.u32 s30, s18;
	s23 =	sor.u32 $0x200, s6;
	v12 =	vld.idx.msk [tilespmem:v12+s3+$0x0], $0xffff;
	[tilespmem:s21+$0x19000] =	vst v9  }
0x28d: {  	v29 =	vadd.s32 $0xD000, v1;
	s22 =	simm.s32 $0x4;
	s24 =	sadd.s32 $0x1B300, s12;
	v19 =	vadd.s32 $0x5000, v2;
	v28 =	vld.idx.msk [tilespmem:v13+s3+$0x0], $0xffff;
	s21 =	sor.u32 s13, s4;
	[tilespmem:s23+$0x19000] =	vst v15  }
0x28e: {  	v35 =	vadd.s32 $0x6000, v18;
	v26 =	vadd.s32 $0x6000, v27;
	s7 =	sadd.s32 $0x20, s10;
	s2 =	sor.u32 s26, s24;
	v9 =	vadd.s32 $0xD000, v4;
	v11 =	vld.idx.msk [tilespmem:v11+s3+$0x0], $0xffff;
	[dreg:$0x8] =	wrdreg s21  }
0x28f: {  	v25 =	vadd.s32 $0x7000, v18;
	v32 =	vadd.s32 $0x6000, v3;
	v24 =	vadd.s32 $0x7000, v27;
	s17 =	sor.u32 $0x380, s20;
	s20 =	sor.u32 s25, s5;
	s19 =	sor.u32 $0x200, s7;
	v23 =	vld.idx.msk [tilespmem:v21+s3+$0x0], $0xffff;
	[tilespmem:s2+$0x0] =	vst v14  }
0x290: {  	s5 =	sor.u32 s31, s4;
	v6 =	vadd.s32 $0xE000, v5;
	s1 =	sadd.s32 $0x1B380, s12;
	v5 =	vadd.s32 $0xF000, v5;
	v7 =	vadd.s32 $0xE000, v4;
	s23 =	sor.u32 $0x200, s10;
	[tilespmem:s19+$0x19000] =	vst v17;
	v34 =	vld.idx.msk [tilespmem:v8+s3+$0x0], $0xffff  }
0x291: {  	s28 =	sor.u32 $0x300, s10;
	s12 =	sor.u32 s26, s1;
	s0 =	sor.u32 s25, s24;
	v16 =	vadd.s32 $0x9000, v18;
	v4 =	vadd.s32 $0xF000, v4;
	v13 =	vadd.s32 $0xB000, v18;
	[tilespmem:s23+$0x19000] =	vst v20;
	v31 =	vld.idx.msk [tilespmem:v22+s3+$0x0], $0xffff  }
0x292: {  	v15 =	vadd.s32 $0xA000, v27;
	s21 =	sor.u32 s25, s4;
	s4 =	sor.u32 s31, s24;
	v21 =	vadd.s32 $0x8000, v18;
	s19 =	sor.u32 $0x280, s6;
	v20 =	vadd.s32 $0x8000, v27;
	[tilespmem:s20+$0x0] =	vst v10;
	v33 =	vld.idx.msk [tilespmem:v19+s3+$0x0], $0xffff  }
0x293: {  	s23 =	sor.u32 $0x280, s10;
	v14 =	vadd.s32 $0xA000, v18;
	v17 =	vadd.s32 $0x9000, v27;
	s2 =	sor.u32 s13, s24;
	s24 =	sor.u32 $0x280, s29;
	v10 =	vadd.s32 $0xC000, v27;
	[tilespmem:s16+$0x0] =	vst v12;
	v30 =	vld.idx.msk [tilespmem:v9+s3+$0x0], $0xffff  }
0x294: {  	s20 =	sor.u32 s13, s1;
	s10 =	sor.u32 $0x280, s7;
	s13 =	simm.s32 $0x14480;
	v12 =	vadd.s32 $0xB000, v27;
	v8 =	vadd.s32 $0xD000, v18;
	v22 =	vadd.s32 $0xE000, v27;
	v29 =	vld.idx.msk [tilespmem:v29+s3+$0x0], $0xffff;
	[tilespmem:s24+$0x19000] =	vst v11  }
0x295: {  	s16 =	sor.u32 s31, s1;
	v19 =	vadd.s32 $0xF000, v18;
	v9 =	vadd.s32 $0xD000, v27;
	v11 =	vadd.s32 $0xC000, v18;
	s24 =	sor.u32 $0x300, s6;
	s6 =	sor.u32 $0x380, s6;
	v32 =	vld.idx.msk [tilespmem:v32+s3+$0x0], $0xffff;
	[tilespmem:s19+$0x19000] =	vst v23  }
0x296: {  	v23 =	vadd.s32 $0xE000, v18;
	s19 =	sor.u32 s25, s1;
	s1 =	sor.u32 $0x300, s7;
	v18 =	vadd.s32 $0xF000, v27;
	s7 =	sor.u32 $0x380, s7;
	[tilespmem:s12+$0x0] =	vst v34;
	v34 =	vadd.s32 $0x6000, v2;
	v27 =	vld.idx.msk [tilespmem:v35+s3+$0x0], $0xffff  }
.LBB2_15:
0x297: {  	_ =	sdelay $0x1  }
0x298: {  	v35 =	vld [tilespmem:s13+$0x0];
	[tilespmem:s5+$0x0] =	vst v28  }
0x299: {  	v56 =	vadd.s32 $0xE000, v1;
	v28 =	vld.idx.msk [tilespmem:v6+s3+$0x0], $0xffff;
	[tilespmem:s23+$0x19000] =	vst v33  }
0x29a: {  	[tilespmem:s10+$0x19000] =	vst v31;
	v31 =	vadd.s32 $0x7000, v3;
	v33 =	vld.idx.msk [tilespmem:v34+s3+$0x0], $0xffff  }
0x29b: {  	v26 =	vld.idx.msk [tilespmem:v26+s3+$0x0], $0xffff;
	[tilespmem:s21+$0x0] =	vst v30  }
0x29c: {  	s26 =	smov.u32 s11;
	s11 =	rddreg [dreg:$0x8];
	[tilespmem:s24+$0x19000] =	vst v27;
	v30 =	vld.idx.msk [tilespmem:v7+s3+$0x0], $0xffff  }
0x29d: {  	v6 =	vmov v23;
	v23 =	vadd.s32 $0x7000, v2;
	s10 =	sor.u32 $0x300, s29;
	[tilespmem:s11+$0x0] =	vst v29;
	v25 =	vld.idx.msk [tilespmem:v25+s3+$0x0], $0xffff  }
0x29e: {  	[tilespmem:s10+$0x19000] =	vst v32;
	v27 =	vld.idx.msk [tilespmem:v56+s3+$0x0], $0xffff  }
0x29f: {  	v7 =	vmov v22;
	[tilespmem:s4+$0x0] =	vst v28;
	v22 =	vld.idx.msk [tilespmem:v31+s3+$0x0], $0xffff  }
0x2a0: {  	v31 =	vld.idx.msk [tilespmem:v5+s3+$0x0], $0xffff;
	[tilespmem:s1+$0x19000] =	vst v26;
	v26 =	vadd.s32 $0x8000, v3  }
0x2a1: {  	v29 =	vadd.s32 $0xF000, v1;
	[tilespmem:s28+$0x19000] =	vst v33;
	v24 =	vld.idx.msk [tilespmem:v24+s3+$0x0], $0xffff  }
0x2a2: {  	v23 =	vld.idx.msk [tilespmem:v23+s3+$0x0], $0xffff;
	[tilespmem:s0+$0x0] =	vst v30  }
0x2a3: {  	s12 =	sor.u32 $0x380, s29;
	v5 =	vmov v19;
	[tilespmem:s6+$0x19000] =	vst v25;
	v19 =	vld.idx.msk [tilespmem:v4+s3+$0x0], $0xffff  }
0x2a4: {  	s18 =	sadd.s32 $0x40, s18;
	v21 =	vld.idx.msk [tilespmem:v21+s3+$0x0], $0xffff;
	[tilespmem:s12+$0x19000] =	vst v22  }
0x2a5: {  	s31 =	smov.u32 s14;
	s14 =	sand.u32 $0x380, s18;
	[tilespmem:s2+$0x0] =	vst v27;
	v4 =	vmov v18;
	s12 =	sand.u32 $0x40, s18;
	v18 =	vld.idx.msk [tilespmem:v26+s3+$0x0], $0xffff  }
0x2a6: {  	v1 =	vmov v2;
	s0 =	sor.u32 $0x14400, s14;
	v22 =	vadd.s32 $0x9000, v3;
	s21 =	sor.u32 $0x30, s12;
	[tilespmem:s7+$0x19000] =	vst v24;
	v24 =	vld.idx.msk [tilespmem:v29+s3+$0x0], $0xffff  }
0x2a7: {  	s25 =	smov.u32 s8;
	s8 =	sor.u32 $0x10, s12;
	s23 =	sor.u32 s21, s0;
	[tilespmem:s17+$0x19000] =	vst v23;
	v23 =	vadd.s32 $0x8000, v1;
	v20 =	vld.idx.msk [tilespmem:v20+s3+$0x0], $0xffff  }
0x2a8: {  	s11 =	sadd.s32 $0x1B000, s9;
	[tilespmem:s16+$0x0] =	vst v31;
	s10 =	sor.u32 $0x20, s12;
	s6 =	sor.u32 s8, s0;
	v28 =	vld [tilespmem:s23+$0x0]  }
0x2a9: {  	v2 =	vmov v35;
	s0 =	sor.u32 s10, s0;
	s17 =	sor.u32 s26, s11;
	v37 =	vld [tilespmem:s6+$0x0];
	[tilespmem:s19+$0x0] =	vst v19  }
0x2aa: {  	v38 =	vld [tilespmem:s0+$0x0];
	[tilespmem:s17+$0x0] =	vst v18  }
0x2ab: {  	s16 =	sor.u32 s31, s11;
	v18 =	vld.idx.msk [tilespmem:v22+s3+$0x0], $0xffff  }
0x2ac: {  	[tilespmem:s16+$0x0] =	vst v21;
	v19 =	vld.idx.msk [tilespmem:v23+s3+$0x0], $0xffff  }
0x2ad: {  	s19 =	sor.u32 s25, s11;
	[tilespmem:s20+$0x0] =	vst v24;
	v23 =	vld.idx.msk [tilespmem:v16+s3+$0x0], $0xffff  }
0x2ae: {  	v16 =	vadd.s32 $0xA000, v3;
	[tilespmem:s19+$0x0] =	vst v20;
	v43 =	vld.idx.msk [tilespmem:v2+s3+$0x0], $0xffff  }
0x2af: {  	v22 =	vadd.s32 $0x9000, v1;
	s20 =	sadd.s32 $0x1B080, s9;
	v57 =	vld.idx.msk [tilespmem:v17+s3+$0x0], $0xffff  }
0x2b0: {  	s14 =	sor.u32 s15, s11;
	s11 =	sor.u32 s26, s20;
	v46 =	vld.idx.msk [tilespmem:v28+s3+$0x0], $0xffff  }
0x2b1: {  	s30 =	sadd.s32 $0x200, s30;
	v47 =	vld.idx.msk [tilespmem:v37+s3+$0x0], $0xffff;
	[tilespmem:s11+$0x0] =	vst v18  }
0x2b2: {  	v40 =	vadd.s32 $0x1000, v2;
	s16 =	sand.u32 $0x1C00, s30;
	s6 =	sor.u32 s31, s20;
	[tilespmem:s14+$0x0] =	vst v19;
	v49 =	vld.idx.msk [tilespmem:v38+s3+$0x0], $0xffff  }
0x2b3: {  	s17 =	sadd.s32 $0x19000, s16;
	s0 =	sor.u32 s25, s20;
	v18 =	vadd.s32 $0x1000, v28;
	[tilespmem:s6+$0x0] =	vst v23;
	v48 =	vld.idx.msk [tilespmem:v16+s3+$0x0], $0xffff  }
0x2b4: {  	s24 =	smov.u32 s21;
	v41 =	vadd.s32 $0x1000, v37;
	v50 =	vld.idx.msk [tilespmem:v22+s3+$0x0], $0xffff;
	[tilespmem:s0+$0x0] =	vst v57;
	s0 =	sor.u32 s12, s17  }
0x2b5: {  	s5 =	sor.u32 s24, s17;
	v44 =	vadd.s32 $0x1000, v38;
	v54 =	vld.idx.msk [tilespmem:v14+s3+$0x0], $0xffff;
	[tilespmem:s0+$0x0] =	vst v43  }
0x2b6: {  	v51 =	vadd.s32 $0xB000, v3;
	s14 =	sor.u32 s30, s18;
	[tilespmem:s5+$0x0] =	vst v46;
	v46 =	vld.idx.msk [tilespmem:v15+s3+$0x0], $0xffff  }
0x2b7: {  	v39 =	vadd.s32 $0xA000, v1;
	s4 =	sor.u32 s8, s17;
	s2 =	sor.u32 $0x380, s14;
	v40 =	vld.idx.msk [tilespmem:v40+s3+$0x0], $0xffff  }
0x2b8: {  	s19 =	sadd.s32 $0x1B100, s9;
	[dreg:$0xa] =	wrdreg s2;
	s2 =	sor.u32 s10, s17;
	[tilespmem:s4+$0x0] =	vst v47;
	v58 =	vld.idx.msk [tilespmem:v18+s3+$0x0], $0xffff  }
0x2b9: {  	v62 =	vadd.s32 $0xC000, v3;
	v63 =	vadd.s32 $0x2000, v2;
	[dreg:$0xd] =	wrdreg s24;
	v59 =	vadd.s32 $0x2000, v28;
	s24 =	sor.u32 s26, s19;
	v41 =	vld.idx.msk [tilespmem:v41+s3+$0x0], $0xffff;
	[tilespmem:s2+$0x0] =	vst v49  }
0x2ba: {  	v42 =	vadd.s32 $0x2000, v37;
	v36 =	vadd.s32 $0x3000, v37;
	v33 =	vadd.s32 $0x4000, v37;
	s21 =	sor.u32 s15, s20;
	[tilespmem:s24+$0x0] =	vst v48;
	v61 =	vld.idx.msk [tilespmem:v44+s3+$0x0], $0xffff  }
0x2bb: {  	v30 =	vadd.s32 $0x5000, v37;
	v27 =	vadd.s32 $0x6000, v37;
	v45 =	vadd.s32 $0x2000, v38;
	s23 =	sor.u32 s31, s19;
	[tilespmem:s21+$0x0] =	vst v50;
	v60 =	vld.idx.msk [tilespmem:v51+s3+$0x0], $0xffff  }
0x2bc: {  	v25 =	vadd.s32 $0x7000, v37;
	v21 =	vadd.s32 $0x8000, v37;
	v52 =	vadd.s32 $0xB000, v37;
	[tilespmem:s23+$0x0] =	vst v54;
	v39 =	vld.idx.msk [tilespmem:v39+s3+$0x0], $0xffff  }
0x2bd: {  	v55 =	vadd.s32 $0xC000, v37;
	v34 =	vadd.s32 $0xD000, v37;
	v19 =	vadd.s32 $0xA000, v37;
	v47 =	vld.idx.msk [tilespmem:v13+s3+$0x0], $0xffff;
	[tilespmem:s5+$0x80] =	vst v58  }
0x2be: {  	v23 =	vadd.s32 $0xE000, v37;
	v16 =	vadd.s32 $0x9000, v37;
	v14 =	vmovc v19;
	v19 =	vadd.s32 $0xF000, v37;
	[tilespmem:s4+$0x80] =	vst v41;
	v37 =	vld.idx.msk [tilespmem:v59+s3+$0x0], $0xffff  }
0x2bf: {  	s11 =	sadd.s32 $0x1B180, s9;
	v54 =	vadd.s32 $0xB000, v1;
	v41 =	vld.idx.msk [tilespmem:v42+s3+$0x0], $0xffff;
	[tilespmem:s2+$0x80] =	vst v61  }
0x2c0: {  	v57 =	vadd.s32 $0x3000, v28;
	s21 =	sor.u32 s26, s11;
	[tilespmem:s0+$0x80] =	vst v40;
	v59 =	vld.idx.msk [tilespmem:v45+s3+$0x0], $0xffff  }
0x2c1: {  	v35 =	vadd.s32 $0x3000, v38;
	v31 =	vadd.s32 $0x4000, v38;
	v29 =	vadd.s32 $0x5000, v38;
	s6 =	sor.u32 s25, s19;
	[tilespmem:s21+$0x0] =	vst v60;
	v60 =	vld.idx.msk [tilespmem:v63+s3+$0x0], $0xffff  }
0x2c2: {  	v26 =	vadd.s32 $0x6000, v38;
	v24 =	vadd.s32 $0x7000, v38;
	v20 =	vadd.s32 $0x8000, v38;
	s20 =	sor.u32 s15, s19;
	[tilespmem:s6+$0x0] =	vst v46;
	v58 =	vld.idx.msk [tilespmem:v62+s3+$0x0], $0xffff  }
0x2c3: {  	v17 =	vadd.s32 $0x9000, v38;
	v53 =	vadd.s32 $0xB000, v38;
	[tilespmem:s20+$0x0] =	vst v39;
	v63 =	vadd.s32 $0x3000, v2;
	v62 =	vld.idx.msk [tilespmem:v12+s3+$0x0], $0xffff  }
0x2c4: {  	v56 =	vadd.s32 $0xC000, v38;
	v32 =	vadd.s32 $0xD000, v38;
	v22 =	vadd.s32 $0xA000, v38;
	v48 =	vld.idx.msk [tilespmem:v54+s3+$0x0], $0xffff;
	[tilespmem:s5+$0x100] =	vst v37  }
0x2c5: {  	v15 =	vmovc v22;
	v22 =	vadd.s32 $0xE000, v38;
	v18 =	vadd.s32 $0xF000, v38;
	v61 =	vadd.s32 $0xD000, v3;
	[tilespmem:s4+$0x100] =	vst v41;
	v38 =	vld.idx.msk [tilespmem:v57+s3+$0x0], $0xffff  }
0x2c6: {  	v36 =	vld.idx.msk [tilespmem:v36+s3+$0x0], $0xffff;
	[tilespmem:s2+$0x100] =	vst v59  }
0x2c7: {  	s14 =	sor.u32 s31, s11;
	v49 =	vadd.s32 $0x4000, v28;
	s23 =	sadd.s32 $0x1B200, s9;
	[tilespmem:s0+$0x100] =	vst v60;
	v35 =	vld.idx.msk [tilespmem:v35+s3+$0x0], $0xffff  }
0x2c8: {  	s24 =	sor.u32 s26, s23;
	[tilespmem:s14+$0x0] =	vst v47;
	v51 =	vld.idx.msk [tilespmem:v63+s3+$0x0], $0xffff  }
0x2c9: {  	[dreg:$0xe] =	wrdreg s10;
	s10 =	sor.u32 s25, s11;
	v12 =	vmov v53;
	[tilespmem:s24+$0x0] =	vst v58;
	v53 =	vld.idx.msk [tilespmem:v11+s3+$0x0], $0xffff  }
0x2ca: {  	v54 =	vadd.s32 $0x4000, v2;
	[tilespmem:s10+$0x0] =	vst v62;
	v50 =	vld.idx.msk [tilespmem:v61+s3+$0x0], $0xffff  }
0x2cb: {  	s22 =	sadd.s32 $0x4, s22;
	p1 =	por !p1, !p1;
	s13 =	sadd.s32 $0x40, s13;
	v13 =	vmov v52;
	v52 =	vadd.s32 $0xE000, v3;
	v11 =	vmov v55;
	v55 =	vld.idx.msk [tilespmem:v10+s3+$0x0], $0xffff;
	[tilespmem:s5+$0x180] =	vst v38  }
0x2cc: {  	s1 =	sor.u32 s15, s11;
	s11 =	sadd.s32 $0x1B280, s9;
	s10 =	simm.s32 $0x1;
	v10 =	vmov v56;
	[tilespmem:s4+$0x180] =	vst v36;
	v56 =	vld.idx.msk [tilespmem:v49+s3+$0x0], $0xffff  }
0x2cd: {  	s19 =	sor.u32 s15, s23;
	s17 =	sor.u32 s26, s11;
	v57 =	vadd.s32 $0xC000, v1;
	s10 =	simm.s32 @!p1 $0x0;
	v33 =	vld.idx.msk [tilespmem:v33+s3+$0x0], $0xffff;
	[tilespmem:s2+$0x180] =	vst v35  }
0x2ce: {  	s6 =	sor.u32 s31, s23;
	s20 =	sor.u32 s25, s23;
	v58 =	vadd.s32 $0x5000, v28;
	s23 =	sshll.u32 s10, $0x6;
	[tilespmem:s0+$0x180] =	vst v51;
	v31 =	vld.idx.msk [tilespmem:v31+s3+$0x0], $0xffff  }
0x2cf: {  	p2 =	slt.u32 s22, $0x3C;
	s14 =	sor.u32 s15, s11;
	s0 =	sadd.s32 s23, s30;
	[tilespmem:s17+$0x0] =	vst v50;
	v39 =	vld.idx.msk [tilespmem:v54+s3+$0x0], $0xffff  }
0x2d0: {  	s21 =	sor.u32 s25, s11;
	[dreg:$0x8] =	wrdreg s14;
	[tilespmem:s6+$0x0] =	vst v53;
	s29 =	sadd.s32 $0x30, s0;
	v41 =	vld.idx.msk [tilespmem:v52+s3+$0x0], $0xffff  }
0x2d1: {  	v59 =	vadd.s32 $0xF000, v3;
	v3 =	vmov v28;
	s5 =	sor.u32 s31, s11;
	s2 =	sadd.s32 $0x10, s0;
	[tilespmem:s1+$0x0] =	vst v48;
	v28 =	vld.idx.msk [tilespmem:v8+s3+$0x0], $0xffff;
	s24 =	sor.u32 $0x200, s29  }
0x2d2: {  	v60 =	vadd.s32 $0x5000, v2;
	s11 =	sadd.s32 $0x1B300, s9;
	s4 =	sadd.s32 $0x20, s0;
	s1 =	sor.u32 $0x200, s2;
	v40 =	vld.idx.msk [tilespmem:v57+s3+$0x0], $0xffff;
	[tilespmem:s24+$0x19000] =	vst v56  }
0x2d3: {  	s6 =	sor.u32 s26, s11;
	s14 =	sor.u32 $0x200, s0;
	s7 =	sor.u32 $0x200, s4;
	[tilespmem:s1+$0x19000] =	vst v33;
	v35 =	vld.idx.msk [tilespmem:v58+s3+$0x0], $0xffff  }
0x2d4: {  	v62 =	vadd.s32 $0xD000, v1;
	s23 =	sor.u32 $0x280, s0;
	s28 =	sor.u32 $0x300, s0;
	s0 =	sor.u32 s25, s11;
	v61 =	vld.idx.msk [tilespmem:v30+s3+$0x0], $0xffff;
	[tilespmem:s7+$0x19000] =	vst v31  }
0x2d5: {  	v63 =	vadd.s32 $0x6000, v3;
	s17 =	sor.u32 $0x280, s2;
	s10 =	sor.u32 $0x280, s4;
	s24 =	sor.u32 $0x300, s2;
	[tilespmem:s6+$0x0] =	vst v41;
	v31 =	vld.idx.msk [tilespmem:v29+s3+$0x0], $0xffff  }
0x2d6: {  	s1 =	sor.u32 $0x300, s4;
	s7 =	sor.u32 $0x380, s4;
	[tilespmem:s14+$0x19000] =	vst v39;
	s14 =	smov.u32 s8;
	v37 =	vld.idx.msk [tilespmem:v59+s3+$0x0], $0xffff  }
.Ltmp9:
0x2d7: {  	s4 =	sor.u32 s31, s11;
	s8 =	sor.u32 $0x280, s29;
	v33 =	vld.idx.msk [tilespmem:v60+s3+$0x0], $0xffff;
	[tilespmem:s20+$0x0] =	vst v55;
	(pc) =	sbr.rel @p2 .LBB2_15-.Ltmp9, $4  }
0x2d8: {  	s6 =	sor.u32 $0x380, s2;
	s2 =	sor.u32 s15, s11;
	[tilespmem:s19+$0x0] =	vst v40;
	s19 =	sadd.s32 $0x1B380, s9;
	v30 =	vld.idx.msk [tilespmem:v9+s3+$0x0], $0xffff  }
0x2d9: {  	s9 =	smov.u32 s16;
	s11 =	rddreg [dreg:$0xd];
	v29 =	vld.idx.msk [tilespmem:v62+s3+$0x0], $0xffff;
	s20 =	sor.u32 s15, s19;
	[tilespmem:s8+$0x19000] =	vst v35  }
0x2da: {  	v9 =	vmov v32;
	s16 =	sor.u32 s31, s19;
	s31 =	sor.u32 s26, s19;
	[tilespmem:s17+$0x19000] =	vst v61;
	s17 =	rddreg [dreg:$0xa];
	v32 =	vld.idx.msk [tilespmem:v63+s3+$0x0], $0xffff  }
0x2db: {  	v8 =	vmov v34;
	v34 =	vadd.s32 $0x6000, v2;
	s19 =	sor.u32 s25, s19;
	s15 =	smov.u32 s12;
	s8 =	rddreg [dreg:$0xe];
	v27 =	vld.idx.msk [tilespmem:v27+s3+$0x0], $0xffff;
	[tilespmem:s31+$0x0] =	vst v37  }
0x2dc: {  	_ =	sdelay $0x2  }
0x2dd: {  	[tilespmem:s10+$0x19000] =	vst v31;
	v31 =	vadd.s32 $0x7000, v3  }
0x2de: {  	v26 =	vld.idx.msk [tilespmem:v26+s3+$0x0], $0xffff  }
0x2df: {  	[tilespmem:s23+$0x19000] =	vst v33  }
0x2e0: {  	s23 =	sor.u32 $0x300, s29;
	v33 =	vld.idx.msk [tilespmem:v34+s3+$0x0], $0xffff  }
0x2e1: {  	v60 =	vadd.s32 $0x7000, v2;
	[tilespmem:s23+$0x19000] =	vst v32  }
0x2e2: {  	[tilespmem:s24+$0x19000] =	vst v27;
	v27 =	vld.idx.msk [tilespmem:v31+s3+$0x0], $0xffff  }
0x2e3: {  	v25 =	vld.idx.msk [tilespmem:v25+s3+$0x0], $0xffff;
	[tilespmem:s1+$0x19000] =	vst v26;
	v26 =	vadd.s32 $0x8000, v3  }
0x2e4: {  	v24 =	vld.idx.msk [tilespmem:v24+s3+$0x0], $0xffff  }
0x2e5: {  	[tilespmem:s28+$0x19000] =	vst v33  }
0x2e6: {  	s25 =	sor.u32 $0x380, s29;
	v31 =	vld.idx.msk [tilespmem:v60+s3+$0x0], $0xffff  }
0x2e7: {  	v61 =	vadd.s32 $0x8000, v2;
	[tilespmem:s25+$0x19000] =	vst v27  }
0x2e8: {  	[tilespmem:s6+$0x19000] =	vst v25;
	v25 =	vld.idx.msk [tilespmem:v26+s3+$0x0], $0xffff  }
0x2e9: {  	v21 =	vld.idx.msk [tilespmem:v21+s3+$0x0], $0xffff;
	[tilespmem:s7+$0x19000] =	vst v24;
	v24 =	vadd.s32 $0x9000, v3  }
0x2ea: {  	v20 =	vld.idx.msk [tilespmem:v20+s3+$0x0], $0xffff  }
0x2eb: {  	s26 =	sadd.s32 $0x1B000, s9;
	[tilespmem:s17+$0x19000] =	vst v31  }
0x2ec: {  	s7 =	sor.u32 s11, s26;
	v26 =	vld.idx.msk [tilespmem:v61+s3+$0x0], $0xffff  }
0x2ed: {  	s10 =	sor.u32 s14, s26;
	v27 =	vadd.s32 $0x9000, v2;
	[tilespmem:s7+$0x0] =	vst v25  }
0x2ee: {  	s12 =	sor.u32 s8, s26;
	[tilespmem:s10+$0x0] =	vst v21;
	v21 =	vld.idx.msk [tilespmem:v24+s3+$0x0], $0xffff  }
0x2ef: {  	v16 =	vld.idx.msk [tilespmem:v16+s3+$0x0], $0xffff;
	[tilespmem:s12+$0x0] =	vst v20;
	v20 =	vadd.s32 $0xA000, v3  }
0x2f0: {  	s1 =	sor.u32 s15, s26  }
0x2f1: {  	s13 =	sadd.s32 $0x1B080, s9;
	[tilespmem:s1+$0x0] =	vst v26;
	v17 =	vld.idx.msk [tilespmem:v17+s3+$0x0], $0xffff  }
0x2f2: {  	s17 =	sor.u32 s11, s13;
	v24 =	vld.idx.msk [tilespmem:v27+s3+$0x0], $0xffff  }
0x2f3: {  	s18 =	sor.u32 s14, s13;
	v25 =	vadd.s32 $0xA000, v2;
	[tilespmem:s17+$0x0] =	vst v21  }
0x2f4: {  	[tilespmem:s18+$0x0] =	vst v16;
	v20 =	vld.idx.msk [tilespmem:v20+s3+$0x0], $0xffff  }
0x2f5: {  	s22 =	sor.u32 s8, s13;
	v16 =	vadd.s32 $0xB000, v3;
	v14 =	vld.idx.msk [tilespmem:v14+s3+$0x0], $0xffff  }
0x2f6: {  	s1 =	sor.u32 s15, s13;
	[tilespmem:s22+$0x0] =	vst v17  }
0x2f7: {  	s23 =	sadd.s32 $0x1B100, s9;
	[tilespmem:s1+$0x0] =	vst v24;
	v15 =	vld.idx.msk [tilespmem:v15+s3+$0x0], $0xffff  }
0x2f8: {  	s24 =	sor.u32 s11, s23;
	v17 =	vld.idx.msk [tilespmem:v25+s3+$0x0], $0xffff  }
0x2f9: {  	s25 =	sor.u32 s14, s23;
	v21 =	vadd.s32 $0xB000, v2;
	[tilespmem:s24+$0x0] =	vst v20  }
0x2fa: {  	[tilespmem:s25+$0x0] =	vst v14;
	v16 =	vld.idx.msk [tilespmem:v16+s3+$0x0], $0xffff  }
0x2fb: {  	s26 =	sor.u32 s8, s23;
	v14 =	vadd.s32 $0xC000, v3;
	v13 =	vld.idx.msk [tilespmem:v13+s3+$0x0], $0xffff  }
0x2fc: {  	s1 =	sor.u32 s15, s23;
	[tilespmem:s26+$0x0] =	vst v15  }
0x2fd: {  	s7 =	sadd.s32 $0x1B180, s9;
	[tilespmem:s1+$0x0] =	vst v17;
	v12 =	vld.idx.msk [tilespmem:v12+s3+$0x0], $0xffff  }
0x2fe: {  	[tilespmem:s5+$0x0] =	vst v28;
	s10 =	sor.u32 s11, s7;
	v15 =	vld.idx.msk [tilespmem:v21+s3+$0x0], $0xffff  }
0x2ff: {  	v6 =	vld.idx.msk [tilespmem:v6+s3+$0x0], $0xffff;
	s12 =	sor.u32 s14, s7;
	[tilespmem:s10+$0x0] =	vst v16  }
0x300: {  	v17 =	vadd.s32 $0xC000, v2;
	[tilespmem:s12+$0x0] =	vst v13;
	v14 =	vld.idx.msk [tilespmem:v14+s3+$0x0], $0xffff  }
0x301: {  	[tilespmem:s21+$0x0] =	vst v30;
	s13 =	sor.u32 s8, s7;
	v13 =	vadd.s32 $0xD000, v3;
	v11 =	vld.idx.msk [tilespmem:v11+s3+$0x0], $0xffff  }
0x302: {  	v7 =	vld.idx.msk [tilespmem:v7+s3+$0x0], $0xffff;
	s1 =	sor.u32 s15, s7;
	[tilespmem:s13+$0x0] =	vst v12  }
0x303: {  	s17 =	sadd.s32 $0x1B200, s9;
	[tilespmem:s1+$0x0] =	vst v15  }
0x304: {  	s18 =	sor.u32 s11, s17;
	v16 =	vadd.s32 $0xE000, v1;
	v10 =	vld.idx.msk [tilespmem:v10+s3+$0x0], $0xffff;
	s5 =	rddreg [dreg:$0x8];
	[tilespmem:s4+$0x0] =	vst v6  }
0x305: {  	s21 =	sor.u32 s14, s17;
	v12 =	vld.idx.msk [tilespmem:v17+s3+$0x0], $0xffff;
	[tilespmem:s18+$0x0] =	vst v14  }
0x306: {  	v15 =	vadd.s32 $0xD000, v2;
	[tilespmem:s21+$0x0] =	vst v11;
	v13 =	vld.idx.msk [tilespmem:v13+s3+$0x0], $0xffff  }
0x307: {  	[tilespmem:s0+$0x0] =	vst v7;
	v11 =	vadd.s32 $0xE000, v3;
	v8 =	vld.idx.msk [tilespmem:v8+s3+$0x0], $0xffff  }
0x308: {  	s22 =	sor.u32 s8, s17;
	[tilespmem:s5+$0x0] =	vst v29;
	v5 =	vld.idx.msk [tilespmem:v5+s3+$0x0], $0xffff  }
0x309: {  	s23 =	sadd.s32 $0x1B280, s9;
	s1 =	sor.u32 s15, s17;
	[tilespmem:s22+$0x0] =	vst v10;
	v10 =	vld.idx.msk [tilespmem:v16+s3+$0x0], $0xffff  }
0x30a: {  	s24 =	sor.u32 s11, s23;
	v1 =	vadd.s32 $0xF000, v1;
	[tilespmem:s1+$0x0] =	vst v12;
	v9 =	vld.idx.msk [tilespmem:v9+s3+$0x0], $0xffff  }
0x30b: {  	s25 =	sor.u32 s14, s23;
	v6 =	vld.idx.msk [tilespmem:v15+s3+$0x0], $0xffff;
	[tilespmem:s24+$0x0] =	vst v13  }
0x30c: {  	v7 =	vadd.s32 $0xE000, v2;
	[tilespmem:s25+$0x0] =	vst v8;
	v11 =	vld.idx.msk [tilespmem:v11+s3+$0x0], $0xffff  }
0x30d: {  	v3 =	vadd.s32 $0xF000, v3;
	[tilespmem:s16+$0x0] =	vst v5;
	v8 =	vld.idx.msk [tilespmem:v23+s3+$0x0], $0xffff  }
0x30e: {  	s26 =	sor.u32 s8, s23;
	v4 =	vld.idx.msk [tilespmem:v4+s3+$0x0], $0xffff;
	[tilespmem:s2+$0x0] =	vst v10  }
0x30f: {  	s4 =	sadd.s32 $0x1B300, s9;
	s1 =	sor.u32 s15, s23;
	[tilespmem:s26+$0x0] =	vst v9;
	v1 =	vld.idx.msk [tilespmem:v1+s3+$0x0], $0xffff  }
0x310: {  	s5 =	sor.u32 s11, s4;
	[tilespmem:s1+$0x0] =	vst v6;
	v9 =	vld.idx.msk [tilespmem:v22+s3+$0x0], $0xffff  }
0x311: {  	s6 =	sor.u32 s14, s4;
	v6 =	vld.idx.msk [tilespmem:v7+s3+$0x0], $0xffff;
	[tilespmem:s5+$0x0] =	vst v11  }
0x312: {  	[tilespmem:s6+$0x0] =	vst v8;
	v3 =	vld.idx.msk [tilespmem:v3+s3+$0x0], $0xffff  }
0x313: {  	[tilespmem:s19+$0x0] =	vst v4;
	v5 =	vld.idx.msk [tilespmem:v19+s3+$0x0], $0xffff  }
0x314: {  	v2 =	vadd.s32 $0xF000, v2;
	s7 =	sor.u32 s8, s4;
	[tilespmem:s20+$0x0] =	vst v1  }
0x315: {  	s10 =	sadd.s32 $0x1B380, s9;
	s0 =	sor.u32 s15, s4;
	[tilespmem:s7+$0x0] =	vst v9  }
0x316: {  	s11 =	sor.u32 s11, s10;
	[tilespmem:s0+$0x0] =	vst v6  }
0x317: {  	s12 =	sor.u32 s14, s10;
	[tilespmem:s11+$0x0] =	vst v3  }
0x318: {  	v7 =	vld.idx.msk [tilespmem:v18+s3+$0x0], $0xffff;
	s1 =	sld [smem:$0x7F5];
	[tilespmem:s12+$0x0] =	vst v5  }
0x319: {  	v2 =	vld.idx.msk [tilespmem:v2+s3+$0x0], $0xffff;
	s5 =	sld [smem:$0x7F6];
	_ =	sdelay $0x1  }
0x31a: {  	s13 =	sor.u32 s8, s10;
	s4 =	simm.s32 $0x80;
	s1 =	sshll.u32 s1, $0x7  }
0x31b: {  	s16 =	rddreg [dreg:$0x1];
	s14 =	sand.u32 $0xFFFFC00, s1;
	s5 =	sshll.u32 s5, $0x4  }
0x31c: {  	s0 =	sor.u32 s15, s10;
	[tilespmem:s13+$0x0] =	vst v7;
	s15 =	sand.u32 $0x50, s5;
	s2 =	sadd.s32 s16, s14  }
0x31d: {  	s18 =	simm.s32 $0x19000;
	[tilespmem:s0+$0x0] =	vst v2;
	s5 =	simm.s32 $0x100000;
	s17 =	sadd.s32 s15, s2  }
0x31e: {  	[hbm4b:s17+s4] =	stream.strided.scatter [tilespmem:s18], [sflag:$0x6], $0x400, s5, s4, $0x38;
	[tilespmem:$0x1D000] =	vst v63  }
0x31f: {  	s20 =	simm.s32 $0x19400;
	s19 =	sadd.s32 $0x80, s17  }
0x320: {  	[hbm4b:s19+s4] =	stream.strided.scatter [tilespmem:s20], [sflag:$0x6], $0x400, s5, s4, $0x38;
	[tilespmem:$0x1D000] =	vst v63  }
0x321: {  	s22 =	simm.s32 $0x19800;
	s21 =	sadd.s32 $0x100, s17  }
0x322: {  	[hbm4b:s21+s4] =	stream.strided.scatter [tilespmem:s22], [sflag:$0x6], $0x400, s5, s4, $0x38;
	[tilespmem:$0x1D000] =	vst v63  }
0x323: {  	s24 =	simm.s32 $0x19C00;
	s23 =	sadd.s32 $0x180, s17  }
0x324: {  	[hbm4b:s23+s4] =	stream.strided.scatter [tilespmem:s24], [sflag:$0x6], $0x400, s5, s4, $0x38;
	[tilespmem:$0x1D000] =	vst v63  }
0x325: {  	s26 =	simm.s32 $0x1A000;
	s25 =	sadd.s32 $0x200, s17  }
0x326: {  	[hbm4b:s25+s4] =	stream.strided.scatter [tilespmem:s26], [sflag:$0x6], $0x400, s5, s4, $0x38;
	[tilespmem:$0x1D000] =	vst v63  }
0x327: {  	s8 =	simm.s32 $0x1A400;
	s7 =	sadd.s32 $0x280, s17  }
0x328: {  	[hbm4b:s7+s4] =	stream.strided.scatter [tilespmem:s8], [sflag:$0x6], $0x400, s5, s4, $0x38;
	[tilespmem:$0x1D000] =	vst v63  }
0x329: {  	s10 =	simm.s32 $0x1A800;
	s9 =	sadd.s32 $0x300, s17  }
0x32a: {  	[hbm4b:s9+s4] =	stream.strided.scatter [tilespmem:s10], [sflag:$0x6], $0x400, s5, s4, $0x38;
	[tilespmem:$0x1D000] =	vst v63  }
0x32b: {  	s12 =	simm.s32 $0x1AC00;
	s11 =	sadd.s32 $0x380, s17  }
0x32c: {  	[hbm4b:s11+s4] =	stream.strided.scatter [tilespmem:s12], [sflag:$0x6], $0x400, s5, s4, $0x38;
	[tilespmem:$0x1D000] =	vst v63  }
0x32d: {  	s13 =	simm.s32 $0x1B000;
	s0 =	sadd.s32 $0x100000, s17  }
0x32e: {  	[hbm4b:s0+s4] =	stream.strided.scatter [tilespmem:s13], [sflag:$0x6], $0x400, s5, s4, $0x38;
	[tilespmem:$0x1D000] =	vst v63  }
0x32f: {  	s15 =	simm.s32 $0x1B400;
	s14 =	sadd.s32 $0x80, s0  }
0x330: {  	[hbm4b:s14+s4] =	stream.strided.scatter [tilespmem:s15], [sflag:$0x6], $0x400, s5, s4, $0x38;
	[tilespmem:$0x1D000] =	vst v63  }
0x331: {  	s17 =	simm.s32 $0x1B800;
	s16 =	sadd.s32 $0x100, s0  }
0x332: {  	[hbm4b:s16+s4] =	stream.strided.scatter [tilespmem:s17], [sflag:$0x6], $0x400, s5, s4, $0x38;
	[tilespmem:$0x1D000] =	vst v63  }
0x333: {  	s18 =	sadd.s32 $0x180, s0;
	s19 =	simm.s32 $0x1BC00  }
0x334: {  	[hbm4b:s18+s4] =	stream.strided.scatter [tilespmem:s19], [sflag:$0x6], $0x400, s5, s4, $0x38;
	[tilespmem:$0x1D000] =	vst v63  }
0x335: {  	s20 =	sadd.s32 $0x200, s0;
	s21 =	simm.s32 $0x1C000  }
0x336: {  	[hbm4b:s20+s4] =	stream.strided.scatter [tilespmem:s21], [sflag:$0x6], $0x400, s5, s4, $0x38;
	[tilespmem:$0x1D000] =	vst v63  }
0x337: {  	s22 =	sadd.s32 $0x280, s0;
	s23 =	simm.s32 $0x1C400  }
0x338: {  	[hbm4b:s22+s4] =	stream.strided.scatter [tilespmem:s23], [sflag:$0x6], $0x400, s5, s4, $0x38;
	[tilespmem:$0x1D000] =	vst v63  }
0x339: {  	s24 =	sadd.s32 $0x300, s0;
	s25 =	simm.s32 $0x1C800  }
0x33a: {  	[hbm4b:s24+s4] =	stream.strided.scatter [tilespmem:s25], [sflag:$0x6], $0x400, s5, s4, $0x38;
	[tilespmem:$0x1D000] =	vst v63  }
0x33b: {  	s26 =	simm.s32 $0x1CC00;
	s0 =	sadd.s32 $0x380, s0  }
0x33c: {  	[hbm4b:s0+s4] =	stream.strided.scatter [tilespmem:s26], [sflag:$0x6], $0x400, s5, s4, $0x38;
	[tilespmem:$0x1D000] =	vst v63  }
0x33d: {  	s0 =	sld [smem:$0x7FB];
	_ =	sdelay $0x1  }
0x33e: {  	s6 =	simm.s32 $0x5  }
0x33f: {  	s2 =	simm.s32 @!p0 $0x14400;
	s0 =	sadd.s32 @!p0 s1, s0;
	s1 =	simm.s32 @!p0 $0x0  }
0x340: {  	[tilespmem:s2], [sflag:$0x2] =	stream.linear.gather @!p0 [hbm4b:s0+s1], $0x400, $0x38;
	[tilespmem:$0x1D000] =	vst v63  }
0x341: {  	_ =	swait.ge [sflag:s6], $0x4000  }
0x342: {  	[sflag:s6] =	ssyncset.done $0x0  }
0x343: {  	s7 =	simm.s32 $0x3;
	s0 =	simm.s32 $0x0;
	[sflag:s6] =	ssyncadd.s32 $0xFFFFC000  }
0x344: {  	s13 =	sand.u32 $0x40, s0;
	s8 =	sand.u32 $0x380, s0;
	_ =	swait.ge [sflag:s7], $0x400  }
0x345: {  	s1 =	sor.u32 $0x14800, s8;
	s25 =	sor.u32 $0x30, s13;
	[sflag:s7] =	ssyncset.done $0x0  }
0x346: {  	s26 =	sor.u32 $0x10, s13;
	s9 =	sor.u32 s25, s1;
	[sflag:s7] =	ssyncadd.s32 $0xFFFFFC00  }
0x347: {  	s22 =	sor.u32 $0x20, s13;
	s10 =	sor.u32 s26, s1;
	v6 =	vld [tilespmem:s9+$0x0]  }
0x348: {  	s1 =	sor.u32 s22, s1;
	v5 =	vld [tilespmem:s10+$0x0]  }
0x349: {  	v4 =	vld [tilespmem:s1+$0x0];
	_ =	sdelay $0x1  }
0x34a: {  	s11 =	simm.s32 $0x14800  }
0x34b: {  	v1 =	vld [tilespmem:s11+$0x0];
	_ =	sdelay $0x2  }
0x34c: {  	v2 =	vld.idx.msk [tilespmem:v6+s3+$0x0], $0xffff  }
0x34d: {  	v7 =	vadd.s32 $0x1000, v6;
	v3 =	vld.idx.msk [tilespmem:v5+s3+$0x0], $0xffff  }
0x34e: {  	s16 =	sand.u32 $0x1C00, s0;
	v8 =	vadd.s32 $0x1000, v5;
	v9 =	vld.idx.msk [tilespmem:v4+s3+$0x0], $0xffff  }
0x34f: {  	s12 =	sadd.s32 $0x15000, s16;
	v10 =	vadd.s32 $0x1000, v4  }
0x350: {  	s14 =	sor.u32 s25, s12  }
0x351: {  	s15 =	sor.u32 s26, s12;
	v11 =	vld.idx.msk [tilespmem:v1+s3+$0x0], $0xffff;
	[tilespmem:s14+$0x0] =	vst v2  }
0x352: {  	s17 =	sor.u32 s22, s12;
	v2 =	vadd.s32 $0x1000, v1;
	[tilespmem:s15+$0x0] =	vst v3;
	v3 =	vld.idx.msk [tilespmem:v7+s3+$0x0], $0xffff  }
0x353: {  	[tilespmem:s17+$0x0] =	vst v9;
	v7 =	vld.idx.msk [tilespmem:v8+s3+$0x0], $0xffff;
	v8 =	vadd.s32 $0x2000, v6  }
0x354: {  	v9 =	vadd.s32 $0x2000, v5;
	v10 =	vld.idx.msk [tilespmem:v10+s3+$0x0], $0xffff  }
0x355: {  	s1 =	sor.u32 s13, s12;
	v12 =	vadd.s32 $0x2000, v4  }
0x356: {  	[tilespmem:s1+$0x0] =	vst v11  }
0x357: {  	v2 =	vld.idx.msk [tilespmem:v2+s3+$0x0], $0xffff;
	[tilespmem:s14+$0x80] =	vst v3  }
0x358: {  	v3 =	vadd.s32 $0x2000, v1;
	[tilespmem:s15+$0x80] =	vst v7;
	v7 =	vld.idx.msk [tilespmem:v8+s3+$0x0], $0xffff  }
0x359: {  	[tilespmem:s17+$0x80] =	vst v10;
	v8 =	vld.idx.msk [tilespmem:v9+s3+$0x0], $0xffff;
	v9 =	vadd.s32 $0x3000, v6  }
0x35a: {  	v10 =	vadd.s32 $0x3000, v5;
	v11 =	vld.idx.msk [tilespmem:v12+s3+$0x0], $0xffff  }
0x35b: {  	v12 =	vadd.s32 $0x3000, v4  }
0x35c: {  	[tilespmem:s1+$0x80] =	vst v2  }
0x35d: {  	v2 =	vld.idx.msk [tilespmem:v3+s3+$0x0], $0xffff;
	[tilespmem:s14+$0x100] =	vst v7  }
0x35e: {  	v3 =	vadd.s32 $0x3000, v1;
	[tilespmem:s15+$0x100] =	vst v8;
	v7 =	vld.idx.msk [tilespmem:v9+s3+$0x0], $0xffff  }
0x35f: {  	[tilespmem:s17+$0x100] =	vst v11;
	v8 =	vld.idx.msk [tilespmem:v10+s3+$0x0], $0xffff;
	v9 =	vadd.s32 $0x4000, v6  }
0x360: {  	v10 =	vadd.s32 $0x4000, v5;
	v11 =	vld.idx.msk [tilespmem:v12+s3+$0x0], $0xffff  }
0x361: {  	v12 =	vadd.s32 $0x4000, v4  }
0x362: {  	[tilespmem:s1+$0x100] =	vst v2  }
0x363: {  	p1 =	por $0x0, $0x0;
	s2 =	simm.s32 $0x1;
	v2 =	vld.idx.msk [tilespmem:v3+s3+$0x0], $0xffff;
	[tilespmem:s14+$0x180] =	vst v7  }
0x364: {  	s2 =	simm.s32 @!p1 $0x0;
	v3 =	vadd.s32 $0x4000, v1;
	[tilespmem:s15+$0x180] =	vst v8;
	v7 =	vld.idx.msk [tilespmem:v9+s3+$0x0], $0xffff  }
0x365: {  	s2 =	sshll.u32 s2, $0x6;
	[tilespmem:s17+$0x180] =	vst v11;
	v8 =	vld.idx.msk [tilespmem:v10+s3+$0x0], $0xffff;
	v9 =	vadd.s32 $0x5000, v6  }
0x366: {  	s2 =	sadd.s32 $0x0, s2;
	v10 =	vadd.s32 $0x5000, v5;
	v11 =	vld.idx.msk [tilespmem:v12+s3+$0x0], $0xffff  }
0x367: {  	s18 =	sadd.s32 $0x30, s2;
	v12 =	vadd.s32 $0x5000, v4  }
0x368: {  	s19 =	sadd.s32 $0x10, s2;
	s20 =	sor.u32 $0x200, s18;
	[tilespmem:s1+$0x180] =	vst v2  }
0x369: {  	s21 =	sadd.s32 $0x20, s2;
	s23 =	sor.u32 $0x200, s19;
	v2 =	vld.idx.msk [tilespmem:v3+s3+$0x0], $0xffff;
	[tilespmem:s20+$0x15000] =	vst v7  }
0x36a: {  	s24 =	sor.u32 $0x200, s21;
	v3 =	vadd.s32 $0x5000, v1;
	[tilespmem:s23+$0x15000] =	vst v8;
	v7 =	vld.idx.msk [tilespmem:v9+s3+$0x0], $0xffff  }
0x36b: {  	[tilespmem:s24+$0x15000] =	vst v11;
	v8 =	vld.idx.msk [tilespmem:v10+s3+$0x0], $0xffff;
	v9 =	vadd.s32 $0x6000, v6  }
0x36c: {  	v10 =	vadd.s32 $0x6000, v5;
	v11 =	vld.idx.msk [tilespmem:v12+s3+$0x0], $0xffff  }
0x36d: {  	s7 =	sor.u32 $0x200, s2;
	v12 =	vadd.s32 $0x6000, v4  }
0x36e: {  	s8 =	sor.u32 $0x280, s18;
	[tilespmem:s7+$0x15000] =	vst v2  }
0x36f: {  	s9 =	sor.u32 $0x280, s19;
	v2 =	vld.idx.msk [tilespmem:v3+s3+$0x0], $0xffff;
	[tilespmem:s8+$0x15000] =	vst v7  }
0x370: {  	s10 =	sor.u32 $0x280, s21;
	v3 =	vadd.s32 $0x6000, v1;
	[tilespmem:s9+$0x15000] =	vst v8;
	v7 =	vld.idx.msk [tilespmem:v9+s3+$0x0], $0xffff  }
0x371: {  	[tilespmem:s10+$0x15000] =	vst v11;
	v8 =	vld.idx.msk [tilespmem:v10+s3+$0x0], $0xffff;
	v9 =	vadd.s32 $0x7000, v6  }
0x372: {  	v10 =	vadd.s32 $0x7000, v5;
	v11 =	vld.idx.msk [tilespmem:v12+s3+$0x0], $0xffff  }
0x373: {  	s11 =	sor.u32 $0x280, s2;
	v12 =	vadd.s32 $0x7000, v4  }
0x374: {  	s12 =	sor.u32 $0x300, s18;
	[tilespmem:s11+$0x15000] =	vst v2  }
0x375: {  	s14 =	sor.u32 $0x300, s19;
	v3 =	vld.idx.msk [tilespmem:v3+s3+$0x0], $0xffff;
	[tilespmem:s12+$0x15000] =	vst v7  }
0x376: {  	s15 =	sor.u32 $0x300, s21;
	v7 =	vadd.s32 $0x7000, v1;
	[tilespmem:s14+$0x15000] =	vst v8;
	v8 =	vld.idx.msk [tilespmem:v9+s3+$0x0], $0xffff  }
0x377: {  	[tilespmem:s15+$0x15000] =	vst v11;
	v9 =	vld.idx.msk [tilespmem:v10+s3+$0x0], $0xffff;
	v10 =	vadd.s32 $0x8000, v6  }
0x378: {  	v11 =	vadd.s32 $0x8000, v5;
	v12 =	vld.idx.msk [tilespmem:v12+s3+$0x0], $0xffff  }
0x379: {  	s2 =	sor.u32 $0x300, s2;
	v13 =	vadd.s32 $0x8000, v4;
	s17 =	simm.s32 $0x14840  }
0x37a: {  	s18 =	sor.u32 $0x380, s18;
	v2 =	vld [tilespmem:s17+$0x0];
	[tilespmem:s2+$0x15000] =	vst v3  }
0x37b: {  	s1 =	sor.u32 $0x380, s19;
	s14 =	simm.s32 $0x40;
	v7 =	vld.idx.msk [tilespmem:v7+s3+$0x0], $0xffff;
	[tilespmem:s18+$0x15000] =	vst v8  }
0x37c: {  	s19 =	sor.u32 $0x380, s21;
	s6 =	sand.u32 $0x40, s14;
	s20 =	sand.u32 $0x380, s14;
	[tilespmem:s1+$0x15000] =	vst v9;
	v8 =	vld.idx.msk [tilespmem:v10+s3+$0x0], $0xffff  }
0x37d: {  	s10 =	sor.u32 $0x30, s6;
	s1 =	sor.u32 $0x14800, s20;
	[tilespmem:s19+$0x15000] =	vst v12;
	v9 =	vld.idx.msk [tilespmem:v11+s3+$0x0], $0xffff;
	v11 =	vadd.s32 $0x8000, v1  }
0x37e: {  	s9 =	sor.u32 $0x10, s6;
	v10 =	vadd.s32 $0x9000, v6;
	s21 =	sor.u32 s10, s1;
	v12 =	vld.idx.msk [tilespmem:v13+s3+$0x0], $0xffff  }
0x37f: {  	s0 =	sor.u32 s0, s0;
	s12 =	sor.u32 $0x20, s6;
	v13 =	vadd.s32 $0x9000, v5;
	s23 =	sor.u32 s9, s1;
	v3 =	vld [tilespmem:s21+$0x0]  }
0x380: {  	s0 =	sor.u32 $0x380, s0;
	v14 =	vadd.s32 $0x9000, v4;
	s24 =	sadd.s32 $0x17000, s16;
	s1 =	sor.u32 s12, s1;
	v18 =	vld [tilespmem:s23+$0x0]  }
0x381: {  	s5 =	sor.u32 s25, s24;
	v27 =	vld [tilespmem:s1+$0x0];
	[tilespmem:s0+$0x15000] =	vst v7  }
0x382: {  	s7 =	sor.u32 s26, s24;
	[tilespmem:s5+$0x0] =	vst v8;
	v8 =	vld.idx.msk [tilespmem:v11+s3+$0x0], $0xffff  }
0x383: {  	s8 =	sor.u32 s22, s24;
	[tilespmem:s7+$0x0] =	vst v9;
	v7 =	vld.idx.msk [tilespmem:v10+s3+$0x0], $0xffff  }
0x384: {  	[tilespmem:s8+$0x0] =	vst v12;
	v9 =	vld.idx.msk [tilespmem:v13+s3+$0x0], $0xffff  }
0x385: {  	v10 =	vadd.s32 $0xA000, v6;
	v11 =	vld.idx.msk [tilespmem:v14+s3+$0x0], $0xffff  }
0x386: {  	v12 =	vadd.s32 $0x9000, v1;
	v13 =	vld.idx.msk [tilespmem:v2+s3+$0x0], $0xffff  }
0x387: {  	s11 =	sadd.s32 $0x17080, s16;
	s18 =	sor.u32 s13, s24;
	v14 =	vadd.s32 $0xA000, v5;
	v15 =	vld.idx.msk [tilespmem:v3+s3+$0x0], $0xffff  }
0x388: {  	v16 =	vadd.s32 $0xA000, v4;
	s17 =	sor.u32 s25, s11;
	s15 =	simm.s32 $0x200;
	v17 =	vld.idx.msk [tilespmem:v18+s3+$0x0], $0xffff;
	[tilespmem:s18+$0x0] =	vst v8  }
0x389: {  	s19 =	sor.u32 s26, s11;
	s7 =	sand.u32 $0x1C00, s15;
	v8 =	vld.idx.msk [tilespmem:v27+s3+$0x0], $0xffff;
	[tilespmem:s17+$0x0] =	vst v7;
	v7 =	vadd.s32 $0x1000, v3  }
0x38a: {  	s20 =	sor.u32 s22, s11;
	s21 =	sadd.s32 $0x15000, s7;
	[tilespmem:s19+$0x0] =	vst v9;
	v10 =	vld.idx.msk [tilespmem:v10+s3+$0x0], $0xffff  }
0x38b: {  	v19 =	vadd.s32 $0x1000, v18;
	s4 =	sor.u32 s10, s21;
	v9 =	vld.idx.msk [tilespmem:v12+s3+$0x0], $0xffff;
	[tilespmem:s20+$0x0] =	vst v11  }
0x38c: {  	s2 =	sor.u32 s9, s21;
	v12 =	vadd.s32 $0xB000, v6;
	v11 =	vld.idx.msk [tilespmem:v14+s3+$0x0], $0xffff;
	[tilespmem:s4+$0x0] =	vst v15  }
0x38d: {  	s23 =	sadd.s32 $0x17100, s16;
	v20 =	vadd.s32 $0x1000, v27;
	v15 =	vld.idx.msk [tilespmem:v16+s3+$0x0], $0xffff;
	[tilespmem:s2+$0x0] =	vst v17  }
0x38e: {  	s24 =	sor.u32 s25, s23;
	v14 =	vadd.s32 $0x1000, v2;
	v7 =	vld.idx.msk [tilespmem:v7+s3+$0x0], $0xffff;
	[dreg:$0x5] =	wrdreg s12  }
0x38f: {  	s1 =	sor.u32 s12, s21;
	v16 =	vadd.s32 $0xA000, v1;
	[tilespmem:s24+$0x0] =	vst v10  }
0x390: {  	s0 =	sor.u32 s6, s21;
	v17 =	vadd.s32 $0xB000, v5;
	v19 =	vld.idx.msk [tilespmem:v19+s3+$0x0], $0xffff;
	[tilespmem:s1+$0x0] =	vst v8  }
0x391: {  	s5 =	sor.u32 s13, s11;
	v8 =	vadd.s32 $0x2000, v3;
	[tilespmem:s0+$0x0] =	vst v13;
	v10 =	vld.idx.msk [tilespmem:v12+s3+$0x0], $0xffff  }
0x392: {  	s12 =	sor.u32 s26, s23;
	[tilespmem:s5+$0x0] =	vst v9;
	v12 =	vadd.s32 $0x2000, v18;
	v13 =	vld.idx.msk [tilespmem:v20+s3+$0x0], $0xffff  }
0x393: {  	s19 =	sor.u32 s22, s23;
	v9 =	vadd.s32 $0xC000, v6;
	[tilespmem:s12+$0x0] =	vst v11;
	v14 =	vld.idx.msk [tilespmem:v14+s3+$0x0], $0xffff  }
0x394: {  	v20 =	vadd.s32 $0x2000, v27;
	v16 =	vld.idx.msk [tilespmem:v16+s3+$0x0], $0xffff;
	[tilespmem:s19+$0x0] =	vst v15  }
0x395: {  	s17 =	sadd.s32 $0x17180, s16;
	v11 =	vadd.s32 $0x2000, v2;
	[tilespmem:s4+$0x80] =	vst v7;
	v7 =	vld.idx.msk [tilespmem:v17+s3+$0x0], $0xffff  }
0x396: {  	s18 =	sor.u32 s25, s17;
	v17 =	vadd.s32 $0xB000, v4;
	[tilespmem:s2+$0x80] =	vst v19;
	v8 =	vld.idx.msk [tilespmem:v8+s3+$0x0], $0xffff  }
0x397: {  	v19 =	vadd.s32 $0xB000, v1;
	v12 =	vld.idx.msk [tilespmem:v12+s3+$0x0], $0xffff;
	[tilespmem:s18+$0x0] =	vst v10  }
0x398: {  	[tilespmem:s1+$0x80] =	vst v13;
	v10 =	vadd.s32 $0x3000, v3;
	v9 =	vld.idx.msk [tilespmem:v9+s3+$0x0], $0xffff  }
0x399: {  	s11 =	sor.u32 s13, s23;
	v13 =	vadd.s32 $0x3000, v18;
	[tilespmem:s0+$0x80] =	vst v14;
	v14 =	vld.idx.msk [tilespmem:v20+s3+$0x0], $0xffff  }
0x39a: {  	s21 =	sor.u32 s26, s17;
	v15 =	vadd.s32 $0xD000, v6;
	v11 =	vld.idx.msk [tilespmem:v11+s3+$0x0], $0xffff;
	[tilespmem:s11+$0x0] =	vst v16  }
0x39b: {  	v20 =	vadd.s32 $0x3000, v27;
	v16 =	vld.idx.msk [tilespmem:v17+s3+$0x0], $0xffff;
	[tilespmem:s21+$0x0] =	vst v7  }
0x39c: {  	s5 =	sadd.s32 $0x17200, s16;
	v17 =	vadd.s32 $0x3000, v2;
	[tilespmem:s4+$0x100] =	vst v8;
	v8 =	vld.idx.msk [tilespmem:v19+s3+$0x0], $0xffff  }
0x39d: {  	s20 =	sor.u32 s25, s5;
	v19 =	vadd.s32 $0xC000, v5;
	[tilespmem:s2+$0x100] =	vst v12;
	v10 =	vld.idx.msk [tilespmem:v10+s3+$0x0], $0xffff  }
0x39e: {  	v12 =	vadd.s32 $0xC000, v4;
	v13 =	vld.idx.msk [tilespmem:v13+s3+$0x0], $0xffff;
	[tilespmem:s20+$0x0] =	vst v9  }
0x39f: {  	[tilespmem:s1+$0x100] =	vst v14;
	v9 =	vadd.s32 $0x4000, v3;
	v14 =	vld.idx.msk [tilespmem:v15+s3+$0x0], $0xffff  }
0x3a0: {  	s23 =	sor.u32 s22, s17;
	[tilespmem:s0+$0x100] =	vst v11;
	v15 =	vadd.s32 $0x4000, v18;
	v11 =	vld.idx.msk [tilespmem:v20+s3+$0x0], $0xffff  }
0x3a1: {  	s12 =	sor.u32 s13, s17;
	v7 =	vadd.s32 $0xE000, v6;
	v17 =	vld.idx.msk [tilespmem:v17+s3+$0x0], $0xffff;
	[tilespmem:s23+$0x0] =	vst v16  }
0x3a2: {  	v20 =	vadd.s32 $0x4000, v27;
	v19 =	vld.idx.msk [tilespmem:v19+s3+$0x0], $0xffff;
	[tilespmem:s12+$0x0] =	vst v8  }
0x3a3: {  	v16 =	vadd.s32 $0x4000, v2;
	[tilespmem:s4+$0x180] =	vst v10;
	s4 =	sadd.s32 $0x17280, s16;
	v10 =	vld.idx.msk [tilespmem:v12+s3+$0x0], $0xffff  }
0x3a4: {  	p1 =	por !p1, !p1;
	s11 =	simm.s32 $0x1;
	v12 =	vadd.s32 $0xC000, v1;
	[tilespmem:s2+$0x180] =	vst v13;
	v9 =	vld.idx.msk [tilespmem:v9+s3+$0x0], $0xffff;
	s24 =	sor.u32 s25, s4  }
0x3a5: {  	s11 =	simm.s32 @!p1 $0x0;
	v13 =	vadd.s32 $0xD000, v5;
	v15 =	vld.idx.msk [tilespmem:v15+s3+$0x0], $0xffff;
	[tilespmem:s24+$0x0] =	vst v14  }
0x3a6: {  	s11 =	sshll.u32 s11, $0x6;
	[tilespmem:s1+$0x180] =	vst v11;
	v11 =	vadd.s32 $0x5000, v3;
	v14 =	vld.idx.msk [tilespmem:v7+s3+$0x0], $0xffff  }
0x3a7: {  	v21 =	vadd.s32 $0x5000, v18;
	s17 =	sor.u32 s26, s5;
	[tilespmem:s0+$0x180] =	vst v17;
	s0 =	sadd.s32 $0x200, s11;
	v17 =	vld.idx.msk [tilespmem:v20+s3+$0x0], $0xffff  }
0x3a8: {  	v8 =	vadd.s32 $0xF000, v6;
	s2 =	sor.u32 s22, s5;
	v20 =	vld.idx.msk [tilespmem:v16+s3+$0x0], $0xffff;
	s29 =	sadd.s32 $0x30, s0;
	[tilespmem:s17+$0x0] =	vst v19  }
0x3a9: {  	s8 =	sadd.s32 $0x17300, s16;
	v22 =	vadd.s32 $0x5000, v27;
	s30 =	sadd.s32 $0x10, s0;
	s20 =	sor.u32 $0x200, s29;
	v12 =	vld.idx.msk [tilespmem:v12+s3+$0x0], $0xffff;
	[tilespmem:s2+$0x0] =	vst v10  }
0x3aa: {  	v29 =	vadd.s32 $0xD000, v1;
	s19 =	sor.u32 s15, s14;
	s23 =	sor.u32 s25, s8;
	v19 =	vadd.s32 $0x5000, v2;
	s21 =	sor.u32 $0x200, s30;
	[tilespmem:s20+$0x15000] =	vst v9;
	v28 =	vld.idx.msk [tilespmem:v13+s3+$0x0], $0xffff  }
0x3ab: {  	v34 =	vadd.s32 $0x6000, v2;
	v35 =	vadd.s32 $0x6000, v18;
	s1 =	sadd.s32 $0x17380, s16;
	s11 =	sor.u32 $0x380, s19;
	s12 =	sadd.s32 $0x20, s0;
	v9 =	vadd.s32 $0xD000, v4;
	[tilespmem:s21+$0x15000] =	vst v15;
	v11 =	vld.idx.msk [tilespmem:v11+s3+$0x0], $0xffff  }
0x3ac: {  	v26 =	vadd.s32 $0x6000, v27;
	v25 =	vadd.s32 $0x7000, v18;
	v62 =	vadd.s32 $0x6000, v3;
	s19 =	sor.u32 s13, s5;
	s5 =	sor.u32 s26, s4;
	s24 =	sor.u32 $0x200, s12;
	v23 =	vld.idx.msk [tilespmem:v21+s3+$0x0], $0xffff;
	[tilespmem:s23+$0x0] =	vst v14  }
0x3ad: {  	v24 =	vadd.s32 $0x7000, v27;
	v6 =	vadd.s32 $0xE000, v5;
	v5 =	vadd.s32 $0xF000, v5;
	s17 =	sor.u32 s13, s4;
	s21 =	sor.u32 s22, s4;
	s4 =	sor.u32 $0x200, s0;
	[tilespmem:s24+$0x15000] =	vst v17;
	v63 =	vld.idx.msk [tilespmem:v8+s3+$0x0], $0xffff  }
0x3ae: {  	s18 =	simm.s32 $0x4;
	v7 =	vadd.s32 $0xE000, v4;
	s16 =	sor.u32 s26, s1;
	v16 =	vadd.s32 $0x9000, v18;
	s28 =	sor.u32 $0x300, s0;
	v10 =	vadd.s32 $0xC000, v27;
	[tilespmem:s4+$0x15000] =	vst v20;
	v31 =	vld.idx.msk [tilespmem:v22+s3+$0x0], $0xffff  }
0x3af: {  	s2 =	sor.u32 s13, s8;
	s31 =	sor.u32 $0x380, s30;
	v4 =	vadd.s32 $0xF000, v4;
	v13 =	vadd.s32 $0xB000, v18;
	s20 =	sor.u32 s13, s1;
	v15 =	vadd.s32 $0xA000, v27;
	v33 =	vld.idx.msk [tilespmem:v19+s3+$0x0], $0xffff  }
0x3b0: {  	s13 =	simm.s32 $0x14880;
	v21 =	vadd.s32 $0x8000, v18;
	s24 =	sor.u32 $0x280, s30;
	v14 =	vadd.s32 $0xA000, v18;
	v17 =	vadd.s32 $0x9000, v27;
	[tilespmem:s19+$0x0] =	vst v12;
	s19 =	sor.u32 $0x280, s29;
	v30 =	vld.idx.msk [tilespmem:v9+s3+$0x0], $0xffff  }
0x3b1: {  	s23 =	sor.u32 $0x280, s0;
	s0 =	sor.u32 s22, s8;
	v20 =	vadd.s32 $0x8000, v27;
	s4 =	sor.u32 s26, s8;
	v8 =	vadd.s32 $0xD000, v18;
	v22 =	vadd.s32 $0xE000, v27;
	v29 =	vld.idx.msk [tilespmem:v29+s3+$0x0], $0xffff;
	[tilespmem:s19+$0x15000] =	vst v11  }
0x3b2: {  	s26 =	sor.u32 s25, s1;
	s8 =	sor.u32 $0x280, s12;
	v12 =	vadd.s32 $0xB000, v27;
	v19 =	vadd.s32 $0xF000, v18;
	v9 =	vadd.s32 $0xD000, v27;
	s19 =	sor.u32 s22, s1;
	[tilespmem:s24+$0x15000] =	vst v23;
	v32 =	vld.idx.msk [tilespmem:v62+s3+$0x0], $0xffff  }
0x3b3: {  	v11 =	vadd.s32 $0xC000, v18;
	s1 =	sor.u32 $0x300, s12;
	v23 =	vadd.s32 $0xE000, v18;
	s24 =	sor.u32 $0x300, s30;
	v18 =	vadd.s32 $0xF000, v27;
	s30 =	sor.u32 $0x380, s12;
	[tilespmem:s26+$0x0] =	vst v63;
	v27 =	vld.idx.msk [tilespmem:v35+s3+$0x0], $0xffff  }
.LBB2_17:
0x3b4: {  	_ = 	snop  }
0x3b5: {  	v35 =	vld [tilespmem:s13+$0x0];
	[tilespmem:s5+$0x0] =	vst v28  }
0x3b6: {  	v56 =	vadd.s32 $0xE000, v1;
	v28 =	vld.idx.msk [tilespmem:v6+s3+$0x0], $0xffff;
	[tilespmem:s8+$0x15000] =	vst v31  }
0x3b7: {  	v31 =	vadd.s32 $0x7000, v3;
	[tilespmem:s23+$0x15000] =	vst v33;
	v26 =	vld.idx.msk [tilespmem:v26+s3+$0x0], $0xffff  }
0x3b8: {  	v33 =	vld.idx.msk [tilespmem:v34+s3+$0x0], $0xffff;
	[tilespmem:s21+$0x0] =	vst v30  }
0x3b9: {  	[tilespmem:s24+$0x15000] =	vst v27;
	v30 =	vld.idx.msk [tilespmem:v7+s3+$0x0], $0xffff  }
0x3ba: {  	v6 =	vmov v23;
	v23 =	vadd.s32 $0x7000, v2;
	s23 =	sor.u32 $0x300, s29;
	[tilespmem:s17+$0x0] =	vst v29;
	v25 =	vld.idx.msk [tilespmem:v25+s3+$0x0], $0xffff  }
0x3bb: {  	[tilespmem:s23+$0x15000] =	vst v32;
	v27 =	vld.idx.msk [tilespmem:v56+s3+$0x0], $0xffff  }
0x3bc: {  	v7 =	vmov v22;
	[tilespmem:s4+$0x0] =	vst v28;
	v22 =	vld.idx.msk [tilespmem:v31+s3+$0x0], $0xffff  }
0x3bd: {  	v31 =	vld.idx.msk [tilespmem:v5+s3+$0x0], $0xffff;
	[tilespmem:s1+$0x15000] =	vst v26;
	v26 =	vadd.s32 $0x8000, v3  }
0x3be: {  	s12 =	rddreg [dreg:$0x5];
	[tilespmem:s28+$0x15000] =	vst v33;
	v24 =	vld.idx.msk [tilespmem:v24+s3+$0x0], $0xffff  }
0x3bf: {  	s14 =	sadd.s32 $0x40, s14;
	s22 =	smov.u32 s12;
	v29 =	vadd.s32 $0xF000, v1;
	v23 =	vld.idx.msk [tilespmem:v23+s3+$0x0], $0xffff;
	[tilespmem:s0+$0x0] =	vst v30  }
0x3c0: {  	s12 =	sand.u32 $0x40, s14;
	s5 =	sand.u32 $0x380, s14;
	s4 =	sor.u32 $0x380, s29;
	v5 =	vmov v19;
	[tilespmem:s31+$0x15000] =	vst v25;
	v19 =	vld.idx.msk [tilespmem:v4+s3+$0x0], $0xffff  }
0x3c1: {  	s17 =	sor.u32 $0x30, s12;
	s0 =	sor.u32 $0x14800, s5;
	v21 =	vld.idx.msk [tilespmem:v21+s3+$0x0], $0xffff;
	[tilespmem:s4+$0x15000] =	vst v22  }
0x3c2: {  	[tilespmem:s2+$0x0] =	vst v27;
	v4 =	vmov v18;
	s8 =	sor.u32 s17, s0;
	v18 =	vld.idx.msk [tilespmem:v26+s3+$0x0], $0xffff  }
0x3c3: {  	v1 =	vmov v2;
	v22 =	vadd.s32 $0x9000, v3;
	v28 =	vld [tilespmem:s8+$0x0];
	[tilespmem:s30+$0x15000] =	vst v24  }
0x3c4: {  	s25 =	smov.u32 s10;
	s26 =	smov.u32 s9;
	s10 =	sor.u32 $0x10, s12;
	v24 =	vld.idx.msk [tilespmem:v29+s3+$0x0], $0xffff;
	[tilespmem:s11+$0x15000] =	vst v23;
	v23 =	vadd.s32 $0x8000, v1  }
0x3c5: {  	s9 =	sor.u32 $0x20, s12;
	s21 =	sadd.s32 $0x17000, s7;
	[tilespmem:s16+$0x0] =	vst v31;
	s11 =	sor.u32 s10, s0;
	v20 =	vld.idx.msk [tilespmem:v20+s3+$0x0], $0xffff  }
0x3c6: {  	v2 =	vmov v35;
	s8 =	sor.u32 s25, s21;
	s0 =	sor.u32 s9, s0;
	v37 =	vld [tilespmem:s11+$0x0];
	[tilespmem:s19+$0x0] =	vst v19  }
0x3c7: {  	v38 =	vld [tilespmem:s0+$0x0];
	[tilespmem:s8+$0x0] =	vst v18  }
0x3c8: {  	s24 =	sor.u32 s26, s21;
	v18 =	vld.idx.msk [tilespmem:v22+s3+$0x0], $0xffff  }
0x3c9: {  	[tilespmem:s24+$0x0] =	vst v21;
	v19 =	vld.idx.msk [tilespmem:v23+s3+$0x0], $0xffff  }
0x3ca: {  	s11 =	sor.u32 s22, s21;
	[tilespmem:s20+$0x0] =	vst v24;
	v23 =	vld.idx.msk [tilespmem:v16+s3+$0x0], $0xffff;
	v16 =	vadd.s32 $0xA000, v3  }
0x3cb: {  	[tilespmem:s11+$0x0] =	vst v20;
	v43 =	vld.idx.msk [tilespmem:v2+s3+$0x0], $0xffff  }
0x3cc: {  	s16 =	sadd.s32 $0x17080, s7;
	v22 =	vadd.s32 $0x9000, v1;
	v57 =	vld.idx.msk [tilespmem:v17+s3+$0x0], $0xffff  }
0x3cd: {  	s20 =	sor.u32 s25, s16;
	v46 =	vld.idx.msk [tilespmem:v28+s3+$0x0], $0xffff  }
0x3ce: {  	s15 =	sadd.s32 $0x200, s15;
	s23 =	sor.u32 s6, s21;
	s1 =	sor.u32 s6, s16;
	v47 =	vld.idx.msk [tilespmem:v37+s3+$0x0], $0xffff;
	[tilespmem:s20+$0x0] =	vst v18  }
0x3cf: {  	v40 =	vadd.s32 $0x1000, v2;
	s19 =	sor.u32 s26, s16;
	s0 =	sor.u32 s22, s16;
	s16 =	sand.u32 $0x1C00, s15;
	[tilespmem:s23+$0x0] =	vst v19;
	v48 =	vld.idx.msk [tilespmem:v16+s3+$0x0], $0xffff  }
0x3d0: {  	v18 =	vadd.s32 $0x1000, v28;
	[tilespmem:s19+$0x0] =	vst v23;
	s23 =	sadd.s32 $0x15000, s16;
	v49 =	vld.idx.msk [tilespmem:v38+s3+$0x0], $0xffff  }
0x3d1: {  	v41 =	vadd.s32 $0x1000, v37;
	v50 =	vld.idx.msk [tilespmem:v22+s3+$0x0], $0xffff;
	s5 =	sor.u32 s17, s23;
	[tilespmem:s0+$0x0] =	vst v57  }
0x3d2: {  	v51 =	vadd.s32 $0xB000, v3;
	v54 =	vld.idx.msk [tilespmem:v14+s3+$0x0], $0xffff;
	s0 =	sor.u32 s12, s23;
	[tilespmem:s5+$0x0] =	vst v46  }
0x3d3: {  	v44 =	vadd.s32 $0x1000, v38;
	v46 =	vld.idx.msk [tilespmem:v15+s3+$0x0], $0xffff;
	[tilespmem:s0+$0x0] =	vst v43  }
0x3d4: {  	v39 =	vadd.s32 $0xA000, v1;
	s21 =	sor.u32 s15, s14;
	s24 =	sadd.s32 $0x17100, s7;
	s4 =	sor.u32 s10, s23;
	v40 =	vld.idx.msk [tilespmem:v40+s3+$0x0], $0xffff  }
0x3d5: {  	v62 =	vadd.s32 $0xC000, v3;
	s2 =	sor.u32 $0x380, s21;
	s11 =	sor.u32 s25, s24;
	[tilespmem:s4+$0x0] =	vst v47;
	v58 =	vld.idx.msk [tilespmem:v18+s3+$0x0], $0xffff  }
0x3d6: {  	v63 =	vadd.s32 $0x2000, v2;
	[dreg:$0x10] =	wrdreg s2;
	v59 =	vadd.s32 $0x2000, v28;
	v42 =	vadd.s32 $0x2000, v37;
	s2 =	sor.u32 s9, s23;
	v41 =	vld.idx.msk [tilespmem:v41+s3+$0x0], $0xffff;
	[tilespmem:s11+$0x0] =	vst v48  }
0x3d7: {  	v36 =	vadd.s32 $0x3000, v37;
	v33 =	vadd.s32 $0x4000, v37;
	v30 =	vadd.s32 $0x5000, v37;
	[tilespmem:s2+$0x0] =	vst v49;
	v60 =	vld.idx.msk [tilespmem:v51+s3+$0x0], $0xffff  }
0x3d8: {  	[dreg:$0xc] =	wrdreg s10;
	v27 =	vadd.s32 $0x6000, v37;
	v25 =	vadd.s32 $0x7000, v37;
	v21 =	vadd.s32 $0x8000, v37;
	s10 =	sor.u32 s26, s24;
	[tilespmem:s1+$0x0] =	vst v50;
	v61 =	vld.idx.msk [tilespmem:v44+s3+$0x0], $0xffff  }
0x3d9: {  	v52 =	vadd.s32 $0xB000, v37;
	v55 =	vadd.s32 $0xC000, v37;
	v34 =	vadd.s32 $0xD000, v37;
	[tilespmem:s10+$0x0] =	vst v54;
	v39 =	vld.idx.msk [tilespmem:v39+s3+$0x0], $0xffff  }
0x3da: {  	v45 =	vadd.s32 $0x2000, v38;
	v19 =	vadd.s32 $0xA000, v37;
	v23 =	vadd.s32 $0xE000, v37;
	v47 =	vld.idx.msk [tilespmem:v13+s3+$0x0], $0xffff;
	[tilespmem:s5+$0x80] =	vst v58  }
0x3db: {  	s21 =	sadd.s32 $0x17180, s7;
	v16 =	vadd.s32 $0x9000, v37;
	v14 =	vmovc v19;
	v19 =	vadd.s32 $0xF000, v37;
	v54 =	vadd.s32 $0xB000, v1;
	[tilespmem:s4+$0x80] =	vst v41;
	v37 =	vld.idx.msk [tilespmem:v59+s3+$0x0], $0xffff  }
0x3dc: {  	s10 =	sor.u32 s25, s21;
	[tilespmem:s0+$0x80] =	vst v40;
	v41 =	vld.idx.msk [tilespmem:v42+s3+$0x0], $0xffff  }
0x3dd: {  	v57 =	vadd.s32 $0x3000, v28;
	[tilespmem:s10+$0x0] =	vst v60;
	v60 =	vld.idx.msk [tilespmem:v63+s3+$0x0], $0xffff  }
0x3de: {  	[dreg:$0x5] =	wrdreg s9;
	v35 =	vadd.s32 $0x3000, v38;
	v31 =	vadd.s32 $0x4000, v38;
	v29 =	vadd.s32 $0x5000, v38;
	s9 =	sor.u32 s6, s24;
	[tilespmem:s2+$0x80] =	vst v61;
	v58 =	vld.idx.msk [tilespmem:v62+s3+$0x0], $0xffff  }
0x3df: {  	s8 =	sor.u32 s22, s24;
	v26 =	vadd.s32 $0x6000, v38;
	v24 =	vadd.s32 $0x7000, v38;
	[tilespmem:s9+$0x0] =	vst v39;
	v63 =	vadd.s32 $0x3000, v2;
	v59 =	vld.idx.msk [tilespmem:v45+s3+$0x0], $0xffff  }
0x3e0: {  	v20 =	vadd.s32 $0x8000, v38;
	v17 =	vadd.s32 $0x9000, v38;
	v53 =	vadd.s32 $0xB000, v38;
	[tilespmem:s8+$0x0] =	vst v46;
	v48 =	vld.idx.msk [tilespmem:v54+s3+$0x0], $0xffff  }
0x3e1: {  	v56 =	vadd.s32 $0xC000, v38;
	v22 =	vadd.s32 $0xA000, v38;
	v61 =	vadd.s32 $0xD000, v3;
	v62 =	vld.idx.msk [tilespmem:v12+s3+$0x0], $0xffff;
	[tilespmem:s5+$0x100] =	vst v37  }
0x3e2: {  	v32 =	vadd.s32 $0xD000, v38;
	v15 =	vmovc v22;
	v22 =	vadd.s32 $0xE000, v38;
	v18 =	vadd.s32 $0xF000, v38;
	[tilespmem:s4+$0x100] =	vst v41;
	v38 =	vld.idx.msk [tilespmem:v57+s3+$0x0], $0xffff  }
0x3e3: {  	s24 =	sadd.s32 $0x17200, s7;
	s23 =	sor.u32 s26, s21;
	v36 =	vld.idx.msk [tilespmem:v36+s3+$0x0], $0xffff;
	[tilespmem:s0+$0x100] =	vst v60  }
0x3e4: {  	v49 =	vadd.s32 $0x4000, v28;
	s9 =	sor.u32 s25, s24;
	[tilespmem:s23+$0x0] =	vst v47;
	v51 =	vld.idx.msk [tilespmem:v63+s3+$0x0], $0xffff  }
0x3e5: {  	v12 =	vmov v53;
	[tilespmem:s9+$0x0] =	vst v58;
	v53 =	vld.idx.msk [tilespmem:v11+s3+$0x0], $0xffff  }
0x3e6: {  	s11 =	sor.u32 s22, s21;
	v54 =	vadd.s32 $0x4000, v2;
	[tilespmem:s2+$0x100] =	vst v59;
	v50 =	vld.idx.msk [tilespmem:v61+s3+$0x0], $0xffff  }
0x3e7: {  	v35 =	vld.idx.msk [tilespmem:v35+s3+$0x0], $0xffff;
	[tilespmem:s11+$0x0] =	vst v62  }
0x3e8: {  	s18 =	sadd.s32 $0x4, s18;
	p1 =	por !p1, !p1;
	v13 =	vmov v52;
	v52 =	vadd.s32 $0xE000, v3;
	v11 =	vmov v55;
	v55 =	vld.idx.msk [tilespmem:v10+s3+$0x0], $0xffff;
	[tilespmem:s5+$0x180] =	vst v38  }
0x3e9: {  	s13 =	sadd.s32 $0x40, s13;
	p2 =	slt.u32 s18, $0x3C;
	s23 =	simm.s32 $0x1;
	v10 =	vmov v56;
	[tilespmem:s4+$0x180] =	vst v36;
	v56 =	vld.idx.msk [tilespmem:v49+s3+$0x0], $0xffff  }
0x3ea: {  	s10 =	sadd.s32 $0x17280, s7;
	s8 =	sor.u32 s26, s24;
	v57 =	vadd.s32 $0xC000, v1;
	s23 =	simm.s32 @!p1 $0x0;
	v33 =	vld.idx.msk [tilespmem:v33+s3+$0x0], $0xffff;
	[tilespmem:s0+$0x180] =	vst v51  }
0x3eb: {  	[dreg:$0xf] =	wrdreg s17;
	v58 =	vadd.s32 $0x5000, v28;
	s11 =	sor.u32 s25, s10;
	s23 =	sshll.u32 s23, $0x6;
	[tilespmem:s8+$0x0] =	vst v53;
	v39 =	vld.idx.msk [tilespmem:v54+s3+$0x0], $0xffff  }
0x3ec: {  	s19 =	sor.u32 s6, s24;
	s20 =	sor.u32 s22, s24;
	v59 =	vadd.s32 $0xF000, v3;
	v3 =	vmov v28;
	s0 =	sadd.s32 s23, s15;
	[tilespmem:s11+$0x0] =	vst v50;
	v28 =	vld.idx.msk [tilespmem:v8+s3+$0x0], $0xffff  }
0x3ed: {  	s1 =	sor.u32 s6, s21;
	s17 =	sor.u32 s6, s10;
	v60 =	vadd.s32 $0x5000, v2;
	[tilespmem:s2+$0x180] =	vst v35;
	s29 =	sadd.s32 $0x30, s0;
	v41 =	vld.idx.msk [tilespmem:v52+s3+$0x0], $0xffff  }
0x3ee: {  	s21 =	sor.u32 s22, s10;
	s2 =	sadd.s32 $0x10, s0;
	[tilespmem:s1+$0x0] =	vst v48;
	v31 =	vld.idx.msk [tilespmem:v31+s3+$0x0], $0xffff;
	s11 =	sor.u32 $0x200, s29  }
0x3ef: {  	s5 =	sor.u32 s26, s10;
	s4 =	sadd.s32 $0x20, s0;
	s24 =	sor.u32 $0x200, s2;
	v40 =	vld.idx.msk [tilespmem:v57+s3+$0x0], $0xffff;
	[tilespmem:s11+$0x15000] =	vst v56  }
0x3f0: {  	v62 =	vadd.s32 $0xD000, v1;
	s9 =	sor.u32 $0x200, s0;
	s23 =	sor.u32 $0x280, s0;
	s11 =	sadd.s32 $0x17300, s7;
	[tilespmem:s24+$0x15000] =	vst v33;
	v35 =	vld.idx.msk [tilespmem:v58+s3+$0x0], $0xffff  }
0x3f1: {  	s28 =	sor.u32 $0x300, s0;
	s30 =	sor.u32 $0x200, s4;
	s31 =	sor.u32 s25, s11;
	v61 =	vld.idx.msk [tilespmem:v30+s3+$0x0], $0xffff;
	[tilespmem:s9+$0x15000] =	vst v39  }
0x3f2: {  	v63 =	vadd.s32 $0x6000, v3;
	s10 =	sor.u32 $0x280, s2;
	s8 =	sor.u32 $0x280, s4;
	s1 =	sor.u32 $0x300, s4;
	[tilespmem:s31+$0x0] =	vst v41;
	v33 =	vld.idx.msk [tilespmem:v60+s3+$0x0], $0xffff  }
0x3f3: {  	s24 =	sor.u32 $0x300, s2;
	s0 =	sor.u32 s22, s11;
	s9 =	rddreg [dreg:$0xc];
	[tilespmem:s30+$0x15000] =	vst v31;
	v37 =	vld.idx.msk [tilespmem:v59+s3+$0x0], $0xffff  }
.Ltmp10:
0x3f4: {  	s31 =	sor.u32 $0x380, s2;
	s30 =	sor.u32 $0x380, s4;
	[tilespmem:s19+$0x0] =	vst v40;
	v31 =	vld.idx.msk [tilespmem:v29+s3+$0x0], $0xffff;
	(pc) =	sbr.rel @p2 .LBB2_17-.Ltmp10, $4  }
0x3f5: {  	s2 =	sor.u32 s6, s11;
	s4 =	sor.u32 s26, s11;
	[tilespmem:s20+$0x0] =	vst v55;
	s20 =	sor.u32 $0x280, s29;
	v29 =	vld.idx.msk [tilespmem:v62+s3+$0x0], $0xffff  }
0x3f6: {  	s11 =	rddreg [dreg:$0x10];
	s19 =	sadd.s32 $0x17380, s7;
	s7 =	smov.u32 s16;
	v30 =	vld.idx.msk [tilespmem:v9+s3+$0x0], $0xffff;
	[tilespmem:s20+$0x15000] =	vst v35  }
0x3f7: {  	s16 =	sor.u32 s26, s19;
	s26 =	sor.u32 s25, s19;
	v9 =	vmov v32;
	[tilespmem:s10+$0x15000] =	vst v61;
	s10 =	rddreg [dreg:$0xf];
	v32 =	vld.idx.msk [tilespmem:v63+s3+$0x0], $0xffff  }
0x3f8: {  	v8 =	vmov v34;
	v34 =	vadd.s32 $0x6000, v2;
	s20 =	sor.u32 s6, s19;
	s19 =	sor.u32 s22, s19;
	s6 =	smov.u32 s12;
	v27 =	vld.idx.msk [tilespmem:v27+s3+$0x0], $0xffff;
	[tilespmem:s26+$0x0] =	vst v37  }
0x3f9: {  	_ =	sdelay $0x2  }
0x3fa: {  	[tilespmem:s8+$0x15000] =	vst v31  }
0x3fb: {  	v31 =	vadd.s32 $0x7000, v3;
	[tilespmem:s23+$0x15000] =	vst v33;
	v26 =	vld.idx.msk [tilespmem:v26+s3+$0x0], $0xffff  }
0x3fc: {  	v33 =	vld.idx.msk [tilespmem:v34+s3+$0x0], $0xffff  }
0x3fd: {  	s18 =	sor.u32 $0x300, s29;
	v60 =	vadd.s32 $0x7000, v2  }
0x3fe: {  	[tilespmem:s18+$0x15000] =	vst v32  }
0x3ff: {  	[tilespmem:s24+$0x15000] =	vst v27  }
0x400: {  	v27 =	vld.idx.msk [tilespmem:v31+s3+$0x0], $0xffff;
	[tilespmem:s1+$0x15000] =	vst v26  }
0x401: {  	v25 =	vld.idx.msk [tilespmem:v25+s3+$0x0], $0xffff;
	v26 =	vadd.s32 $0x8000, v3;
	[tilespmem:s28+$0x15000] =	vst v33  }
0x402: {  	v31 =	vld.idx.msk [tilespmem:v60+s3+$0x0], $0xffff  }
0x403: {  	v61 =	vadd.s32 $0x8000, v2;
	v24 =	vld.idx.msk [tilespmem:v24+s3+$0x0], $0xffff  }
0x404: {  	s22 =	sor.u32 $0x380, s29  }
0x405: {  	[tilespmem:s22+$0x15000] =	vst v27  }
0x406: {  	[tilespmem:s31+$0x15000] =	vst v25;
	v25 =	vld.idx.msk [tilespmem:v26+s3+$0x0], $0xffff  }
0x407: {  	v21 =	vld.idx.msk [tilespmem:v21+s3+$0x0], $0xffff;
	[tilespmem:s11+$0x15000] =	vst v31  }
0x408: {  	[tilespmem:s30+$0x15000] =	vst v24;
	v24 =	vadd.s32 $0x9000, v3;
	v26 =	vld.idx.msk [tilespmem:v61+s3+$0x0], $0xffff  }
0x409: {  	s23 =	sadd.s32 $0x17000, s7;
	v20 =	vld.idx.msk [tilespmem:v20+s3+$0x0], $0xffff  }
0x40a: {  	s24 =	sor.u32 s10, s23;
	v27 =	vadd.s32 $0x9000, v2  }
0x40b: {  	s25 =	sor.u32 s9, s23;
	[tilespmem:s24+$0x0] =	vst v25  }
0x40c: {  	s1 =	sor.u32 s6, s23;
	s12 =	rddreg [dreg:$0x5];
	[tilespmem:s25+$0x0] =	vst v21  }
0x40d: {  	v21 =	vld.idx.msk [tilespmem:v24+s3+$0x0], $0xffff;
	s26 =	sor.u32 s12, s23;
	[tilespmem:s1+$0x0] =	vst v26  }
0x40e: {  	v16 =	vld.idx.msk [tilespmem:v16+s3+$0x0], $0xffff;
	[tilespmem:s26+$0x0] =	vst v20;
	v20 =	vadd.s32 $0xA000, v3  }
0x40f: {  	v24 =	vld.idx.msk [tilespmem:v27+s3+$0x0], $0xffff  }
0x410: {  	s13 =	sadd.s32 $0x17080, s7;
	v25 =	vadd.s32 $0xA000, v2;
	v17 =	vld.idx.msk [tilespmem:v17+s3+$0x0], $0xffff  }
0x411: {  	s14 =	sor.u32 s10, s13;
	s11 =	smov.u32 s9  }
0x412: {  	s15 =	sor.u32 s11, s13;
	[tilespmem:s14+$0x0] =	vst v21  }
0x413: {  	s1 =	sor.u32 s6, s13;
	[tilespmem:s15+$0x0] =	vst v16;
	v20 =	vld.idx.msk [tilespmem:v20+s3+$0x0], $0xffff  }
0x414: {  	s18 =	sor.u32 s12, s13;
	v16 =	vadd.s32 $0xB000, v3;
	v14 =	vld.idx.msk [tilespmem:v14+s3+$0x0], $0xffff;
	[tilespmem:s1+$0x0] =	vst v24  }
0x415: {  	[tilespmem:s18+$0x0] =	vst v17;
	v17 =	vld.idx.msk [tilespmem:v25+s3+$0x0], $0xffff  }
0x416: {  	s22 =	sadd.s32 $0x17100, s7;
	v21 =	vadd.s32 $0xB000, v2;
	v15 =	vld.idx.msk [tilespmem:v15+s3+$0x0], $0xffff  }
0x417: {  	s23 =	sor.u32 s10, s22  }
0x418: {  	s24 =	sor.u32 s11, s22;
	[tilespmem:s23+$0x0] =	vst v20  }
0x419: {  	s1 =	sor.u32 s6, s22;
	[tilespmem:s24+$0x0] =	vst v14;
	v16 =	vld.idx.msk [tilespmem:v16+s3+$0x0], $0xffff  }
0x41a: {  	s25 =	sor.u32 s12, s22;
	v14 =	vadd.s32 $0xC000, v3;
	v13 =	vld.idx.msk [tilespmem:v13+s3+$0x0], $0xffff;
	[tilespmem:s1+$0x0] =	vst v17  }
0x41b: {  	[tilespmem:s25+$0x0] =	vst v15;
	v15 =	vld.idx.msk [tilespmem:v21+s3+$0x0], $0xffff  }
0x41c: {  	[tilespmem:s5+$0x0] =	vst v28;
	s26 =	sadd.s32 $0x17180, s7;
	v17 =	vadd.s32 $0xC000, v2;
	v12 =	vld.idx.msk [tilespmem:v12+s3+$0x0], $0xffff  }
0x41d: {  	[tilespmem:s21+$0x0] =	vst v30;
	s9 =	sor.u32 s10, s26  }
0x41e: {  	v6 =	vld.idx.msk [tilespmem:v6+s3+$0x0], $0xffff;
	s13 =	sor.u32 s11, s26;
	[tilespmem:s9+$0x0] =	vst v16  }
0x41f: {  	s1 =	sor.u32 s6, s26;
	[tilespmem:s13+$0x0] =	vst v13;
	v14 =	vld.idx.msk [tilespmem:v14+s3+$0x0], $0xffff  }
0x420: {  	s14 =	sor.u32 s12, s26;
	v13 =	vadd.s32 $0xD000, v3;
	v11 =	vld.idx.msk [tilespmem:v11+s3+$0x0], $0xffff;
	[tilespmem:s1+$0x0] =	vst v15  }
0x421: {  	[tilespmem:s14+$0x0] =	vst v12;
	v12 =	vld.idx.msk [tilespmem:v17+s3+$0x0], $0xffff  }
0x422: {  	[tilespmem:s17+$0x0] =	vst v29;
	v7 =	vld.idx.msk [tilespmem:v7+s3+$0x0], $0xffff;
	s15 =	sadd.s32 $0x17200, s7;
	v15 =	vadd.s32 $0xD000, v2  }
0x423: {  	[tilespmem:s4+$0x0] =	vst v6;
	s18 =	sor.u32 s10, s15;
	v16 =	vadd.s32 $0xE000, v1;
	v10 =	vld.idx.msk [tilespmem:v10+s3+$0x0], $0xffff  }
0x424: {  	s21 =	sor.u32 s11, s15;
	v5 =	vld.idx.msk [tilespmem:v5+s3+$0x0], $0xffff;
	[tilespmem:s18+$0x0] =	vst v14  }
0x425: {  	s1 =	sor.u32 s6, s15;
	[tilespmem:s21+$0x0] =	vst v11;
	v13 =	vld.idx.msk [tilespmem:v13+s3+$0x0], $0xffff  }
0x426: {  	v11 =	vadd.s32 $0xE000, v3;
	v8 =	vld.idx.msk [tilespmem:v8+s3+$0x0], $0xffff;
	[tilespmem:s1+$0x0] =	vst v12  }
0x427: {  	[tilespmem:s0+$0x0] =	vst v7;
	s22 =	sor.u32 s12, s15;
	v6 =	vld.idx.msk [tilespmem:v15+s3+$0x0], $0xffff  }
0x428: {  	v7 =	vadd.s32 $0xE000, v2;
	s23 =	sadd.s32 $0x17280, s7;
	[tilespmem:s22+$0x0] =	vst v10;
	v10 =	vld.idx.msk [tilespmem:v16+s3+$0x0], $0xffff  }
0x429: {  	[tilespmem:s16+$0x0] =	vst v5;
	s24 =	sor.u32 s10, s23;
	v1 =	vadd.s32 $0xF000, v1;
	v9 =	vld.idx.msk [tilespmem:v9+s3+$0x0], $0xffff  }
0x42a: {  	v4 =	vld.idx.msk [tilespmem:v4+s3+$0x0], $0xffff;
	s25 =	sor.u32 s11, s23;
	[tilespmem:s24+$0x0] =	vst v13  }
0x42b: {  	s1 =	sor.u32 s6, s23;
	[tilespmem:s25+$0x0] =	vst v8;
	v11 =	vld.idx.msk [tilespmem:v11+s3+$0x0], $0xffff  }
0x42c: {  	v8 =	vld.idx.msk [tilespmem:v23+s3+$0x0], $0xffff;
	[tilespmem:s1+$0x0] =	vst v6  }
0x42d: {  	s26 =	sor.u32 s12, s23;
	v3 =	vadd.s32 $0xF000, v3;
	[tilespmem:s2+$0x0] =	vst v10;
	v6 =	vld.idx.msk [tilespmem:v7+s3+$0x0], $0xffff  }
0x42e: {  	s4 =	sadd.s32 $0x17300, s7;
	[tilespmem:s26+$0x0] =	vst v9;
	v1 =	vld.idx.msk [tilespmem:v1+s3+$0x0], $0xffff  }
0x42f: {  	s5 =	sor.u32 s10, s4;
	[tilespmem:s19+$0x0] =	vst v4;
	v9 =	vld.idx.msk [tilespmem:v22+s3+$0x0], $0xffff  }
0x430: {  	s8 =	sor.u32 s11, s4;
	[tilespmem:s5+$0x0] =	vst v11  }
0x431: {  	s0 =	sor.u32 s6, s4;
	v2 =	vadd.s32 $0xF000, v2;
	[tilespmem:s8+$0x0] =	vst v8  }
0x432: {  	v3 =	vld.idx.msk [tilespmem:v3+s3+$0x0], $0xffff;
	[tilespmem:s0+$0x0] =	vst v6  }
0x433: {  	s9 =	sor.u32 s12, s4;
	[tilespmem:s20+$0x0] =	vst v1  }
0x434: {  	[tilespmem:s9+$0x0] =	vst v9  }
0x435: {  	s13 =	sadd.s32 $0x17380, s7;
	v5 =	vld.idx.msk [tilespmem:v19+s3+$0x0], $0xffff;
	s2 =	sld [smem:$0x7F8]  }
0x436: {  	s14 =	sor.u32 s10, s13;
	v2 =	vld.idx.msk [tilespmem:v2+s3+$0x0], $0xffff  }
0x437: {  	s4 =	simm.s32 $0x80;
	v7 =	vld.idx.msk [tilespmem:v18+s3+$0x0], $0xffff;
	[tilespmem:s14+$0x0] =	vst v3  }
0x438: {  	s15 =	sor.u32 s11, s13;
	s2 =	sor.u32 $0x2, s2;
	s1 =	rddreg [dreg:$0x15]  }
0x439: {  	s18 =	rddreg [dreg:$0x1];
	s1 =	sor.u32 s1, s2;
	s2 =	sshll.u32 s2, $0x4  }
0x43a: {  	s0 =	sor.u32 s6, s13;
	[tilespmem:s15+$0x0] =	vst v5;
	s1 =	sshll.u32 s1, $0x7;
	s2 =	sand.u32 $0x60, s2  }
0x43b: {  	s16 =	sor.u32 s12, s13;
	[tilespmem:s0+$0x0] =	vst v2;
	s17 =	sand.u32 $0xFFFFC00, s1;
	s2 =	sadd.s32 s18, s2  }
0x43c: {  	s5 =	simm.s32 $0x100000;
	s20 =	simm.s32 $0x15000;
	[tilespmem:s16+$0x0] =	vst v7;
	s19 =	sadd.s32 s17, s2  }
0x43d: {  	[hbm4b:s19+s4] =	stream.strided.scatter [tilespmem:s20], [sflag:$0x5], $0x400, s5, s4, $0x38;
	[tilespmem:$0x1D000] =	vst v63  }
0x43e: {  	s22 =	simm.s32 $0x15400;
	s21 =	sadd.s32 $0x80, s19  }
0x43f: {  	[hbm4b:s21+s4] =	stream.strided.scatter [tilespmem:s22], [sflag:$0x5], $0x400, s5, s4, $0x38;
	[tilespmem:$0x1D000] =	vst v63  }
0x440: {  	s24 =	simm.s32 $0x15800;
	s23 =	sadd.s32 $0x100, s19  }
0x441: {  	[hbm4b:s23+s4] =	stream.strided.scatter [tilespmem:s24], [sflag:$0x5], $0x400, s5, s4, $0x38;
	[tilespmem:$0x1D000] =	vst v63  }
0x442: {  	s26 =	simm.s32 $0x15C00;
	s25 =	sadd.s32 $0x180, s19  }
0x443: {  	[hbm4b:s25+s4] =	stream.strided.scatter [tilespmem:s26], [sflag:$0x5], $0x400, s5, s4, $0x38;
	[tilespmem:$0x1D000] =	vst v63  }
0x444: {  	s7 =	simm.s32 $0x16000;
	s6 =	sadd.s32 $0x200, s19  }
0x445: {  	[hbm4b:s6+s4] =	stream.strided.scatter [tilespmem:s7], [sflag:$0x5], $0x400, s5, s4, $0x38;
	[tilespmem:$0x1D000] =	vst v63  }
0x446: {  	s9 =	simm.s32 $0x16400;
	s8 =	sadd.s32 $0x280, s19  }
0x447: {  	[hbm4b:s8+s4] =	stream.strided.scatter [tilespmem:s9], [sflag:$0x5], $0x400, s5, s4, $0x38;
	[tilespmem:$0x1D000] =	vst v63  }
0x448: {  	s11 =	simm.s32 $0x16800;
	s10 =	sadd.s32 $0x300, s19  }
0x449: {  	[hbm4b:s10+s4] =	stream.strided.scatter [tilespmem:s11], [sflag:$0x5], $0x400, s5, s4, $0x38;
	[tilespmem:$0x1D000] =	vst v63  }
0x44a: {  	s13 =	simm.s32 $0x16C00;
	s12 =	sadd.s32 $0x380, s19  }
0x44b: {  	[hbm4b:s12+s4] =	stream.strided.scatter [tilespmem:s13], [sflag:$0x5], $0x400, s5, s4, $0x38;
	[tilespmem:$0x1D000] =	vst v63  }
0x44c: {  	s14 =	simm.s32 $0x17000;
	s0 =	sadd.s32 $0x100000, s19  }
0x44d: {  	[hbm4b:s0+s4] =	stream.strided.scatter [tilespmem:s14], [sflag:$0x5], $0x400, s5, s4, $0x38;
	[tilespmem:$0x1D000] =	vst v63  }
0x44e: {  	s16 =	simm.s32 $0x17400;
	s15 =	sadd.s32 $0x80, s0  }
0x44f: {  	[hbm4b:s15+s4] =	stream.strided.scatter [tilespmem:s16], [sflag:$0x5], $0x400, s5, s4, $0x38;
	[tilespmem:$0x1D000] =	vst v63  }
0x450: {  	s18 =	simm.s32 $0x17800;
	s17 =	sadd.s32 $0x100, s0  }
0x451: {  	[hbm4b:s17+s4] =	stream.strided.scatter [tilespmem:s18], [sflag:$0x5], $0x400, s5, s4, $0x38;
	[tilespmem:$0x1D000] =	vst v63  }
0x452: {  	s20 =	simm.s32 $0x17C00;
	s19 =	sadd.s32 $0x180, s0  }
0x453: {  	[hbm4b:s19+s4] =	stream.strided.scatter [tilespmem:s20], [sflag:$0x5], $0x400, s5, s4, $0x38;
	[tilespmem:$0x1D000] =	vst v63  }
0x454: {  	s21 =	sadd.s32 $0x200, s0;
	s22 =	simm.s32 $0x18000  }
0x455: {  	[hbm4b:s21+s4] =	stream.strided.scatter [tilespmem:s22], [sflag:$0x5], $0x400, s5, s4, $0x38;
	[tilespmem:$0x1D000] =	vst v63  }
0x456: {  	s23 =	sadd.s32 $0x280, s0;
	s24 =	simm.s32 $0x18400  }
0x457: {  	[hbm4b:s23+s4] =	stream.strided.scatter [tilespmem:s24], [sflag:$0x5], $0x400, s5, s4, $0x38;
	[tilespmem:$0x1D000] =	vst v63  }
0x458: {  	s25 =	sadd.s32 $0x300, s0;
	s26 =	simm.s32 $0x18800  }
0x459: {  	[hbm4b:s25+s4] =	stream.strided.scatter [tilespmem:s26], [sflag:$0x5], $0x400, s5, s4, $0x38;
	[tilespmem:$0x1D000] =	vst v63  }
0x45a: {  	s6 =	simm.s32 $0x18C00;
	s0 =	sadd.s32 $0x380, s0  }
0x45b: {  	[hbm4b:s0+s4] =	stream.strided.scatter [tilespmem:s6], [sflag:$0x5], $0x400, s5, s4, $0x38;
	[tilespmem:$0x1D000] =	vst v63  }
0x45c: {  	s0 =	sld [smem:$0x7FB];
	_ =	sdelay $0x1  }
0x45d: {  	s2 =	simm.s32 @!p0 $0x14800  }
0x45e: {  	s7 =	simm.s32 $0x6;
	s0 =	sadd.s32 @!p0 s1, s0;
	s1 =	simm.s32 @!p0 $0x0  }
0x45f: {  	[tilespmem:s2], [sflag:$0x3] =	stream.linear.gather @!p0 [hbm4b:s0+s1], $0x400, $0x38;
	[tilespmem:$0x1D000] =	vst v63  }
0x460: {  	_ =	swait.ge [sflag:s7], $0x4000  }
0x461: {  	[sflag:s7] =	ssyncset.done $0x0  }
0x462: {  	s8 =	simm.s32 $0x4;
	s0 =	simm.s32 $0x0;
	[sflag:s7] =	ssyncadd.s32 $0xFFFFC000  }
0x463: {  	s13 =	sand.u32 $0x40, s0;
	s9 =	sand.u32 $0x380, s0;
	_ =	swait.ge [sflag:s8], $0x400  }
0x464: {  	s1 =	sor.u32 $0x14C00, s9;
	s25 =	sor.u32 $0x30, s13;
	[sflag:s8] =	ssyncset.done $0x0  }
0x465: {  	s26 =	sor.u32 $0x10, s13;
	s10 =	sor.u32 s25, s1;
	[sflag:s8] =	ssyncadd.s32 $0xFFFFFC00  }
0x466: {  	s22 =	sor.u32 $0x20, s13;
	s11 =	sor.u32 s26, s1;
	v6 =	vld [tilespmem:s10+$0x0]  }
0x467: {  	s1 =	sor.u32 s22, s1;
	v5 =	vld [tilespmem:s11+$0x0]  }
0x468: {  	v4 =	vld [tilespmem:s1+$0x0];
	_ =	sdelay $0x1  }
0x469: {  	s12 =	simm.s32 $0x14C00  }
0x46a: {  	v1 =	vld [tilespmem:s12+$0x0];
	_ =	sdelay $0x2  }
0x46b: {  	v2 =	vld.idx.msk [tilespmem:v6+s3+$0x0], $0xffff  }
0x46c: {  	v7 =	vadd.s32 $0x1000, v6;
	v3 =	vld.idx.msk [tilespmem:v5+s3+$0x0], $0xffff  }
0x46d: {  	s12 =	sand.u32 $0x1C00, s0;
	v8 =	vadd.s32 $0x1000, v5;
	v9 =	vld.idx.msk [tilespmem:v4+s3+$0x0], $0xffff  }
0x46e: {  	s14 =	sadd.s32 $0x19000, s12;
	v10 =	vadd.s32 $0x1000, v4  }
0x46f: {  	s15 =	sor.u32 s25, s14  }
0x470: {  	s16 =	sor.u32 s26, s14;
	v11 =	vld.idx.msk [tilespmem:v1+s3+$0x0], $0xffff;
	[tilespmem:s15+$0x0] =	vst v2  }
0x471: {  	s17 =	sor.u32 s22, s14;
	v2 =	vadd.s32 $0x1000, v1;
	[tilespmem:s16+$0x0] =	vst v3;
	v3 =	vld.idx.msk [tilespmem:v7+s3+$0x0], $0xffff  }
0x472: {  	[tilespmem:s17+$0x0] =	vst v9;
	v7 =	vld.idx.msk [tilespmem:v8+s3+$0x0], $0xffff;
	v8 =	vadd.s32 $0x2000, v6  }
0x473: {  	v9 =	vadd.s32 $0x2000, v5;
	v10 =	vld.idx.msk [tilespmem:v10+s3+$0x0], $0xffff  }
0x474: {  	s1 =	sor.u32 s13, s14;
	v12 =	vadd.s32 $0x2000, v4  }
0x475: {  	[tilespmem:s1+$0x0] =	vst v11  }
0x476: {  	v2 =	vld.idx.msk [tilespmem:v2+s3+$0x0], $0xffff;
	[tilespmem:s15+$0x80] =	vst v3  }
0x477: {  	v3 =	vadd.s32 $0x2000, v1;
	[tilespmem:s16+$0x80] =	vst v7;
	v7 =	vld.idx.msk [tilespmem:v8+s3+$0x0], $0xffff  }
0x478: {  	[tilespmem:s17+$0x80] =	vst v10;
	v8 =	vld.idx.msk [tilespmem:v9+s3+$0x0], $0xffff;
	v9 =	vadd.s32 $0x3000, v6  }
0x479: {  	v10 =	vadd.s32 $0x3000, v5;
	v11 =	vld.idx.msk [tilespmem:v12+s3+$0x0], $0xffff  }
0x47a: {  	v12 =	vadd.s32 $0x3000, v4  }
0x47b: {  	[tilespmem:s1+$0x80] =	vst v2  }
0x47c: {  	v2 =	vld.idx.msk [tilespmem:v3+s3+$0x0], $0xffff;
	[tilespmem:s15+$0x100] =	vst v7  }
0x47d: {  	v3 =	vadd.s32 $0x3000, v1;
	[tilespmem:s16+$0x100] =	vst v8;
	v7 =	vld.idx.msk [tilespmem:v9+s3+$0x0], $0xffff  }
0x47e: {  	[tilespmem:s17+$0x100] =	vst v11;
	v8 =	vld.idx.msk [tilespmem:v10+s3+$0x0], $0xffff;
	v9 =	vadd.s32 $0x4000, v6  }
0x47f: {  	v10 =	vadd.s32 $0x4000, v5;
	v11 =	vld.idx.msk [tilespmem:v12+s3+$0x0], $0xffff  }
0x480: {  	v12 =	vadd.s32 $0x4000, v4  }
0x481: {  	[tilespmem:s1+$0x100] =	vst v2  }
0x482: {  	p1 =	por $0x0, $0x0;
	s2 =	simm.s32 $0x1;
	v2 =	vld.idx.msk [tilespmem:v3+s3+$0x0], $0xffff;
	[tilespmem:s15+$0x180] =	vst v7  }
0x483: {  	s2 =	simm.s32 @!p1 $0x0;
	v3 =	vadd.s32 $0x4000, v1;
	[tilespmem:s16+$0x180] =	vst v8;
	v7 =	vld.idx.msk [tilespmem:v9+s3+$0x0], $0xffff  }
0x484: {  	s2 =	sshll.u32 s2, $0x6;
	[tilespmem:s17+$0x180] =	vst v11;
	v8 =	vld.idx.msk [tilespmem:v10+s3+$0x0], $0xffff;
	v9 =	vadd.s32 $0x5000, v6  }
0x485: {  	s2 =	sadd.s32 $0x0, s2;
	v10 =	vadd.s32 $0x5000, v5;
	v11 =	vld.idx.msk [tilespmem:v12+s3+$0x0], $0xffff  }
0x486: {  	s18 =	sadd.s32 $0x30, s2;
	v12 =	vadd.s32 $0x5000, v4  }
0x487: {  	s19 =	sadd.s32 $0x10, s2;
	s20 =	sor.u32 $0x200, s18;
	[tilespmem:s1+$0x180] =	vst v2  }
0x488: {  	s21 =	sadd.s32 $0x20, s2;
	s23 =	sor.u32 $0x200, s19;
	v2 =	vld.idx.msk [tilespmem:v3+s3+$0x0], $0xffff;
	[tilespmem:s20+$0x19000] =	vst v7  }
0x489: {  	s24 =	sor.u32 $0x200, s21;
	v3 =	vadd.s32 $0x5000, v1;
	[tilespmem:s23+$0x19000] =	vst v8;
	v7 =	vld.idx.msk [tilespmem:v9+s3+$0x0], $0xffff  }
0x48a: {  	[tilespmem:s24+$0x19000] =	vst v11;
	v8 =	vld.idx.msk [tilespmem:v10+s3+$0x0], $0xffff;
	v9 =	vadd.s32 $0x6000, v6  }
0x48b: {  	v10 =	vadd.s32 $0x6000, v5;
	v11 =	vld.idx.msk [tilespmem:v12+s3+$0x0], $0xffff  }
0x48c: {  	s7 =	sor.u32 $0x200, s2;
	v12 =	vadd.s32 $0x6000, v4  }
0x48d: {  	s8 =	sor.u32 $0x280, s18;
	[tilespmem:s7+$0x19000] =	vst v2  }
0x48e: {  	s9 =	sor.u32 $0x280, s19;
	v2 =	vld.idx.msk [tilespmem:v3+s3+$0x0], $0xffff;
	[tilespmem:s8+$0x19000] =	vst v7  }
0x48f: {  	s10 =	sor.u32 $0x280, s21;
	v3 =	vadd.s32 $0x6000, v1;
	[tilespmem:s9+$0x19000] =	vst v8;
	v7 =	vld.idx.msk [tilespmem:v9+s3+$0x0], $0xffff  }
0x490: {  	[tilespmem:s10+$0x19000] =	vst v11;
	v8 =	vld.idx.msk [tilespmem:v10+s3+$0x0], $0xffff;
	v9 =	vadd.s32 $0x7000, v6  }
0x491: {  	v10 =	vadd.s32 $0x7000, v5;
	v11 =	vld.idx.msk [tilespmem:v12+s3+$0x0], $0xffff  }
0x492: {  	s11 =	sor.u32 $0x280, s2;
	v12 =	vadd.s32 $0x7000, v4  }
0x493: {  	s14 =	sor.u32 $0x300, s18;
	[tilespmem:s11+$0x19000] =	vst v2  }
0x494: {  	s15 =	sor.u32 $0x300, s19;
	v3 =	vld.idx.msk [tilespmem:v3+s3+$0x0], $0xffff;
	[tilespmem:s14+$0x19000] =	vst v7  }
0x495: {  	s16 =	sor.u32 $0x300, s21;
	v7 =	vadd.s32 $0x7000, v1;
	[tilespmem:s15+$0x19000] =	vst v8;
	v8 =	vld.idx.msk [tilespmem:v9+s3+$0x0], $0xffff  }
0x496: {  	[tilespmem:s16+$0x19000] =	vst v11;
	v9 =	vld.idx.msk [tilespmem:v10+s3+$0x0], $0xffff;
	v10 =	vadd.s32 $0x8000, v6  }
0x497: {  	v11 =	vadd.s32 $0x8000, v5;
	v12 =	vld.idx.msk [tilespmem:v12+s3+$0x0], $0xffff  }
0x498: {  	s2 =	sor.u32 $0x300, s2;
	v13 =	vadd.s32 $0x8000, v4;
	s17 =	simm.s32 $0x14C40  }
0x499: {  	s18 =	sor.u32 $0x380, s18;
	v2 =	vld [tilespmem:s17+$0x0];
	[tilespmem:s2+$0x19000] =	vst v3  }
0x49a: {  	s1 =	sor.u32 $0x380, s19;
	s14 =	simm.s32 $0x40;
	v7 =	vld.idx.msk [tilespmem:v7+s3+$0x0], $0xffff;
	[tilespmem:s18+$0x19000] =	vst v8  }
0x49b: {  	s19 =	sor.u32 $0x380, s21;
	s6 =	sand.u32 $0x40, s14;
	s20 =	sand.u32 $0x380, s14;
	[tilespmem:s1+$0x19000] =	vst v9;
	v8 =	vld.idx.msk [tilespmem:v10+s3+$0x0], $0xffff  }
0x49c: {  	s10 =	sor.u32 $0x30, s6;
	s1 =	sor.u32 $0x14C00, s20;
	[tilespmem:s19+$0x19000] =	vst v12;
	v9 =	vld.idx.msk [tilespmem:v11+s3+$0x0], $0xffff;
	v11 =	vadd.s32 $0x8000, v1  }
0x49d: {  	s17 =	sor.u32 $0x10, s6;
	v10 =	vadd.s32 $0x9000, v6;
	s21 =	sor.u32 s10, s1;
	v12 =	vld.idx.msk [tilespmem:v13+s3+$0x0], $0xffff  }
0x49e: {  	s0 =	sor.u32 s0, s0;
	s11 =	sor.u32 $0x20, s6;
	v13 =	vadd.s32 $0x9000, v5;
	s23 =	sor.u32 s17, s1;
	v3 =	vld [tilespmem:s21+$0x0]  }
0x49f: {  	s0 =	sor.u32 $0x380, s0;
	v14 =	vadd.s32 $0x9000, v4;
	s24 =	sadd.s32 $0x1B000, s12;
	s1 =	sor.u32 s11, s1;
	v18 =	vld [tilespmem:s23+$0x0]  }
0x4a0: {  	s5 =	sor.u32 s25, s24;
	v27 =	vld [tilespmem:s1+$0x0];
	[tilespmem:s0+$0x19000] =	vst v7  }
0x4a1: {  	s7 =	sor.u32 s26, s24;
	[tilespmem:s5+$0x0] =	vst v8;
	v8 =	vld.idx.msk [tilespmem:v11+s3+$0x0], $0xffff  }
0x4a2: {  	s8 =	sor.u32 s22, s24;
	[tilespmem:s7+$0x0] =	vst v9;
	v7 =	vld.idx.msk [tilespmem:v10+s3+$0x0], $0xffff  }
0x4a3: {  	[tilespmem:s8+$0x0] =	vst v12;
	v9 =	vld.idx.msk [tilespmem:v13+s3+$0x0], $0xffff  }
0x4a4: {  	v10 =	vadd.s32 $0xA000, v6;
	v11 =	vld.idx.msk [tilespmem:v14+s3+$0x0], $0xffff  }
0x4a5: {  	v12 =	vadd.s32 $0x9000, v1;
	v13 =	vld.idx.msk [tilespmem:v2+s3+$0x0], $0xffff  }
0x4a6: {  	s9 =	sadd.s32 $0x1B080, s12;
	s18 =	sor.u32 s13, s24;
	v14 =	vadd.s32 $0xA000, v5;
	v15 =	vld.idx.msk [tilespmem:v3+s3+$0x0], $0xffff  }
0x4a7: {  	v16 =	vadd.s32 $0xA000, v4;
	s16 =	sor.u32 s25, s9;
	s15 =	simm.s32 $0x200;
	v17 =	vld.idx.msk [tilespmem:v18+s3+$0x0], $0xffff;
	[tilespmem:s18+$0x0] =	vst v8  }
0x4a8: {  	s19 =	sor.u32 s26, s9;
	s7 =	sand.u32 $0x1C00, s15;
	v8 =	vld.idx.msk [tilespmem:v27+s3+$0x0], $0xffff;
	[tilespmem:s16+$0x0] =	vst v7;
	v7 =	vadd.s32 $0x1000, v3  }
0x4a9: {  	s20 =	sor.u32 s22, s9;
	s21 =	sadd.s32 $0x19000, s7;
	[tilespmem:s19+$0x0] =	vst v9;
	v10 =	vld.idx.msk [tilespmem:v10+s3+$0x0], $0xffff  }
0x4aa: {  	v19 =	vadd.s32 $0x1000, v18;
	s4 =	sor.u32 s10, s21;
	v9 =	vld.idx.msk [tilespmem:v12+s3+$0x0], $0xffff;
	[tilespmem:s20+$0x0] =	vst v11  }
0x4ab: {  	s2 =	sor.u32 s17, s21;
	v12 =	vadd.s32 $0xB000, v6;
	v11 =	vld.idx.msk [tilespmem:v14+s3+$0x0], $0xffff;
	[tilespmem:s4+$0x0] =	vst v15  }
0x4ac: {  	s23 =	sadd.s32 $0x1B100, s12;
	v20 =	vadd.s32 $0x1000, v27;
	v15 =	vld.idx.msk [tilespmem:v16+s3+$0x0], $0xffff;
	[tilespmem:s2+$0x0] =	vst v17  }
0x4ad: {  	s24 =	sor.u32 s25, s23;
	v14 =	vadd.s32 $0x1000, v2;
	v7 =	vld.idx.msk [tilespmem:v7+s3+$0x0], $0xffff;
	[dreg:$0x4] =	wrdreg s11  }
0x4ae: {  	s1 =	sor.u32 s11, s21;
	v16 =	vadd.s32 $0xA000, v1;
	[tilespmem:s24+$0x0] =	vst v10  }
0x4af: {  	s0 =	sor.u32 s6, s21;
	v17 =	vadd.s32 $0xB000, v5;
	v19 =	vld.idx.msk [tilespmem:v19+s3+$0x0], $0xffff;
	[tilespmem:s1+$0x0] =	vst v8  }
0x4b0: {  	s5 =	sor.u32 s13, s9;
	v8 =	vadd.s32 $0x2000, v3;
	[tilespmem:s0+$0x0] =	vst v13;
	v10 =	vld.idx.msk [tilespmem:v12+s3+$0x0], $0xffff  }
0x4b1: {  	s11 =	sor.u32 s26, s23;
	[tilespmem:s5+$0x0] =	vst v9;
	v12 =	vadd.s32 $0x2000, v18;
	v13 =	vld.idx.msk [tilespmem:v20+s3+$0x0], $0xffff  }
0x4b2: {  	s19 =	sor.u32 s22, s23;
	v9 =	vadd.s32 $0xC000, v6;
	[tilespmem:s11+$0x0] =	vst v11;
	v14 =	vld.idx.msk [tilespmem:v14+s3+$0x0], $0xffff  }
0x4b3: {  	v20 =	vadd.s32 $0x2000, v27;
	v16 =	vld.idx.msk [tilespmem:v16+s3+$0x0], $0xffff;
	[tilespmem:s19+$0x0] =	vst v15  }
0x4b4: {  	s16 =	sadd.s32 $0x1B180, s12;
	v11 =	vadd.s32 $0x2000, v2;
	[tilespmem:s4+$0x80] =	vst v7;
	v7 =	vld.idx.msk [tilespmem:v17+s3+$0x0], $0xffff  }
0x4b5: {  	s18 =	sor.u32 s25, s16;
	v17 =	vadd.s32 $0xB000, v4;
	[tilespmem:s2+$0x80] =	vst v19;
	v8 =	vld.idx.msk [tilespmem:v8+s3+$0x0], $0xffff  }
0x4b6: {  	v19 =	vadd.s32 $0xB000, v1;
	v12 =	vld.idx.msk [tilespmem:v12+s3+$0x0], $0xffff;
	[tilespmem:s18+$0x0] =	vst v10  }
0x4b7: {  	[tilespmem:s1+$0x80] =	vst v13;
	v10 =	vadd.s32 $0x3000, v3;
	v9 =	vld.idx.msk [tilespmem:v9+s3+$0x0], $0xffff  }
0x4b8: {  	s9 =	sor.u32 s13, s23;
	v13 =	vadd.s32 $0x3000, v18;
	[tilespmem:s0+$0x80] =	vst v14;
	v14 =	vld.idx.msk [tilespmem:v20+s3+$0x0], $0xffff  }
0x4b9: {  	s21 =	sor.u32 s26, s16;
	v15 =	vadd.s32 $0xD000, v6;
	v11 =	vld.idx.msk [tilespmem:v11+s3+$0x0], $0xffff;
	[tilespmem:s9+$0x0] =	vst v16  }
0x4ba: {  	v20 =	vadd.s32 $0x3000, v27;
	v16 =	vld.idx.msk [tilespmem:v17+s3+$0x0], $0xffff;
	[tilespmem:s21+$0x0] =	vst v7  }
0x4bb: {  	s5 =	sadd.s32 $0x1B200, s12;
	v17 =	vadd.s32 $0x3000, v2;
	[tilespmem:s4+$0x100] =	vst v8;
	v8 =	vld.idx.msk [tilespmem:v19+s3+$0x0], $0xffff  }
0x4bc: {  	s20 =	sor.u32 s25, s5;
	v19 =	vadd.s32 $0xC000, v5;
	[tilespmem:s2+$0x100] =	vst v12;
	v10 =	vld.idx.msk [tilespmem:v10+s3+$0x0], $0xffff  }
0x4bd: {  	v12 =	vadd.s32 $0xC000, v4;
	v13 =	vld.idx.msk [tilespmem:v13+s3+$0x0], $0xffff;
	[tilespmem:s20+$0x0] =	vst v9  }
0x4be: {  	[tilespmem:s1+$0x100] =	vst v14;
	v9 =	vadd.s32 $0x4000, v3;
	v14 =	vld.idx.msk [tilespmem:v15+s3+$0x0], $0xffff  }
0x4bf: {  	s23 =	sor.u32 s22, s16;
	[tilespmem:s0+$0x100] =	vst v11;
	v15 =	vadd.s32 $0x4000, v18;
	v11 =	vld.idx.msk [tilespmem:v20+s3+$0x0], $0xffff  }
0x4c0: {  	v7 =	vadd.s32 $0xE000, v6;
	v17 =	vld.idx.msk [tilespmem:v17+s3+$0x0], $0xffff;
	[tilespmem:s23+$0x0] =	vst v16  }
0x4c1: {  	v20 =	vadd.s32 $0x4000, v27;
	v19 =	vld.idx.msk [tilespmem:v19+s3+$0x0], $0xffff;
	[tilespmem:s4+$0x180] =	vst v10;
	s4 =	sadd.s32 $0x1B280, s12  }
0x4c2: {  	p1 =	por !p1, !p1;
	s9 =	simm.s32 $0x1;
	v16 =	vadd.s32 $0x4000, v2;
	v10 =	vld.idx.msk [tilespmem:v12+s3+$0x0], $0xffff;
	[tilespmem:s2+$0x180] =	vst v13;
	s24 =	sor.u32 s25, s4  }
0x4c3: {  	s9 =	simm.s32 @!p1 $0x0;
	v12 =	vadd.s32 $0xC000, v1;
	v9 =	vld.idx.msk [tilespmem:v9+s3+$0x0], $0xffff;
	[tilespmem:s24+$0x0] =	vst v14  }
0x4c4: {  	s9 =	sshll.u32 s9, $0x6;
	v13 =	vadd.s32 $0xD000, v5;
	v15 =	vld.idx.msk [tilespmem:v15+s3+$0x0], $0xffff;
	[tilespmem:s1+$0x180] =	vst v11  }
0x4c5: {  	s11 =	sor.u32 s13, s16;
	v11 =	vadd.s32 $0x5000, v3;
	v14 =	vld.idx.msk [tilespmem:v7+s3+$0x0], $0xffff;
	[tilespmem:s0+$0x180] =	vst v17;
	s0 =	sadd.s32 $0x200, s9  }
0x4c6: {  	v21 =	vadd.s32 $0x5000, v18;
	s16 =	sor.u32 s26, s5;
	[tilespmem:s11+$0x0] =	vst v8;
	v17 =	vld.idx.msk [tilespmem:v20+s3+$0x0], $0xffff;
	s29 =	sadd.s32 $0x30, s0  }
0x4c7: {  	v8 =	vadd.s32 $0xF000, v6;
	v20 =	vld.idx.msk [tilespmem:v16+s3+$0x0], $0xffff;
	s1 =	sadd.s32 $0x10, s0;
	[tilespmem:s16+$0x0] =	vst v19;
	s20 =	sor.u32 $0x200, s29  }
0x4c8: {  	s8 =	sadd.s32 $0x1B300, s12;
	v22 =	vadd.s32 $0x5000, v27;
	s19 =	sor.u32 s15, s14;
	v12 =	vld.idx.msk [tilespmem:v12+s3+$0x0], $0xffff;
	s21 =	sor.u32 $0x200, s1;
	[tilespmem:s20+$0x19000] =	vst v9  }
0x4c9: {  	v29 =	vadd.s32 $0xD000, v1;
	s18 =	simm.s32 $0x4;
	s11 =	sor.u32 $0x380, s19;
	s19 =	sor.u32 s13, s4;
	v19 =	vadd.s32 $0x5000, v2;
	v28 =	vld.idx.msk [tilespmem:v13+s3+$0x0], $0xffff;
	[tilespmem:s21+$0x19000] =	vst v15  }
0x4ca: {  	v34 =	vadd.s32 $0x6000, v2;
	v35 =	vadd.s32 $0x6000, v18;
	s23 =	sor.u32 s25, s8;
	s30 =	sadd.s32 $0x20, s0;
	v9 =	vadd.s32 $0xD000, v4;
	v11 =	vld.idx.msk [tilespmem:v11+s3+$0x0], $0xffff;
	[dreg:$0x9] =	wrdreg s19  }
0x4cb: {  	v26 =	vadd.s32 $0x6000, v27;
	v25 =	vadd.s32 $0x7000, v18;
	v62 =	vadd.s32 $0x6000, v3;
	s12 =	sadd.s32 $0x1B380, s12;
	s2 =	sor.u32 s13, s8;
	s20 =	sor.u32 $0x200, s30;
	v23 =	vld.idx.msk [tilespmem:v21+s3+$0x0], $0xffff;
	[tilespmem:s23+$0x0] =	vst v14  }
0x4cc: {  	v24 =	vadd.s32 $0x7000, v27;
	v6 =	vadd.s32 $0xE000, v5;
	v5 =	vadd.s32 $0xF000, v5;
	s24 =	sor.u32 s22, s5;
	s9 =	sor.u32 s13, s5;
	s23 =	sor.u32 $0x200, s0;
	[tilespmem:s20+$0x19000] =	vst v17;
	v63 =	vld.idx.msk [tilespmem:v8+s3+$0x0], $0xffff  }
0x4cd: {  	v7 =	vadd.s32 $0xE000, v4;
	s5 =	sor.u32 s26, s4;
	v16 =	vadd.s32 $0x9000, v18;
	s28 =	sor.u32 $0x300, s0;
	s16 =	sor.u32 s26, s12;
	v4 =	vadd.s32 $0xF000, v4;
	[tilespmem:s23+$0x19000] =	vst v20;
	v31 =	vld.idx.msk [tilespmem:v22+s3+$0x0], $0xffff  }
0x4ce: {  	s31 =	sor.u32 $0x380, s1;
	v13 =	vadd.s32 $0xB000, v27;
	s21 =	sor.u32 s22, s4;
	s4 =	sor.u32 s26, s8;
	v15 =	vadd.s32 $0xA000, v27;
	v21 =	vadd.s32 $0x8000, v18;
	[tilespmem:s24+$0x0] =	vst v10;
	v33 =	vld.idx.msk [tilespmem:v19+s3+$0x0], $0xffff  }
0x4cf: {  	s26 =	sor.u32 s25, s12;
	s19 =	sor.u32 $0x280, s1;
	v14 =	vadd.s32 $0xA000, v18;
	v17 =	vadd.s32 $0x9000, v27;
	s24 =	sor.u32 $0x280, s29;
	v10 =	vadd.s32 $0xC000, v27;
	[tilespmem:s9+$0x0] =	vst v12;
	v30 =	vld.idx.msk [tilespmem:v9+s3+$0x0], $0xffff  }
0x4d0: {  	s20 =	sor.u32 s13, s12;
	s13 =	simm.s32 $0x14C80;
	s23 =	sor.u32 $0x280, s0;
	v20 =	vadd.s32 $0x8000, v27;
	v12 =	vadd.s32 $0xB000, v18;
	v8 =	vadd.s32 $0xD000, v18;
	v29 =	vld.idx.msk [tilespmem:v29+s3+$0x0], $0xffff;
	[tilespmem:s24+$0x19000] =	vst v11  }
0x4d1: {  	s0 =	sor.u32 s22, s8;
	s9 =	sor.u32 $0x280, s30;
	v22 =	vadd.s32 $0xE000, v27;
	s8 =	sor.u32 $0x300, s1;
	v9 =	vadd.s32 $0xD000, v27;
	v19 =	vadd.s32 $0xF000, v18;
	v32 =	vld.idx.msk [tilespmem:v62+s3+$0x0], $0xffff;
	[tilespmem:s19+$0x19000] =	vst v23  }
0x4d2: {  	v11 =	vadd.s32 $0xC000, v18;
	s24 =	sor.u32 $0x300, s30;
	s30 =	sor.u32 $0x380, s30;
	v23 =	vadd.s32 $0xE000, v18;
	s19 =	sor.u32 s22, s12;
	v18 =	vadd.s32 $0xF000, v27;
	[tilespmem:s26+$0x0] =	vst v63;
	v27 =	vld.idx.msk [tilespmem:v35+s3+$0x0], $0xffff  }
.LBB2_19:
0x4d3: {  	_ =	sdelay $0x1  }
0x4d4: {  	v35 =	vld [tilespmem:s13+$0x0];
	[tilespmem:s5+$0x0] =	vst v28  }
0x4d5: {  	v28 =	vld.idx.msk [tilespmem:v6+s3+$0x0], $0xffff;
	[tilespmem:s23+$0x19000] =	vst v33  }
0x4d6: {  	v56 =	vadd.s32 $0xE000, v1;
	[tilespmem:s9+$0x19000] =	vst v31;
	v33 =	vld.idx.msk [tilespmem:v34+s3+$0x0], $0xffff  }
0x4d7: {  	s26 =	smov.u32 s17;
	s17 =	sor.u32 $0x300, s29;
	v31 =	vadd.s32 $0x7000, v3;
	v26 =	vld.idx.msk [tilespmem:v26+s3+$0x0], $0xffff;
	[tilespmem:s21+$0x0] =	vst v30  }
0x4d8: {  	[tilespmem:s17+$0x19000] =	vst v32  }
0x4d9: {  	s23 =	rddreg [dreg:$0x9];
	[tilespmem:s8+$0x19000] =	vst v27;
	v30 =	vld.idx.msk [tilespmem:v7+s3+$0x0], $0xffff  }
0x4da: {  	v6 =	vmov v23;
	v23 =	vadd.s32 $0x7000, v2;
	[tilespmem:s23+$0x0] =	vst v29;
	v25 =	vld.idx.msk [tilespmem:v25+s3+$0x0], $0xffff  }
0x4db: {  	v27 =	vld.idx.msk [tilespmem:v56+s3+$0x0], $0xffff;
	[tilespmem:s4+$0x0] =	vst v28  }
0x4dc: {  	v7 =	vmov v22;
	v22 =	vld.idx.msk [tilespmem:v31+s3+$0x0], $0xffff;
	[tilespmem:s28+$0x19000] =	vst v33  }
0x4dd: {  	v31 =	vld.idx.msk [tilespmem:v5+s3+$0x0], $0xffff;
	[tilespmem:s24+$0x19000] =	vst v26;
	v26 =	vadd.s32 $0x8000, v3  }
0x4de: {  	s1 =	rddreg [dreg:$0x4];
	v24 =	vld.idx.msk [tilespmem:v24+s3+$0x0], $0xffff;
	[tilespmem:s0+$0x0] =	vst v30  }
0x4df: {  	s14 =	sadd.s32 $0x40, s14;
	s22 =	smov.u32 s1;
	v29 =	vadd.s32 $0xF000, v1;
	v23 =	vld.idx.msk [tilespmem:v23+s3+$0x0], $0xffff;
	[tilespmem:s31+$0x19000] =	vst v25  }
0x4e0: {  	s12 =	sand.u32 $0x40, s14;
	s1 =	sand.u32 $0x380, s14;
	v5 =	vmov v19;
	s24 =	sor.u32 $0x380, s29;
	[tilespmem:s2+$0x0] =	vst v27;
	v19 =	vld.idx.msk [tilespmem:v4+s3+$0x0], $0xffff  }
0x4e1: {  	s25 =	smov.u32 s10;
	s10 =	sor.u32 $0x30, s12;
	s0 =	sor.u32 $0x14C00, s1;
	v21 =	vld.idx.msk [tilespmem:v21+s3+$0x0], $0xffff;
	[tilespmem:s24+$0x19000] =	vst v22  }
0x4e2: {  	v4 =	vmov v18;
	s5 =	sor.u32 s10, s0;
	[tilespmem:s16+$0x0] =	vst v31;
	v18 =	vld.idx.msk [tilespmem:v26+s3+$0x0], $0xffff  }
0x4e3: {  	v1 =	vmov v2;
	s2 =	sor.u32 $0x10, s12;
	v22 =	vadd.s32 $0x9000, v3;
	v28 =	vld [tilespmem:s5+$0x0];
	[tilespmem:s30+$0x19000] =	vst v24  }
0x4e4: {  	s8 =	sor.u32 s2, s0;
	v24 =	vld.idx.msk [tilespmem:v29+s3+$0x0], $0xffff;
	[tilespmem:s11+$0x19000] =	vst v23;
	v23 =	vadd.s32 $0x8000, v1  }
0x4e5: {  	s9 =	sor.u32 $0x20, s12;
	s17 =	sadd.s32 $0x1B000, s7;
	v37 =	vld [tilespmem:s8+$0x0]  }
0x4e6: {  	v2 =	vmov v35;
	s0 =	sor.u32 s9, s0;
	s24 =	sor.u32 s25, s17;
	v20 =	vld.idx.msk [tilespmem:v20+s3+$0x0], $0xffff;
	[tilespmem:s19+$0x0] =	vst v19  }
0x4e7: {  	v38 =	vld [tilespmem:s0+$0x0];
	[tilespmem:s24+$0x0] =	vst v18  }
0x4e8: {  	s23 =	sor.u32 s26, s17;
	v18 =	vld.idx.msk [tilespmem:v22+s3+$0x0], $0xffff  }
0x4e9: {  	[tilespmem:s23+$0x0] =	vst v21;
	v19 =	vld.idx.msk [tilespmem:v23+s3+$0x0], $0xffff  }
0x4ea: {  	s1 =	sor.u32 s22, s17;
	[tilespmem:s20+$0x0] =	vst v24;
	v23 =	vld.idx.msk [tilespmem:v16+s3+$0x0], $0xffff  }
0x4eb: {  	v16 =	vadd.s32 $0xA000, v3;
	[tilespmem:s1+$0x0] =	vst v20;
	v43 =	vld.idx.msk [tilespmem:v2+s3+$0x0], $0xffff  }
0x4ec: {  	s5 =	sadd.s32 $0x1B080, s7;
	v22 =	vadd.s32 $0x9000, v1;
	v57 =	vld.idx.msk [tilespmem:v17+s3+$0x0], $0xffff  }
0x4ed: {  	s21 =	sor.u32 s6, s17;
	s17 =	sor.u32 s25, s5;
	v46 =	vld.idx.msk [tilespmem:v28+s3+$0x0], $0xffff  }
0x4ee: {  	s15 =	sadd.s32 $0x200, s15;
	v47 =	vld.idx.msk [tilespmem:v37+s3+$0x0], $0xffff;
	[tilespmem:s17+$0x0] =	vst v18  }
0x4ef: {  	s16 =	sand.u32 $0x1C00, s15;
	s8 =	sor.u32 s26, s5;
	v41 =	vadd.s32 $0x1000, v37;
	[tilespmem:s21+$0x0] =	vst v19;
	v49 =	vld.idx.msk [tilespmem:v38+s3+$0x0], $0xffff  }
0x4f0: {  	v40 =	vadd.s32 $0x1000, v2;
	s0 =	sor.u32 s22, s5;
	s20 =	sadd.s32 $0x19000, s16;
	[tilespmem:s8+$0x0] =	vst v23;
	v48 =	vld.idx.msk [tilespmem:v16+s3+$0x0], $0xffff  }
0x4f1: {  	s11 =	smov.u32 s2;
	s1 =	sor.u32 s6, s5;
	s5 =	sor.u32 s10, s20;
	v18 =	vadd.s32 $0x1000, v28;
	v50 =	vld.idx.msk [tilespmem:v22+s3+$0x0], $0xffff;
	[tilespmem:s0+$0x0] =	vst v57  }
0x4f2: {  	s19 =	sor.u32 s15, s14;
	s4 =	sor.u32 s11, s20;
	v44 =	vadd.s32 $0x1000, v38;
	v54 =	vld.idx.msk [tilespmem:v14+s3+$0x0], $0xffff;
	[tilespmem:s5+$0x0] =	vst v46  }
0x4f3: {  	v51 =	vadd.s32 $0xB000, v3;
	s2 =	sor.u32 $0x380, s19;
	s0 =	sor.u32 s12, s20;
	[tilespmem:s4+$0x0] =	vst v47;
	v46 =	vld.idx.msk [tilespmem:v15+s3+$0x0], $0xffff  }
0x4f4: {  	[dreg:$0xb] =	wrdreg s2;
	s2 =	sor.u32 s9, s20;
	s21 =	sadd.s32 $0x1B100, s7;
	v41 =	vld.idx.msk [tilespmem:v41+s3+$0x0], $0xffff;
	[tilespmem:s0+$0x0] =	vst v43  }
0x4f5: {  	v39 =	vadd.s32 $0xA000, v1;
	s23 =	sor.u32 s25, s21;
	v40 =	vld.idx.msk [tilespmem:v40+s3+$0x0], $0xffff;
	[tilespmem:s2+$0x0] =	vst v49  }
0x4f6: {  	v42 =	vadd.s32 $0x2000, v37;
	v58 =	vld.idx.msk [tilespmem:v18+s3+$0x0], $0xffff;
	[tilespmem:s23+$0x0] =	vst v48  }
0x4f7: {  	v62 =	vadd.s32 $0xC000, v3;
	v59 =	vadd.s32 $0x2000, v28;
	s17 =	sor.u32 s26, s21;
	v61 =	vld.idx.msk [tilespmem:v44+s3+$0x0], $0xffff;
	[tilespmem:s1+$0x0] =	vst v50  }
0x4f8: {  	v63 =	vadd.s32 $0x2000, v2;
	v36 =	vadd.s32 $0x3000, v37;
	v45 =	vadd.s32 $0x2000, v38;
	[tilespmem:s17+$0x0] =	vst v54;
	v60 =	vld.idx.msk [tilespmem:v51+s3+$0x0], $0xffff  }
0x4f9: {  	v33 =	vadd.s32 $0x4000, v37;
	v30 =	vadd.s32 $0x5000, v37;
	v27 =	vadd.s32 $0x6000, v37;
	v47 =	vld.idx.msk [tilespmem:v12+s3+$0x0], $0xffff;
	[tilespmem:s4+$0x80] =	vst v41  }
0x4fa: {  	v25 =	vadd.s32 $0x7000, v37;
	v21 =	vadd.s32 $0x8000, v37;
	v52 =	vadd.s32 $0xB000, v37;
	v39 =	vld.idx.msk [tilespmem:v39+s3+$0x0], $0xffff;
	[tilespmem:s0+$0x80] =	vst v40  }
0x4fb: {  	s19 =	sadd.s32 $0x1B180, s7;
	v55 =	vadd.s32 $0xC000, v37;
	v34 =	vadd.s32 $0xD000, v37;
	v19 =	vadd.s32 $0xA000, v37;
	v41 =	vld.idx.msk [tilespmem:v42+s3+$0x0], $0xffff;
	[tilespmem:s5+$0x80] =	vst v58  }
0x4fc: {  	[dreg:$0x13] =	wrdreg s10;
	s10 =	sor.u32 s25, s19;
	v23 =	vadd.s32 $0xE000, v37;
	v16 =	vadd.s32 $0x9000, v37;
	v14 =	vmovc v19;
	v19 =	vadd.s32 $0xF000, v37;
	v37 =	vld.idx.msk [tilespmem:v59+s3+$0x0], $0xffff;
	[tilespmem:s2+$0x80] =	vst v61  }
0x4fd: {  	s24 =	sor.u32 s22, s21;
	v54 =	vadd.s32 $0xB000, v1;
	[tilespmem:s10+$0x0] =	vst v60;
	v59 =	vld.idx.msk [tilespmem:v45+s3+$0x0], $0xffff  }
0x4fe: {  	[dreg:$0x4] =	wrdreg s9;
	s9 =	sor.u32 s6, s21;
	v60 =	vld.idx.msk [tilespmem:v63+s3+$0x0], $0xffff;
	[tilespmem:s24+$0x0] =	vst v46  }
0x4ff: {  	v57 =	vadd.s32 $0x3000, v28;
	[tilespmem:s9+$0x0] =	vst v39;
	v58 =	vld.idx.msk [tilespmem:v62+s3+$0x0], $0xffff  }
0x500: {  	v35 =	vadd.s32 $0x3000, v38;
	v31 =	vadd.s32 $0x4000, v38;
	v29 =	vadd.s32 $0x5000, v38;
	s21 =	sor.u32 s26, s19;
	v62 =	vld.idx.msk [tilespmem:v13+s3+$0x0], $0xffff;
	[tilespmem:s4+$0x100] =	vst v41  }
0x501: {  	v26 =	vadd.s32 $0x6000, v38;
	v24 =	vadd.s32 $0x7000, v38;
	v63 =	vadd.s32 $0x3000, v2;
	v36 =	vld.idx.msk [tilespmem:v36+s3+$0x0], $0xffff;
	[tilespmem:s21+$0x0] =	vst v47  }
0x502: {  	v20 =	vadd.s32 $0x8000, v38;
	v53 =	vadd.s32 $0xB000, v38;
	v61 =	vadd.s32 $0xD000, v3;
	v48 =	vld.idx.msk [tilespmem:v54+s3+$0x0], $0xffff;
	[tilespmem:s5+$0x100] =	vst v37  }
0x503: {  	v17 =	vadd.s32 $0x9000, v38;
	v56 =	vadd.s32 $0xC000, v38;
	v22 =	vadd.s32 $0xA000, v38;
	s23 =	sadd.s32 $0x1B200, s7;
	v13 =	vmovc v53;
	v53 =	vld.idx.msk [tilespmem:v11+s3+$0x0], $0xffff;
	[tilespmem:s2+$0x100] =	vst v59  }
0x504: {  	v32 =	vadd.s32 $0xD000, v38;
	v15 =	vmovc v22;
	v22 =	vadd.s32 $0xE000, v38;
	v18 =	vadd.s32 $0xF000, v38;
	s24 =	sor.u32 s25, s23;
	v38 =	vld.idx.msk [tilespmem:v57+s3+$0x0], $0xffff;
	[tilespmem:s0+$0x100] =	vst v60  }
0x505: {  	[dreg:$0x11] =	wrdreg s11;
	s11 =	sor.u32 s22, s19;
	[tilespmem:s24+$0x0] =	vst v58;
	v35 =	vld.idx.msk [tilespmem:v35+s3+$0x0], $0xffff  }
0x506: {  	v49 =	vadd.s32 $0x4000, v28;
	v51 =	vld.idx.msk [tilespmem:v63+s3+$0x0], $0xffff;
	[tilespmem:s11+$0x0] =	vst v62  }
0x507: {  	s9 =	sor.u32 s26, s23;
	v50 =	vld.idx.msk [tilespmem:v61+s3+$0x0], $0xffff;
	[tilespmem:s4+$0x180] =	vst v36  }
0x508: {  	p1 =	por !p1, !p1;
	s8 =	sor.u32 s6, s19;
	v12 =	vmov v52;
	v52 =	vadd.s32 $0xE000, v3;
	v33 =	vld.idx.msk [tilespmem:v33+s3+$0x0], $0xffff;
	[tilespmem:s9+$0x0] =	vst v53  }
0x509: {  	s19 =	sor.u32 s6, s23;
	s1 =	sor.u32 s22, s23;
	s23 =	simm.s32 $0x1;
	v54 =	vadd.s32 $0x4000, v2;
	v11 =	vmov v55;
	v55 =	vld.idx.msk [tilespmem:v10+s3+$0x0], $0xffff;
	[tilespmem:s5+$0x180] =	vst v38  }
0x50a: {  	s10 =	sadd.s32 $0x1B280, s7;
	s23 =	simm.s32 @!p1 $0x0;
	v57 =	vadd.s32 $0xC000, v1;
	v59 =	vadd.s32 $0xF000, v3;
	v3 =	vmovc v28;
	v58 =	vadd.s32 $0x5000, v28;
	v28 =	vld.idx.msk [tilespmem:v8+s3+$0x0], $0xffff;
	[tilespmem:s2+$0x180] =	vst v35  }
0x50b: {  	s18 =	sadd.s32 $0x4, s18;
	s17 =	sor.u32 s25, s10;
	s23 =	sshll.u32 s23, $0x6;
	v10 =	vmov v56;
	v56 =	vld.idx.msk [tilespmem:v49+s3+$0x0], $0xffff;
	[tilespmem:s0+$0x180] =	vst v51  }
0x50c: {  	s13 =	sadd.s32 $0x40, s13;
	p2 =	slt.u32 s18, $0x3C;
	s0 =	sadd.s32 s23, s15;
	[tilespmem:s17+$0x0] =	vst v50;
	v31 =	vld.idx.msk [tilespmem:v31+s3+$0x0], $0xffff  }
0x50d: {  	s21 =	sor.u32 s22, s10;
	s11 =	sor.u32 s6, s10;
	s2 =	sadd.s32 $0x10, s0;
	v41 =	vld.idx.msk [tilespmem:v52+s3+$0x0], $0xffff  }
0x50e: {  	[dreg:$0x9] =	wrdreg s11;
	v39 =	vld.idx.msk [tilespmem:v54+s3+$0x0], $0xffff;
	s29 =	sadd.s32 $0x30, s0;
	[tilespmem:s8+$0x0] =	vst v48;
	s24 =	sor.u32 $0x200, s2  }
0x50f: {  	v60 =	vadd.s32 $0x5000, v2;
	s5 =	sor.u32 s26, s10;
	s4 =	sadd.s32 $0x20, s0;
	s17 =	sor.u32 $0x200, s29;
	v40 =	vld.idx.msk [tilespmem:v57+s3+$0x0], $0xffff;
	[tilespmem:s24+$0x19000] =	vst v33  }
0x510: {  	s10 =	sor.u32 $0x200, s0;
	s20 =	sor.u32 $0x200, s4;
	v61 =	vld.idx.msk [tilespmem:v30+s3+$0x0], $0xffff;
	[tilespmem:s17+$0x19000] =	vst v56;
	s17 =	sadd.s32 $0x1B300, s7  }
0x511: {  	v62 =	vadd.s32 $0xD000, v1;
	s23 =	sor.u32 $0x280, s0;
	s28 =	sor.u32 $0x300, s0;
	v35 =	vld.idx.msk [tilespmem:v58+s3+$0x0], $0xffff;
	s30 =	sor.u32 s25, s17;
	[tilespmem:s20+$0x19000] =	vst v31  }
0x512: {  	s11 =	sor.u32 $0x280, s2;
	s9 =	sor.u32 $0x280, s4;
	s8 =	sor.u32 $0x300, s2;
	[tilespmem:s30+$0x0] =	vst v41;
	v31 =	vld.idx.msk [tilespmem:v29+s3+$0x0], $0xffff  }
0x513: {  	v63 =	vadd.s32 $0x6000, v3;
	s31 =	sor.u32 $0x380, s2;
	s24 =	sor.u32 $0x300, s4;
	s2 =	sor.u32 s6, s17;
	[tilespmem:s10+$0x19000] =	vst v39;
	v37 =	vld.idx.msk [tilespmem:v59+s3+$0x0], $0xffff  }
.Ltmp11:
0x514: {  	s10 =	rddreg [dreg:$0x13];
	s0 =	sor.u32 s22, s17;
	v33 =	vld.idx.msk [tilespmem:v60+s3+$0x0], $0xffff;
	[tilespmem:s1+$0x0] =	vst v55;
	(pc) =	sbr.rel @p2 .LBB2_19-.Ltmp11, $4  }
0x515: {  	s20 =	sor.u32 $0x280, s29;
	s30 =	sor.u32 $0x380, s4;
	s4 =	sor.u32 s26, s17;
	[tilespmem:s19+$0x0] =	vst v40;
	v30 =	vld.idx.msk [tilespmem:v9+s3+$0x0], $0xffff  }
0x516: {  	s17 =	rddreg [dreg:$0x11];
	s19 =	sadd.s32 $0x1B380, s7;
	s7 =	smov.u32 s16;
	v29 =	vld.idx.msk [tilespmem:v62+s3+$0x0], $0xffff;
	[tilespmem:s11+$0x19000] =	vst v61  }
0x517: {  	s16 =	sor.u32 s26, s19;
	s26 =	sor.u32 s25, s19;
	s11 =	rddreg [dreg:$0xb];
	v27 =	vld.idx.msk [tilespmem:v27+s3+$0x0], $0xffff;
	[tilespmem:s20+$0x19000] =	vst v35  }
0x518: {  	v8 =	vmov v34;
	v34 =	vadd.s32 $0x6000, v2;
	v9 =	vmov v32;
	s20 =	sor.u32 s6, s19;
	s19 =	sor.u32 s22, s19;
	s6 =	smov.u32 s12;
	v32 =	vld.idx.msk [tilespmem:v63+s3+$0x0], $0xffff;
	[tilespmem:s26+$0x0] =	vst v37  }
0x519: {  	_ =	sdelay $0x2  }
0x51a: {  	v58 =	vadd.s32 $0x7000, v3;
	[tilespmem:s23+$0x19000] =	vst v33  }
0x51b: {  	[tilespmem:s9+$0x19000] =	vst v31;
	v33 =	vld.idx.msk [tilespmem:v34+s3+$0x0], $0xffff  }
0x51c: {  	v59 =	vadd.s32 $0x7000, v2;
	v26 =	vld.idx.msk [tilespmem:v26+s3+$0x0], $0xffff  }
0x51d: {  	s1 =	sor.u32 $0x300, s29;
	[tilespmem:s8+$0x19000] =	vst v27  }
0x51e: {  	[tilespmem:s1+$0x19000] =	vst v32;
	v25 =	vld.idx.msk [tilespmem:v25+s3+$0x0], $0xffff  }
0x51f: {  	v60 =	vld.idx.msk [tilespmem:v58+s3+$0x0], $0xffff  }
0x520: {  	v61 =	vadd.s32 $0x8000, v3;
	[tilespmem:s28+$0x19000] =	vst v33  }
0x521: {  	[tilespmem:s24+$0x19000] =	vst v26;
	v62 =	vld.idx.msk [tilespmem:v59+s3+$0x0], $0xffff  }
0x522: {  	v63 =	vadd.s32 $0x8000, v2;
	v24 =	vld.idx.msk [tilespmem:v24+s3+$0x0], $0xffff  }
0x523: {  	s25 =	sor.u32 $0x380, s29;
	[tilespmem:s31+$0x19000] =	vst v25  }
0x524: {  	[tilespmem:s25+$0x19000] =	vst v60;
	v21 =	vld.idx.msk [tilespmem:v21+s3+$0x0], $0xffff  }
0x525: {  	v34 =	vld.idx.msk [tilespmem:v61+s3+$0x0], $0xffff  }
0x526: {  	[tilespmem:s11+$0x19000] =	vst v62  }
0x527: {  	v35 =	vadd.s32 $0x9000, v3;
	s26 =	sadd.s32 $0x1B000, s7;
	[tilespmem:s30+$0x19000] =	vst v24;
	v36 =	vld.idx.msk [tilespmem:v63+s3+$0x0], $0xffff  }
0x528: {  	v37 =	vadd.s32 $0x9000, v2;
	s29 =	sor.u32 s17, s26;
	v20 =	vld.idx.msk [tilespmem:v20+s3+$0x0], $0xffff  }
0x529: {  	s28 =	sor.u32 s10, s26;
	[tilespmem:s29+$0x0] =	vst v21  }
0x52a: {  	[tilespmem:s28+$0x0] =	vst v34  }
0x52b: {  	s1 =	sor.u32 s6, s26;
	v16 =	vld.idx.msk [tilespmem:v16+s3+$0x0], $0xffff;
	s9 =	rddreg [dreg:$0x4]  }
0x52c: {  	v38 =	vld.idx.msk [tilespmem:v35+s3+$0x0], $0xffff;
	s30 =	sor.u32 s9, s26;
	[tilespmem:s1+$0x0] =	vst v36  }
0x52d: {  	v39 =	vadd.s32 $0xA000, v3;
	[tilespmem:s30+$0x0] =	vst v20;
	v40 =	vld.idx.msk [tilespmem:v37+s3+$0x0], $0xffff  }
0x52e: {  	v41 =	vadd.s32 $0xA000, v2;
	s31 =	sadd.s32 $0x1B080, s7;
	v17 =	vld.idx.msk [tilespmem:v17+s3+$0x0], $0xffff  }
0x52f: {  	s12 =	sor.u32 s17, s31  }
0x530: {  	s11 =	sor.u32 s10, s31;
	[tilespmem:s12+$0x0] =	vst v16  }
0x531: {  	s1 =	sor.u32 s6, s31;
	[tilespmem:s11+$0x0] =	vst v38;
	v14 =	vld.idx.msk [tilespmem:v14+s3+$0x0], $0xffff  }
0x532: {  	s13 =	sor.u32 s9, s31;
	v42 =	vld.idx.msk [tilespmem:v39+s3+$0x0], $0xffff;
	[tilespmem:s1+$0x0] =	vst v40  }
0x533: {  	v43 =	vadd.s32 $0xB000, v3;
	[tilespmem:s13+$0x0] =	vst v17;
	v44 =	vld.idx.msk [tilespmem:v41+s3+$0x0], $0xffff  }
0x534: {  	s14 =	sadd.s32 $0x1B100, s7;
	v45 =	vadd.s32 $0xB000, v2;
	v15 =	vld.idx.msk [tilespmem:v15+s3+$0x0], $0xffff  }
0x535: {  	s18 =	sor.u32 s17, s14  }
0x536: {  	s15 =	sor.u32 s10, s14;
	[tilespmem:s18+$0x0] =	vst v14  }
0x537: {  	s1 =	sor.u32 s6, s14;
	[tilespmem:s15+$0x0] =	vst v42;
	v12 =	vld.idx.msk [tilespmem:v12+s3+$0x0], $0xffff  }
0x538: {  	s22 =	sor.u32 s9, s14;
	v46 =	vld.idx.msk [tilespmem:v43+s3+$0x0], $0xffff;
	[tilespmem:s1+$0x0] =	vst v44  }
0x539: {  	v47 =	vadd.s32 $0xC000, v3;
	[tilespmem:s22+$0x0] =	vst v15;
	v48 =	vld.idx.msk [tilespmem:v45+s3+$0x0], $0xffff  }
0x53a: {  	s23 =	sadd.s32 $0x1B180, s7;
	[tilespmem:s5+$0x0] =	vst v28;
	v13 =	vld.idx.msk [tilespmem:v13+s3+$0x0], $0xffff  }
0x53b: {  	v49 =	vadd.s32 $0xC000, v2;
	s25 =	sor.u32 s17, s23;
	[tilespmem:s21+$0x0] =	vst v30;
	v6 =	vld.idx.msk [tilespmem:v6+s3+$0x0], $0xffff  }
0x53c: {  	s24 =	sor.u32 s10, s23;
	v7 =	vld.idx.msk [tilespmem:v7+s3+$0x0], $0xffff;
	[tilespmem:s25+$0x0] =	vst v12  }
0x53d: {  	s1 =	sor.u32 s6, s23;
	[tilespmem:s24+$0x0] =	vst v46;
	v11 =	vld.idx.msk [tilespmem:v11+s3+$0x0], $0xffff  }
0x53e: {  	s26 =	sor.u32 s9, s23;
	v50 =	vld.idx.msk [tilespmem:v47+s3+$0x0], $0xffff;
	[tilespmem:s1+$0x0] =	vst v48  }
0x53f: {  	v51 =	vadd.s32 $0xD000, v3;
	[tilespmem:s26+$0x0] =	vst v13  }
0x540: {  	v54 =	vadd.s32 $0xE000, v1;
	s28 =	sadd.s32 $0x1B200, s7;
	v52 =	vld.idx.msk [tilespmem:v49+s3+$0x0], $0xffff;
	s5 =	rddreg [dreg:$0x9];
	[tilespmem:s4+$0x0] =	vst v6  }
0x541: {  	v53 =	vadd.s32 $0xD000, v2;
	s30 =	sor.u32 s17, s28;
	v10 =	vld.idx.msk [tilespmem:v10+s3+$0x0], $0xffff;
	[tilespmem:s0+$0x0] =	vst v7  }
0x542: {  	s29 =	sor.u32 s10, s28;
	[tilespmem:s30+$0x0] =	vst v11;
	v5 =	vld.idx.msk [tilespmem:v5+s3+$0x0], $0xffff  }
0x543: {  	[tilespmem:s29+$0x0] =	vst v50;
	v8 =	vld.idx.msk [tilespmem:v8+s3+$0x0], $0xffff  }
0x544: {  	s1 =	sor.u32 s6, s28;
	[tilespmem:s5+$0x0] =	vst v29;
	v55 =	vld.idx.msk [tilespmem:v51+s3+$0x0], $0xffff  }
0x545: {  	v56 =	vadd.s32 $0xE000, v3;
	s31 =	sor.u32 s9, s28;
	v58 =	vld.idx.msk [tilespmem:v54+s3+$0x0], $0xffff;
	[tilespmem:s1+$0x0] =	vst v52  }
0x546: {  	v1 =	vadd.s32 $0xF000, v1;
	s5 =	sadd.s32 $0x1B280, s7;
	[tilespmem:s31+$0x0] =	vst v10;
	v57 =	vld.idx.msk [tilespmem:v53+s3+$0x0], $0xffff  }
0x547: {  	v59 =	vadd.s32 $0xE000, v2;
	s11 =	sor.u32 s17, s5;
	v9 =	vld.idx.msk [tilespmem:v9+s3+$0x0], $0xffff;
	[tilespmem:s16+$0x0] =	vst v5  }
0x548: {  	v4 =	vld.idx.msk [tilespmem:v4+s3+$0x0], $0xffff;
	s8 =	sor.u32 s10, s5;
	[tilespmem:s11+$0x0] =	vst v8  }
0x549: {  	[tilespmem:s8+$0x0] =	vst v55;
	v61 =	vld.idx.msk [tilespmem:v23+s3+$0x0], $0xffff  }
0x54a: {  	s13 =	sor.u32 s6, s5;
	[tilespmem:s2+$0x0] =	vst v58;
	v60 =	vld.idx.msk [tilespmem:v56+s3+$0x0], $0xffff  }
0x54b: {  	v3 =	vadd.s32 $0xF000, v3;
	s12 =	sor.u32 s9, s5;
	v1 =	vld.idx.msk [tilespmem:v1+s3+$0x0], $0xffff;
	[tilespmem:s13+$0x0] =	vst v57  }
0x54c: {  	s14 =	sadd.s32 $0x1B300, s7;
	[tilespmem:s12+$0x0] =	vst v9;
	v7 =	vld.idx.msk [tilespmem:v59+s3+$0x0], $0xffff  }
0x54d: {  	s16 =	sor.u32 s17, s14;
	[tilespmem:s19+$0x0] =	vst v4;
	v62 =	vld.idx.msk [tilespmem:v22+s3+$0x0], $0xffff  }
0x54e: {  	s15 =	sor.u32 s10, s14;
	[tilespmem:s16+$0x0] =	vst v61  }
0x54f: {  	v2 =	vadd.s32 $0xF000, v2;
	[tilespmem:s15+$0x0] =	vst v60  }
0x550: {  	s0 =	sor.u32 s6, s14;
	[tilespmem:s20+$0x0] =	vst v1;
	v3 =	vld.idx.msk [tilespmem:v3+s3+$0x0], $0xffff  }
0x551: {  	s18 =	sor.u32 s9, s14;
	[tilespmem:s0+$0x0] =	vst v7  }
0x552: {  	[tilespmem:s18+$0x0] =	vst v62  }
0x553: {  	s19 =	sadd.s32 $0x1B380, s7;
	v63 =	vld.idx.msk [tilespmem:v19+s3+$0x0], $0xffff;
	s2 =	sld [smem:$0x7F8]  }
0x554: {  	s20 =	sor.u32 s10, s19;
	v2 =	vld.idx.msk [tilespmem:v2+s3+$0x0], $0xffff  }
0x555: {  	s24 =	rddreg [dreg:$0x1];
	v6 =	vld.idx.msk [tilespmem:v18+s3+$0x0], $0xffff;
	[tilespmem:s20+$0x0] =	vst v3  }
0x556: {  	s26 =	simm.s32 $0x19000;
	s2 =	sor.u32 $0x3, s2;
	s0 =	rddreg [dreg:$0x15]  }
0x557: {  	s21 =	sor.u32 s17, s19;
	s0 =	sor.u32 s0, s2;
	s2 =	sshll.u32 s2, $0x4  }
0x558: {  	s1 =	sor.u32 s6, s19;
	[tilespmem:s21+$0x0] =	vst v63;
	s0 =	sshll.u32 s0, $0x7;
	s2 =	sand.u32 $0x70, s2  }
0x559: {  	s22 =	sor.u32 s9, s19;
	[tilespmem:s1+$0x0] =	vst v2;
	s23 =	sand.u32 $0xFFFFC00, s0;
	s2 =	sadd.s32 s24, s2  }
0x55a: {  	s4 =	simm.s32 $0x80;
	s5 =	simm.s32 $0x100000;
	[tilespmem:s22+$0x0] =	vst v6;
	s25 =	sadd.s32 s23, s2  }
0x55b: {  	[hbm4b:s25+s4] =	stream.strided.scatter [tilespmem:s26], [sflag:$0x6], $0x400, s5, s4, $0x38;
	[tilespmem:$0x1D000] =	vst v63  }
0x55c: {  	s29 =	simm.s32 $0x19400;
	s28 =	sadd.s32 $0x80, s25  }
0x55d: {  	[hbm4b:s28+s4] =	stream.strided.scatter [tilespmem:s29], [sflag:$0x6], $0x400, s5, s4, $0x38;
	[tilespmem:$0x1D000] =	vst v63  }
0x55e: {  	s31 =	simm.s32 $0x19800;
	s30 =	sadd.s32 $0x100, s25  }
0x55f: {  	[hbm4b:s30+s4] =	stream.strided.scatter [tilespmem:s31], [sflag:$0x6], $0x400, s5, s4, $0x38;
	[tilespmem:$0x1D000] =	vst v63  }
0x560: {  	s8 =	simm.s32 $0x19C00;
	s7 =	sadd.s32 $0x180, s25  }
0x561: {  	[hbm4b:s7+s4] =	stream.strided.scatter [tilespmem:s8], [sflag:$0x6], $0x400, s5, s4, $0x38;
	[tilespmem:$0x1D000] =	vst v63  }
0x562: {  	s10 =	simm.s32 $0x1A000;
	s9 =	sadd.s32 $0x200, s25  }
0x563: {  	[hbm4b:s9+s4] =	stream.strided.scatter [tilespmem:s10], [sflag:$0x6], $0x400, s5, s4, $0x38;
	[tilespmem:$0x1D000] =	vst v63  }
0x564: {  	s12 =	simm.s32 $0x1A400;
	s11 =	sadd.s32 $0x280, s25  }
0x565: {  	[hbm4b:s11+s4] =	stream.strided.scatter [tilespmem:s12], [sflag:$0x6], $0x400, s5, s4, $0x38;
	[tilespmem:$0x1D000] =	vst v63  }
0x566: {  	s14 =	simm.s32 $0x1A800;
	s13 =	sadd.s32 $0x300, s25  }
0x567: {  	[hbm4b:s13+s4] =	stream.strided.scatter [tilespmem:s14], [sflag:$0x6], $0x400, s5, s4, $0x38;
	[tilespmem:$0x1D000] =	vst v63  }
0x568: {  	s16 =	simm.s32 $0x1AC00;
	s15 =	sadd.s32 $0x380, s25  }
0x569: {  	[hbm4b:s15+s4] =	stream.strided.scatter [tilespmem:s16], [sflag:$0x6], $0x400, s5, s4, $0x38;
	[tilespmem:$0x1D000] =	vst v63  }
0x56a: {  	s17 =	simm.s32 $0x1B000;
	s1 =	sadd.s32 $0x100000, s25  }
0x56b: {  	[hbm4b:s1+s4] =	stream.strided.scatter [tilespmem:s17], [sflag:$0x6], $0x400, s5, s4, $0x38;
	[tilespmem:$0x1D000] =	vst v63  }
0x56c: {  	s19 =	simm.s32 $0x1B400;
	s18 =	sadd.s32 $0x80, s1  }
0x56d: {  	[hbm4b:s18+s4] =	stream.strided.scatter [tilespmem:s19], [sflag:$0x6], $0x400, s5, s4, $0x38;
	[tilespmem:$0x1D000] =	vst v63  }
0x56e: {  	s21 =	simm.s32 $0x1B800;
	s20 =	sadd.s32 $0x100, s1  }
0x56f: {  	[hbm4b:s20+s4] =	stream.strided.scatter [tilespmem:s21], [sflag:$0x6], $0x400, s5, s4, $0x38;
	[tilespmem:$0x1D000] =	vst v63  }
0x570: {  	s23 =	simm.s32 $0x1BC00;
	s22 =	sadd.s32 $0x180, s1  }
0x571: {  	[hbm4b:s22+s4] =	stream.strided.scatter [tilespmem:s23], [sflag:$0x6], $0x400, s5, s4, $0x38;
	[tilespmem:$0x1D000] =	vst v63  }
0x572: {  	s25 =	simm.s32 $0x1C000;
	s24 =	sadd.s32 $0x200, s1  }
0x573: {  	[hbm4b:s24+s4] =	stream.strided.scatter [tilespmem:s25], [sflag:$0x6], $0x400, s5, s4, $0x38;
	[tilespmem:$0x1D000] =	vst v63  }
0x574: {  	s26 =	sadd.s32 $0x280, s1;
	s28 =	simm.s32 $0x1C400  }
0x575: {  	[hbm4b:s26+s4] =	stream.strided.scatter [tilespmem:s28], [sflag:$0x6], $0x400, s5, s4, $0x38;
	[tilespmem:$0x1D000] =	vst v63  }
.Ltmp12:
0x576: {  	_ = 	snop;
	(pc) =	sbr.rel @p0 .LBB2_22-.Ltmp12, $4  }
0x577: {  	s29 =	sadd.s32 $0x300, s1;
	s30 =	simm.s32 $0x1C800  }
0x578: {  	[hbm4b:s29+s4] =	stream.strided.scatter [tilespmem:s30], [sflag:$0x6], $0x400, s5, s4, $0x38;
	[tilespmem:$0x1D000] =	vst v63  }
0x579: {  	s31 =	simm.s32 $0x1CC00;
	s1 =	sadd.s32 $0x380, s1  }
0x57a: {  	[hbm4b:s1+s4] =	stream.strided.scatter [tilespmem:s31], [sflag:$0x6], $0x400, s5, s4, $0x38;
	[tilespmem:$0x1D000] =	vst v63  }
0x57b: {  	s1 =	sld [smem:$0x7FB]  }
.Ltmp13:
0x57c: {  	s9 =	sld [smem:$0x7F7];
	(pc) =	sbr.rel .LBB2_9-.Ltmp13, $3  }
0x57d: {  	_ =	sdelay $0x1  }
0x57e: {  	s31 =	simm.s32 $0x14C00;
	s0 =	sadd.s32 s0, s1;
	s9 =	sadd.s32 $0x1, s9  }
0x57f: {  	[tilespmem:s31], [sflag:$0x4] =	stream.linear.gather [hbm4b:s0+s3], $0x400, $0x38;
	[tilespmem:$0x1D000] =	vst v63  }
.LBB2_23:
0x580: {  	_ =	sfence.sel $0x180000  }
0x581: {  	[bflag:$0x0] =	sbarrier.arrive $0xFFFF  }
0x582: {  	_ =	strace $0x90000047  }
0x583: {  	[bflag:$0x2] =	sbarrier.arrive $0xFFFF  }
0x584: {  	p0 =	sne.s32 s16, $0x0;
	s0 =	rddreg [dreg:$0x2]  }
0x585: {  	s0 =	sadd.s32 @!p0 $0x100000, s0  }
0x586: {  	[sflag:s0] =	ssyncadd.tile.s32 @!p0 $0x1;
	_ =	shalt  }
.Lfunc_end2:
_tile_overlayer_lowered:
.L_overlay_start_2:
0x587: {  	(tag) =	ssettag $0x2  }
0x588: {  	s0 =	rddreg [dreg:$0x0];
	s2 =	stileid.u32  }
0x589: {  	s1 =	rddreg [dreg:$0x1];
	p0 =	sne.s32 s2, $0x0  }
0x58a: {  	s3 =	rddreg [dreg:$0x2];
	[bflag:$0x3] =	sbarrier.arrive $0xFFFF;
	s2 =	simm.s32 @!p0 $0x1C09  }
0x58b: {  	[timem:s3], [sflag:s2] =	dma.local @!p0 [hbm:s0], s1  }
0x58c: {  	s0 =	simm.s32 @!p0 $0x9  }
0x58d: {  	_ =	swait.ge @!p0 [sflag:s0], s1  }
0x58e: {  	s1 =	ssub.s32 @!p0 $0x0, s1;
	[sflag:s0] =	ssyncset.done @!p0 $0x0  }
0x58f: {  	[sflag:s0] =	ssyncadd.s32 @!p0 s1  }
0x590: {  	[bflag:$0x3] =	sbarrier.arrive $0xFFFF  }
0x591: {  	_ =	shalt  }

</sc_bundles>
